<compile_context>
chip_gen: v7x
topology: tpu7x:2x2x1
jax: 0.10.2.dev20260603
libtpu: 0.0.44.dev20260713+nightly
codegen_flags: <defaults>
</compile_context>

<pallas_src>
import functools

import jax
import jax.numpy as jnp
from jax import lax
from jax.experimental import pallas as pl
from jax.experimental.pallas import tpu as pltpu
from jax.experimental.pallas import tpu_sc as plsc

N = 10000
E = 160000
NP = 10240
NC = 2
NS = 16
L = 16
DC = 256
EPS = 1e-4


def _mesh():
    return plsc.VectorSubcoreMesh(core_axis_name="c", subcore_axis_name="s")


_SC_PARAMS = pltpu.CompilerParams(
    needs_layout_passes=False, use_tc_tiling_on_sc=False
)


def _make_deg():
    EPC = E // (NC * NS)
    OPAD = ((EPC + L - 1) // L) * L
    ZB = NP // NS

    @functools.partial(
        pl.kernel,
        mesh=_mesh(),
        out_type=jax.ShapeDtypeStruct((NC, NP), jnp.float32),
        scratch_types=[
            pltpu.VMEM((EPC,), jnp.int32),
            pltpu.VMEM((OPAD,), jnp.float32),
            pltpu.VMEM((ZB,), jnp.float32),
            pltpu.VMEM_SHARED((NP,), jnp.float32),
        ],
        compiler_params=_SC_PARAMS,
    )
    def deg_kernel(dst_hbm, out_hbm, dst_v, ones_v, zeros_v, hist):
        c = lax.axis_index("c")
        s = lax.axis_index("s")
        tb = (c * NS + s) * EPC
        pltpu.sync_copy(dst_hbm.at[pl.ds(tb, EPC)], dst_v)

        def fill_ones(i, carry):
            ones_v[pl.ds(i * L, L)] = jnp.full((L,), 1.0, jnp.float32)
            return carry

        lax.fori_loop(0, OPAD // L, fill_ones, 0)

        def fill_zeros(i, carry):
            zeros_v[pl.ds(i * L, L)] = jnp.zeros((L,), jnp.float32)
            return carry

        lax.fori_loop(0, ZB // L, fill_zeros, 0)
        pltpu.sync_copy(zeros_v, hist.at[pl.ds(s * ZB, ZB)])
        plsc.subcore_barrier()
        pltpu.sync_copy(ones_v.at[pl.ds(0, EPC)], hist.at[dst_v], add=True)
        plsc.subcore_barrier()
        pltpu.sync_copy(hist.at[pl.ds(s * ZB, ZB)], out_hbm.at[c, pl.ds(s * ZB, ZB)])

    return deg_kernel


def _make_scatter():
    PC = 1
    CH = NP // (NC * PC)
    EPT = E // NS
    EB = 2000
    NEB = EPT // EB
    NV = EB // L
    KB = 128
    CAP = EB + KB + L
    RT = CH // NS
    ACC = CH + 8

    @functools.partial(
        pl.kernel,
        mesh=_mesh(),
        out_type=jax.ShapeDtypeStruct((NP, DC), jnp.float32),
        scratch_types=[
            pltpu.VMEM((EB,), jnp.int32),
            pltpu.VMEM((EB,), jnp.int32),
            pltpu.VMEM((CAP,), jnp.int32),
            pltpu.VMEM((CAP,), jnp.int32),
            pltpu.VMEM((KB, DC), jnp.float32),
            pltpu.VMEM((KB,), jnp.int32),
            pltpu.VMEM_SHARED((ACC, DC), jnp.float32),
            pltpu.SemaphoreType.DMA,
        ],
        compiler_params=_SC_PARAMS,
    )
    def scat(u_hbm, src_hbm, dst_hbm, out_hbm,
             src_v, dst_v, fsrc, fdst, rows0, bidx, acc, gsem0):
        c = lax.axis_index("c")
        s = lax.axis_index("s")
        iota = lax.iota(jnp.int32, L)

        for p in range(PC):
            base = (c * PC + p) * CH
            pltpu.sync_copy(u_hbm.at[pl.ds(base + s * RT, RT)],
                            acc.at[pl.ds(s * RT, RT)])
            plsc.subcore_barrier()

            def eblock(e, carry):
                pltpu.sync_copy(
                    src_hbm.at[pl.ds(s * EPT + e * EB, EB)], src_v)
                pltpu.sync_copy(
                    dst_hbm.at[pl.ds(s * EPT + e * EB, EB)], dst_v)

                def scan_body(i, off):
                    dv = dst_v[pl.ds(i * L, L)]
                    sv = src_v[pl.ds(i * L, L)]
                    m = (dv >= base) & (dv < base + CH)
                    plsc.store_compressed(fsrc.at[pl.ds(off, L)], sv, mask=m)
                    plsc.store_compressed(fdst.at[pl.ds(off, L)], dv - base,
                                          mask=m)
                    return off + jnp.sum(jnp.where(m, 1, 0).astype(jnp.int32))

                off = lax.fori_loop(0, NV, scan_body, jnp.int32(0))

                for j in range(KB // L):
                    pos = off + j * L + iota
                    plsc.store_scatter(fdst, [pos],
                                       jnp.full((L,), -1, jnp.int32))
                    plsc.store_scatter(fsrc, [pos],
                                       jnp.zeros((L,), jnp.int32))

                nb = (off + KB - 1) // KB

                def batch(bi, carry2):
                    b = bi * KB
                    pltpu.async_copy(
                        u_hbm.at[fsrc.at[pl.ds(b, KB)]], rows0, gsem0).wait()
                    for j in range(KB // L):
                        bidx[pl.ds(j * L, L)] = fdst[pl.ds(b + j * L, L)]
                    pltpu.sync_copy(
                        rows0,
                        acc.at[plsc.Indices(bidx, ignored_value=-1)],
                        add=True)
                    return carry2

                lax.fori_loop(0, nb, batch, 0)
                return carry

            lax.fori_loop(0, NEB, eblock, 0)
            plsc.subcore_barrier()
            pltpu.sync_copy(acc.at[pl.ds(s * RT, RT)],
                            out_hbm.at[pl.ds(base + s * RT, RT)])
            plsc.subcore_barrier()

    return scat


def _dinv_kernel(ha, hb):
    def body(a_ref, b_ref, o_ref):
        o_ref[...] = lax.rsqrt(a_ref[...] + b_ref[...] + 1.0)

    return pl.pallas_call(
        body, out_shape=jax.ShapeDtypeStruct((NP, 1), jnp.float32)
    )(ha, hb)


def _matmul_dinv(h_parts, W_parts, dinv, dout):
    nin = len(h_parts)
    nout = dout // DC
    BR = 2048

    def body(*refs):
        h_refs = refs[:nin]
        w_refs = refs[nin:2 * nin]
        dv_ref = refs[2 * nin]
        o_refs = refs[2 * nin + 1:]
        acc = jnp.dot(h_refs[0][...], w_refs[0][...],
                      preferred_element_type=jnp.float32)
        for i in range(1, nin):
            acc += jnp.dot(h_refs[i][...], w_refs[i][...],
                           preferred_element_type=jnp.float32)
        acc = acc * dv_ref[...]
        for j in range(nout):
            o_refs[j][...] = acc[:, j * DC:(j + 1) * DC]

    return pl.pallas_call(
        body,
        grid=(NP // BR,),
        in_specs=(
            [pl.BlockSpec((BR, DC), lambda i: (i, 0)) for _ in range(nin)]
            + [pl.BlockSpec((DC, dout), lambda i: (0, 0)) for _ in range(nin)]
            + [pl.BlockSpec((BR, 1), lambda i: (i, 0))]
        ),
        out_specs=[pl.BlockSpec((BR, DC), lambda i: (i, 0))
                   for _ in range(nout)],
        out_shape=[jax.ShapeDtypeStruct((NP, DC), jnp.float32)
                   for _ in range(nout)],
    )(*h_parts, *W_parts, dinv)


def _post(S, dinv, b, g, bt, sig):
    BC = 128

    def body(s_ref, dv_ref, b_ref, g_ref, bt_ref, o_ref):
        t = s_ref[...] * dv_ref[...] + b_ref[...]
        if sig:
            t = jax.nn.sigmoid(t)
        rid = lax.broadcasted_iota(jnp.int32, (NP, 1), 0)
        valid = rid < N
        tm = jnp.where(valid, t, 0.0)
        mu = jnp.sum(tm, axis=0, keepdims=True) * (1.0 / N)
        d = jnp.where(valid, t - mu, 0.0)
        var = jnp.sum(d * d, axis=0, keepdims=True) * (1.0 / N)
        o = (t - mu) * lax.rsqrt(var + EPS) * g_ref[...] + bt_ref[...]
        o_ref[...] = jnp.where(valid, o, 0.0)

    return pl.pallas_call(
        body,
        grid=(DC // BC,),
        in_specs=[
            pl.BlockSpec((NP, BC), lambda i: (0, i)),
            pl.BlockSpec((NP, 1), lambda i: (0, 0)),
            pl.BlockSpec((1, BC), lambda i: (0, i)),
            pl.BlockSpec((1, BC), lambda i: (0, i)),
            pl.BlockSpec((1, BC), lambda i: (0, i)),
        ],
        out_specs=pl.BlockSpec((NP, BC), lambda i: (0, i)),
        out_shape=jax.ShapeDtypeStruct((NP, DC), jnp.float32),
    )(S, dinv, b, g, bt)


def kernel(x, edge_index, W0, b0, g0, bt0, W1, b1, g1, bt1, W2, b2, g2, bt2):
    src = edge_index[0]
    dst = edge_index[1]
    hist = _make_deg()(dst)
    dinv = _dinv_kernel(hist[0].reshape(NP, 1), hist[1].reshape(NP, 1))
    scat = _make_scatter()
    xp = jnp.pad(x, ((0, NP - N), (0, 0)))
    h_parts = tuple(xp[:, i * DC:(i + 1) * DC] for i in range(x.shape[1] // DC))
    params = [(W0, b0, g0, bt0, True), (W1, b1, g1, bt1, True),
              (W2, b2, g2, bt2, False)]
    for W, b, g, bt, sig in params:
        dout = W.shape[1]
        W_parts = tuple(W[i * DC:(i + 1) * DC, :] for i in range(len(h_parts)))
        u_parts = _matmul_dinv(h_parts, W_parts, dinv, dout)
        new_parts = []
        for j in range(dout // DC):
            S = scat(u_parts[j], src, dst)
            cs = slice(j * DC, (j + 1) * DC)
            new_parts.append(
                _post(S, dinv, b[cs].reshape(1, DC), g[cs].reshape(1, DC),
                      bt[cs].reshape(1, DC), sig))
        h_parts = tuple(new_parts)
    return h_parts[0][:N]

# --- scband reference (transcript-rebuilt; emitter-appended) ---
"""Pipeline reference for scband-attribute-decoder-25752623907308 (READ-ONLY COPY).

The authoritative reference and input builder live on the scoring server;
editing this copy changes nothing except your own understanding.
"""

import jax, jax.numpy as jnp
import numpy as np

N = 10000
E = 160000
DIM = 512
NUM_FEATURES = 256
EPS = 1e-4


def setup_inputs(seed: int = 0) -> dict:
    key = jax.random.key(seed)
    ks = jax.random.split(key, 20)
    x = jax.random.normal(ks[0], (N, DIM), dtype=jnp.float32)
    edge_index = jax.random.randint(ks[1], (2, E), 0, N, dtype=jnp.int32)
    dims = [(DIM, DIM), (DIM, DIM), (DIM, NUM_FEATURES)]
    inp = {"x": x, "edge_index": edge_index}
    for i, (din, dout) in enumerate(dims):
        inp[f"W{i}"] = jax.random.normal(ks[2 + 4 * i], (din, dout), dtype=jnp.float32) * (1.0 / np.sqrt(din))
        inp[f"b{i}"] = jnp.zeros((dout,), dtype=jnp.float32)
        inp[f"g{i}"] = jnp.ones((dout,), dtype=jnp.float32)
        inp[f"bt{i}"] = jnp.zeros((dout,), dtype=jnp.float32)
    return inp


def _gcn(x, src, dst, W, b):
    # PyG GCNConv: h = D^{-1/2} (A + I) D^{-1/2} (x W) + b
    h = x @ W
    deg = jax.ops.segment_sum(jnp.ones_like(src, dtype=h.dtype), dst, num_segments=N)
    dinv = jnp.where(deg > 0, 1.0 / jnp.sqrt(deg), 0.0)
    norm = dinv[src] * dinv[dst]
    msg = h[src] * norm[:, None]
    return jax.ops.segment_sum(msg, dst, num_segments=N) + b


def _bn(x, g, bt):
    # BatchNorm1d, training mode (batch statistics, biased variance), eps=1e-4
    mu = jnp.mean(x, axis=0)
    var = jnp.var(x, axis=0)
    return (x - mu) / jnp.sqrt(var + EPS) * g + bt


def reference(x, edge_index, W0, b0, g0, bt0, W1, b1, g1, bt1, W2, b2, g2, bt2):
    loop = jnp.arange(N, dtype=edge_index.dtype)
    src = jnp.concatenate([edge_index[0], loop])
    dst = jnp.concatenate([edge_index[1], loop])
    params = [(W0, b0, g0, bt0), (W1, b1, g1, bt1), (W2, b2, g2, bt2)]
    h = x
    for i, (W, b, g, bt) in enumerate(params):
        h = _gcn(h, src, dst, W, b)
        # dropout p=0.0 -> identity
        if i != len(params) - 1:
            h = jax.nn.sigmoid(h)
        h = _bn(h, g, bt)
    return h

if __name__ == "__main__":
    import jax
    _d = setup_inputs()
    print(jax.jit(kernel)(*tuple(_d.values())))

</pallas_src>

<mosaic_0001>
#map = affine_map<(d0, d1) -> (0)>
#map1 = affine_map<(d0, d1) -> (0, 0)>
module attributes {stable_mosaic.version = 14 : i64} {
  func.func @deg_kernel(%arg0: i32, %arg1: i32, %arg2: memref<160000xi32, #tpu.memory_space<hbm>>, %arg3: memref<2x10240xf32, #tpu.memory_space<hbm>>, %arg4: memref<5000xi32, #tpu.memory_space<vmem>>, %arg5: memref<5008xf32, #tpu.memory_space<vmem>>, %arg6: memref<640xf32, #tpu.memory_space<vmem>>, %arg7: memref<10240xf32, #tpu.memory_space<vmem_shared>>) attributes {dimension_semantics = [#tpu.dimension_semantics<core_parallel>, #tpu.dimension_semantics<subcore_parallel>], iteration_bounds = array<i64: 2, 16>, scalar_prefetch = 0 : i64, scratch_operands = 4 : i64, tpu.core_type = #tpu.core_type<sc_vector_subcore>, window_params = [{transform_indices = #map}, {transform_indices = #map1}]} {
    %mul3A = arith.constant 16 : i32
    %mul3A_0 = arith.muli %arg0, %mul3A : i32
    %add3A = arith.addi %mul3A_0, %arg1 : i32
    %mul3A_1 = arith.constant 5000 : i32
    %mul3A_2 = arith.muli %add3A, %mul3A_1 : i32
    "tpu.region"() ({
      %run_scoped3A = tpu.sem_alloc : memref<!tpu.dma_semaphore, #tpu.memory_space<semaphore_mem>>
      %dma_start3A = tpu.memref_slice %arg2[%mul3A_2] : memref<160000xi32, #tpu.memory_space<hbm>> -> memref<5000xi32, #tpu.memory_space<hbm>>
      %dma_start3A_21 = tpu.memref_slice %arg2[%mul3A_2] : memref<160000xi32, #tpu.memory_space<hbm>> -> memref<5000xi32, #tpu.memory_space<hbm>>
      tpu.enqueue_dma source(%dma_start3A_21 : memref<5000xi32, #tpu.memory_space<hbm>>) target(%arg4 : memref<5000xi32, #tpu.memory_space<vmem>>) target_semaphore(%run_scoped3A : memref<!tpu.dma_semaphore, #tpu.memory_space<semaphore_mem>>)
      %dma_wait3A = tpu.memref_slice %arg2[%mul3A_2] : memref<160000xi32, #tpu.memory_space<hbm>> -> memref<5000xi32, #tpu.memory_space<hbm>>
      %dma_wait3A_22 = tpu.memref_slice %arg2[%mul3A_2] : memref<160000xi32, #tpu.memory_space<hbm>> -> memref<5000xi32, #tpu.memory_space<hbm>>
      tpu.wait_dma2 semaphore(%run_scoped3A : memref<!tpu.dma_semaphore, #tpu.memory_space<semaphore_mem>>) src(%dma_wait3A_22 : memref<5000xi32, #tpu.memory_space<hbm>>) dst(%arg4 : memref<5000xi32, #tpu.memory_space<vmem>>)
      tpu.yield
    }) : () -> ()
    %scan3A = arith.constant 0 : i32
    %scan3A_3 = arith.constant 0 : i32
    %scan3A_4 = arith.constant 313 : i32
    %scan3A_5 = arith.addi %scan3A_3, %scan3A_4 : i32
    %scan3A_6 = arith.constant 1 : i32
    scf.for %scan3A_21 = %scan3A_3 to %scan3A_5 step %scan3A_6  : i32 {
      %broadcast_in_dim3A = arith.constant 1.000000e+00 : f32
      %broadcast_in_dim3A_22 = vector.broadcast %broadcast_in_dim3A : f32 to vector<16xf32>
      %mul3A_23 = arith.constant 16 : i32
      %mul3A_24 = arith.muli %scan3A_21, %mul3A_23 : i32
      %swap3A = arith.index_cast %mul3A_24 : i32 to index
      %swap3A_25 = tpu.vector_load %arg5[%swap3A] {strides = array<i32>} : memref<5008xf32, #tpu.memory_space<vmem>>, vector<16xf32>,
      tpu.vector_store %arg5[%swap3A], %broadcast_in_dim3A_22 {strides = array<i32>} : memref<5008xf32, #tpu.memory_space<vmem>>, vector<16xf32>,
    }
    %scan3A_7 = arith.constant 313 : i32
    %scan3A_8 = arith.constant 0 : i32
    %scan3A_9 = arith.constant 0 : i32
    %scan3A_10 = arith.constant 40 : i32
    %scan3A_11 = arith.addi %scan3A_9, %scan3A_10 : i32
    %scan3A_12 = arith.constant 1 : i32
    scf.for %scan3A_21 = %scan3A_9 to %scan3A_11 step %scan3A_12  : i32 {
      %broadcast_in_dim3A = arith.constant 0.000000e+00 : f32
      %broadcast_in_dim3A_22 = vector.broadcast %broadcast_in_dim3A : f32 to vector<16xf32>
      %mul3A_23 = arith.constant 16 : i32
      %mul3A_24 = arith.muli %scan3A_21, %mul3A_23 : i32
      %swap3A = arith.index_cast %mul3A_24 : i32 to index
      %swap3A_25 = tpu.vector_load %arg6[%swap3A] {strides = array<i32>} : memref<640xf32, #tpu.memory_space<vmem>>, vector<16xf32>,
      tpu.vector_store %arg6[%swap3A], %broadcast_in_dim3A_22 {strides = array<i32>} : memref<640xf32, #tpu.memory_space<vmem>>, vector<16xf32>,
    }
    %scan3A_13 = arith.constant 40 : i32
    %mul3A_14 = arith.constant 640 : i32
    %mul3A_15 = arith.muli %arg1, %mul3A_14 : i32
    "tpu.region"() ({
      %run_scoped3A = tpu.sem_alloc : memref<!tpu.dma_semaphore, #tpu.memory_space<semaphore_mem>>
      %dma_start3A = tpu.memref_slice %arg7[%mul3A_15] : memref<10240xf32, #tpu.memory_space<vmem_shared>> -> memref<640xf32, #tpu.memory_space<vmem_shared>>
      %dma_start3A_21 = tpu.memref_slice %arg7[%mul3A_15] : memref<10240xf32, #tpu.memory_space<vmem_shared>> -> memref<640xf32, #tpu.memory_space<vmem_shared>>
      tpu.enqueue_dma source(%arg6 : memref<640xf32, #tpu.memory_space<vmem>>) target(%dma_start3A_21 : memref<640xf32, #tpu.memory_space<vmem_shared>>) target_semaphore(%run_scoped3A : memref<!tpu.dma_semaphore, #tpu.memory_space<semaphore_mem>>)
      %dma_wait3A = tpu.memref_slice %arg7[%mul3A_15] : memref<10240xf32, #tpu.memory_space<vmem_shared>> -> memref<640xf32, #tpu.memory_space<vmem_shared>>
      %dma_wait3A_22 = tpu.memref_slice %arg7[%mul3A_15] : memref<10240xf32, #tpu.memory_space<vmem_shared>> -> memref<640xf32, #tpu.memory_space<vmem_shared>>
      tpu.wait_dma2 semaphore(%run_scoped3A : memref<!tpu.dma_semaphore, #tpu.memory_space<semaphore_mem>>) src(%arg6 : memref<640xf32, #tpu.memory_space<vmem>>) dst(%dma_wait3A_22 : memref<640xf32, #tpu.memory_space<vmem_shared>>)
      tpu.yield
    }) : () -> ()
    %barrier3A = arith.constant 0 : index
    tpu.barrier barrier_id(%barrier3A)
    "tpu.region"() ({
      %run_scoped3A = tpu.sem_alloc : memref<!tpu.dma_semaphore, #tpu.memory_space<semaphore_mem>>
      %dma_start3A = arith.constant 0 : i32
      %dma_start3A_21 = tpu.memref_slice %arg5[%dma_start3A] : memref<5008xf32, #tpu.memory_space<vmem>> -> memref<5000xf32, #tpu.memory_space<vmem>>
      %dma_start3A_22 = arith.constant 0 : i32
      %dma_start3A_23 = tpu.memref_slice %arg7[%dma_start3A_22] : memref<10240xf32, #tpu.memory_space<vmem_shared>> -> memref<10240xf32, #tpu.memory_space<vmem_shared>>
      tpu.enqueue_indirect_dma source(%dma_start3A_21 : memref<5000xf32, #tpu.memory_space<vmem>>) target(%dma_start3A_23 : memref<10240xf32, #tpu.memory_space<vmem_shared>>) offsets(%arg4 : memref<5000xi32, #tpu.memory_space<vmem>>) semaphore(%run_scoped3A : memref<!tpu.dma_semaphore, #tpu.memory_space<semaphore_mem>>) {add = true}
      %dma_wait3A = arith.constant 0 : i32
      %dma_wait3A_24 = tpu.memref_slice %arg5[%dma_wait3A] : memref<5008xf32, #tpu.memory_space<vmem>> -> memref<5000xf32, #tpu.memory_space<vmem>>
      %dma_wait3A_25 = arith.constant 0 : i32
      %dma_wait3A_26 = tpu.memref_slice %arg7[%dma_wait3A_25] : memref<10240xf32, #tpu.memory_space<vmem_shared>> -> memref<10240xf32, #tpu.memory_space<vmem_shared>>
      tpu.wait_indirect_dma semaphore(%run_scoped3A : memref<!tpu.dma_semaphore, #tpu.memory_space<semaphore_mem>>) src(%dma_wait3A_24 : memref<5000xf32, #tpu.memory_space<vmem>>) dst(%dma_wait3A_26 : memref<10240xf32, #tpu.memory_space<vmem_shared>>)
      tpu.yield
    }) : () -> ()
    %barrier3A_16 = arith.constant 0 : index
    tpu.barrier barrier_id(%barrier3A_16)
    %mul3A_17 = arith.constant 640 : i32
    %mul3A_18 = arith.muli %arg1, %mul3A_17 : i32
    %mul3A_19 = arith.constant 640 : i32
    %mul3A_20 = arith.muli %arg1, %mul3A_19 : i32
    "tpu.region"() ({
      %run_scoped3A = tpu.sem_alloc : memref<!tpu.dma_semaphore, #tpu.memory_space<semaphore_mem>>
      %dma_start3A = tpu.memref_slice %arg3[%arg0, %mul3A_20] : memref<2x10240xf32, #tpu.memory_space<hbm>> -> memref<1x640xf32, #tpu.memory_space<hbm>>
      %dma_start3A_21 = tpu.memref_squeeze %dma_start3A : memref<1x640xf32, #tpu.memory_space<hbm>> -> memref<640xf32, #tpu.memory_space<hbm>>
      %dma_start3A_22 = tpu.memref_slice %arg7[%mul3A_18] : memref<10240xf32, #tpu.memory_space<vmem_shared>> -> memref<640xf32, #tpu.memory_space<vmem_shared>>
      tpu.enqueue_dma source(%dma_start3A_22 : memref<640xf32, #tpu.memory_space<vmem_shared>>) target(%dma_start3A_21 : memref<640xf32, #tpu.memory_space<hbm>>) target_semaphore(%run_scoped3A : memref<!tpu.dma_semaphore, #tpu.memory_space<semaphore_mem>>)
      %dma_wait3A = tpu.memref_slice %arg3[%arg0, %mul3A_20] : memref<2x10240xf32, #tpu.memory_space<hbm>> -> memref<1x640xf32, #tpu.memory_space<hbm>>
      %dma_wait3A_23 = tpu.memref_squeeze %dma_wait3A : memref<1x640xf32, #tpu.memory_space<hbm>> -> memref<640xf32, #tpu.memory_space<hbm>>
      %dma_wait3A_24 = tpu.memref_slice %arg7[%mul3A_18] : memref<10240xf32, #tpu.memory_space<vmem_shared>> -> memref<640xf32, #tpu.memory_space<vmem_shared>>
      tpu.wait_dma2 semaphore(%run_scoped3A : memref<!tpu.dma_semaphore, #tpu.memory_space<semaphore_mem>>) src(%dma_wait3A_24 : memref<640xf32, #tpu.memory_space<vmem_shared>>) dst(%dma_wait3A_23 : memref<640xf32, #tpu.memory_space<hbm>>)
      tpu.yield
    }) : () -> ()
    return
  }
}

#map = affine_map<(d0, d1) -> (0, 0)>
#map1 = affine_map<(d0, d1) -> (0)>
module attributes {stable_mosaic.version = 14 : i64} {
  func.func @scat(%arg0: i32, %arg1: i32, %arg2: memref<10240x256xf32, #tpu.memory_space<hbm>>, %arg3: memref<160000xi32, #tpu.memory_space<hbm>>, %arg4: memref<160000xi32, #tpu.memory_space<hbm>>, %arg5: memref<10240x256xf32, #tpu.memory_space<hbm>>, %arg6: memref<2000xi32, #tpu.memory_space<vmem>>, %arg7: memref<2000xi32, #tpu.memory_space<vmem>>, %arg8: memref<2144xi32, #tpu.memory_space<vmem>>, %arg9: memref<2144xi32, #tpu.memory_space<vmem>>, %arg10: memref<128x256xf32, #tpu.memory_space<vmem>>, %arg11: memref<128xi32, #tpu.memory_space<vmem>>, %arg12: memref<5128x256xf32, #tpu.memory_space<vmem_shared>>, %arg13: memref<!tpu.dma_semaphore, #tpu.memory_space<semaphore_mem>>) attributes {dimension_semantics = [#tpu.dimension_semantics<core_parallel>, #tpu.dimension_semantics<subcore_parallel>], iteration_bounds = array<i64: 2, 16>, scalar_prefetch = 0 : i64, scratch_operands = 8 : i64, tpu.core_type = #tpu.core_type<sc_vector_subcore>, window_params = [{transform_indices = #map}, {transform_indices = #map1}, {transform_indices = #map1}, {transform_indices = #map}]} {
    %iota3A = tpu.iota {dimensions = array<i32: 0>} : vector<16xi32>
    %mul3A = arith.constant 1 : i32
    %mul3A_0 = arith.muli %arg0, %mul3A : i32
    %add3A = arith.constant 0 : i32
    %add3A_1 = arith.addi %mul3A_0, %add3A : i32
    %mul3A_2 = arith.constant 5120 : i32
    %mul3A_3 = arith.muli %add3A_1, %mul3A_2 : i32
    %mul3A_4 = arith.constant 320 : i32
    %mul3A_5 = arith.muli %arg1, %mul3A_4 : i32
    %add3A_6 = arith.addi %mul3A_3, %mul3A_5 : i32
    %mul3A_7 = arith.constant 320 : i32
    %mul3A_8 = arith.muli %arg1, %mul3A_7 : i32
    "tpu.region"() ({
      %run_scoped3A = tpu.sem_alloc : memref<!tpu.dma_semaphore, #tpu.memory_space<semaphore_mem>>
      %dma_start3A = arith.constant 0 : i32
      %dma_start3A_21 = tpu.memref_slice %arg12[%mul3A_8, %dma_start3A] : memref<5128x256xf32, #tpu.memory_space<vmem_shared>> -> memref<320x256xf32, #tpu.memory_space<vmem_shared>>
      %dma_start3A_22 = arith.constant 0 : i32
      %dma_start3A_23 = tpu.memref_slice %arg2[%add3A_6, %dma_start3A_22] : memref<10240x256xf32, #tpu.memory_space<hbm>> -> memref<320x256xf32, #tpu.memory_space<hbm>>
      tpu.enqueue_dma source(%dma_start3A_23 : memref<320x256xf32, #tpu.memory_space<hbm>>) target(%dma_start3A_21 : memref<320x256xf32, #tpu.memory_space<vmem_shared>>) target_semaphore(%run_scoped3A : memref<!tpu.dma_semaphore, #tpu.memory_space<semaphore_mem>>)
      %dma_wait3A = arith.constant 0 : i32
      %dma_wait3A_24 = tpu.memref_slice %arg12[%mul3A_8, %dma_wait3A] : memref<5128x256xf32, #tpu.memory_space<vmem_shared>> -> memref<320x256xf32, #tpu.memory_space<vmem_shared>>
      %dma_wait3A_25 = arith.constant 0 : i32
      %dma_wait3A_26 = tpu.memref_slice %arg2[%add3A_6, %dma_wait3A_25] : memref<10240x256xf32, #tpu.memory_space<hbm>> -> memref<320x256xf32, #tpu.memory_space<hbm>>
      tpu.wait_dma2 semaphore(%run_scoped3A : memref<!tpu.dma_semaphore, #tpu.memory_space<semaphore_mem>>) src(%dma_wait3A_26 : memref<320x256xf32, #tpu.memory_space<hbm>>) dst(%dma_wait3A_24 : memref<320x256xf32, #tpu.memory_space<vmem_shared>>)
      tpu.yield
    }) : () -> ()
    %barrier3A = arith.constant 0 : index
    tpu.barrier barrier_id(%barrier3A)
    %scan3A = arith.constant 0 : i32
    %scan3A_9 = arith.constant 0 : i32
    %scan3A_10 = arith.constant 5 : i32
    %scan3A_11 = arith.addi %scan3A_9, %scan3A_10 : i32
    %scan3A_12 = arith.constant 1 : i32
    scf.for %scan3A_21 = %scan3A_9 to %scan3A_11 step %scan3A_12  : i32 {
      %mul3A_22 = arith.constant 10000 : i32
      %mul3A_23 = arith.muli %arg1, %mul3A_22 : i32
      %mul3A_24 = arith.constant 2000 : i32
      %mul3A_25 = arith.muli %scan3A_21, %mul3A_24 : i32
      %add3A_26 = arith.addi %mul3A_23, %mul3A_25 : i32
      "tpu.region"() ({
        %run_scoped3A = tpu.sem_alloc : memref<!tpu.dma_semaphore, #tpu.memory_space<semaphore_mem>>
        %dma_start3A = tpu.memref_slice %arg3[%add3A_26] : memref<160000xi32, #tpu.memory_space<hbm>> -> memref<2000xi32, #tpu.memory_space<hbm>>
        %dma_start3A_131 = tpu.memref_slice %arg3[%add3A_26] : memref<160000xi32, #tpu.memory_space<hbm>> -> memref<2000xi32, #tpu.memory_space<hbm>>
        tpu.enqueue_dma source(%dma_start3A_131 : memref<2000xi32, #tpu.memory_space<hbm>>) target(%arg6 : memref<2000xi32, #tpu.memory_space<vmem>>) target_semaphore(%run_scoped3A : memref<!tpu.dma_semaphore, #tpu.memory_space<semaphore_mem>>)
        %dma_wait3A = tpu.memref_slice %arg3[%add3A_26] : memref<160000xi32, #tpu.memory_space<hbm>> -> memref<2000xi32, #tpu.memory_space<hbm>>
        %dma_wait3A_132 = tpu.memref_slice %arg3[%add3A_26] : memref<160000xi32, #tpu.memory_space<hbm>> -> memref<2000xi32, #tpu.memory_space<hbm>>
        tpu.wait_dma2 semaphore(%run_scoped3A : memref<!tpu.dma_semaphore, #tpu.memory_space<semaphore_mem>>) src(%dma_wait3A_132 : memref<2000xi32, #tpu.memory_space<hbm>>) dst(%arg6 : memref<2000xi32, #tpu.memory_space<vmem>>)
        tpu.yield
      }) : () -> ()
      %mul3A_27 = arith.constant 10000 : i32
      %mul3A_28 = arith.muli %arg1, %mul3A_27 : i32
      %mul3A_29 = arith.constant 2000 : i32
      %mul3A_30 = arith.muli %scan3A_21, %mul3A_29 : i32
      %add3A_31 = arith.addi %mul3A_28, %mul3A_30 : i32
      "tpu.region"() ({
        %run_scoped3A = tpu.sem_alloc : memref<!tpu.dma_semaphore, #tpu.memory_space<semaphore_mem>>
        %dma_start3A = tpu.memref_slice %arg4[%add3A_31] : memref<160000xi32, #tpu.memory_space<hbm>> -> memref<2000xi32, #tpu.memory_space<hbm>>
        %dma_start3A_131 = tpu.memref_slice %arg4[%add3A_31] : memref<160000xi32, #tpu.memory_space<hbm>> -> memref<2000xi32, #tpu.memory_space<hbm>>
        tpu.enqueue_dma source(%dma_start3A_131 : memref<2000xi32, #tpu.memory_space<hbm>>) target(%arg7 : memref<2000xi32, #tpu.memory_space<vmem>>) target_semaphore(%run_scoped3A : memref<!tpu.dma_semaphore, #tpu.memory_space<semaphore_mem>>)
        %dma_wait3A = tpu.memref_slice %arg4[%add3A_31] : memref<160000xi32, #tpu.memory_space<hbm>> -> memref<2000xi32, #tpu.memory_space<hbm>>
        %dma_wait3A_132 = tpu.memref_slice %arg4[%add3A_31] : memref<160000xi32, #tpu.memory_space<hbm>> -> memref<2000xi32, #tpu.memory_space<hbm>>
        tpu.wait_dma2 semaphore(%run_scoped3A : memref<!tpu.dma_semaphore, #tpu.memory_space<semaphore_mem>>) src(%dma_wait3A_132 : memref<2000xi32, #tpu.memory_space<hbm>>) dst(%arg7 : memref<2000xi32, #tpu.memory_space<vmem>>)
        tpu.yield
      }) : () -> ()
      %scan3A_32 = arith.constant 0 : i32
      %scan3A_33 = arith.constant 0 : i32
      %scan3A_34 = arith.constant 125 : i32
      %scan3A_35 = arith.addi %scan3A_33, %scan3A_34 : i32
      %scan3A_36 = arith.constant 1 : i32
      %scan3A_37 = scf.for %scan3A_131 = %scan3A_33 to %scan3A_35 step %scan3A_36 iter_args(%scan3A_132 = %scan3A_32) -> (i32)  : i32 {
        %mul3A_133 = arith.constant 16 : i32
        %mul3A_134 = arith.muli %scan3A_131, %mul3A_133 : i32
        %get3A = arith.index_cast %mul3A_134 : i32 to index
        %get3A_135 = tpu.vector_load %arg7[%get3A] {strides = array<i32>} : memref<2000xi32, #tpu.memory_space<vmem>>, vector<16xi32>,
        %mul3A_136 = arith.constant 16 : i32
        %mul3A_137 = arith.muli %scan3A_131, %mul3A_136 : i32
        %get3A_138 = arith.index_cast %mul3A_137 : i32 to index
        %get3A_139 = tpu.vector_load %arg6[%get3A_138] {strides = array<i32>} : memref<2000xi32, #tpu.memory_space<vmem>>, vector<16xi32>,
        %ge3A = vector.broadcast %mul3A_3 : i32 to vector<16xi32>
        %ge3A_140 = arith.cmpi sge, %get3A_135, %ge3A : vector<16xi32>
        %add3A_141 = arith.constant 5120 : i32
        %add3A_142 = arith.addi %mul3A_3, %add3A_141 : i32
        %lt3A = vector.broadcast %add3A_142 : i32 to vector<16xi32>
        %lt3A_143 = arith.cmpi slt, %get3A_135, %lt3A : vector<16xi32>
        %and3A_144 = arith.andi %ge3A_140, %lt3A_143 : vector<16xi1>
        %swap3A = arith.index_cast %scan3A_132 : i32 to index
        %swap3A_145 = tpu.vector_load %arg8[%swap3A] masked %and3A_144 {strides = array<i32>} : memref<2144xi32, #tpu.memory_space<vmem>>, vector<16xi32>, vector<16xi1>
        tpu.vector_store %arg8[%swap3A], %get3A_139 masked %and3A_144 {strides = array<i32>} : memref<2144xi32, #tpu.memory_space<vmem>>, vector<16xi32>, vector<16xi1>
        %sub3A_146 = vector.broadcast %mul3A_3 : i32 to vector<16xi32>
        %sub3A_147 = arith.subi %get3A_135, %sub3A_146 : vector<16xi32>
        %swap3A_148 = arith.index_cast %scan3A_132 : i32 to index
        %swap3A_149 = tpu.vector_load %arg9[%swap3A_148] masked %and3A_144 {strides = array<i32>} : memref<2144xi32, #tpu.memory_space<vmem>>, vector<16xi32>, vector<16xi1>
        tpu.vector_store %arg9[%swap3A_148], %sub3A_147 masked %and3A_144 {strides = array<i32>} : memref<2144xi32, #tpu.memory_space<vmem>>, vector<16xi32>, vector<16xi1>
        %jit3A_150 = arith.constant 1 : i32
        %jit3A_151 = arith.constant 0 : i32
        %broadcast_in_dim3A_152 = vector.broadcast %jit3A_150 : i32 to vector<16xi32>
        %broadcast_in_dim3A_153 = vector.broadcast %jit3A_151 : i32 to vector<16xi32>
        %select_n3A_154 = arith.select %and3A_144, %broadcast_in_dim3A_152, %broadcast_in_dim3A_153 : vector<16xi1>, vector<16xi32>
        %reduce_sum3A = arith.constant true
        %reduce_sum3A_155 = vector.broadcast %reduce_sum3A : i1 to vector<16xi1>
        %reduce_sum3A_156 = tpu.scan <sum>, %select_n3A_154 masked %reduce_sum3A_155 : vector<16xi32>, vector<16xi1> -> vector<16xi32>
        %reduce_sum3A_157 = vector.extract %reduce_sum3A_156[15] : i32 from vector<16xi32>
        %add3A_158 = arith.addi %scan3A_132, %reduce_sum3A_157 : i32
        scf.yield %add3A_158 : i32
      }
      %scan3A_38 = arith.constant 125 : i32
      %add3A_39 = arith.constant 0 : i32
      %add3A_40 = arith.addi %scan3A_37, %add3A_39 : i32
      %add3A_41 = vector.broadcast %add3A_40 : i32 to vector<16xi32>
      %add3A_42 = arith.addi %add3A_41, %iota3A : vector<16xi32>
      %broadcast_in_dim3A = arith.constant -1 : i32
      %broadcast_in_dim3A_43 = vector.broadcast %broadcast_in_dim3A : i32 to vector<16xi32>
      tpu.vector_store_idx %arg9[%add3A_42], %broadcast_in_dim3A_43 : memref<2144xi32, #tpu.memory_space<vmem>>[vector<16xi32>], vector<16xi32>,
      %broadcast_in_dim3A_44 = arith.constant 0 : i32
      %broadcast_in_dim3A_45 = vector.broadcast %broadcast_in_dim3A_44 : i32 to vector<16xi32>
      tpu.vector_store_idx %arg8[%add3A_42], %broadcast_in_dim3A_45 : memref<2144xi32, #tpu.memory_space<vmem>>[vector<16xi32>], vector<16xi32>,
      %add3A_46 = arith.constant 16 : i32
      %add3A_47 = arith.addi %scan3A_37, %add3A_46 : i32
      %add3A_48 = vector.broadcast %add3A_47 : i32 to vector<16xi32>
      %add3A_49 = arith.addi %add3A_48, %iota3A : vector<16xi32>
      %broadcast_in_dim3A_50 = arith.constant -1 : i32
      %broadcast_in_dim3A_51 = vector.broadcast %broadcast_in_dim3A_50 : i32 to vector<16xi32>
      tpu.vector_store_idx %arg9[%add3A_49], %broadcast_in_dim3A_51 : memref<2144xi32, #tpu.memory_space<vmem>>[vector<16xi32>], vector<16xi32>,
      %broadcast_in_dim3A_52 = arith.constant 0 : i32
      %broadcast_in_dim3A_53 = vector.broadcast %broadcast_in_dim3A_52 : i32 to vector<16xi32>
      tpu.vector_store_idx %arg8[%add3A_49], %broadcast_in_dim3A_53 : memref<2144xi32, #tpu.memory_space<vmem>>[vector<16xi32>], vector<16xi32>,
      %add3A_54 = arith.constant 32 : i32
      %add3A_55 = arith.addi %scan3A_37, %add3A_54 : i32
      %add3A_56 = vector.broadcast %add3A_55 : i32 to vector<16xi32>
      %add3A_57 = arith.addi %add3A_56, %iota3A : vector<16xi32>
      %broadcast_in_dim3A_58 = arith.constant -1 : i32
      %broadcast_in_dim3A_59 = vector.broadcast %broadcast_in_dim3A_58 : i32 to vector<16xi32>
      tpu.vector_store_idx %arg9[%add3A_57], %broadcast_in_dim3A_59 : memref<2144xi32, #tpu.memory_space<vmem>>[vector<16xi32>], vector<16xi32>,
      %broadcast_in_dim3A_60 = arith.constant 0 : i32
      %broadcast_in_dim3A_61 = vector.broadcast %broadcast_in_dim3A_60 : i32 to vector<16xi32>
      tpu.vector_store_idx %arg8[%add3A_57], %broadcast_in_dim3A_61 : memref<2144xi32, #tpu.memory_space<vmem>>[vector<16xi32>], vector<16xi32>,
      %add3A_62 = arith.constant 48 : i32
      %add3A_63 = arith.addi %scan3A_37, %add3A_62 : i32
      %add3A_64 = vector.broadcast %add3A_63 : i32 to vector<16xi32>
      %add3A_65 = arith.addi %add3A_64, %iota3A : vector<16xi32>
      %broadcast_in_dim3A_66 = arith.constant -1 : i32
      %broadcast_in_dim3A_67 = vector.broadcast %broadcast_in_dim3A_66 : i32 to vector<16xi32>
      tpu.vector_store_idx %arg9[%add3A_65], %broadcast_in_dim3A_67 : memref<2144xi32, #tpu.memory_space<vmem>>[vector<16xi32>], vector<16xi32>,
      %broadcast_in_dim3A_68 = arith.constant 0 : i32
      %broadcast_in_dim3A_69 = vector.broadcast %broadcast_in_dim3A_68 : i32 to vector<16xi32>
      tpu.vector_store_idx %arg8[%add3A_65], %broadcast_in_dim3A_69 : memref<2144xi32, #tpu.memory_space<vmem>>[vector<16xi32>], vector<16xi32>,
      %add3A_70 = arith.constant 64 : i32
      %add3A_71 = arith.addi %scan3A_37, %add3A_70 : i32
      %add3A_72 = vector.broadcast %add3A_71 : i32 to vector<16xi32>
      %add3A_73 = arith.addi %add3A_72, %iota3A : vector<16xi32>
      %broadcast_in_dim3A_74 = arith.constant -1 : i32
      %broadcast_in_dim3A_75 = vector.broadcast %broadcast_in_dim3A_74 : i32 to vector<16xi32>
      tpu.vector_store_idx %arg9[%add3A_73], %broadcast_in_dim3A_75 : memref<2144xi32, #tpu.memory_space<vmem>>[vector<16xi32>], vector<16xi32>,
      %broadcast_in_dim3A_76 = arith.constant 0 : i32
      %broadcast_in_dim3A_77 = vector.broadcast %broadcast_in_dim3A_76 : i32 to vector<16xi32>
      tpu.vector_store_idx %arg8[%add3A_73], %broadcast_in_dim3A_77 : memref<2144xi32, #tpu.memory_space<vmem>>[vector<16xi32>], vector<16xi32>,
      %add3A_78 = arith.constant 80 : i32
      %add3A_79 = arith.addi %scan3A_37, %add3A_78 : i32
      %add3A_80 = vector.broadcast %add3A_79 : i32 to vector<16xi32>
      %add3A_81 = arith.addi %add3A_80, %iota3A : vector<16xi32>
      %broadcast_in_dim3A_82 = arith.constant -1 : i32
      %broadcast_in_dim3A_83 = vector.broadcast %broadcast_in_dim3A_82 : i32 to vector<16xi32>
      tpu.vector_store_idx %arg9[%add3A_81], %broadcast_in_dim3A_83 : memref<2144xi32, #tpu.memory_space<vmem>>[vector<16xi32>], vector<16xi32>,
      %broadcast_in_dim3A_84 = arith.constant 0 : i32
      %broadcast_in_dim3A_85 = vector.broadcast %broadcast_in_dim3A_84 : i32 to vector<16xi32>
      tpu.vector_store_idx %arg8[%add3A_81], %broadcast_in_dim3A_85 : memref<2144xi32, #tpu.memory_space<vmem>>[vector<16xi32>], vector<16xi32>,
      %add3A_86 = arith.constant 96 : i32
      %add3A_87 = arith.addi %scan3A_37, %add3A_86 : i32
      %add3A_88 = vector.broadcast %add3A_87 : i32 to vector<16xi32>
      %add3A_89 = arith.addi %add3A_88, %iota3A : vector<16xi32>
      %broadcast_in_dim3A_90 = arith.constant -1 : i32
      %broadcast_in_dim3A_91 = vector.broadcast %broadcast_in_dim3A_90 : i32 to vector<16xi32>
      tpu.vector_store_idx %arg9[%add3A_89], %broadcast_in_dim3A_91 : memref<2144xi32, #tpu.memory_space<vmem>>[vector<16xi32>], vector<16xi32>,
      %broadcast_in_dim3A_92 = arith.constant 0 : i32
      %broadcast_in_dim3A_93 = vector.broadcast %broadcast_in_dim3A_92 : i32 to vector<16xi32>
      tpu.vector_store_idx %arg8[%add3A_89], %broadcast_in_dim3A_93 : memref<2144xi32, #tpu.memory_space<vmem>>[vector<16xi32>], vector<16xi32>,
      %add3A_94 = arith.constant 112 : i32
      %add3A_95 = arith.addi %scan3A_37, %add3A_94 : i32
      %add3A_96 = vector.broadcast %add3A_95 : i32 to vector<16xi32>
      %add3A_97 = arith.addi %add3A_96, %iota3A : vector<16xi32>
      %broadcast_in_dim3A_98 = arith.constant -1 : i32
      %broadcast_in_dim3A_99 = vector.broadcast %broadcast_in_dim3A_98 : i32 to vector<16xi32>
      tpu.vector_store_idx %arg9[%add3A_97], %broadcast_in_dim3A_99 : memref<2144xi32, #tpu.memory_space<vmem>>[vector<16xi32>], vector<16xi32>,
      %broadcast_in_dim3A_100 = arith.constant 0 : i32
      %broadcast_in_dim3A_101 = vector.broadcast %broadcast_in_dim3A_100 : i32 to vector<16xi32>
      tpu.vector_store_idx %arg8[%add3A_97], %broadcast_in_dim3A_101 : memref<2144xi32, #tpu.memory_space<vmem>>[vector<16xi32>], vector<16xi32>,
      %add3A_102 = arith.constant 128 : i32
      %add3A_103 = arith.addi %scan3A_37, %add3A_102 : i32
      %sub3A = arith.constant 1 : i32
      %sub3A_104 = arith.subi %add3A_103, %sub3A : i32
      %jit3A = arith.constant 128 : i32
      %div3A = arith.divsi %sub3A_104, %jit3A : i32
      %sign3A = arith.constant 0 : i32
      %sign3A_105 = arith.cmpi sgt, %sub3A_104, %sign3A : i32
      %sign3A_106 = arith.extui %sign3A_105 : i1 to i32
      %sign3A_107 = arith.constant 0 : i32
      %sign3A_108 = arith.cmpi slt, %sub3A_104, %sign3A_107 : i32
      %sign3A_109 = arith.extui %sign3A_108 : i1 to i32
      %sign3A_110 = arith.subi %sign3A_106, %sign3A_109 : i32
      %sign3A_111 = arith.constant 0 : i32
      %sign3A_112 = arith.cmpi sgt, %jit3A, %sign3A_111 : i32
      %sign3A_113 = arith.extui %sign3A_112 : i1 to i32
      %sign3A_114 = arith.constant 0 : i32
      %sign3A_115 = arith.cmpi slt, %jit3A, %sign3A_114 : i32
      %sign3A_116 = arith.extui %sign3A_115 : i1 to i32
      %sign3A_117 = arith.subi %sign3A_113, %sign3A_116 : i32
      %ne3A = arith.cmpi ne, %sign3A_110, %sign3A_117 : i32
      %rem3A = arith.remsi %sub3A_104, %jit3A : i32
      %ne3A_118 = arith.constant 0 : i32
      %ne3A_119 = arith.cmpi ne, %rem3A, %ne3A_118 : i32
      %and3A = arith.andi %ne3A, %ne3A_119 : i1
      %sub3A_120 = arith.constant 1 : i32
      %sub3A_121 = arith.subi %div3A, %sub3A_120 : i32
      %select_n3A = arith.select %and3A, %sub3A_121, %div3A : i32
      %while3A = arith.constant 0 : i32
      %while3A_122 = arith.constant 0 : i32
      %while3A_123 = arith.subi %select_n3A, %while3A_122 : i32
      %while3A_124 = arith.addi %while3A_122, %while3A_123 : i32
      %while3A_125 = arith.constant 1 : i32
      %while3A_126 = arith.divsi %while3A_123, %while3A_125 : i32
      %while3A_127 = arith.muli %while3A_126, %while3A_125 : i32
      %while3A_128 = arith.addi %while3A_122, %while3A_127 : i32
      %while3A_129 = arith.constant 1 : i32
      scf.for %while3A_131 = %while3A_122 to %while3A_128 step %while3A_129  : i32 {
        %mul3A_132 = arith.constant 128 : i32
        %mul3A_133 = arith.muli %while3A_131, %mul3A_132 : i32
        %dma_start3A = tpu.memref_slice %arg8[%mul3A_133] : memref<2144xi32, #tpu.memory_space<vmem>> -> memref<128xi32, #tpu.memory_space<vmem>>
        %dma_start3A_134 = arith.constant 0 : i32
        %dma_start3A_135 = arith.constant 0 : i32
        %dma_start3A_136 = tpu.memref_slice %arg2[%dma_start3A_134, %dma_start3A_135] : memref<10240x256xf32, #tpu.memory_space<hbm>> -> memref<10240x256xf32, #tpu.memory_space<hbm>>
        tpu.enqueue_indirect_dma source(%dma_start3A_136 : memref<10240x256xf32, #tpu.memory_space<hbm>>) target(%arg10 : memref<128x256xf32, #tpu.memory_space<vmem>>) offsets(%dma_start3A : memref<128xi32, #tpu.memory_space<vmem>>) semaphore(%arg13 : memref<!tpu.dma_semaphore, #tpu.memory_space<semaphore_mem>>)
        %dma_wait3A = tpu.memref_slice %arg8[%mul3A_133] : memref<2144xi32, #tpu.memory_space<vmem>> -> memref<128xi32, #tpu.memory_space<vmem>>
        %dma_wait3A_137 = arith.constant 0 : i32
        %dma_wait3A_138 = arith.constant 0 : i32
        %dma_wait3A_139 = tpu.memref_slice %arg2[%dma_wait3A_137, %dma_wait3A_138] : memref<10240x256xf32, #tpu.memory_space<hbm>> -> memref<10240x256xf32, #tpu.memory_space<hbm>>
        tpu.wait_indirect_dma semaphore(%arg13 : memref<!tpu.dma_semaphore, #tpu.memory_space<semaphore_mem>>) src(%dma_wait3A_139 : memref<10240x256xf32, #tpu.memory_space<hbm>>) dst(%arg10 : memref<128x256xf32, #tpu.memory_space<vmem>>)
        %add3A_140 = arith.constant 0 : i32
        %add3A_141 = arith.addi %mul3A_133, %add3A_140 : i32
        %get3A = arith.index_cast %add3A_141 : i32 to index
        %get3A_142 = tpu.vector_load %arg9[%get3A] {strides = array<i32>} : memref<2144xi32, #tpu.memory_space<vmem>>, vector<16xi32>,
        %swap3A = arith.constant 0 : index
        %swap3A_143 = tpu.vector_load %arg11[%swap3A] {strides = array<i32>} : memref<128xi32, #tpu.memory_space<vmem>>, vector<16xi32>,
        tpu.vector_store %arg11[%swap3A], %get3A_142 {strides = array<i32>} : memref<128xi32, #tpu.memory_space<vmem>>, vector<16xi32>,
        %add3A_144 = arith.constant 16 : i32
        %add3A_145 = arith.addi %mul3A_133, %add3A_144 : i32
        %get3A_146 = arith.index_cast %add3A_145 : i32 to index
        %get3A_147 = tpu.vector_load %arg9[%get3A_146] {strides = array<i32>} : memref<2144xi32, #tpu.memory_space<vmem>>, vector<16xi32>,
        %swap3A_148 = arith.constant 16 : index
        %swap3A_149 = tpu.vector_load %arg11[%swap3A_148] {strides = array<i32>} : memref<128xi32, #tpu.memory_space<vmem>>, vector<16xi32>,
        tpu.vector_store %arg11[%swap3A_148], %get3A_147 {strides = array<i32>} : memref<128xi32, #tpu.memory_space<vmem>>, vector<16xi32>,
        %add3A_150 = arith.constant 32 : i32
        %add3A_151 = arith.addi %mul3A_133, %add3A_150 : i32
        %get3A_152 = arith.index_cast %add3A_151 : i32 to index
        %get3A_153 = tpu.vector_load %arg9[%get3A_152] {strides = array<i32>} : memref<2144xi32, #tpu.memory_space<vmem>>, vector<16xi32>,
        %swap3A_154 = arith.constant 32 : index
        %swap3A_155 = tpu.vector_load %arg11[%swap3A_154] {strides = array<i32>} : memref<128xi32, #tpu.memory_space<vmem>>, vector<16xi32>,
        tpu.vector_store %arg11[%swap3A_154], %get3A_153 {strides = array<i32>} : memref<128xi32, #tpu.memory_space<vmem>>, vector<16xi32>,
        %add3A_156 = arith.constant 48 : i32
        %add3A_157 = arith.addi %mul3A_133, %add3A_156 : i32
        %get3A_158 = arith.index_cast %add3A_157 : i32 to index
        %get3A_159 = tpu.vector_load %arg9[%get3A_158] {strides = array<i32>} : memref<2144xi32, #tpu.memory_space<vmem>>, vector<16xi32>,
        %swap3A_160 = arith.constant 48 : index
        %swap3A_161 = tpu.vector_load %arg11[%swap3A_160] {strides = array<i32>} : memref<128xi32, #tpu.memory_space<vmem>>, vector<16xi32>,
        tpu.vector_store %arg11[%swap3A_160], %get3A_159 {strides = array<i32>} : memref<128xi32, #tpu.memory_space<vmem>>, vector<16xi32>,
        %add3A_162 = arith.constant 64 : i32
        %add3A_163 = arith.addi %mul3A_133, %add3A_162 : i32
        %get3A_164 = arith.index_cast %add3A_163 : i32 to index
        %get3A_165 = tpu.vector_load %arg9[%get3A_164] {strides = array<i32>} : memref<2144xi32, #tpu.memory_space<vmem>>, vector<16xi32>,
        %swap3A_166 = arith.constant 64 : index
        %swap3A_167 = tpu.vector_load %arg11[%swap3A_166] {strides = array<i32>} : memref<128xi32, #tpu.memory_space<vmem>>, vector<16xi32>,
        tpu.vector_store %arg11[%swap3A_166], %get3A_165 {strides = array<i32>} : memref<128xi32, #tpu.memory_space<vmem>>, vector<16xi32>,
        %add3A_168 = arith.constant 80 : i32
        %add3A_169 = arith.addi %mul3A_133, %add3A_168 : i32
        %get3A_170 = arith.index_cast %add3A_169 : i32 to index
        %get3A_171 = tpu.vector_load %arg9[%get3A_170] {strides = array<i32>} : memref<2144xi32, #tpu.memory_space<vmem>>, vector<16xi32>,
        %swap3A_172 = arith.constant 80 : index
        %swap3A_173 = tpu.vector_load %arg11[%swap3A_172] {strides = array<i32>} : memref<128xi32, #tpu.memory_space<vmem>>, vector<16xi32>,
        tpu.vector_store %arg11[%swap3A_172], %get3A_171 {strides = array<i32>} : memref<128xi32, #tpu.memory_space<vmem>>, vector<16xi32>,
        %add3A_174 = arith.constant 96 : i32
        %add3A_175 = arith.addi %mul3A_133, %add3A_174 : i32
        %get3A_176 = arith.index_cast %add3A_175 : i32 to index
        %get3A_177 = tpu.vector_load %arg9[%get3A_176] {strides = array<i32>} : memref<2144xi32, #tpu.memory_space<vmem>>, vector<16xi32>,
        %swap3A_178 = arith.constant 96 : index
        %swap3A_179 = tpu.vector_load %arg11[%swap3A_178] {strides = array<i32>} : memref<128xi32, #tpu.memory_space<vmem>>, vector<16xi32>,
        tpu.vector_store %arg11[%swap3A_178], %get3A_177 {strides = array<i32>} : memref<128xi32, #tpu.memory_space<vmem>>, vector<16xi32>,
        %add3A_180 = arith.constant 112 : i32
        %add3A_181 = arith.addi %mul3A_133, %add3A_180 : i32
        %get3A_182 = arith.index_cast %add3A_181 : i32 to index
        %get3A_183 = tpu.vector_load %arg9[%get3A_182] {strides = array<i32>} : memref<2144xi32, #tpu.memory_space<vmem>>, vector<16xi32>,
        %swap3A_184 = arith.constant 112 : index
        %swap3A_185 = tpu.vector_load %arg11[%swap3A_184] {strides = array<i32>} : memref<128xi32, #tpu.memory_space<vmem>>, vector<16xi32>,
        tpu.vector_store %arg11[%swap3A_184], %get3A_183 {strides = array<i32>} : memref<128xi32, #tpu.memory_space<vmem>>, vector<16xi32>,
        "tpu.region"() ({
          %run_scoped3A = tpu.sem_alloc : memref<!tpu.dma_semaphore, #tpu.memory_space<semaphore_mem>>
          %dma_start3A_186 = arith.constant 0 : i32
          %dma_start3A_187 = arith.constant 0 : i32
          %dma_start3A_188 = tpu.memref_slice %arg12[%dma_start3A_186, %dma_start3A_187] : memref<5128x256xf32, #tpu.memory_space<vmem_shared>> -> memref<5128x256xf32, #tpu.memory_space<vmem_shared>>
          %dma_start3A_189 = arith.constant -1 : i32
          tpu.enqueue_indirect_dma source(%arg10 : memref<128x256xf32, #tpu.memory_space<vmem>>) target(%dma_start3A_188 : memref<5128x256xf32, #tpu.memory_space<vmem_shared>>) offsets(%arg11 : memref<128xi32, #tpu.memory_space<vmem>>) offset_filter(%dma_start3A_189) semaphore(%run_scoped3A : memref<!tpu.dma_semaphore, #tpu.memory_space<semaphore_mem>>) {add = true}
          %dma_wait3A_190 = arith.constant 0 : i32
          %dma_wait3A_191 = arith.constant 0 : i32
          %dma_wait3A_192 = tpu.memref_slice %arg12[%dma_wait3A_190, %dma_wait3A_191] : memref<5128x256xf32, #tpu.memory_space<vmem_shared>> -> memref<5128x256xf32, #tpu.memory_space<vmem_shared>>
          tpu.wait_indirect_dma semaphore(%run_scoped3A : memref<!tpu.dma_semaphore, #tpu.memory_space<semaphore_mem>>) src(%arg10 : memref<128x256xf32, #tpu.memory_space<vmem>>) dst(%dma_wait3A_192 : memref<5128x256xf32, #tpu.memory_space<vmem_shared>>)
          tpu.yield
        }) : () -> ()
      }
      %while3A_130 = arith.constant 1 : i32
      scf.for %while3A_131 = %while3A_128 to %while3A_124 step %while3A_130  : i32 {
        %mul3A_132 = arith.constant 128 : i32
        %mul3A_133 = arith.muli %while3A_131, %mul3A_132 : i32
        %dma_start3A = tpu.memref_slice %arg8[%mul3A_133] : memref<2144xi32, #tpu.memory_space<vmem>> -> memref<128xi32, #tpu.memory_space<vmem>>
        %dma_start3A_134 = arith.constant 0 : i32
        %dma_start3A_135 = arith.constant 0 : i32
        %dma_start3A_136 = tpu.memref_slice %arg2[%dma_start3A_134, %dma_start3A_135] : memref<10240x256xf32, #tpu.memory_space<hbm>> -> memref<10240x256xf32, #tpu.memory_space<hbm>>
        tpu.enqueue_indirect_dma source(%dma_start3A_136 : memref<10240x256xf32, #tpu.memory_space<hbm>>) target(%arg10 : memref<128x256xf32, #tpu.memory_space<vmem>>) offsets(%dma_start3A : memref<128xi32, #tpu.memory_space<vmem>>) semaphore(%arg13 : memref<!tpu.dma_semaphore, #tpu.memory_space<semaphore_mem>>)
        %dma_wait3A = tpu.memref_slice %arg8[%mul3A_133] : memref<2144xi32, #tpu.memory_space<vmem>> -> memref<128xi32, #tpu.memory_space<vmem>>
        %dma_wait3A_137 = arith.constant 0 : i32
        %dma_wait3A_138 = arith.constant 0 : i32
        %dma_wait3A_139 = tpu.memref_slice %arg2[%dma_wait3A_137, %dma_wait3A_138] : memref<10240x256xf32, #tpu.memory_space<hbm>> -> memref<10240x256xf32, #tpu.memory_space<hbm>>
        tpu.wait_indirect_dma semaphore(%arg13 : memref<!tpu.dma_semaphore, #tpu.memory_space<semaphore_mem>>) src(%dma_wait3A_139 : memref<10240x256xf32, #tpu.memory_space<hbm>>) dst(%arg10 : memref<128x256xf32, #tpu.memory_space<vmem>>)
        %add3A_140 = arith.constant 0 : i32
        %add3A_141 = arith.addi %mul3A_133, %add3A_140 : i32
        %get3A = arith.index_cast %add3A_141 : i32 to index
        %get3A_142 = tpu.vector_load %arg9[%get3A] {strides = array<i32>} : memref<2144xi32, #tpu.memory_space<vmem>>, vector<16xi32>,
        %swap3A = arith.constant 0 : index
        %swap3A_143 = tpu.vector_load %arg11[%swap3A] {strides = array<i32>} : memref<128xi32, #tpu.memory_space<vmem>>, vector<16xi32>,
        tpu.vector_store %arg11[%swap3A], %get3A_142 {strides = array<i32>} : memref<128xi32, #tpu.memory_space<vmem>>, vector<16xi32>,
        %add3A_144 = arith.constant 16 : i32
        %add3A_145 = arith.addi %mul3A_133, %add3A_144 : i32
        %get3A_146 = arith.index_cast %add3A_145 : i32 to index
        %get3A_147 = tpu.vector_load %arg9[%get3A_146] {strides = array<i32>} : memref<2144xi32, #tpu.memory_space<vmem>>, vector<16xi32>,
        %swap3A_148 = arith.constant 16 : index
        %swap3A_149 = tpu.vector_load %arg11[%swap3A_148] {strides = array<i32>} : memref<128xi32, #tpu.memory_space<vmem>>, vector<16xi32>,
        tpu.vector_store %arg11[%swap3A_148], %get3A_147 {strides = array<i32>} : memref<128xi32, #tpu.memory_space<vmem>>, vector<16xi32>,
        %add3A_150 = arith.constant 32 : i32
        %add3A_151 = arith.addi %mul3A_133, %add3A_150 : i32
        %get3A_152 = arith.index_cast %add3A_151 : i32 to index
        %get3A_153 = tpu.vector_load %arg9[%get3A_152] {strides = array<i32>} : memref<2144xi32, #tpu.memory_space<vmem>>, vector<16xi32>,
        %swap3A_154 = arith.constant 32 : index
        %swap3A_155 = tpu.vector_load %arg11[%swap3A_154] {strides = array<i32>} : memref<128xi32, #tpu.memory_space<vmem>>, vector<16xi32>,
        tpu.vector_store %arg11[%swap3A_154], %get3A_153 {strides = array<i32>} : memref<128xi32, #tpu.memory_space<vmem>>, vector<16xi32>,
        %add3A_156 = arith.constant 48 : i32
        %add3A_157 = arith.addi %mul3A_133, %add3A_156 : i32
        %get3A_158 = arith.index_cast %add3A_157 : i32 to index
        %get3A_159 = tpu.vector_load %arg9[%get3A_158] {strides = array<i32>} : memref<2144xi32, #tpu.memory_space<vmem>>, vector<16xi32>,
        %swap3A_160 = arith.constant 48 : index
        %swap3A_161 = tpu.vector_load %arg11[%swap3A_160] {strides = array<i32>} : memref<128xi32, #tpu.memory_space<vmem>>, vector<16xi32>,
        tpu.vector_store %arg11[%swap3A_160], %get3A_159 {strides = array<i32>} : memref<128xi32, #tpu.memory_space<vmem>>, vector<16xi32>,
        %add3A_162 = arith.constant 64 : i32
        %add3A_163 = arith.addi %mul3A_133, %add3A_162 : i32
        %get3A_164 = arith.index_cast %add3A_163 : i32 to index
        %get3A_165 = tpu.vector_load %arg9[%get3A_164] {strides = array<i32>} : memref<2144xi32, #tpu.memory_space<vmem>>, vector<16xi32>,
        %swap3A_166 = arith.constant 64 : index
        %swap3A_167 = tpu.vector_load %arg11[%swap3A_166] {strides = array<i32>} : memref<128xi32, #tpu.memory_space<vmem>>, vector<16xi32>,
        tpu.vector_store %arg11[%swap3A_166], %get3A_165 {strides = array<i32>} : memref<128xi32, #tpu.memory_space<vmem>>, vector<16xi32>,
        %add3A_168 = arith.constant 80 : i32
        %add3A_169 = arith.addi %mul3A_133, %add3A_168 : i32
        %get3A_170 = arith.index_cast %add3A_169 : i32 to index
        %get3A_171 = tpu.vector_load %arg9[%get3A_170] {strides = array<i32>} : memref<2144xi32, #tpu.memory_space<vmem>>, vector<16xi32>,
        %swap3A_172 = arith.constant 80 : index
        %swap3A_173 = tpu.vector_load %arg11[%swap3A_172] {strides = array<i32>} : memref<128xi32, #tpu.memory_space<vmem>>, vector<16xi32>,
        tpu.vector_store %arg11[%swap3A_172], %get3A_171 {strides = array<i32>} : memref<128xi32, #tpu.memory_space<vmem>>, vector<16xi32>,
        %add3A_174 = arith.constant 96 : i32
        %add3A_175 = arith.addi %mul3A_133, %add3A_174 : i32
        %get3A_176 = arith.index_cast %add3A_175 : i32 to index
        %get3A_177 = tpu.vector_load %arg9[%get3A_176] {strides = array<i32>} : memref<2144xi32, #tpu.memory_space<vmem>>, vector<16xi32>,
        %swap3A_178 = arith.constant 96 : index
        %swap3A_179 = tpu.vector_load %arg11[%swap3A_178] {strides = array<i32>} : memref<128xi32, #tpu.memory_space<vmem>>, vector<16xi32>,
        tpu.vector_store %arg11[%swap3A_178], %get3A_177 {strides = array<i32>} : memref<128xi32, #tpu.memory_space<vmem>>, vector<16xi32>,
        %add3A_180 = arith.constant 112 : i32
        %add3A_181 = arith.addi %mul3A_133, %add3A_180 : i32
        %get3A_182 = arith.index_cast %add3A_181 : i32 to index
        %get3A_183 = tpu.vector_load %arg9[%get3A_182] {strides = array<i32>} : memref<2144xi32, #tpu.memory_space<vmem>>, vector<16xi32>,
        %swap3A_184 = arith.constant 112 : index
        %swap3A_185 = tpu.vector_load %arg11[%swap3A_184] {strides = array<i32>} : memref<128xi32, #tpu.memory_space<vmem>>, vector<16xi32>,
        tpu.vector_store %arg11[%swap3A_184], %get3A_183 {strides = array<i32>} : memref<128xi32, #tpu.memory_space<vmem>>, vector<16xi32>,
        "tpu.region"() ({
          %run_scoped3A = tpu.sem_alloc : memref<!tpu.dma_semaphore, #tpu.memory_space<semaphore_mem>>
          %dma_start3A_186 = arith.constant 0 : i32
          %dma_start3A_187 = arith.constant 0 : i32
          %dma_start3A_188 = tpu.memref_slice %arg12[%dma_start3A_186, %dma_start3A_187] : memref<5128x256xf32, #tpu.memory_space<vmem_shared>> -> memref<5128x256xf32, #tpu.memory_space<vmem_shared>>
          %dma_start3A_189 = arith.constant -1 : i32
          tpu.enqueue_indirect_dma source(%arg10 : memref<128x256xf32, #tpu.memory_space<vmem>>) target(%dma_start3A_188 : memref<5128x256xf32, #tpu.memory_space<vmem_shared>>) offsets(%arg11 : memref<128xi32, #tpu.memory_space<vmem>>) offset_filter(%dma_start3A_189) semaphore(%run_scoped3A : memref<!tpu.dma_semaphore, #tpu.memory_space<semaphore_mem>>) {add = true}
          %dma_wait3A_190 = arith.constant 0 : i32
          %dma_wait3A_191 = arith.constant 0 : i32
          %dma_wait3A_192 = tpu.memref_slice %arg12[%dma_wait3A_190, %dma_wait3A_191] : memref<5128x256xf32, #tpu.memory_space<vmem_shared>> -> memref<5128x256xf32, #tpu.memory_space<vmem_shared>>
          tpu.wait_indirect_dma semaphore(%run_scoped3A : memref<!tpu.dma_semaphore, #tpu.memory_space<semaphore_mem>>) src(%arg10 : memref<128x256xf32, #tpu.memory_space<vmem>>) dst(%dma_wait3A_192 : memref<5128x256xf32, #tpu.memory_space<vmem_shared>>)
          tpu.yield
        }) : () -> ()
      }
    }
    %scan3A_13 = arith.constant 5 : i32
    %barrier3A_14 = arith.constant 0 : index
    tpu.barrier barrier_id(%barrier3A_14)
    %mul3A_15 = arith.constant 320 : i32
    %mul3A_16 = arith.muli %arg1, %mul3A_15 : i32
    %mul3A_17 = arith.constant 320 : i32
    %mul3A_18 = arith.muli %arg1, %mul3A_17 : i32
    %add3A_19 = arith.addi %mul3A_3, %mul3A_18 : i32
    "tpu.region"() ({
      %run_scoped3A = tpu.sem_alloc : memref<!tpu.dma_semaphore, #tpu.memory_space<semaphore_mem>>
      %dma_start3A = arith.constant 0 : i32
      %dma_start3A_21 = tpu.memref_slice %arg5[%add3A_19, %dma_start3A] : memref<10240x256xf32, #tpu.memory_space<hbm>> -> memref<320x256xf32, #tpu.memory_space<hbm>>
      %dma_start3A_22 = arith.constant 0 : i32
      %dma_start3A_23 = tpu.memref_slice %arg12[%mul3A_16, %dma_start3A_22] : memref<5128x256xf32, #tpu.memory_space<vmem_shared>> -> memref<320x256xf32, #tpu.memory_space<vmem_shared>>
      tpu.enqueue_dma source(%dma_start3A_23 : memref<320x256xf32, #tpu.memory_space<vmem_shared>>) target(%dma_start3A_21 : memref<320x256xf32, #tpu.memory_space<hbm>>) target_semaphore(%run_scoped3A : memref<!tpu.dma_semaphore, #tpu.memory_space<semaphore_mem>>)
      %dma_wait3A = arith.constant 0 : i32
      %dma_wait3A_24 = tpu.memref_slice %arg5[%add3A_19, %dma_wait3A] : memref<10240x256xf32, #tpu.memory_space<hbm>> -> memref<320x256xf32, #tpu.memory_space<hbm>>
      %dma_wait3A_25 = arith.constant 0 : i32
      %dma_wait3A_26 = tpu.memref_slice %arg12[%mul3A_16, %dma_wait3A_25] : memref<5128x256xf32, #tpu.memory_space<vmem_shared>> -> memref<320x256xf32, #tpu.memory_space<vmem_shared>>
      tpu.wait_dma2 semaphore(%run_scoped3A : memref<!tpu.dma_semaphore, #tpu.memory_space<semaphore_mem>>) src(%dma_wait3A_26 : memref<320x256xf32, #tpu.memory_space<vmem_shared>>) dst(%dma_wait3A_24 : memref<320x256xf32, #tpu.memory_space<hbm>>)
      tpu.yield
    }) : () -> ()
    %barrier3A_20 = arith.constant 0 : index
    tpu.barrier barrier_id(%barrier3A_20)
    return
  }
}

#map = affine_map<(d0, d1) -> (0, 0)>
#map1 = affine_map<(d0, d1) -> (0)>
module attributes {stable_mosaic.version = 14 : i64} {
  func.func @scat(%arg0: i32, %arg1: i32, %arg2: memref<10240x256xf32, #tpu.memory_space<hbm>>, %arg3: memref<160000xi32, #tpu.memory_space<hbm>>, %arg4: memref<160000xi32, #tpu.memory_space<hbm>>, %arg5: memref<10240x256xf32, #tpu.memory_space<hbm>>, %arg6: memref<2000xi32, #tpu.memory_space<vmem>>, %arg7: memref<2000xi32, #tpu.memory_space<vmem>>, %arg8: memref<2144xi32, #tpu.memory_space<vmem>>, %arg9: memref<2144xi32, #tpu.memory_space<vmem>>, %arg10: memref<128x256xf32, #tpu.memory_space<vmem>>, %arg11: memref<128xi32, #tpu.memory_space<vmem>>, %arg12: memref<5128x256xf32, #tpu.memory_space<vmem_shared>>, %arg13: memref<!tpu.dma_semaphore, #tpu.memory_space<semaphore_mem>>) attributes {dimension_semantics = [#tpu.dimension_semantics<core_parallel>, #tpu.dimension_semantics<subcore_parallel>], iteration_bounds = array<i64: 2, 16>, scalar_prefetch = 0 : i64, scratch_operands = 8 : i64, tpu.core_type = #tpu.core_type<sc_vector_subcore>, window_params = [{transform_indices = #map}, {transform_indices = #map1}, {transform_indices = #map1}, {transform_indices = #map}]} {
    %iota3A = tpu.iota {dimensions = array<i32: 0>} : vector<16xi32>
    %mul3A = arith.constant 1 : i32
    %mul3A_0 = arith.muli %arg0, %mul3A : i32
    %add3A = arith.constant 0 : i32
    %add3A_1 = arith.addi %mul3A_0, %add3A : i32
    %mul3A_2 = arith.constant 5120 : i32
    %mul3A_3 = arith.muli %add3A_1, %mul3A_2 : i32
    %mul3A_4 = arith.constant 320 : i32
    %mul3A_5 = arith.muli %arg1, %mul3A_4 : i32
    %add3A_6 = arith.addi %mul3A_3, %mul3A_5 : i32
    %mul3A_7 = arith.constant 320 : i32
    %mul3A_8 = arith.muli %arg1, %mul3A_7 : i32
    "tpu.region"() ({
      %run_scoped3A = tpu.sem_alloc : memref<!tpu.dma_semaphore, #tpu.memory_space<semaphore_mem>>
      %dma_start3A = arith.constant 0 : i32
      %dma_start3A_21 = tpu.memref_slice %arg12[%mul3A_8, %dma_start3A] : memref<5128x256xf32, #tpu.memory_space<vmem_shared>> -> memref<320x256xf32, #tpu.memory_space<vmem_shared>>
      %dma_start3A_22 = arith.constant 0 : i32
      %dma_start3A_23 = tpu.memref_slice %arg2[%add3A_6, %dma_start3A_22] : memref<10240x256xf32, #tpu.memory_space<hbm>> -> memref<320x256xf32, #tpu.memory_space<hbm>>
      tpu.enqueue_dma source(%dma_start3A_23 : memref<320x256xf32, #tpu.memory_space<hbm>>) target(%dma_start3A_21 : memref<320x256xf32, #tpu.memory_space<vmem_shared>>) target_semaphore(%run_scoped3A : memref<!tpu.dma_semaphore, #tpu.memory_space<semaphore_mem>>)
      %dma_wait3A = arith.constant 0 : i32
      %dma_wait3A_24 = tpu.memref_slice %arg12[%mul3A_8, %dma_wait3A] : memref<5128x256xf32, #tpu.memory_space<vmem_shared>> -> memref<320x256xf32, #tpu.memory_space<vmem_shared>>
      %dma_wait3A_25 = arith.constant 0 : i32
      %dma_wait3A_26 = tpu.memref_slice %arg2[%add3A_6, %dma_wait3A_25] : memref<10240x256xf32, #tpu.memory_space<hbm>> -> memref<320x256xf32, #tpu.memory_space<hbm>>
      tpu.wait_dma2 semaphore(%run_scoped3A : memref<!tpu.dma_semaphore, #tpu.memory_space<semaphore_mem>>) src(%dma_wait3A_26 : memref<320x256xf32, #tpu.memory_space<hbm>>) dst(%dma_wait3A_24 : memref<320x256xf32, #tpu.memory_space<vmem_shared>>)
      tpu.yield
    }) : () -> ()
    %barrier3A = arith.constant 0 : index
    tpu.barrier barrier_id(%barrier3A)
    %scan3A = arith.constant 0 : i32
    %scan3A_9 = arith.constant 0 : i32
    %scan3A_10 = arith.constant 5 : i32
    %scan3A_11 = arith.addi %scan3A_9, %scan3A_10 : i32
    %scan3A_12 = arith.constant 1 : i32
    scf.for %scan3A_21 = %scan3A_9 to %scan3A_11 step %scan3A_12  : i32 {
      %mul3A_22 = arith.constant 10000 : i32
      %mul3A_23 = arith.muli %arg1, %mul3A_22 : i32
      %mul3A_24 = arith.constant 2000 : i32
      %mul3A_25 = arith.muli %scan3A_21, %mul3A_24 : i32
      %add3A_26 = arith.addi %mul3A_23, %mul3A_25 : i32
      "tpu.region"() ({
        %run_scoped3A = tpu.sem_alloc : memref<!tpu.dma_semaphore, #tpu.memory_space<semaphore_mem>>
        %dma_start3A = tpu.memref_slice %arg3[%add3A_26] : memref<160000xi32, #tpu.memory_space<hbm>> -> memref<2000xi32, #tpu.memory_space<hbm>>
        %dma_start3A_131 = tpu.memref_slice %arg3[%add3A_26] : memref<160000xi32, #tpu.memory_space<hbm>> -> memref<2000xi32, #tpu.memory_space<hbm>>
        tpu.enqueue_dma source(%dma_start3A_131 : memref<2000xi32, #tpu.memory_space<hbm>>) target(%arg6 : memref<2000xi32, #tpu.memory_space<vmem>>) target_semaphore(%run_scoped3A : memref<!tpu.dma_semaphore, #tpu.memory_space<semaphore_mem>>)
        %dma_wait3A = tpu.memref_slice %arg3[%add3A_26] : memref<160000xi32, #tpu.memory_space<hbm>> -> memref<2000xi32, #tpu.memory_space<hbm>>
        %dma_wait3A_132 = tpu.memref_slice %arg3[%add3A_26] : memref<160000xi32, #tpu.memory_space<hbm>> -> memref<2000xi32, #tpu.memory_space<hbm>>
        tpu.wait_dma2 semaphore(%run_scoped3A : memref<!tpu.dma_semaphore, #tpu.memory_space<semaphore_mem>>) src(%dma_wait3A_132 : memref<2000xi32, #tpu.memory_space<hbm>>) dst(%arg6 : memref<2000xi32, #tpu.memory_space<vmem>>)
        tpu.yield
      }) : () -> ()
      %mul3A_27 = arith.constant 10000 : i32
      %mul3A_28 = arith.muli %arg1, %mul3A_27 : i32
      %mul3A_29 = arith.constant 2000 : i32
      %mul3A_30 = arith.muli %scan3A_21, %mul3A_29 : i32
      %add3A_31 = arith.addi %mul3A_28, %mul3A_30 : i32
      "tpu.region"() ({
        %run_scoped3A = tpu.sem_alloc : memref<!tpu.dma_semaphore, #tpu.memory_space<semaphore_mem>>
        %dma_start3A = tpu.memref_slice %arg4[%add3A_31] : memref<160000xi32, #tpu.memory_space<hbm>> -> memref<2000xi32, #tpu.memory_space<hbm>>
        %dma_start3A_131 = tpu.memref_slice %arg4[%add3A_31] : memref<160000xi32, #tpu.memory_space<hbm>> -> memref<2000xi32, #tpu.memory_space<hbm>>
        tpu.enqueue_dma source(%dma_start3A_131 : memref<2000xi32, #tpu.memory_space<hbm>>) target(%arg7 : memref<2000xi32, #tpu.memory_space<vmem>>) target_semaphore(%run_scoped3A : memref<!tpu.dma_semaphore, #tpu.memory_space<semaphore_mem>>)
        %dma_wait3A = tpu.memref_slice %arg4[%add3A_31] : memref<160000xi32, #tpu.memory_space<hbm>> -> memref<2000xi32, #tpu.memory_space<hbm>>
        %dma_wait3A_132 = tpu.memref_slice %arg4[%add3A_31] : memref<160000xi32, #tpu.memory_space<hbm>> -> memref<2000xi32, #tpu.memory_space<hbm>>
        tpu.wait_dma2 semaphore(%run_scoped3A : memref<!tpu.dma_semaphore, #tpu.memory_space<semaphore_mem>>) src(%dma_wait3A_132 : memref<2000xi32, #tpu.memory_space<hbm>>) dst(%arg7 : memref<2000xi32, #tpu.memory_space<vmem>>)
        tpu.yield
      }) : () -> ()
      %scan3A_32 = arith.constant 0 : i32
      %scan3A_33 = arith.constant 0 : i32
      %scan3A_34 = arith.constant 125 : i32
      %scan3A_35 = arith.addi %scan3A_33, %scan3A_34 : i32
      %scan3A_36 = arith.constant 1 : i32
      %scan3A_37 = scf.for %scan3A_131 = %scan3A_33 to %scan3A_35 step %scan3A_36 iter_args(%scan3A_132 = %scan3A_32) -> (i32)  : i32 {
        %mul3A_133 = arith.constant 16 : i32
        %mul3A_134 = arith.muli %scan3A_131, %mul3A_133 : i32
        %get3A = arith.index_cast %mul3A_134 : i32 to index
        %get3A_135 = tpu.vector_load %arg7[%get3A] {strides = array<i32>} : memref<2000xi32, #tpu.memory_space<vmem>>, vector<16xi32>,
        %mul3A_136 = arith.constant 16 : i32
        %mul3A_137 = arith.muli %scan3A_131, %mul3A_136 : i32
        %get3A_138 = arith.index_cast %mul3A_137 : i32 to index
        %get3A_139 = tpu.vector_load %arg6[%get3A_138] {strides = array<i32>} : memref<2000xi32, #tpu.memory_space<vmem>>, vector<16xi32>,
        %ge3A = vector.broadcast %mul3A_3 : i32 to vector<16xi32>
        %ge3A_140 = arith.cmpi sge, %get3A_135, %ge3A : vector<16xi32>
        %add3A_141 = arith.constant 5120 : i32
        %add3A_142 = arith.addi %mul3A_3, %add3A_141 : i32
        %lt3A = vector.broadcast %add3A_142 : i32 to vector<16xi32>
        %lt3A_143 = arith.cmpi slt, %get3A_135, %lt3A : vector<16xi32>
        %and3A_144 = arith.andi %ge3A_140, %lt3A_143 : vector<16xi1>
        %swap3A = arith.index_cast %scan3A_132 : i32 to index
        %swap3A_145 = tpu.vector_load %arg8[%swap3A] masked %and3A_144 {strides = array<i32>} : memref<2144xi32, #tpu.memory_space<vmem>>, vector<16xi32>, vector<16xi1>
        tpu.vector_store %arg8[%swap3A], %get3A_139 masked %and3A_144 {strides = array<i32>} : memref<2144xi32, #tpu.memory_space<vmem>>, vector<16xi32>, vector<16xi1>
        %sub3A_146 = vector.broadcast %mul3A_3 : i32 to vector<16xi32>
        %sub3A_147 = arith.subi %get3A_135, %sub3A_146 : vector<16xi32>
        %swap3A_148 = arith.index_cast %scan3A_132 : i32 to index
        %swap3A_149 = tpu.vector_load %arg9[%swap3A_148] masked %and3A_144 {strides = array<i32>} : memref<2144xi32, #tpu.memory_space<vmem>>, vector<16xi32>, vector<16xi1>
        tpu.vector_store %arg9[%swap3A_148], %sub3A_147 masked %and3A_144 {strides = array<i32>} : memref<2144xi32, #tpu.memory_space<vmem>>, vector<16xi32>, vector<16xi1>
        %jit3A_150 = arith.constant 1 : i32
        %jit3A_151 = arith.constant 0 : i32
        %broadcast_in_dim3A_152 = vector.broadcast %jit3A_150 : i32 to vector<16xi32>
        %broadcast_in_dim3A_153 = vector.broadcast %jit3A_151 : i32 to vector<16xi32>
        %select_n3A_154 = arith.select %and3A_144, %broadcast_in_dim3A_152, %broadcast_in_dim3A_153 : vector<16xi1>, vector<16xi32>
        %reduce_sum3A = arith.constant true
        %reduce_sum3A_155 = vector.broadcast %reduce_sum3A : i1 to vector<16xi1>
        %reduce_sum3A_156 = tpu.scan <sum>, %select_n3A_154 masked %reduce_sum3A_155 : vector<16xi32>, vector<16xi1> -> vector<16xi32>
        %reduce_sum3A_157 = vector.extract %reduce_sum3A_156[15] : i32 from vector<16xi32>
        %add3A_158 = arith.addi %scan3A_132, %reduce_sum3A_157 : i32
        scf.yield %add3A_158 : i32
      }
      %scan3A_38 = arith.constant 125 : i32
      %add3A_39 = arith.constant 0 : i32
      %add3A_40 = arith.addi %scan3A_37, %add3A_39 : i32
      %add3A_41 = vector.broadcast %add3A_40 : i32 to vector<16xi32>
      %add3A_42 = arith.addi %add3A_41, %iota3A : vector<16xi32>
      %broadcast_in_dim3A = arith.constant -1 : i32
      %broadcast_in_dim3A_43 = vector.broadcast %broadcast_in_dim3A : i32 to vector<16xi32>
      tpu.vector_store_idx %arg9[%add3A_42], %broadcast_in_dim3A_43 : memref<2144xi32, #tpu.memory_space<vmem>>[vector<16xi32>], vector<16xi32>,
      %broadcast_in_dim3A_44 = arith.constant 0 : i32
      %broadcast_in_dim3A_45 = vector.broadcast %broadcast_in_dim3A_44 : i32 to vector<16xi32>
      tpu.vector_store_idx %arg8[%add3A_42], %broadcast_in_dim3A_45 : memref<2144xi32, #tpu.memory_space<vmem>>[vector<16xi32>], vector<16xi32>,
      %add3A_46 = arith.constant 16 : i32
      %add3A_47 = arith.addi %scan3A_37, %add3A_46 : i32
      %add3A_48 = vector.broadcast %add3A_47 : i32 to vector<16xi32>
      %add3A_49 = arith.addi %add3A_48, %iota3A : vector<16xi32>
      %broadcast_in_dim3A_50 = arith.constant -1 : i32
      %broadcast_in_dim3A_51 = vector.broadcast %broadcast_in_dim3A_50 : i32 to vector<16xi32>
      tpu.vector_store_idx %arg9[%add3A_49], %broadcast_in_dim3A_51 : memref<2144xi32, #tpu.memory_space<vmem>>[vector<16xi32>], vector<16xi32>,
      %broadcast_in_dim3A_52 = arith.constant 0 : i32
      %broadcast_in_dim3A_53 = vector.broadcast %broadcast_in_dim3A_52 : i32 to vector<16xi32>
      tpu.vector_store_idx %arg8[%add3A_49], %broadcast_in_dim3A_53 : memref<2144xi32, #tpu.memory_space<vmem>>[vector<16xi32>], vector<16xi32>,
      %add3A_54 = arith.constant 32 : i32
      %add3A_55 = arith.addi %scan3A_37, %add3A_54 : i32
      %add3A_56 = vector.broadcast %add3A_55 : i32 to vector<16xi32>
      %add3A_57 = arith.addi %add3A_56, %iota3A : vector<16xi32>
      %broadcast_in_dim3A_58 = arith.constant -1 : i32
      %broadcast_in_dim3A_59 = vector.broadcast %broadcast_in_dim3A_58 : i32 to vector<16xi32>
      tpu.vector_store_idx %arg9[%add3A_57], %broadcast_in_dim3A_59 : memref<2144xi32, #tpu.memory_space<vmem>>[vector<16xi32>], vector<16xi32>,
      %broadcast_in_dim3A_60 = arith.constant 0 : i32
      %broadcast_in_dim3A_61 = vector.broadcast %broadcast_in_dim3A_60 : i32 to vector<16xi32>
      tpu.vector_store_idx %arg8[%add3A_57], %broadcast_in_dim3A_61 : memref<2144xi32, #tpu.memory_space<vmem>>[vector<16xi32>], vector<16xi32>,
      %add3A_62 = arith.constant 48 : i32
      %add3A_63 = arith.addi %scan3A_37, %add3A_62 : i32
      %add3A_64 = vector.broadcast %add3A_63 : i32 to vector<16xi32>
      %add3A_65 = arith.addi %add3A_64, %iota3A : vector<16xi32>
      %broadcast_in_dim3A_66 = arith.constant -1 : i32
      %broadcast_in_dim3A_67 = vector.broadcast %broadcast_in_dim3A_66 : i32 to vector<16xi32>
      tpu.vector_store_idx %arg9[%add3A_65], %broadcast_in_dim3A_67 : memref<2144xi32, #tpu.memory_space<vmem>>[vector<16xi32>], vector<16xi32>,
      %broadcast_in_dim3A_68 = arith.constant 0 : i32
      %broadcast_in_dim3A_69 = vector.broadcast %broadcast_in_dim3A_68 : i32 to vector<16xi32>
      tpu.vector_store_idx %arg8[%add3A_65], %broadcast_in_dim3A_69 : memref<2144xi32, #tpu.memory_space<vmem>>[vector<16xi32>], vector<16xi32>,
      %add3A_70 = arith.constant 64 : i32
      %add3A_71 = arith.addi %scan3A_37, %add3A_70 : i32
      %add3A_72 = vector.broadcast %add3A_71 : i32 to vector<16xi32>
      %add3A_73 = arith.addi %add3A_72, %iota3A : vector<16xi32>
      %broadcast_in_dim3A_74 = arith.constant -1 : i32
      %broadcast_in_dim3A_75 = vector.broadcast %broadcast_in_dim3A_74 : i32 to vector<16xi32>
      tpu.vector_store_idx %arg9[%add3A_73], %broadcast_in_dim3A_75 : memref<2144xi32, #tpu.memory_space<vmem>>[vector<16xi32>], vector<16xi32>,
      %broadcast_in_dim3A_76 = arith.constant 0 : i32
      %broadcast_in_dim3A_77 = vector.broadcast %broadcast_in_dim3A_76 : i32 to vector<16xi32>
      tpu.vector_store_idx %arg8[%add3A_73], %broadcast_in_dim3A_77 : memref<2144xi32, #tpu.memory_space<vmem>>[vector<16xi32>], vector<16xi32>,
      %add3A_78 = arith.constant 80 : i32
      %add3A_79 = arith.addi %scan3A_37, %add3A_78 : i32
      %add3A_80 = vector.broadcast %add3A_79 : i32 to vector<16xi32>
      %add3A_81 = arith.addi %add3A_80, %iota3A : vector<16xi32>
      %broadcast_in_dim3A_82 = arith.constant -1 : i32
      %broadcast_in_dim3A_83 = vector.broadcast %broadcast_in_dim3A_82 : i32 to vector<16xi32>
      tpu.vector_store_idx %arg9[%add3A_81], %broadcast_in_dim3A_83 : memref<2144xi32, #tpu.memory_space<vmem>>[vector<16xi32>], vector<16xi32>,
      %broadcast_in_dim3A_84 = arith.constant 0 : i32
      %broadcast_in_dim3A_85 = vector.broadcast %broadcast_in_dim3A_84 : i32 to vector<16xi32>
      tpu.vector_store_idx %arg8[%add3A_81], %broadcast_in_dim3A_85 : memref<2144xi32, #tpu.memory_space<vmem>>[vector<16xi32>], vector<16xi32>,
      %add3A_86 = arith.constant 96 : i32
      %add3A_87 = arith.addi %scan3A_37, %add3A_86 : i32
      %add3A_88 = vector.broadcast %add3A_87 : i32 to vector<16xi32>
      %add3A_89 = arith.addi %add3A_88, %iota3A : vector<16xi32>
      %broadcast_in_dim3A_90 = arith.constant -1 : i32
      %broadcast_in_dim3A_91 = vector.broadcast %broadcast_in_dim3A_90 : i32 to vector<16xi32>
      tpu.vector_store_idx %arg9[%add3A_89], %broadcast_in_dim3A_91 : memref<2144xi32, #tpu.memory_space<vmem>>[vector<16xi32>], vector<16xi32>,
      %broadcast_in_dim3A_92 = arith.constant 0 : i32
      %broadcast_in_dim3A_93 = vector.broadcast %broadcast_in_dim3A_92 : i32 to vector<16xi32>
      tpu.vector_store_idx %arg8[%add3A_89], %broadcast_in_dim3A_93 : memref<2144xi32, #tpu.memory_space<vmem>>[vector<16xi32>], vector<16xi32>,
      %add3A_94 = arith.constant 112 : i32
      %add3A_95 = arith.addi %scan3A_37, %add3A_94 : i32
      %add3A_96 = vector.broadcast %add3A_95 : i32 to vector<16xi32>
      %add3A_97 = arith.addi %add3A_96, %iota3A : vector<16xi32>
      %broadcast_in_dim3A_98 = arith.constant -1 : i32
      %broadcast_in_dim3A_99 = vector.broadcast %broadcast_in_dim3A_98 : i32 to vector<16xi32>
      tpu.vector_store_idx %arg9[%add3A_97], %broadcast_in_dim3A_99 : memref<2144xi32, #tpu.memory_space<vmem>>[vector<16xi32>], vector<16xi32>,
      %broadcast_in_dim3A_100 = arith.constant 0 : i32
      %broadcast_in_dim3A_101 = vector.broadcast %broadcast_in_dim3A_100 : i32 to vector<16xi32>
      tpu.vector_store_idx %arg8[%add3A_97], %broadcast_in_dim3A_101 : memref<2144xi32, #tpu.memory_space<vmem>>[vector<16xi32>], vector<16xi32>,
      %add3A_102 = arith.constant 128 : i32
      %add3A_103 = arith.addi %scan3A_37, %add3A_102 : i32
      %sub3A = arith.constant 1 : i32
      %sub3A_104 = arith.subi %add3A_103, %sub3A : i32
      %jit3A = arith.constant 128 : i32
      %div3A = arith.divsi %sub3A_104, %jit3A : i32
      %sign3A = arith.constant 0 : i32
      %sign3A_105 = arith.cmpi sgt, %sub3A_104, %sign3A : i32
      %sign3A_106 = arith.extui %sign3A_105 : i1 to i32
      %sign3A_107 = arith.constant 0 : i32
      %sign3A_108 = arith.cmpi slt, %sub3A_104, %sign3A_107 : i32
      %sign3A_109 = arith.extui %sign3A_108 : i1 to i32
      %sign3A_110 = arith.subi %sign3A_106, %sign3A_109 : i32
      %sign3A_111 = arith.constant 0 : i32
      %sign3A_112 = arith.cmpi sgt, %jit3A, %sign3A_111 : i32
      %sign3A_113 = arith.extui %sign3A_112 : i1 to i32
      %sign3A_114 = arith.constant 0 : i32
      %sign3A_115 = arith.cmpi slt, %jit3A, %sign3A_114 : i32
      %sign3A_116 = arith.extui %sign3A_115 : i1 to i32
      %sign3A_117 = arith.subi %sign3A_113, %sign3A_116 : i32
      %ne3A = arith.cmpi ne, %sign3A_110, %sign3A_117 : i32
      %rem3A = arith.remsi %sub3A_104, %jit3A : i32
      %ne3A_118 = arith.constant 0 : i32
      %ne3A_119 = arith.cmpi ne, %rem3A, %ne3A_118 : i32
      %and3A = arith.andi %ne3A, %ne3A_119 : i1
      %sub3A_120 = arith.constant 1 : i32
      %sub3A_121 = arith.subi %div3A, %sub3A_120 : i32
      %select_n3A = arith.select %and3A, %sub3A_121, %div3A : i32
      %while3A = arith.constant 0 : i32
      %while3A_122 = arith.constant 0 : i32
      %while3A_123 = arith.subi %select_n3A, %while3A_122 : i32
      %while3A_124 = arith.addi %while3A_122, %while3A_123 : i32
      %while3A_125 = arith.constant 1 : i32
      %while3A_126 = arith.divsi %while3A_123, %while3A_125 : i32
      %while3A_127 = arith.muli %while3A_126, %while3A_125 : i32
      %while3A_128 = arith.addi %while3A_122, %while3A_127 : i32
      %while3A_129 = arith.constant 1 : i32
      scf.for %while3A_131 = %while3A_122 to %while3A_128 step %while3A_129  : i32 {
        %mul3A_132 = arith.constant 128 : i32
        %mul3A_133 = arith.muli %while3A_131, %mul3A_132 : i32
        %dma_start3A = tpu.memref_slice %arg8[%mul3A_133] : memref<2144xi32, #tpu.memory_space<vmem>> -> memref<128xi32, #tpu.memory_space<vmem>>
        %dma_start3A_134 = arith.constant 0 : i32
        %dma_start3A_135 = arith.constant 0 : i32
        %dma_start3A_136 = tpu.memref_slice %arg2[%dma_start3A_134, %dma_start3A_135] : memref<10240x256xf32, #tpu.memory_space<hbm>> -> memref<10240x256xf32, #tpu.memory_space<hbm>>
        tpu.enqueue_indirect_dma source(%dma_start3A_136 : memref<10240x256xf32, #tpu.memory_space<hbm>>) target(%arg10 : memref<128x256xf32, #tpu.memory_space<vmem>>) offsets(%dma_start3A : memref<128xi32, #tpu.memory_space<vmem>>) semaphore(%arg13 : memref<!tpu.dma_semaphore, #tpu.memory_space<semaphore_mem>>)
        %dma_wait3A = tpu.memref_slice %arg8[%mul3A_133] : memref<2144xi32, #tpu.memory_space<vmem>> -> memref<128xi32, #tpu.memory_space<vmem>>
        %dma_wait3A_137 = arith.constant 0 : i32
        %dma_wait3A_138 = arith.constant 0 : i32
        %dma_wait3A_139 = tpu.memref_slice %arg2[%dma_wait3A_137, %dma_wait3A_138] : memref<10240x256xf32, #tpu.memory_space<hbm>> -> memref<10240x256xf32, #tpu.memory_space<hbm>>
        tpu.wait_indirect_dma semaphore(%arg13 : memref<!tpu.dma_semaphore, #tpu.memory_space<semaphore_mem>>) src(%dma_wait3A_139 : memref<10240x256xf32, #tpu.memory_space<hbm>>) dst(%arg10 : memref<128x256xf32, #tpu.memory_space<vmem>>)
        %add3A_140 = arith.constant 0 : i32
        %add3A_141 = arith.addi %mul3A_133, %add3A_140 : i32
        %get3A = arith.index_cast %add3A_141 : i32 to index
        %get3A_142 = tpu.vector_load %arg9[%get3A] {strides = array<i32>} : memref<2144xi32, #tpu.memory_space<vmem>>, vector<16xi32>,
        %swap3A = arith.constant 0 : index
        %swap3A_143 = tpu.vector_load %arg11[%swap3A] {strides = array<i32>} : memref<128xi32, #tpu.memory_space<vmem>>, vector<16xi32>,
        tpu.vector_store %arg11[%swap3A], %get3A_142 {strides = array<i32>} : memref<128xi32, #tpu.memory_space<vmem>>, vector<16xi32>,
        %add3A_144 = arith.constant 16 : i32
        %add3A_145 = arith.addi %mul3A_133, %add3A_144 : i32
        %get3A_146 = arith.index_cast %add3A_145 : i32 to index
        %get3A_147 = tpu.vector_load %arg9[%get3A_146] {strides = array<i32>} : memref<2144xi32, #tpu.memory_space<vmem>>, vector<16xi32>,
        %swap3A_148 = arith.constant 16 : index
        %swap3A_149 = tpu.vector_load %arg11[%swap3A_148] {strides = array<i32>} : memref<128xi32, #tpu.memory_space<vmem>>, vector<16xi32>,
        tpu.vector_store %arg11[%swap3A_148], %get3A_147 {strides = array<i32>} : memref<128xi32, #tpu.memory_space<vmem>>, vector<16xi32>,
        %add3A_150 = arith.constant 32 : i32
        %add3A_151 = arith.addi %mul3A_133, %add3A_150 : i32
        %get3A_152 = arith.index_cast %add3A_151 : i32 to index
        %get3A_153 = tpu.vector_load %arg9[%get3A_152] {strides = array<i32>} : memref<2144xi32, #tpu.memory_space<vmem>>, vector<16xi32>,
        %swap3A_154 = arith.constant 32 : index
        %swap3A_155 = tpu.vector_load %arg11[%swap3A_154] {strides = array<i32>} : memref<128xi32, #tpu.memory_space<vmem>>, vector<16xi32>,
        tpu.vector_store %arg11[%swap3A_154], %get3A_153 {strides = array<i32>} : memref<128xi32, #tpu.memory_space<vmem>>, vector<16xi32>,
        %add3A_156 = arith.constant 48 : i32
        %add3A_157 = arith.addi %mul3A_133, %add3A_156 : i32
        %get3A_158 = arith.index_cast %add3A_157 : i32 to index
        %get3A_159 = tpu.vector_load %arg9[%get3A_158] {strides = array<i32>} : memref<2144xi32, #tpu.memory_space<vmem>>, vector<16xi32>,
        %swap3A_160 = arith.constant 48 : index
        %swap3A_161 = tpu.vector_load %arg11[%swap3A_160] {strides = array<i32>} : memref<128xi32, #tpu.memory_space<vmem>>, vector<16xi32>,
        tpu.vector_store %arg11[%swap3A_160], %get3A_159 {strides = array<i32>} : memref<128xi32, #tpu.memory_space<vmem>>, vector<16xi32>,
        %add3A_162 = arith.constant 64 : i32
        %add3A_163 = arith.addi %mul3A_133, %add3A_162 : i32
        %get3A_164 = arith.index_cast %add3A_163 : i32 to index
        %get3A_165 = tpu.vector_load %arg9[%get3A_164] {strides = array<i32>} : memref<2144xi32, #tpu.memory_space<vmem>>, vector<16xi32>,
        %swap3A_166 = arith.constant 64 : index
        %swap3A_167 = tpu.vector_load %arg11[%swap3A_166] {strides = array<i32>} : memref<128xi32, #tpu.memory_space<vmem>>, vector<16xi32>,
        tpu.vector_store %arg11[%swap3A_166], %get3A_165 {strides = array<i32>} : memref<128xi32, #tpu.memory_space<vmem>>, vector<16xi32>,
        %add3A_168 = arith.constant 80 : i32
        %add3A_169 = arith.addi %mul3A_133, %add3A_168 : i32
        %get3A_170 = arith.index_cast %add3A_169 : i32 to index
        %get3A_171 = tpu.vector_load %arg9[%get3A_170] {strides = array<i32>} : memref<2144xi32, #tpu.memory_space<vmem>>, vector<16xi32>,
        %swap3A_172 = arith.constant 80 : index
        %swap3A_173 = tpu.vector_load %arg11[%swap3A_172] {strides = array<i32>} : memref<128xi32, #tpu.memory_space<vmem>>, vector<16xi32>,
        tpu.vector_store %arg11[%swap3A_172], %get3A_171 {strides = array<i32>} : memref<128xi32, #tpu.memory_space<vmem>>, vector<16xi32>,
        %add3A_174 = arith.constant 96 : i32
        %add3A_175 = arith.addi %mul3A_133, %add3A_174 : i32
        %get3A_176 = arith.index_cast %add3A_175 : i32 to index
        %get3A_177 = tpu.vector_load %arg9[%get3A_176] {strides = array<i32>} : memref<2144xi32, #tpu.memory_space<vmem>>, vector<16xi32>,
        %swap3A_178 = arith.constant 96 : index
        %swap3A_179 = tpu.vector_load %arg11[%swap3A_178] {strides = array<i32>} : memref<128xi32, #tpu.memory_space<vmem>>, vector<16xi32>,
        tpu.vector_store %arg11[%swap3A_178], %get3A_177 {strides = array<i32>} : memref<128xi32, #tpu.memory_space<vmem>>, vector<16xi32>,
        %add3A_180 = arith.constant 112 : i32
        %add3A_181 = arith.addi %mul3A_133, %add3A_180 : i32
        %get3A_182 = arith.index_cast %add3A_181 : i32 to index
        %get3A_183 = tpu.vector_load %arg9[%get3A_182] {strides = array<i32>} : memref<2144xi32, #tpu.memory_space<vmem>>, vector<16xi32>,
        %swap3A_184 = arith.constant 112 : index
        %swap3A_185 = tpu.vector_load %arg11[%swap3A_184] {strides = array<i32>} : memref<128xi32, #tpu.memory_space<vmem>>, vector<16xi32>,
        tpu.vector_store %arg11[%swap3A_184], %get3A_183 {strides = array<i32>} : memref<128xi32, #tpu.memory_space<vmem>>, vector<16xi32>,
        "tpu.region"() ({
          %run_scoped3A = tpu.sem_alloc : memref<!tpu.dma_semaphore, #tpu.memory_space<semaphore_mem>>
          %dma_start3A_186 = arith.constant 0 : i32
          %dma_start3A_187 = arith.constant 0 : i32
          %dma_start3A_188 = tpu.memref_slice %arg12[%dma_start3A_186, %dma_start3A_187] : memref<5128x256xf32, #tpu.memory_space<vmem_shared>> -> memref<5128x256xf32, #tpu.memory_space<vmem_shared>>
          %dma_start3A_189 = arith.constant -1 : i32
          tpu.enqueue_indirect_dma source(%arg10 : memref<128x256xf32, #tpu.memory_space<vmem>>) target(%dma_start3A_188 : memref<5128x256xf32, #tpu.memory_space<vmem_shared>>) offsets(%arg11 : memref<128xi32, #tpu.memory_space<vmem>>) offset_filter(%dma_start3A_189) semaphore(%run_scoped3A : memref<!tpu.dma_semaphore, #tpu.memory_space<semaphore_mem>>) {add = true}
          %dma_wait3A_190 = arith.constant 0 : i32
          %dma_wait3A_191 = arith.constant 0 : i32
          %dma_wait3A_192 = tpu.memref_slice %arg12[%dma_wait3A_190, %dma_wait3A_191] : memref<5128x256xf32, #tpu.memory_space<vmem_shared>> -> memref<5128x256xf32, #tpu.memory_space<vmem_shared>>
          tpu.wait_indirect_dma semaphore(%run_scoped3A : memref<!tpu.dma_semaphore, #tpu.memory_space<semaphore_mem>>) src(%arg10 : memref<128x256xf32, #tpu.memory_space<vmem>>) dst(%dma_wait3A_192 : memref<5128x256xf32, #tpu.memory_space<vmem_shared>>)
          tpu.yield
        }) : () -> ()
      }
      %while3A_130 = arith.constant 1 : i32
      scf.for %while3A_131 = %while3A_128 to %while3A_124 step %while3A_130  : i32 {
        %mul3A_132 = arith.constant 128 : i32
        %mul3A_133 = arith.muli %while3A_131, %mul3A_132 : i32
        %dma_start3A = tpu.memref_slice %arg8[%mul3A_133] : memref<2144xi32, #tpu.memory_space<vmem>> -> memref<128xi32, #tpu.memory_space<vmem>>
        %dma_start3A_134 = arith.constant 0 : i32
        %dma_start3A_135 = arith.constant 0 : i32
        %dma_start3A_136 = tpu.memref_slice %arg2[%dma_start3A_134, %dma_start3A_135] : memref<10240x256xf32, #tpu.memory_space<hbm>> -> memref<10240x256xf32, #tpu.memory_space<hbm>>
        tpu.enqueue_indirect_dma source(%dma_start3A_136 : memref<10240x256xf32, #tpu.memory_space<hbm>>) target(%arg10 : memref<128x256xf32, #tpu.memory_space<vmem>>) offsets(%dma_start3A : memref<128xi32, #tpu.memory_space<vmem>>) semaphore(%arg13 : memref<!tpu.dma_semaphore, #tpu.memory_space<semaphore_mem>>)
        %dma_wait3A = tpu.memref_slice %arg8[%mul3A_133] : memref<2144xi32, #tpu.memory_space<vmem>> -> memref<128xi32, #tpu.memory_space<vmem>>
        %dma_wait3A_137 = arith.constant 0 : i32
        %dma_wait3A_138 = arith.constant 0 : i32
        %dma_wait3A_139 = tpu.memref_slice %arg2[%dma_wait3A_137, %dma_wait3A_138] : memref<10240x256xf32, #tpu.memory_space<hbm>> -> memref<10240x256xf32, #tpu.memory_space<hbm>>
        tpu.wait_indirect_dma semaphore(%arg13 : memref<!tpu.dma_semaphore, #tpu.memory_space<semaphore_mem>>) src(%dma_wait3A_139 : memref<10240x256xf32, #tpu.memory_space<hbm>>) dst(%arg10 : memref<128x256xf32, #tpu.memory_space<vmem>>)
        %add3A_140 = arith.constant 0 : i32
        %add3A_141 = arith.addi %mul3A_133, %add3A_140 : i32
        %get3A = arith.index_cast %add3A_141 : i32 to index
        %get3A_142 = tpu.vector_load %arg9[%get3A] {strides = array<i32>} : memref<2144xi32, #tpu.memory_space<vmem>>, vector<16xi32>,
        %swap3A = arith.constant 0 : index
        %swap3A_143 = tpu.vector_load %arg11[%swap3A] {strides = array<i32>} : memref<128xi32, #tpu.memory_space<vmem>>, vector<16xi32>,
        tpu.vector_store %arg11[%swap3A], %get3A_142 {strides = array<i32>} : memref<128xi32, #tpu.memory_space<vmem>>, vector<16xi32>,
        %add3A_144 = arith.constant 16 : i32
        %add3A_145 = arith.addi %mul3A_133, %add3A_144 : i32
        %get3A_146 = arith.index_cast %add3A_145 : i32 to index
        %get3A_147 = tpu.vector_load %arg9[%get3A_146] {strides = array<i32>} : memref<2144xi32, #tpu.memory_space<vmem>>, vector<16xi32>,
        %swap3A_148 = arith.constant 16 : index
        %swap3A_149 = tpu.vector_load %arg11[%swap3A_148] {strides = array<i32>} : memref<128xi32, #tpu.memory_space<vmem>>, vector<16xi32>,
        tpu.vector_store %arg11[%swap3A_148], %get3A_147 {strides = array<i32>} : memref<128xi32, #tpu.memory_space<vmem>>, vector<16xi32>,
        %add3A_150 = arith.constant 32 : i32
        %add3A_151 = arith.addi %mul3A_133, %add3A_150 : i32
        %get3A_152 = arith.index_cast %add3A_151 : i32 to index
        %get3A_153 = tpu.vector_load %arg9[%get3A_152] {strides = array<i32>} : memref<2144xi32, #tpu.memory_space<vmem>>, vector<16xi32>,
        %swap3A_154 = arith.constant 32 : index
        %swap3A_155 = tpu.vector_load %arg11[%swap3A_154] {strides = array<i32>} : memref<128xi32, #tpu.memory_space<vmem>>, vector<16xi32>,
        tpu.vector_store %arg11[%swap3A_154], %get3A_153 {strides = array<i32>} : memref<128xi32, #tpu.memory_space<vmem>>, vector<16xi32>,
        %add3A_156 = arith.constant 48 : i32
        %add3A_157 = arith.addi %mul3A_133, %add3A_156 : i32
        %get3A_158 = arith.index_cast %add3A_157 : i32 to index
        %get3A_159 = tpu.vector_load %arg9[%get3A_158] {strides = array<i32>} : memref<2144xi32, #tpu.memory_space<vmem>>, vector<16xi32>,
        %swap3A_160 = arith.constant 48 : index
        %swap3A_161 = tpu.vector_load %arg11[%swap3A_160] {strides = array<i32>} : memref<128xi32, #tpu.memory_space<vmem>>, vector<16xi32>,
        tpu.vector_store %arg11[%swap3A_160], %get3A_159 {strides = array<i32>} : memref<128xi32, #tpu.memory_space<vmem>>, vector<16xi32>,
        %add3A_162 = arith.constant 64 : i32
        %add3A_163 = arith.addi %mul3A_133, %add3A_162 : i32
        %get3A_164 = arith.index_cast %add3A_163 : i32 to index
        %get3A_165 = tpu.vector_load %arg9[%get3A_164] {strides = array<i32>} : memref<2144xi32, #tpu.memory_space<vmem>>, vector<16xi32>,
        %swap3A_166 = arith.constant 64 : index
        %swap3A_167 = tpu.vector_load %arg11[%swap3A_166] {strides = array<i32>} : memref<128xi32, #tpu.memory_space<vmem>>, vector<16xi32>,
        tpu.vector_store %arg11[%swap3A_166], %get3A_165 {strides = array<i32>} : memref<128xi32, #tpu.memory_space<vmem>>, vector<16xi32>,
        %add3A_168 = arith.constant 80 : i32
        %add3A_169 = arith.addi %mul3A_133, %add3A_168 : i32
        %get3A_170 = arith.index_cast %add3A_169 : i32 to index
        %get3A_171 = tpu.vector_load %arg9[%get3A_170] {strides = array<i32>} : memref<2144xi32, #tpu.memory_space<vmem>>, vector<16xi32>,
        %swap3A_172 = arith.constant 80 : index
        %swap3A_173 = tpu.vector_load %arg11[%swap3A_172] {strides = array<i32>} : memref<128xi32, #tpu.memory_space<vmem>>, vector<16xi32>,
        tpu.vector_store %arg11[%swap3A_172], %get3A_171 {strides = array<i32>} : memref<128xi32, #tpu.memory_space<vmem>>, vector<16xi32>,
        %add3A_174 = arith.constant 96 : i32
        %add3A_175 = arith.addi %mul3A_133, %add3A_174 : i32
        %get3A_176 = arith.index_cast %add3A_175 : i32 to index
        %get3A_177 = tpu.vector_load %arg9[%get3A_176] {strides = array<i32>} : memref<2144xi32, #tpu.memory_space<vmem>>, vector<16xi32>,
        %swap3A_178 = arith.constant 96 : index
        %swap3A_179 = tpu.vector_load %arg11[%swap3A_178] {strides = array<i32>} : memref<128xi32, #tpu.memory_space<vmem>>, vector<16xi32>,
        tpu.vector_store %arg11[%swap3A_178], %get3A_177 {strides = array<i32>} : memref<128xi32, #tpu.memory_space<vmem>>, vector<16xi32>,
        %add3A_180 = arith.constant 112 : i32
        %add3A_181 = arith.addi %mul3A_133, %add3A_180 : i32
        %get3A_182 = arith.index_cast %add3A_181 : i32 to index
        %get3A_183 = tpu.vector_load %arg9[%get3A_182] {strides = array<i32>} : memref<2144xi32, #tpu.memory_space<vmem>>, vector<16xi32>,
        %swap3A_184 = arith.constant 112 : index
        %swap3A_185 = tpu.vector_load %arg11[%swap3A_184] {strides = array<i32>} : memref<128xi32, #tpu.memory_space<vmem>>, vector<16xi32>,
        tpu.vector_store %arg11[%swap3A_184], %get3A_183 {strides = array<i32>} : memref<128xi32, #tpu.memory_space<vmem>>, vector<16xi32>,
        "tpu.region"() ({
          %run_scoped3A = tpu.sem_alloc : memref<!tpu.dma_semaphore, #tpu.memory_space<semaphore_mem>>
          %dma_start3A_186 = arith.constant 0 : i32
          %dma_start3A_187 = arith.constant 0 : i32
          %dma_start3A_188 = tpu.memref_slice %arg12[%dma_start3A_186, %dma_start3A_187] : memref<5128x256xf32, #tpu.memory_space<vmem_shared>> -> memref<5128x256xf32, #tpu.memory_space<vmem_shared>>
          %dma_start3A_189 = arith.constant -1 : i32
          tpu.enqueue_indirect_dma source(%arg10 : memref<128x256xf32, #tpu.memory_space<vmem>>) target(%dma_start3A_188 : memref<5128x256xf32, #tpu.memory_space<vmem_shared>>) offsets(%arg11 : memref<128xi32, #tpu.memory_space<vmem>>) offset_filter(%dma_start3A_189) semaphore(%run_scoped3A : memref<!tpu.dma_semaphore, #tpu.memory_space<semaphore_mem>>) {add = true}
          %dma_wait3A_190 = arith.constant 0 : i32
          %dma_wait3A_191 = arith.constant 0 : i32
          %dma_wait3A_192 = tpu.memref_slice %arg12[%dma_wait3A_190, %dma_wait3A_191] : memref<5128x256xf32, #tpu.memory_space<vmem_shared>> -> memref<5128x256xf32, #tpu.memory_space<vmem_shared>>
          tpu.wait_indirect_dma semaphore(%run_scoped3A : memref<!tpu.dma_semaphore, #tpu.memory_space<semaphore_mem>>) src(%arg10 : memref<128x256xf32, #tpu.memory_space<vmem>>) dst(%dma_wait3A_192 : memref<5128x256xf32, #tpu.memory_space<vmem_shared>>)
          tpu.yield
        }) : () -> ()
      }
    }
    %scan3A_13 = arith.constant 5 : i32
    %barrier3A_14 = arith.constant 0 : index
    tpu.barrier barrier_id(%barrier3A_14)
    %mul3A_15 = arith.constant 320 : i32
    %mul3A_16 = arith.muli %arg1, %mul3A_15 : i32
    %mul3A_17 = arith.constant 320 : i32
    %mul3A_18 = arith.muli %arg1, %mul3A_17 : i32
    %add3A_19 = arith.addi %mul3A_3, %mul3A_18 : i32
    "tpu.region"() ({
      %run_scoped3A = tpu.sem_alloc : memref<!tpu.dma_semaphore, #tpu.memory_space<semaphore_mem>>
      %dma_start3A = arith.constant 0 : i32
      %dma_start3A_21 = tpu.memref_slice %arg5[%add3A_19, %dma_start3A] : memref<10240x256xf32, #tpu.memory_space<hbm>> -> memref<320x256xf32, #tpu.memory_space<hbm>>
      %dma_start3A_22 = arith.constant 0 : i32
      %dma_start3A_23 = tpu.memref_slice %arg12[%mul3A_16, %dma_start3A_22] : memref<5128x256xf32, #tpu.memory_space<vmem_shared>> -> memref<320x256xf32, #tpu.memory_space<vmem_shared>>
      tpu.enqueue_dma source(%dma_start3A_23 : memref<320x256xf32, #tpu.memory_space<vmem_shared>>) target(%dma_start3A_21 : memref<320x256xf32, #tpu.memory_space<hbm>>) target_semaphore(%run_scoped3A : memref<!tpu.dma_semaphore, #tpu.memory_space<semaphore_mem>>)
      %dma_wait3A = arith.constant 0 : i32
      %dma_wait3A_24 = tpu.memref_slice %arg5[%add3A_19, %dma_wait3A] : memref<10240x256xf32, #tpu.memory_space<hbm>> -> memref<320x256xf32, #tpu.memory_space<hbm>>
      %dma_wait3A_25 = arith.constant 0 : i32
      %dma_wait3A_26 = tpu.memref_slice %arg12[%mul3A_16, %dma_wait3A_25] : memref<5128x256xf32, #tpu.memory_space<vmem_shared>> -> memref<320x256xf32, #tpu.memory_space<vmem_shared>>
      tpu.wait_dma2 semaphore(%run_scoped3A : memref<!tpu.dma_semaphore, #tpu.memory_space<semaphore_mem>>) src(%dma_wait3A_26 : memref<320x256xf32, #tpu.memory_space<vmem_shared>>) dst(%dma_wait3A_24 : memref<320x256xf32, #tpu.memory_space<hbm>>)
      tpu.yield
    }) : () -> ()
    %barrier3A_20 = arith.constant 0 : index
    tpu.barrier barrier_id(%barrier3A_20)
    return
  }
}

#map = affine_map<(d0, d1) -> (0, 0)>
#map1 = affine_map<(d0, d1) -> (0)>
module attributes {stable_mosaic.version = 14 : i64} {
  func.func @scat(%arg0: i32, %arg1: i32, %arg2: memref<10240x256xf32, #tpu.memory_space<hbm>>, %arg3: memref<160000xi32, #tpu.memory_space<hbm>>, %arg4: memref<160000xi32, #tpu.memory_space<hbm>>, %arg5: memref<10240x256xf32, #tpu.memory_space<hbm>>, %arg6: memref<2000xi32, #tpu.memory_space<vmem>>, %arg7: memref<2000xi32, #tpu.memory_space<vmem>>, %arg8: memref<2144xi32, #tpu.memory_space<vmem>>, %arg9: memref<2144xi32, #tpu.memory_space<vmem>>, %arg10: memref<128x256xf32, #tpu.memory_space<vmem>>, %arg11: memref<128xi32, #tpu.memory_space<vmem>>, %arg12: memref<5128x256xf32, #tpu.memory_space<vmem_shared>>, %arg13: memref<!tpu.dma_semaphore, #tpu.memory_space<semaphore_mem>>) attributes {dimension_semantics = [#tpu.dimension_semantics<core_parallel>, #tpu.dimension_semantics<subcore_parallel>], iteration_bounds = array<i64: 2, 16>, scalar_prefetch = 0 : i64, scratch_operands = 8 : i64, tpu.core_type = #tpu.core_type<sc_vector_subcore>, window_params = [{transform_indices = #map}, {transform_indices = #map1}, {transform_indices = #map1}, {transform_indices = #map}]} {
    %iota3A = tpu.iota {dimensions = array<i32: 0>} : vector<16xi32>
    %mul3A = arith.constant 1 : i32
    %mul3A_0 = arith.muli %arg0, %mul3A : i32
    %add3A = arith.constant 0 : i32
    %add3A_1 = arith.addi %mul3A_0, %add3A : i32
    %mul3A_2 = arith.constant 5120 : i32
    %mul3A_3 = arith.muli %add3A_1, %mul3A_2 : i32
    %mul3A_4 = arith.constant 320 : i32
    %mul3A_5 = arith.muli %arg1, %mul3A_4 : i32
    %add3A_6 = arith.addi %mul3A_3, %mul3A_5 : i32
    %mul3A_7 = arith.constant 320 : i32
    %mul3A_8 = arith.muli %arg1, %mul3A_7 : i32
    "tpu.region"() ({
      %run_scoped3A = tpu.sem_alloc : memref<!tpu.dma_semaphore, #tpu.memory_space<semaphore_mem>>
      %dma_start3A = arith.constant 0 : i32
      %dma_start3A_21 = tpu.memref_slice %arg12[%mul3A_8, %dma_start3A] : memref<5128x256xf32, #tpu.memory_space<vmem_shared>> -> memref<320x256xf32, #tpu.memory_space<vmem_shared>>
      %dma_start3A_22 = arith.constant 0 : i32
      %dma_start3A_23 = tpu.memref_slice %arg2[%add3A_6, %dma_start3A_22] : memref<10240x256xf32, #tpu.memory_space<hbm>> -> memref<320x256xf32, #tpu.memory_space<hbm>>
      tpu.enqueue_dma source(%dma_start3A_23 : memref<320x256xf32, #tpu.memory_space<hbm>>) target(%dma_start3A_21 : memref<320x256xf32, #tpu.memory_space<vmem_shared>>) target_semaphore(%run_scoped3A : memref<!tpu.dma_semaphore, #tpu.memory_space<semaphore_mem>>)
      %dma_wait3A = arith.constant 0 : i32
      %dma_wait3A_24 = tpu.memref_slice %arg12[%mul3A_8, %dma_wait3A] : memref<5128x256xf32, #tpu.memory_space<vmem_shared>> -> memref<320x256xf32, #tpu.memory_space<vmem_shared>>
      %dma_wait3A_25 = arith.constant 0 : i32
      %dma_wait3A_26 = tpu.memref_slice %arg2[%add3A_6, %dma_wait3A_25] : memref<10240x256xf32, #tpu.memory_space<hbm>> -> memref<320x256xf32, #tpu.memory_space<hbm>>
      tpu.wait_dma2 semaphore(%run_scoped3A : memref<!tpu.dma_semaphore, #tpu.memory_space<semaphore_mem>>) src(%dma_wait3A_26 : memref<320x256xf32, #tpu.memory_space<hbm>>) dst(%dma_wait3A_24 : memref<320x256xf32, #tpu.memory_space<vmem_shared>>)
      tpu.yield
    }) : () -> ()
    %barrier3A = arith.constant 0 : index
    tpu.barrier barrier_id(%barrier3A)
    %scan3A = arith.constant 0 : i32
    %scan3A_9 = arith.constant 0 : i32
    %scan3A_10 = arith.constant 5 : i32
    %scan3A_11 = arith.addi %scan3A_9, %scan3A_10 : i32
    %scan3A_12 = arith.constant 1 : i32
    scf.for %scan3A_21 = %scan3A_9 to %scan3A_11 step %scan3A_12  : i32 {
      %mul3A_22 = arith.constant 10000 : i32
      %mul3A_23 = arith.muli %arg1, %mul3A_22 : i32
      %mul3A_24 = arith.constant 2000 : i32
      %mul3A_25 = arith.muli %scan3A_21, %mul3A_24 : i32
      %add3A_26 = arith.addi %mul3A_23, %mul3A_25 : i32
      "tpu.region"() ({
        %run_scoped3A = tpu.sem_alloc : memref<!tpu.dma_semaphore, #tpu.memory_space<semaphore_mem>>
        %dma_start3A = tpu.memref_slice %arg3[%add3A_26] : memref<160000xi32, #tpu.memory_space<hbm>> -> memref<2000xi32, #tpu.memory_space<hbm>>
        %dma_start3A_131 = tpu.memref_slice %arg3[%add3A_26] : memref<160000xi32, #tpu.memory_space<hbm>> -> memref<2000xi32, #tpu.memory_space<hbm>>
        tpu.enqueue_dma source(%dma_start3A_131 : memref<2000xi32, #tpu.memory_space<hbm>>) target(%arg6 : memref<2000xi32, #tpu.memory_space<vmem>>) target_semaphore(%run_scoped3A : memref<!tpu.dma_semaphore, #tpu.memory_space<semaphore_mem>>)
        %dma_wait3A = tpu.memref_slice %arg3[%add3A_26] : memref<160000xi32, #tpu.memory_space<hbm>> -> memref<2000xi32, #tpu.memory_space<hbm>>
        %dma_wait3A_132 = tpu.memref_slice %arg3[%add3A_26] : memref<160000xi32, #tpu.memory_space<hbm>> -> memref<2000xi32, #tpu.memory_space<hbm>>
        tpu.wait_dma2 semaphore(%run_scoped3A : memref<!tpu.dma_semaphore, #tpu.memory_space<semaphore_mem>>) src(%dma_wait3A_132 : memref<2000xi32, #tpu.memory_space<hbm>>) dst(%arg6 : memref<2000xi32, #tpu.memory_space<vmem>>)
        tpu.yield
      }) : () -> ()
      %mul3A_27 = arith.constant 10000 : i32
      %mul3A_28 = arith.muli %arg1, %mul3A_27 : i32
      %mul3A_29 = arith.constant 2000 : i32
      %mul3A_30 = arith.muli %scan3A_21, %mul3A_29 : i32
      %add3A_31 = arith.addi %mul3A_28, %mul3A_30 : i32
      "tpu.region"() ({
        %run_scoped3A = tpu.sem_alloc : memref<!tpu.dma_semaphore, #tpu.memory_space<semaphore_mem>>
        %dma_start3A = tpu.memref_slice %arg4[%add3A_31] : memref<160000xi32, #tpu.memory_space<hbm>> -> memref<2000xi32, #tpu.memory_space<hbm>>
        %dma_start3A_131 = tpu.memref_slice %arg4[%add3A_31] : memref<160000xi32, #tpu.memory_space<hbm>> -> memref<2000xi32, #tpu.memory_space<hbm>>
        tpu.enqueue_dma source(%dma_start3A_131 : memref<2000xi32, #tpu.memory_space<hbm>>) target(%arg7 : memref<2000xi32, #tpu.memory_space<vmem>>) target_semaphore(%run_scoped3A : memref<!tpu.dma_semaphore, #tpu.memory_space<semaphore_mem>>)
        %dma_wait3A = tpu.memref_slice %arg4[%add3A_31] : memref<160000xi32, #tpu.memory_space<hbm>> -> memref<2000xi32, #tpu.memory_space<hbm>>
        %dma_wait3A_132 = tpu.memref_slice %arg4[%add3A_31] : memref<160000xi32, #tpu.memory_space<hbm>> -> memref<2000xi32, #tpu.memory_space<hbm>>
        tpu.wait_dma2 semaphore(%run_scoped3A : memref<!tpu.dma_semaphore, #tpu.memory_space<semaphore_mem>>) src(%dma_wait3A_132 : memref<2000xi32, #tpu.memory_space<hbm>>) dst(%arg7 : memref<2000xi32, #tpu.memory_space<vmem>>)
        tpu.yield
      }) : () -> ()
      %scan3A_32 = arith.constant 0 : i32
      %scan3A_33 = arith.constant 0 : i32
      %scan3A_34 = arith.constant 125 : i32
      %scan3A_35 = arith.addi %scan3A_33, %scan3A_34 : i32
      %scan3A_36 = arith.constant 1 : i32
      %scan3A_37 = scf.for %scan3A_131 = %scan3A_33 to %scan3A_35 step %scan3A_36 iter_args(%scan3A_132 = %scan3A_32) -> (i32)  : i32 {
        %mul3A_133 = arith.constant 16 : i32
        %mul3A_134 = arith.muli %scan3A_131, %mul3A_133 : i32
        %get3A = arith.index_cast %mul3A_134 : i32 to index
        %get3A_135 = tpu.vector_load %arg7[%get3A] {strides = array<i32>} : memref<2000xi32, #tpu.memory_space<vmem>>, vector<16xi32>,
        %mul3A_136 = arith.constant 16 : i32
        %mul3A_137 = arith.muli %scan3A_131, %mul3A_136 : i32
        %get3A_138 = arith.index_cast %mul3A_137 : i32 to index
        %get3A_139 = tpu.vector_load %arg6[%get3A_138] {strides = array<i32>} : memref<2000xi32, #tpu.memory_space<vmem>>, vector<16xi32>,
        %ge3A = vector.broadcast %mul3A_3 : i32 to vector<16xi32>
        %ge3A_140 = arith.cmpi sge, %get3A_135, %ge3A : vector<16xi32>
        %add3A_141 = arith.constant 5120 : i32
        %add3A_142 = arith.addi %mul3A_3, %add3A_141 : i32
        %lt3A = vector.broadcast %add3A_142 : i32 to vector<16xi32>
        %lt3A_143 = arith.cmpi slt, %get3A_135, %lt3A : vector<16xi32>
        %and3A_144 = arith.andi %ge3A_140, %lt3A_143 : vector<16xi1>
        %swap3A = arith.index_cast %scan3A_132 : i32 to index
        %swap3A_145 = tpu.vector_load %arg8[%swap3A] masked %and3A_144 {strides = array<i32>} : memref<2144xi32, #tpu.memory_space<vmem>>, vector<16xi32>, vector<16xi1>
        tpu.vector_store %arg8[%swap3A], %get3A_139 masked %and3A_144 {strides = array<i32>} : memref<2144xi32, #tpu.memory_space<vmem>>, vector<16xi32>, vector<16xi1>
        %sub3A_146 = vector.broadcast %mul3A_3 : i32 to vector<16xi32>
        %sub3A_147 = arith.subi %get3A_135, %sub3A_146 : vector<16xi32>
        %swap3A_148 = arith.index_cast %scan3A_132 : i32 to index
        %swap3A_149 = tpu.vector_load %arg9[%swap3A_148] masked %and3A_144 {strides = array<i32>} : memref<2144xi32, #tpu.memory_space<vmem>>, vector<16xi32>, vector<16xi1>
        tpu.vector_store %arg9[%swap3A_148], %sub3A_147 masked %and3A_144 {strides = array<i32>} : memref<2144xi32, #tpu.memory_space<vmem>>, vector<16xi32>, vector<16xi1>
        %jit3A_150 = arith.constant 1 : i32
        %jit3A_151 = arith.constant 0 : i32
        %broadcast_in_dim3A_152 = vector.broadcast %jit3A_150 : i32 to vector<16xi32>
        %broadcast_in_dim3A_153 = vector.broadcast %jit3A_151 : i32 to vector<16xi32>
        %select_n3A_154 = arith.select %and3A_144, %broadcast_in_dim3A_152, %broadcast_in_dim3A_153 : vector<16xi1>, vector<16xi32>
        %reduce_sum3A = arith.constant true
        %reduce_sum3A_155 = vector.broadcast %reduce_sum3A : i1 to vector<16xi1>
        %reduce_sum3A_156 = tpu.scan <sum>, %select_n3A_154 masked %reduce_sum3A_155 : vector<16xi32>, vector<16xi1> -> vector<16xi32>
        %reduce_sum3A_157 = vector.extract %reduce_sum3A_156[15] : i32 from vector<16xi32>
        %add3A_158 = arith.addi %scan3A_132, %reduce_sum3A_157 : i32
        scf.yield %add3A_158 : i32
      }
      %scan3A_38 = arith.constant 125 : i32
      %add3A_39 = arith.constant 0 : i32
      %add3A_40 = arith.addi %scan3A_37, %add3A_39 : i32
      %add3A_41 = vector.broadcast %add3A_40 : i32 to vector<16xi32>
      %add3A_42 = arith.addi %add3A_41, %iota3A : vector<16xi32>
      %broadcast_in_dim3A = arith.constant -1 : i32
      %broadcast_in_dim3A_43 = vector.broadcast %broadcast_in_dim3A : i32 to vector<16xi32>
      tpu.vector_store_idx %arg9[%add3A_42], %broadcast_in_dim3A_43 : memref<2144xi32, #tpu.memory_space<vmem>>[vector<16xi32>], vector<16xi32>,
      %broadcast_in_dim3A_44 = arith.constant 0 : i32
      %broadcast_in_dim3A_45 = vector.broadcast %broadcast_in_dim3A_44 : i32 to vector<16xi32>
      tpu.vector_store_idx %arg8[%add3A_42], %broadcast_in_dim3A_45 : memref<2144xi32, #tpu.memory_space<vmem>>[vector<16xi32>], vector<16xi32>,
      %add3A_46 = arith.constant 16 : i32
      %add3A_47 = arith.addi %scan3A_37, %add3A_46 : i32
      %add3A_48 = vector.broadcast %add3A_47 : i32 to vector<16xi32>
      %add3A_49 = arith.addi %add3A_48, %iota3A : vector<16xi32>
      %broadcast_in_dim3A_50 = arith.constant -1 : i32
      %broadcast_in_dim3A_51 = vector.broadcast %broadcast_in_dim3A_50 : i32 to vector<16xi32>
      tpu.vector_store_idx %arg9[%add3A_49], %broadcast_in_dim3A_51 : memref<2144xi32, #tpu.memory_space<vmem>>[vector<16xi32>], vector<16xi32>,
      %broadcast_in_dim3A_52 = arith.constant 0 : i32
      %broadcast_in_dim3A_53 = vector.broadcast %broadcast_in_dim3A_52 : i32 to vector<16xi32>
      tpu.vector_store_idx %arg8[%add3A_49], %broadcast_in_dim3A_53 : memref<2144xi32, #tpu.memory_space<vmem>>[vector<16xi32>], vector<16xi32>,
      %add3A_54 = arith.constant 32 : i32
      %add3A_55 = arith.addi %scan3A_37, %add3A_54 : i32
      %add3A_56 = vector.broadcast %add3A_55 : i32 to vector<16xi32>
      %add3A_57 = arith.addi %add3A_56, %iota3A : vector<16xi32>
      %broadcast_in_dim3A_58 = arith.constant -1 : i32
      %broadcast_in_dim3A_59 = vector.broadcast %broadcast_in_dim3A_58 : i32 to vector<16xi32>
      tpu.vector_store_idx %arg9[%add3A_57], %broadcast_in_dim3A_59 : memref<2144xi32, #tpu.memory_space<vmem>>[vector<16xi32>], vector<16xi32>,
      %broadcast_in_dim3A_60 = arith.constant 0 : i32
      %broadcast_in_dim3A_61 = vector.broadcast %broadcast_in_dim3A_60 : i32 to vector<16xi32>
      tpu.vector_store_idx %arg8[%add3A_57], %broadcast_in_dim3A_61 : memref<2144xi32, #tpu.memory_space<vmem>>[vector<16xi32>], vector<16xi32>,
      %add3A_62 = arith.constant 48 : i32
      %add3A_63 = arith.addi %scan3A_37, %add3A_62 : i32
      %add3A_64 = vector.broadcast %add3A_63 : i32 to vector<16xi32>
      %add3A_65 = arith.addi %add3A_64, %iota3A : vector<16xi32>
      %broadcast_in_dim3A_66 = arith.constant -1 : i32
      %broadcast_in_dim3A_67 = vector.broadcast %broadcast_in_dim3A_66 : i32 to vector<16xi32>
      tpu.vector_store_idx %arg9[%add3A_65], %broadcast_in_dim3A_67 : memref<2144xi32, #tpu.memory_space<vmem>>[vector<16xi32>], vector<16xi32>,
      %broadcast_in_dim3A_68 = arith.constant 0 : i32
      %broadcast_in_dim3A_69 = vector.broadcast %broadcast_in_dim3A_68 : i32 to vector<16xi32>
      tpu.vector_store_idx %arg8[%add3A_65], %broadcast_in_dim3A_69 : memref<2144xi32, #tpu.memory_space<vmem>>[vector<16xi32>], vector<16xi32>,
      %add3A_70 = arith.constant 64 : i32
      %add3A_71 = arith.addi %scan3A_37, %add3A_70 : i32
      %add3A_72 = vector.broadcast %add3A_71 : i32 to vector<16xi32>
      %add3A_73 = arith.addi %add3A_72, %iota3A : vector<16xi32>
      %broadcast_in_dim3A_74 = arith.constant -1 : i32
      %broadcast_in_dim3A_75 = vector.broadcast %broadcast_in_dim3A_74 : i32 to vector<16xi32>
      tpu.vector_store_idx %arg9[%add3A_73], %broadcast_in_dim3A_75 : memref<2144xi32, #tpu.memory_space<vmem>>[vector<16xi32>], vector<16xi32>,
      %broadcast_in_dim3A_76 = arith.constant 0 : i32
      %broadcast_in_dim3A_77 = vector.broadcast %broadcast_in_dim3A_76 : i32 to vector<16xi32>
      tpu.vector_store_idx %arg8[%add3A_73], %broadcast_in_dim3A_77 : memref<2144xi32, #tpu.memory_space<vmem>>[vector<16xi32>], vector<16xi32>,
      %add3A_78 = arith.constant 80 : i32
      %add3A_79 = arith.addi %scan3A_37, %add3A_78 : i32
      %add3A_80 = vector.broadcast %add3A_79 : i32 to vector<16xi32>
      %add3A_81 = arith.addi %add3A_80, %iota3A : vector<16xi32>
      %broadcast_in_dim3A_82 = arith.constant -1 : i32
      %broadcast_in_dim3A_83 = vector.broadcast %broadcast_in_dim3A_82 : i32 to vector<16xi32>
      tpu.vector_store_idx %arg9[%add3A_81], %broadcast_in_dim3A_83 : memref<2144xi32, #tpu.memory_space<vmem>>[vector<16xi32>], vector<16xi32>,
      %broadcast_in_dim3A_84 = arith.constant 0 : i32
      %broadcast_in_dim3A_85 = vector.broadcast %broadcast_in_dim3A_84 : i32 to vector<16xi32>
      tpu.vector_store_idx %arg8[%add3A_81], %broadcast_in_dim3A_85 : memref<2144xi32, #tpu.memory_space<vmem>>[vector<16xi32>], vector<16xi32>,
      %add3A_86 = arith.constant 96 : i32
      %add3A_87 = arith.addi %scan3A_37, %add3A_86 : i32
      %add3A_88 = vector.broadcast %add3A_87 : i32 to vector<16xi32>
      %add3A_89 = arith.addi %add3A_88, %iota3A : vector<16xi32>
      %broadcast_in_dim3A_90 = arith.constant -1 : i32
      %broadcast_in_dim3A_91 = vector.broadcast %broadcast_in_dim3A_90 : i32 to vector<16xi32>
      tpu.vector_store_idx %arg9[%add3A_89], %broadcast_in_dim3A_91 : memref<2144xi32, #tpu.memory_space<vmem>>[vector<16xi32>], vector<16xi32>,
      %broadcast_in_dim3A_92 = arith.constant 0 : i32
      %broadcast_in_dim3A_93 = vector.broadcast %broadcast_in_dim3A_92 : i32 to vector<16xi32>
      tpu.vector_store_idx %arg8[%add3A_89], %broadcast_in_dim3A_93 : memref<2144xi32, #tpu.memory_space<vmem>>[vector<16xi32>], vector<16xi32>,
      %add3A_94 = arith.constant 112 : i32
      %add3A_95 = arith.addi %scan3A_37, %add3A_94 : i32
      %add3A_96 = vector.broadcast %add3A_95 : i32 to vector<16xi32>
      %add3A_97 = arith.addi %add3A_96, %iota3A : vector<16xi32>
      %broadcast_in_dim3A_98 = arith.constant -1 : i32
      %broadcast_in_dim3A_99 = vector.broadcast %broadcast_in_dim3A_98 : i32 to vector<16xi32>
      tpu.vector_store_idx %arg9[%add3A_97], %broadcast_in_dim3A_99 : memref<2144xi32, #tpu.memory_space<vmem>>[vector<16xi32>], vector<16xi32>,
      %broadcast_in_dim3A_100 = arith.constant 0 : i32
      %broadcast_in_dim3A_101 = vector.broadcast %broadcast_in_dim3A_100 : i32 to vector<16xi32>
      tpu.vector_store_idx %arg8[%add3A_97], %broadcast_in_dim3A_101 : memref<2144xi32, #tpu.memory_space<vmem>>[vector<16xi32>], vector<16xi32>,
      %add3A_102 = arith.constant 128 : i32
      %add3A_103 = arith.addi %scan3A_37, %add3A_102 : i32
      %sub3A = arith.constant 1 : i32
      %sub3A_104 = arith.subi %add3A_103, %sub3A : i32
      %jit3A = arith.constant 128 : i32
      %div3A = arith.divsi %sub3A_104, %jit3A : i32
      %sign3A = arith.constant 0 : i32
      %sign3A_105 = arith.cmpi sgt, %sub3A_104, %sign3A : i32
      %sign3A_106 = arith.extui %sign3A_105 : i1 to i32
      %sign3A_107 = arith.constant 0 : i32
      %sign3A_108 = arith.cmpi slt, %sub3A_104, %sign3A_107 : i32
      %sign3A_109 = arith.extui %sign3A_108 : i1 to i32
      %sign3A_110 = arith.subi %sign3A_106, %sign3A_109 : i32
      %sign3A_111 = arith.constant 0 : i32
      %sign3A_112 = arith.cmpi sgt, %jit3A, %sign3A_111 : i32
      %sign3A_113 = arith.extui %sign3A_112 : i1 to i32
      %sign3A_114 = arith.constant 0 : i32
      %sign3A_115 = arith.cmpi slt, %jit3A, %sign3A_114 : i32
      %sign3A_116 = arith.extui %sign3A_115 : i1 to i32
      %sign3A_117 = arith.subi %sign3A_113, %sign3A_116 : i32
      %ne3A = arith.cmpi ne, %sign3A_110, %sign3A_117 : i32
      %rem3A = arith.remsi %sub3A_104, %jit3A : i32
      %ne3A_118 = arith.constant 0 : i32
      %ne3A_119 = arith.cmpi ne, %rem3A, %ne3A_118 : i32
      %and3A = arith.andi %ne3A, %ne3A_119 : i1
      %sub3A_120 = arith.constant 1 : i32
      %sub3A_121 = arith.subi %div3A, %sub3A_120 : i32
      %select_n3A = arith.select %and3A, %sub3A_121, %div3A : i32
      %while3A = arith.constant 0 : i32
      %while3A_122 = arith.constant 0 : i32
      %while3A_123 = arith.subi %select_n3A, %while3A_122 : i32
      %while3A_124 = arith.addi %while3A_122, %while3A_123 : i32
      %while3A_125 = arith.constant 1 : i32
      %while3A_126 = arith.divsi %while3A_123, %while3A_125 : i32
      %while3A_127 = arith.muli %while3A_126, %while3A_125 : i32
      %while3A_128 = arith.addi %while3A_122, %while3A_127 : i32
      %while3A_129 = arith.constant 1 : i32
      scf.for %while3A_131 = %while3A_122 to %while3A_128 step %while3A_129  : i32 {
        %mul3A_132 = arith.constant 128 : i32
        %mul3A_133 = arith.muli %while3A_131, %mul3A_132 : i32
        %dma_start3A = tpu.memref_slice %arg8[%mul3A_133] : memref<2144xi32, #tpu.memory_space<vmem>> -> memref<128xi32, #tpu.memory_space<vmem>>
        %dma_start3A_134 = arith.constant 0 : i32
        %dma_start3A_135 = arith.constant 0 : i32
        %dma_start3A_136 = tpu.memref_slice %arg2[%dma_start3A_134, %dma_start3A_135] : memref<10240x256xf32, #tpu.memory_space<hbm>> -> memref<10240x256xf32, #tpu.memory_space<hbm>>
        tpu.enqueue_indirect_dma source(%dma_start3A_136 : memref<10240x256xf32, #tpu.memory_space<hbm>>) target(%arg10 : memref<128x256xf32, #tpu.memory_space<vmem>>) offsets(%dma_start3A : memref<128xi32, #tpu.memory_space<vmem>>) semaphore(%arg13 : memref<!tpu.dma_semaphore, #tpu.memory_space<semaphore_mem>>)
        %dma_wait3A = tpu.memref_slice %arg8[%mul3A_133] : memref<2144xi32, #tpu.memory_space<vmem>> -> memref<128xi32, #tpu.memory_space<vmem>>
        %dma_wait3A_137 = arith.constant 0 : i32
        %dma_wait3A_138 = arith.constant 0 : i32
        %dma_wait3A_139 = tpu.memref_slice %arg2[%dma_wait3A_137, %dma_wait3A_138] : memref<10240x256xf32, #tpu.memory_space<hbm>> -> memref<10240x256xf32, #tpu.memory_space<hbm>>
        tpu.wait_indirect_dma semaphore(%arg13 : memref<!tpu.dma_semaphore, #tpu.memory_space<semaphore_mem>>) src(%dma_wait3A_139 : memref<10240x256xf32, #tpu.memory_space<hbm>>) dst(%arg10 : memref<128x256xf32, #tpu.memory_space<vmem>>)
        %add3A_140 = arith.constant 0 : i32
        %add3A_141 = arith.addi %mul3A_133, %add3A_140 : i32
        %get3A = arith.index_cast %add3A_141 : i32 to index
        %get3A_142 = tpu.vector_load %arg9[%get3A] {strides = array<i32>} : memref<2144xi32, #tpu.memory_space<vmem>>, vector<16xi32>,
        %swap3A = arith.constant 0 : index
        %swap3A_143 = tpu.vector_load %arg11[%swap3A] {strides = array<i32>} : memref<128xi32, #tpu.memory_space<vmem>>, vector<16xi32>,
        tpu.vector_store %arg11[%swap3A], %get3A_142 {strides = array<i32>} : memref<128xi32, #tpu.memory_space<vmem>>, vector<16xi32>,
        %add3A_144 = arith.constant 16 : i32
        %add3A_145 = arith.addi %mul3A_133, %add3A_144 : i32
        %get3A_146 = arith.index_cast %add3A_145 : i32 to index
        %get3A_147 = tpu.vector_load %arg9[%get3A_146] {strides = array<i32>} : memref<2144xi32, #tpu.memory_space<vmem>>, vector<16xi32>,
        %swap3A_148 = arith.constant 16 : index
        %swap3A_149 = tpu.vector_load %arg11[%swap3A_148] {strides = array<i32>} : memref<128xi32, #tpu.memory_space<vmem>>, vector<16xi32>,
        tpu.vector_store %arg11[%swap3A_148], %get3A_147 {strides = array<i32>} : memref<128xi32, #tpu.memory_space<vmem>>, vector<16xi32>,
        %add3A_150 = arith.constant 32 : i32
        %add3A_151 = arith.addi %mul3A_133, %add3A_150 : i32
        %get3A_152 = arith.index_cast %add3A_151 : i32 to index
        %get3A_153 = tpu.vector_load %arg9[%get3A_152] {strides = array<i32>} : memref<2144xi32, #tpu.memory_space<vmem>>, vector<16xi32>,
        %swap3A_154 = arith.constant 32 : index
        %swap3A_155 = tpu.vector_load %arg11[%swap3A_154] {strides = array<i32>} : memref<128xi32, #tpu.memory_space<vmem>>, vector<16xi32>,
        tpu.vector_store %arg11[%swap3A_154], %get3A_153 {strides = array<i32>} : memref<128xi32, #tpu.memory_space<vmem>>, vector<16xi32>,
        %add3A_156 = arith.constant 48 : i32
        %add3A_157 = arith.addi %mul3A_133, %add3A_156 : i32
        %get3A_158 = arith.index_cast %add3A_157 : i32 to index
        %get3A_159 = tpu.vector_load %arg9[%get3A_158] {strides = array<i32>} : memref<2144xi32, #tpu.memory_space<vmem>>, vector<16xi32>,
        %swap3A_160 = arith.constant 48 : index
        %swap3A_161 = tpu.vector_load %arg11[%swap3A_160] {strides = array<i32>} : memref<128xi32, #tpu.memory_space<vmem>>, vector<16xi32>,
        tpu.vector_store %arg11[%swap3A_160], %get3A_159 {strides = array<i32>} : memref<128xi32, #tpu.memory_space<vmem>>, vector<16xi32>,
        %add3A_162 = arith.constant 64 : i32
        %add3A_163 = arith.addi %mul3A_133, %add3A_162 : i32
        %get3A_164 = arith.index_cast %add3A_163 : i32 to index
        %get3A_165 = tpu.vector_load %arg9[%get3A_164] {strides = array<i32>} : memref<2144xi32, #tpu.memory_space<vmem>>, vector<16xi32>,
        %swap3A_166 = arith.constant 64 : index
        %swap3A_167 = tpu.vector_load %arg11[%swap3A_166] {strides = array<i32>} : memref<128xi32, #tpu.memory_space<vmem>>, vector<16xi32>,
        tpu.vector_store %arg11[%swap3A_166], %get3A_165 {strides = array<i32>} : memref<128xi32, #tpu.memory_space<vmem>>, vector<16xi32>,
        %add3A_168 = arith.constant 80 : i32
        %add3A_169 = arith.addi %mul3A_133, %add3A_168 : i32
        %get3A_170 = arith.index_cast %add3A_169 : i32 to index
        %get3A_171 = tpu.vector_load %arg9[%get3A_170] {strides = array<i32>} : memref<2144xi32, #tpu.memory_space<vmem>>, vector<16xi32>,
        %swap3A_172 = arith.constant 80 : index
        %swap3A_173 = tpu.vector_load %arg11[%swap3A_172] {strides = array<i32>} : memref<128xi32, #tpu.memory_space<vmem>>, vector<16xi32>,
        tpu.vector_store %arg11[%swap3A_172], %get3A_171 {strides = array<i32>} : memref<128xi32, #tpu.memory_space<vmem>>, vector<16xi32>,
        %add3A_174 = arith.constant 96 : i32
        %add3A_175 = arith.addi %mul3A_133, %add3A_174 : i32
        %get3A_176 = arith.index_cast %add3A_175 : i32 to index
        %get3A_177 = tpu.vector_load %arg9[%get3A_176] {strides = array<i32>} : memref<2144xi32, #tpu.memory_space<vmem>>, vector<16xi32>,
        %swap3A_178 = arith.constant 96 : index
        %swap3A_179 = tpu.vector_load %arg11[%swap3A_178] {strides = array<i32>} : memref<128xi32, #tpu.memory_space<vmem>>, vector<16xi32>,
        tpu.vector_store %arg11[%swap3A_178], %get3A_177 {strides = array<i32>} : memref<128xi32, #tpu.memory_space<vmem>>, vector<16xi32>,
        %add3A_180 = arith.constant 112 : i32
        %add3A_181 = arith.addi %mul3A_133, %add3A_180 : i32
        %get3A_182 = arith.index_cast %add3A_181 : i32 to index
        %get3A_183 = tpu.vector_load %arg9[%get3A_182] {strides = array<i32>} : memref<2144xi32, #tpu.memory_space<vmem>>, vector<16xi32>,
        %swap3A_184 = arith.constant 112 : index
        %swap3A_185 = tpu.vector_load %arg11[%swap3A_184] {strides = array<i32>} : memref<128xi32, #tpu.memory_space<vmem>>, vector<16xi32>,
        tpu.vector_store %arg11[%swap3A_184], %get3A_183 {strides = array<i32>} : memref<128xi32, #tpu.memory_space<vmem>>, vector<16xi32>,
        "tpu.region"() ({
          %run_scoped3A = tpu.sem_alloc : memref<!tpu.dma_semaphore, #tpu.memory_space<semaphore_mem>>
          %dma_start3A_186 = arith.constant 0 : i32
          %dma_start3A_187 = arith.constant 0 : i32
          %dma_start3A_188 = tpu.memref_slice %arg12[%dma_start3A_186, %dma_start3A_187] : memref<5128x256xf32, #tpu.memory_space<vmem_shared>> -> memref<5128x256xf32, #tpu.memory_space<vmem_shared>>
          %dma_start3A_189 = arith.constant -1 : i32
          tpu.enqueue_indirect_dma source(%arg10 : memref<128x256xf32, #tpu.memory_space<vmem>>) target(%dma_start3A_188 : memref<5128x256xf32, #tpu.memory_space<vmem_shared>>) offsets(%arg11 : memref<128xi32, #tpu.memory_space<vmem>>) offset_filter(%dma_start3A_189) semaphore(%run_scoped3A : memref<!tpu.dma_semaphore, #tpu.memory_space<semaphore_mem>>) {add = true}
          %dma_wait3A_190 = arith.constant 0 : i32
          %dma_wait3A_191 = arith.constant 0 : i32
          %dma_wait3A_192 = tpu.memref_slice %arg12[%dma_wait3A_190, %dma_wait3A_191] : memref<5128x256xf32, #tpu.memory_space<vmem_shared>> -> memref<5128x256xf32, #tpu.memory_space<vmem_shared>>
          tpu.wait_indirect_dma semaphore(%run_scoped3A : memref<!tpu.dma_semaphore, #tpu.memory_space<semaphore_mem>>) src(%arg10 : memref<128x256xf32, #tpu.memory_space<vmem>>) dst(%dma_wait3A_192 : memref<5128x256xf32, #tpu.memory_space<vmem_shared>>)
          tpu.yield
        }) : () -> ()
      }
      %while3A_130 = arith.constant 1 : i32
      scf.for %while3A_131 = %while3A_128 to %while3A_124 step %while3A_130  : i32 {
        %mul3A_132 = arith.constant 128 : i32
        %mul3A_133 = arith.muli %while3A_131, %mul3A_132 : i32
        %dma_start3A = tpu.memref_slice %arg8[%mul3A_133] : memref<2144xi32, #tpu.memory_space<vmem>> -> memref<128xi32, #tpu.memory_space<vmem>>
        %dma_start3A_134 = arith.constant 0 : i32
        %dma_start3A_135 = arith.constant 0 : i32
        %dma_start3A_136 = tpu.memref_slice %arg2[%dma_start3A_134, %dma_start3A_135] : memref<10240x256xf32, #tpu.memory_space<hbm>> -> memref<10240x256xf32, #tpu.memory_space<hbm>>
        tpu.enqueue_indirect_dma source(%dma_start3A_136 : memref<10240x256xf32, #tpu.memory_space<hbm>>) target(%arg10 : memref<128x256xf32, #tpu.memory_space<vmem>>) offsets(%dma_start3A : memref<128xi32, #tpu.memory_space<vmem>>) semaphore(%arg13 : memref<!tpu.dma_semaphore, #tpu.memory_space<semaphore_mem>>)
        %dma_wait3A = tpu.memref_slice %arg8[%mul3A_133] : memref<2144xi32, #tpu.memory_space<vmem>> -> memref<128xi32, #tpu.memory_space<vmem>>
        %dma_wait3A_137 = arith.constant 0 : i32
        %dma_wait3A_138 = arith.constant 0 : i32
        %dma_wait3A_139 = tpu.memref_slice %arg2[%dma_wait3A_137, %dma_wait3A_138] : memref<10240x256xf32, #tpu.memory_space<hbm>> -> memref<10240x256xf32, #tpu.memory_space<hbm>>
        tpu.wait_indirect_dma semaphore(%arg13 : memref<!tpu.dma_semaphore, #tpu.memory_space<semaphore_mem>>) src(%dma_wait3A_139 : memref<10240x256xf32, #tpu.memory_space<hbm>>) dst(%arg10 : memref<128x256xf32, #tpu.memory_space<vmem>>)
        %add3A_140 = arith.constant 0 : i32
        %add3A_141 = arith.addi %mul3A_133, %add3A_140 : i32
        %get3A = arith.index_cast %add3A_141 : i32 to index
        %get3A_142 = tpu.vector_load %arg9[%get3A] {strides = array<i32>} : memref<2144xi32, #tpu.memory_space<vmem>>, vector<16xi32>,
        %swap3A = arith.constant 0 : index
        %swap3A_143 = tpu.vector_load %arg11[%swap3A] {strides = array<i32>} : memref<128xi32, #tpu.memory_space<vmem>>, vector<16xi32>,
        tpu.vector_store %arg11[%swap3A], %get3A_142 {strides = array<i32>} : memref<128xi32, #tpu.memory_space<vmem>>, vector<16xi32>,
        %add3A_144 = arith.constant 16 : i32
        %add3A_145 = arith.addi %mul3A_133, %add3A_144 : i32
        %get3A_146 = arith.index_cast %add3A_145 : i32 to index
        %get3A_147 = tpu.vector_load %arg9[%get3A_146] {strides = array<i32>} : memref<2144xi32, #tpu.memory_space<vmem>>, vector<16xi32>,
        %swap3A_148 = arith.constant 16 : index
        %swap3A_149 = tpu.vector_load %arg11[%swap3A_148] {strides = array<i32>} : memref<128xi32, #tpu.memory_space<vmem>>, vector<16xi32>,
        tpu.vector_store %arg11[%swap3A_148], %get3A_147 {strides = array<i32>} : memref<128xi32, #tpu.memory_space<vmem>>, vector<16xi32>,
        %add3A_150 = arith.constant 32 : i32
        %add3A_151 = arith.addi %mul3A_133, %add3A_150 : i32
        %get3A_152 = arith.index_cast %add3A_151 : i32 to index
        %get3A_153 = tpu.vector_load %arg9[%get3A_152] {strides = array<i32>} : memref<2144xi32, #tpu.memory_space<vmem>>, vector<16xi32>,
        %swap3A_154 = arith.constant 32 : index
        %swap3A_155 = tpu.vector_load %arg11[%swap3A_154] {strides = array<i32>} : memref<128xi32, #tpu.memory_space<vmem>>, vector<16xi32>,
        tpu.vector_store %arg11[%swap3A_154], %get3A_153 {strides = array<i32>} : memref<128xi32, #tpu.memory_space<vmem>>, vector<16xi32>,
        %add3A_156 = arith.constant 48 : i32
        %add3A_157 = arith.addi %mul3A_133, %add3A_156 : i32
        %get3A_158 = arith.index_cast %add3A_157 : i32 to index
        %get3A_159 = tpu.vector_load %arg9[%get3A_158] {strides = array<i32>} : memref<2144xi32, #tpu.memory_space<vmem>>, vector<16xi32>,
        %swap3A_160 = arith.constant 48 : index
        %swap3A_161 = tpu.vector_load %arg11[%swap3A_160] {strides = array<i32>} : memref<128xi32, #tpu.memory_space<vmem>>, vector<16xi32>,
        tpu.vector_store %arg11[%swap3A_160], %get3A_159 {strides = array<i32>} : memref<128xi32, #tpu.memory_space<vmem>>, vector<16xi32>,
        %add3A_162 = arith.constant 64 : i32
        %add3A_163 = arith.addi %mul3A_133, %add3A_162 : i32
        %get3A_164 = arith.index_cast %add3A_163 : i32 to index
        %get3A_165 = tpu.vector_load %arg9[%get3A_164] {strides = array<i32>} : memref<2144xi32, #tpu.memory_space<vmem>>, vector<16xi32>,
        %swap3A_166 = arith.constant 64 : index
        %swap3A_167 = tpu.vector_load %arg11[%swap3A_166] {strides = array<i32>} : memref<128xi32, #tpu.memory_space<vmem>>, vector<16xi32>,
        tpu.vector_store %arg11[%swap3A_166], %get3A_165 {strides = array<i32>} : memref<128xi32, #tpu.memory_space<vmem>>, vector<16xi32>,
        %add3A_168 = arith.constant 80 : i32
        %add3A_169 = arith.addi %mul3A_133, %add3A_168 : i32
        %get3A_170 = arith.index_cast %add3A_169 : i32 to index
        %get3A_171 = tpu.vector_load %arg9[%get3A_170] {strides = array<i32>} : memref<2144xi32, #tpu.memory_space<vmem>>, vector<16xi32>,
        %swap3A_172 = arith.constant 80 : index
        %swap3A_173 = tpu.vector_load %arg11[%swap3A_172] {strides = array<i32>} : memref<128xi32, #tpu.memory_space<vmem>>, vector<16xi32>,
        tpu.vector_store %arg11[%swap3A_172], %get3A_171 {strides = array<i32>} : memref<128xi32, #tpu.memory_space<vmem>>, vector<16xi32>,
        %add3A_174 = arith.constant 96 : i32
        %add3A_175 = arith.addi %mul3A_133, %add3A_174 : i32
        %get3A_176 = arith.index_cast %add3A_175 : i32 to index
        %get3A_177 = tpu.vector_load %arg9[%get3A_176] {strides = array<i32>} : memref<2144xi32, #tpu.memory_space<vmem>>, vector<16xi32>,
        %swap3A_178 = arith.constant 96 : index
        %swap3A_179 = tpu.vector_load %arg11[%swap3A_178] {strides = array<i32>} : memref<128xi32, #tpu.memory_space<vmem>>, vector<16xi32>,
        tpu.vector_store %arg11[%swap3A_178], %get3A_177 {strides = array<i32>} : memref<128xi32, #tpu.memory_space<vmem>>, vector<16xi32>,
        %add3A_180 = arith.constant 112 : i32
        %add3A_181 = arith.addi %mul3A_133, %add3A_180 : i32
        %get3A_182 = arith.index_cast %add3A_181 : i32 to index
        %get3A_183 = tpu.vector_load %arg9[%get3A_182] {strides = array<i32>} : memref<2144xi32, #tpu.memory_space<vmem>>, vector<16xi32>,
        %swap3A_184 = arith.constant 112 : index
        %swap3A_185 = tpu.vector_load %arg11[%swap3A_184] {strides = array<i32>} : memref<128xi32, #tpu.memory_space<vmem>>, vector<16xi32>,
        tpu.vector_store %arg11[%swap3A_184], %get3A_183 {strides = array<i32>} : memref<128xi32, #tpu.memory_space<vmem>>, vector<16xi32>,
        "tpu.region"() ({
          %run_scoped3A = tpu.sem_alloc : memref<!tpu.dma_semaphore, #tpu.memory_space<semaphore_mem>>
          %dma_start3A_186 = arith.constant 0 : i32
          %dma_start3A_187 = arith.constant 0 : i32
          %dma_start3A_188 = tpu.memref_slice %arg12[%dma_start3A_186, %dma_start3A_187] : memref<5128x256xf32, #tpu.memory_space<vmem_shared>> -> memref<5128x256xf32, #tpu.memory_space<vmem_shared>>
          %dma_start3A_189 = arith.constant -1 : i32
          tpu.enqueue_indirect_dma source(%arg10 : memref<128x256xf32, #tpu.memory_space<vmem>>) target(%dma_start3A_188 : memref<5128x256xf32, #tpu.memory_space<vmem_shared>>) offsets(%arg11 : memref<128xi32, #tpu.memory_space<vmem>>) offset_filter(%dma_start3A_189) semaphore(%run_scoped3A : memref<!tpu.dma_semaphore, #tpu.memory_space<semaphore_mem>>) {add = true}
          %dma_wait3A_190 = arith.constant 0 : i32
          %dma_wait3A_191 = arith.constant 0 : i32
          %dma_wait3A_192 = tpu.memref_slice %arg12[%dma_wait3A_190, %dma_wait3A_191] : memref<5128x256xf32, #tpu.memory_space<vmem_shared>> -> memref<5128x256xf32, #tpu.memory_space<vmem_shared>>
          tpu.wait_indirect_dma semaphore(%run_scoped3A : memref<!tpu.dma_semaphore, #tpu.memory_space<semaphore_mem>>) src(%arg10 : memref<128x256xf32, #tpu.memory_space<vmem>>) dst(%dma_wait3A_192 : memref<5128x256xf32, #tpu.memory_space<vmem_shared>>)
          tpu.yield
        }) : () -> ()
      }
    }
    %scan3A_13 = arith.constant 5 : i32
    %barrier3A_14 = arith.constant 0 : index
    tpu.barrier barrier_id(%barrier3A_14)
    %mul3A_15 = arith.constant 320 : i32
    %mul3A_16 = arith.muli %arg1, %mul3A_15 : i32
    %mul3A_17 = arith.constant 320 : i32
    %mul3A_18 = arith.muli %arg1, %mul3A_17 : i32
    %add3A_19 = arith.addi %mul3A_3, %mul3A_18 : i32
    "tpu.region"() ({
      %run_scoped3A = tpu.sem_alloc : memref<!tpu.dma_semaphore, #tpu.memory_space<semaphore_mem>>
      %dma_start3A = arith.constant 0 : i32
      %dma_start3A_21 = tpu.memref_slice %arg5[%add3A_19, %dma_start3A] : memref<10240x256xf32, #tpu.memory_space<hbm>> -> memref<320x256xf32, #tpu.memory_space<hbm>>
      %dma_start3A_22 = arith.constant 0 : i32
      %dma_start3A_23 = tpu.memref_slice %arg12[%mul3A_16, %dma_start3A_22] : memref<5128x256xf32, #tpu.memory_space<vmem_shared>> -> memref<320x256xf32, #tpu.memory_space<vmem_shared>>
      tpu.enqueue_dma source(%dma_start3A_23 : memref<320x256xf32, #tpu.memory_space<vmem_shared>>) target(%dma_start3A_21 : memref<320x256xf32, #tpu.memory_space<hbm>>) target_semaphore(%run_scoped3A : memref<!tpu.dma_semaphore, #tpu.memory_space<semaphore_mem>>)
      %dma_wait3A = arith.constant 0 : i32
      %dma_wait3A_24 = tpu.memref_slice %arg5[%add3A_19, %dma_wait3A] : memref<10240x256xf32, #tpu.memory_space<hbm>> -> memref<320x256xf32, #tpu.memory_space<hbm>>
      %dma_wait3A_25 = arith.constant 0 : i32
      %dma_wait3A_26 = tpu.memref_slice %arg12[%mul3A_16, %dma_wait3A_25] : memref<5128x256xf32, #tpu.memory_space<vmem_shared>> -> memref<320x256xf32, #tpu.memory_space<vmem_shared>>
      tpu.wait_dma2 semaphore(%run_scoped3A : memref<!tpu.dma_semaphore, #tpu.memory_space<semaphore_mem>>) src(%dma_wait3A_26 : memref<320x256xf32, #tpu.memory_space<vmem_shared>>) dst(%dma_wait3A_24 : memref<320x256xf32, #tpu.memory_space<hbm>>)
      tpu.yield
    }) : () -> ()
    %barrier3A_20 = arith.constant 0 : index
    tpu.barrier barrier_id(%barrier3A_20)
    return
  }
}

#map = affine_map<(d0, d1) -> (0, 0)>
#map1 = affine_map<(d0, d1) -> (0)>
module attributes {stable_mosaic.version = 14 : i64} {
  func.func @scat(%arg0: i32, %arg1: i32, %arg2: memref<10240x256xf32, #tpu.memory_space<hbm>>, %arg3: memref<160000xi32, #tpu.memory_space<hbm>>, %arg4: memref<160000xi32, #tpu.memory_space<hbm>>, %arg5: memref<10240x256xf32, #tpu.memory_space<hbm>>, %arg6: memref<2000xi32, #tpu.memory_space<vmem>>, %arg7: memref<2000xi32, #tpu.memory_space<vmem>>, %arg8: memref<2144xi32, #tpu.memory_space<vmem>>, %arg9: memref<2144xi32, #tpu.memory_space<vmem>>, %arg10: memref<128x256xf32, #tpu.memory_space<vmem>>, %arg11: memref<128xi32, #tpu.memory_space<vmem>>, %arg12: memref<5128x256xf32, #tpu.memory_space<vmem_shared>>, %arg13: memref<!tpu.dma_semaphore, #tpu.memory_space<semaphore_mem>>) attributes {dimension_semantics = [#tpu.dimension_semantics<core_parallel>, #tpu.dimension_semantics<subcore_parallel>], iteration_bounds = array<i64: 2, 16>, scalar_prefetch = 0 : i64, scratch_operands = 8 : i64, tpu.core_type = #tpu.core_type<sc_vector_subcore>, window_params = [{transform_indices = #map}, {transform_indices = #map1}, {transform_indices = #map1}, {transform_indices = #map}]} {
    %iota3A = tpu.iota {dimensions = array<i32: 0>} : vector<16xi32>
    %mul3A = arith.constant 1 : i32
    %mul3A_0 = arith.muli %arg0, %mul3A : i32
    %add3A = arith.constant 0 : i32
    %add3A_1 = arith.addi %mul3A_0, %add3A : i32
    %mul3A_2 = arith.constant 5120 : i32
    %mul3A_3 = arith.muli %add3A_1, %mul3A_2 : i32
    %mul3A_4 = arith.constant 320 : i32
    %mul3A_5 = arith.muli %arg1, %mul3A_4 : i32
    %add3A_6 = arith.addi %mul3A_3, %mul3A_5 : i32
    %mul3A_7 = arith.constant 320 : i32
    %mul3A_8 = arith.muli %arg1, %mul3A_7 : i32
    "tpu.region"() ({
      %run_scoped3A = tpu.sem_alloc : memref<!tpu.dma_semaphore, #tpu.memory_space<semaphore_mem>>
      %dma_start3A = arith.constant 0 : i32
      %dma_start3A_21 = tpu.memref_slice %arg12[%mul3A_8, %dma_start3A] : memref<5128x256xf32, #tpu.memory_space<vmem_shared>> -> memref<320x256xf32, #tpu.memory_space<vmem_shared>>
      %dma_start3A_22 = arith.constant 0 : i32
      %dma_start3A_23 = tpu.memref_slice %arg2[%add3A_6, %dma_start3A_22] : memref<10240x256xf32, #tpu.memory_space<hbm>> -> memref<320x256xf32, #tpu.memory_space<hbm>>
      tpu.enqueue_dma source(%dma_start3A_23 : memref<320x256xf32, #tpu.memory_space<hbm>>) target(%dma_start3A_21 : memref<320x256xf32, #tpu.memory_space<vmem_shared>>) target_semaphore(%run_scoped3A : memref<!tpu.dma_semaphore, #tpu.memory_space<semaphore_mem>>)
      %dma_wait3A = arith.constant 0 : i32
      %dma_wait3A_24 = tpu.memref_slice %arg12[%mul3A_8, %dma_wait3A] : memref<5128x256xf32, #tpu.memory_space<vmem_shared>> -> memref<320x256xf32, #tpu.memory_space<vmem_shared>>
      %dma_wait3A_25 = arith.constant 0 : i32
      %dma_wait3A_26 = tpu.memref_slice %arg2[%add3A_6, %dma_wait3A_25] : memref<10240x256xf32, #tpu.memory_space<hbm>> -> memref<320x256xf32, #tpu.memory_space<hbm>>
      tpu.wait_dma2 semaphore(%run_scoped3A : memref<!tpu.dma_semaphore, #tpu.memory_space<semaphore_mem>>) src(%dma_wait3A_26 : memref<320x256xf32, #tpu.memory_space<hbm>>) dst(%dma_wait3A_24 : memref<320x256xf32, #tpu.memory_space<vmem_shared>>)
      tpu.yield
    }) : () -> ()
    %barrier3A = arith.constant 0 : index
    tpu.barrier barrier_id(%barrier3A)
    %scan3A = arith.constant 0 : i32
    %scan3A_9 = arith.constant 0 : i32
    %scan3A_10 = arith.constant 5 : i32
    %scan3A_11 = arith.addi %scan3A_9, %scan3A_10 : i32
    %scan3A_12 = arith.constant 1 : i32
    scf.for %scan3A_21 = %scan3A_9 to %scan3A_11 step %scan3A_12  : i32 {
      %mul3A_22 = arith.constant 10000 : i32
      %mul3A_23 = arith.muli %arg1, %mul3A_22 : i32
      %mul3A_24 = arith.constant 2000 : i32
      %mul3A_25 = arith.muli %scan3A_21, %mul3A_24 : i32
      %add3A_26 = arith.addi %mul3A_23, %mul3A_25 : i32
      "tpu.region"() ({
        %run_scoped3A = tpu.sem_alloc : memref<!tpu.dma_semaphore, #tpu.memory_space<semaphore_mem>>
        %dma_start3A = tpu.memref_slice %arg3[%add3A_26] : memref<160000xi32, #tpu.memory_space<hbm>> -> memref<2000xi32, #tpu.memory_space<hbm>>
        %dma_start3A_131 = tpu.memref_slice %arg3[%add3A_26] : memref<160000xi32, #tpu.memory_space<hbm>> -> memref<2000xi32, #tpu.memory_space<hbm>>
        tpu.enqueue_dma source(%dma_start3A_131 : memref<2000xi32, #tpu.memory_space<hbm>>) target(%arg6 : memref<2000xi32, #tpu.memory_space<vmem>>) target_semaphore(%run_scoped3A : memref<!tpu.dma_semaphore, #tpu.memory_space<semaphore_mem>>)
        %dma_wait3A = tpu.memref_slice %arg3[%add3A_26] : memref<160000xi32, #tpu.memory_space<hbm>> -> memref<2000xi32, #tpu.memory_space<hbm>>
        %dma_wait3A_132 = tpu.memref_slice %arg3[%add3A_26] : memref<160000xi32, #tpu.memory_space<hbm>> -> memref<2000xi32, #tpu.memory_space<hbm>>
        tpu.wait_dma2 semaphore(%run_scoped3A : memref<!tpu.dma_semaphore, #tpu.memory_space<semaphore_mem>>) src(%dma_wait3A_132 : memref<2000xi32, #tpu.memory_space<hbm>>) dst(%arg6 : memref<2000xi32, #tpu.memory_space<vmem>>)
        tpu.yield
      }) : () -> ()
      %mul3A_27 = arith.constant 10000 : i32
      %mul3A_28 = arith.muli %arg1, %mul3A_27 : i32
      %mul3A_29 = arith.constant 2000 : i32
      %mul3A_30 = arith.muli %scan3A_21, %mul3A_29 : i32
      %add3A_31 = arith.addi %mul3A_28, %mul3A_30 : i32
      "tpu.region"() ({
        %run_scoped3A = tpu.sem_alloc : memref<!tpu.dma_semaphore, #tpu.memory_space<semaphore_mem>>
        %dma_start3A = tpu.memref_slice %arg4[%add3A_31] : memref<160000xi32, #tpu.memory_space<hbm>> -> memref<2000xi32, #tpu.memory_space<hbm>>
        %dma_start3A_131 = tpu.memref_slice %arg4[%add3A_31] : memref<160000xi32, #tpu.memory_space<hbm>> -> memref<2000xi32, #tpu.memory_space<hbm>>
        tpu.enqueue_dma source(%dma_start3A_131 : memref<2000xi32, #tpu.memory_space<hbm>>) target(%arg7 : memref<2000xi32, #tpu.memory_space<vmem>>) target_semaphore(%run_scoped3A : memref<!tpu.dma_semaphore, #tpu.memory_space<semaphore_mem>>)
        %dma_wait3A = tpu.memref_slice %arg4[%add3A_31] : memref<160000xi32, #tpu.memory_space<hbm>> -> memref<2000xi32, #tpu.memory_space<hbm>>
        %dma_wait3A_132 = tpu.memref_slice %arg4[%add3A_31] : memref<160000xi32, #tpu.memory_space<hbm>> -> memref<2000xi32, #tpu.memory_space<hbm>>
        tpu.wait_dma2 semaphore(%run_scoped3A : memref<!tpu.dma_semaphore, #tpu.memory_space<semaphore_mem>>) src(%dma_wait3A_132 : memref<2000xi32, #tpu.memory_space<hbm>>) dst(%arg7 : memref<2000xi32, #tpu.memory_space<vmem>>)
        tpu.yield
      }) : () -> ()
      %scan3A_32 = arith.constant 0 : i32
      %scan3A_33 = arith.constant 0 : i32
      %scan3A_34 = arith.constant 125 : i32
      %scan3A_35 = arith.addi %scan3A_33, %scan3A_34 : i32
      %scan3A_36 = arith.constant 1 : i32
      %scan3A_37 = scf.for %scan3A_131 = %scan3A_33 to %scan3A_35 step %scan3A_36 iter_args(%scan3A_132 = %scan3A_32) -> (i32)  : i32 {
        %mul3A_133 = arith.constant 16 : i32
        %mul3A_134 = arith.muli %scan3A_131, %mul3A_133 : i32
        %get3A = arith.index_cast %mul3A_134 : i32 to index
        %get3A_135 = tpu.vector_load %arg7[%get3A] {strides = array<i32>} : memref<2000xi32, #tpu.memory_space<vmem>>, vector<16xi32>,
        %mul3A_136 = arith.constant 16 : i32
        %mul3A_137 = arith.muli %scan3A_131, %mul3A_136 : i32
        %get3A_138 = arith.index_cast %mul3A_137 : i32 to index
        %get3A_139 = tpu.vector_load %arg6[%get3A_138] {strides = array<i32>} : memref<2000xi32, #tpu.memory_space<vmem>>, vector<16xi32>,
        %ge3A = vector.broadcast %mul3A_3 : i32 to vector<16xi32>
        %ge3A_140 = arith.cmpi sge, %get3A_135, %ge3A : vector<16xi32>
        %add3A_141 = arith.constant 5120 : i32
        %add3A_142 = arith.addi %mul3A_3, %add3A_141 : i32
        %lt3A = vector.broadcast %add3A_142 : i32 to vector<16xi32>
        %lt3A_143 = arith.cmpi slt, %get3A_135, %lt3A : vector<16xi32>
        %and3A_144 = arith.andi %ge3A_140, %lt3A_143 : vector<16xi1>
        %swap3A = arith.index_cast %scan3A_132 : i32 to index
        %swap3A_145 = tpu.vector_load %arg8[%swap3A] masked %and3A_144 {strides = array<i32>} : memref<2144xi32, #tpu.memory_space<vmem>>, vector<16xi32>, vector<16xi1>
        tpu.vector_store %arg8[%swap3A], %get3A_139 masked %and3A_144 {strides = array<i32>} : memref<2144xi32, #tpu.memory_space<vmem>>, vector<16xi32>, vector<16xi1>
        %sub3A_146 = vector.broadcast %mul3A_3 : i32 to vector<16xi32>
        %sub3A_147 = arith.subi %get3A_135, %sub3A_146 : vector<16xi32>
        %swap3A_148 = arith.index_cast %scan3A_132 : i32 to index
        %swap3A_149 = tpu.vector_load %arg9[%swap3A_148] masked %and3A_144 {strides = array<i32>} : memref<2144xi32, #tpu.memory_space<vmem>>, vector<16xi32>, vector<16xi1>
        tpu.vector_store %arg9[%swap3A_148], %sub3A_147 masked %and3A_144 {strides = array<i32>} : memref<2144xi32, #tpu.memory_space<vmem>>, vector<16xi32>, vector<16xi1>
        %jit3A_150 = arith.constant 1 : i32
        %jit3A_151 = arith.constant 0 : i32
        %broadcast_in_dim3A_152 = vector.broadcast %jit3A_150 : i32 to vector<16xi32>
        %broadcast_in_dim3A_153 = vector.broadcast %jit3A_151 : i32 to vector<16xi32>
        %select_n3A_154 = arith.select %and3A_144, %broadcast_in_dim3A_152, %broadcast_in_dim3A_153 : vector<16xi1>, vector<16xi32>
        %reduce_sum3A = arith.constant true
        %reduce_sum3A_155 = vector.broadcast %reduce_sum3A : i1 to vector<16xi1>
        %reduce_sum3A_156 = tpu.scan <sum>, %select_n3A_154 masked %reduce_sum3A_155 : vector<16xi32>, vector<16xi1> -> vector<16xi32>
        %reduce_sum3A_157 = vector.extract %reduce_sum3A_156[15] : i32 from vector<16xi32>
        %add3A_158 = arith.addi %scan3A_132, %reduce_sum3A_157 : i32
        scf.yield %add3A_158 : i32
      }
      %scan3A_38 = arith.constant 125 : i32
      %add3A_39 = arith.constant 0 : i32
      %add3A_40 = arith.addi %scan3A_37, %add3A_39 : i32
      %add3A_41 = vector.broadcast %add3A_40 : i32 to vector<16xi32>
      %add3A_42 = arith.addi %add3A_41, %iota3A : vector<16xi32>
      %broadcast_in_dim3A = arith.constant -1 : i32
      %broadcast_in_dim3A_43 = vector.broadcast %broadcast_in_dim3A : i32 to vector<16xi32>
      tpu.vector_store_idx %arg9[%add3A_42], %broadcast_in_dim3A_43 : memref<2144xi32, #tpu.memory_space<vmem>>[vector<16xi32>], vector<16xi32>,
      %broadcast_in_dim3A_44 = arith.constant 0 : i32
      %broadcast_in_dim3A_45 = vector.broadcast %broadcast_in_dim3A_44 : i32 to vector<16xi32>
      tpu.vector_store_idx %arg8[%add3A_42], %broadcast_in_dim3A_45 : memref<2144xi32, #tpu.memory_space<vmem>>[vector<16xi32>], vector<16xi32>,
      %add3A_46 = arith.constant 16 : i32
      %add3A_47 = arith.addi %scan3A_37, %add3A_46 : i32
      %add3A_48 = vector.broadcast %add3A_47 : i32 to vector<16xi32>
      %add3A_49 = arith.addi %add3A_48, %iota3A : vector<16xi32>
      %broadcast_in_dim3A_50 = arith.constant -1 : i32
      %broadcast_in_dim3A_51 = vector.broadcast %broadcast_in_dim3A_50 : i32 to vector<16xi32>
      tpu.vector_store_idx %arg9[%add3A_49], %broadcast_in_dim3A_51 : memref<2144xi32, #tpu.memory_space<vmem>>[vector<16xi32>], vector<16xi32>,
      %broadcast_in_dim3A_52 = arith.constant 0 : i32
      %broadcast_in_dim3A_53 = vector.broadcast %broadcast_in_dim3A_52 : i32 to vector<16xi32>
      tpu.vector_store_idx %arg8[%add3A_49], %broadcast_in_dim3A_53 : memref<2144xi32, #tpu.memory_space<vmem>>[vector<16xi32>], vector<16xi32>,
      %add3A_54 = arith.constant 32 : i32
      %add3A_55 = arith.addi %scan3A_37, %add3A_54 : i32
      %add3A_56 = vector.broadcast %add3A_55 : i32 to vector<16xi32>
      %add3A_57 = arith.addi %add3A_56, %iota3A : vector<16xi32>
      %broadcast_in_dim3A_58 = arith.constant -1 : i32
      %broadcast_in_dim3A_59 = vector.broadcast %broadcast_in_dim3A_58 : i32 to vector<16xi32>
      tpu.vector_store_idx %arg9[%add3A_57], %broadcast_in_dim3A_59 : memref<2144xi32, #tpu.memory_space<vmem>>[vector<16xi32>], vector<16xi32>,
      %broadcast_in_dim3A_60 = arith.constant 0 : i32
      %broadcast_in_dim3A_61 = vector.broadcast %broadcast_in_dim3A_60 : i32 to vector<16xi32>
      tpu.vector_store_idx %arg8[%add3A_57], %broadcast_in_dim3A_61 : memref<2144xi32, #tpu.memory_space<vmem>>[vector<16xi32>], vector<16xi32>,
      %add3A_62 = arith.constant 48 : i32
      %add3A_63 = arith.addi %scan3A_37, %add3A_62 : i32
      %add3A_64 = vector.broadcast %add3A_63 : i32 to vector<16xi32>
      %add3A_65 = arith.addi %add3A_64, %iota3A : vector<16xi32>
      %broadcast_in_dim3A_66 = arith.constant -1 : i32
      %broadcast_in_dim3A_67 = vector.broadcast %broadcast_in_dim3A_66 : i32 to vector<16xi32>
      tpu.vector_store_idx %arg9[%add3A_65], %broadcast_in_dim3A_67 : memref<2144xi32, #tpu.memory_space<vmem>>[vector<16xi32>], vector<16xi32>,
      %broadcast_in_dim3A_68 = arith.constant 0 : i32
      %broadcast_in_dim3A_69 = vector.broadcast %broadcast_in_dim3A_68 : i32 to vector<16xi32>
      tpu.vector_store_idx %arg8[%add3A_65], %broadcast_in_dim3A_69 : memref<2144xi32, #tpu.memory_space<vmem>>[vector<16xi32>], vector<16xi32>,
      %add3A_70 = arith.constant 64 : i32
      %add3A_71 = arith.addi %scan3A_37, %add3A_70 : i32
      %add3A_72 = vector.broadcast %add3A_71 : i32 to vector<16xi32>
      %add3A_73 = arith.addi %add3A_72, %iota3A : vector<16xi32>
      %broadcast_in_dim3A_74 = arith.constant -1 : i32
      %broadcast_in_dim3A_75 = vector.broadcast %broadcast_in_dim3A_74 : i32 to vector<16xi32>
      tpu.vector_store_idx %arg9[%add3A_73], %broadcast_in_dim3A_75 : memref<2144xi32, #tpu.memory_space<vmem>>[vector<16xi32>], vector<16xi32>,
      %broadcast_in_dim3A_76 = arith.constant 0 : i32
      %broadcast_in_dim3A_77 = vector.broadcast %broadcast_in_dim3A_76 : i32 to vector<16xi32>
      tpu.vector_store_idx %arg8[%add3A_73], %broadcast_in_dim3A_77 : memref<2144xi32, #tpu.memory_space<vmem>>[vector<16xi32>], vector<16xi32>,
      %add3A_78 = arith.constant 80 : i32
      %add3A_79 = arith.addi %scan3A_37, %add3A_78 : i32
      %add3A_80 = vector.broadcast %add3A_79 : i32 to vector<16xi32>
      %add3A_81 = arith.addi %add3A_80, %iota3A : vector<16xi32>
      %broadcast_in_dim3A_82 = arith.constant -1 : i32
      %broadcast_in_dim3A_83 = vector.broadcast %broadcast_in_dim3A_82 : i32 to vector<16xi32>
      tpu.vector_store_idx %arg9[%add3A_81], %broadcast_in_dim3A_83 : memref<2144xi32, #tpu.memory_space<vmem>>[vector<16xi32>], vector<16xi32>,
      %broadcast_in_dim3A_84 = arith.constant 0 : i32
      %broadcast_in_dim3A_85 = vector.broadcast %broadcast_in_dim3A_84 : i32 to vector<16xi32>
      tpu.vector_store_idx %arg8[%add3A_81], %broadcast_in_dim3A_85 : memref<2144xi32, #tpu.memory_space<vmem>>[vector<16xi32>], vector<16xi32>,
      %add3A_86 = arith.constant 96 : i32
      %add3A_87 = arith.addi %scan3A_37, %add3A_86 : i32
      %add3A_88 = vector.broadcast %add3A_87 : i32 to vector<16xi32>
      %add3A_89 = arith.addi %add3A_88, %iota3A : vector<16xi32>
      %broadcast_in_dim3A_90 = arith.constant -1 : i32
      %broadcast_in_dim3A_91 = vector.broadcast %broadcast_in_dim3A_90 : i32 to vector<16xi32>
      tpu.vector_store_idx %arg9[%add3A_89], %broadcast_in_dim3A_91 : memref<2144xi32, #tpu.memory_space<vmem>>[vector<16xi32>], vector<16xi32>,
      %broadcast_in_dim3A_92 = arith.constant 0 : i32
      %broadcast_in_dim3A_93 = vector.broadcast %broadcast_in_dim3A_92 : i32 to vector<16xi32>
      tpu.vector_store_idx %arg8[%add3A_89], %broadcast_in_dim3A_93 : memref<2144xi32, #tpu.memory_space<vmem>>[vector<16xi32>], vector<16xi32>,
      %add3A_94 = arith.constant 112 : i32
      %add3A_95 = arith.addi %scan3A_37, %add3A_94 : i32
      %add3A_96 = vector.broadcast %add3A_95 : i32 to vector<16xi32>
      %add3A_97 = arith.addi %add3A_96, %iota3A : vector<16xi32>
      %broadcast_in_dim3A_98 = arith.constant -1 : i32
      %broadcast_in_dim3A_99 = vector.broadcast %broadcast_in_dim3A_98 : i32 to vector<16xi32>
      tpu.vector_store_idx %arg9[%add3A_97], %broadcast_in_dim3A_99 : memref<2144xi32, #tpu.memory_space<vmem>>[vector<16xi32>], vector<16xi32>,
      %broadcast_in_dim3A_100 = arith.constant 0 : i32
      %broadcast_in_dim3A_101 = vector.broadcast %broadcast_in_dim3A_100 : i32 to vector<16xi32>
      tpu.vector_store_idx %arg8[%add3A_97], %broadcast_in_dim3A_101 : memref<2144xi32, #tpu.memory_space<vmem>>[vector<16xi32>], vector<16xi32>,
      %add3A_102 = arith.constant 128 : i32
      %add3A_103 = arith.addi %scan3A_37, %add3A_102 : i32
      %sub3A = arith.constant 1 : i32
      %sub3A_104 = arith.subi %add3A_103, %sub3A : i32
      %jit3A = arith.constant 128 : i32
      %div3A = arith.divsi %sub3A_104, %jit3A : i32
      %sign3A = arith.constant 0 : i32
      %sign3A_105 = arith.cmpi sgt, %sub3A_104, %sign3A : i32
      %sign3A_106 = arith.extui %sign3A_105 : i1 to i32
      %sign3A_107 = arith.constant 0 : i32
      %sign3A_108 = arith.cmpi slt, %sub3A_104, %sign3A_107 : i32
      %sign3A_109 = arith.extui %sign3A_108 : i1 to i32
      %sign3A_110 = arith.subi %sign3A_106, %sign3A_109 : i32
      %sign3A_111 = arith.constant 0 : i32
      %sign3A_112 = arith.cmpi sgt, %jit3A, %sign3A_111 : i32
      %sign3A_113 = arith.extui %sign3A_112 : i1 to i32
      %sign3A_114 = arith.constant 0 : i32
      %sign3A_115 = arith.cmpi slt, %jit3A, %sign3A_114 : i32
      %sign3A_116 = arith.extui %sign3A_115 : i1 to i32
      %sign3A_117 = arith.subi %sign3A_113, %sign3A_116 : i32
      %ne3A = arith.cmpi ne, %sign3A_110, %sign3A_117 : i32
      %rem3A = arith.remsi %sub3A_104, %jit3A : i32
      %ne3A_118 = arith.constant 0 : i32
      %ne3A_119 = arith.cmpi ne, %rem3A, %ne3A_118 : i32
      %and3A = arith.andi %ne3A, %ne3A_119 : i1
      %sub3A_120 = arith.constant 1 : i32
      %sub3A_121 = arith.subi %div3A, %sub3A_120 : i32
      %select_n3A = arith.select %and3A, %sub3A_121, %div3A : i32
      %while3A = arith.constant 0 : i32
      %while3A_122 = arith.constant 0 : i32
      %while3A_123 = arith.subi %select_n3A, %while3A_122 : i32
      %while3A_124 = arith.addi %while3A_122, %while3A_123 : i32
      %while3A_125 = arith.constant 1 : i32
      %while3A_126 = arith.divsi %while3A_123, %while3A_125 : i32
      %while3A_127 = arith.muli %while3A_126, %while3A_125 : i32
      %while3A_128 = arith.addi %while3A_122, %while3A_127 : i32
      %while3A_129 = arith.constant 1 : i32
      scf.for %while3A_131 = %while3A_122 to %while3A_128 step %while3A_129  : i32 {
        %mul3A_132 = arith.constant 128 : i32
        %mul3A_133 = arith.muli %while3A_131, %mul3A_132 : i32
        %dma_start3A = tpu.memref_slice %arg8[%mul3A_133] : memref<2144xi32, #tpu.memory_space<vmem>> -> memref<128xi32, #tpu.memory_space<vmem>>
        %dma_start3A_134 = arith.constant 0 : i32
        %dma_start3A_135 = arith.constant 0 : i32
        %dma_start3A_136 = tpu.memref_slice %arg2[%dma_start3A_134, %dma_start3A_135] : memref<10240x256xf32, #tpu.memory_space<hbm>> -> memref<10240x256xf32, #tpu.memory_space<hbm>>
        tpu.enqueue_indirect_dma source(%dma_start3A_136 : memref<10240x256xf32, #tpu.memory_space<hbm>>) target(%arg10 : memref<128x256xf32, #tpu.memory_space<vmem>>) offsets(%dma_start3A : memref<128xi32, #tpu.memory_space<vmem>>) semaphore(%arg13 : memref<!tpu.dma_semaphore, #tpu.memory_space<semaphore_mem>>)
        %dma_wait3A = tpu.memref_slice %arg8[%mul3A_133] : memref<2144xi32, #tpu.memory_space<vmem>> -> memref<128xi32, #tpu.memory_space<vmem>>
        %dma_wait3A_137 = arith.constant 0 : i32
        %dma_wait3A_138 = arith.constant 0 : i32
        %dma_wait3A_139 = tpu.memref_slice %arg2[%dma_wait3A_137, %dma_wait3A_138] : memref<10240x256xf32, #tpu.memory_space<hbm>> -> memref<10240x256xf32, #tpu.memory_space<hbm>>
        tpu.wait_indirect_dma semaphore(%arg13 : memref<!tpu.dma_semaphore, #tpu.memory_space<semaphore_mem>>) src(%dma_wait3A_139 : memref<10240x256xf32, #tpu.memory_space<hbm>>) dst(%arg10 : memref<128x256xf32, #tpu.memory_space<vmem>>)
        %add3A_140 = arith.constant 0 : i32
        %add3A_141 = arith.addi %mul3A_133, %add3A_140 : i32
        %get3A = arith.index_cast %add3A_141 : i32 to index
        %get3A_142 = tpu.vector_load %arg9[%get3A] {strides = array<i32>} : memref<2144xi32, #tpu.memory_space<vmem>>, vector<16xi32>,
        %swap3A = arith.constant 0 : index
        %swap3A_143 = tpu.vector_load %arg11[%swap3A] {strides = array<i32>} : memref<128xi32, #tpu.memory_space<vmem>>, vector<16xi32>,
        tpu.vector_store %arg11[%swap3A], %get3A_142 {strides = array<i32>} : memref<128xi32, #tpu.memory_space<vmem>>, vector<16xi32>,
        %add3A_144 = arith.constant 16 : i32
        %add3A_145 = arith.addi %mul3A_133, %add3A_144 : i32
        %get3A_146 = arith.index_cast %add3A_145 : i32 to index
        %get3A_147 = tpu.vector_load %arg9[%get3A_146] {strides = array<i32>} : memref<2144xi32, #tpu.memory_space<vmem>>, vector<16xi32>,
        %swap3A_148 = arith.constant 16 : index
        %swap3A_149 = tpu.vector_load %arg11[%swap3A_148] {strides = array<i32>} : memref<128xi32, #tpu.memory_space<vmem>>, vector<16xi32>,
        tpu.vector_store %arg11[%swap3A_148], %get3A_147 {strides = array<i32>} : memref<128xi32, #tpu.memory_space<vmem>>, vector<16xi32>,
        %add3A_150 = arith.constant 32 : i32
        %add3A_151 = arith.addi %mul3A_133, %add3A_150 : i32
        %get3A_152 = arith.index_cast %add3A_151 : i32 to index
        %get3A_153 = tpu.vector_load %arg9[%get3A_152] {strides = array<i32>} : memref<2144xi32, #tpu.memory_space<vmem>>, vector<16xi32>,
        %swap3A_154 = arith.constant 32 : index
        %swap3A_155 = tpu.vector_load %arg11[%swap3A_154] {strides = array<i32>} : memref<128xi32, #tpu.memory_space<vmem>>, vector<16xi32>,
        tpu.vector_store %arg11[%swap3A_154], %get3A_153 {strides = array<i32>} : memref<128xi32, #tpu.memory_space<vmem>>, vector<16xi32>,
        %add3A_156 = arith.constant 48 : i32
        %add3A_157 = arith.addi %mul3A_133, %add3A_156 : i32
        %get3A_158 = arith.index_cast %add3A_157 : i32 to index
        %get3A_159 = tpu.vector_load %arg9[%get3A_158] {strides = array<i32>} : memref<2144xi32, #tpu.memory_space<vmem>>, vector<16xi32>,
        %swap3A_160 = arith.constant 48 : index
        %swap3A_161 = tpu.vector_load %arg11[%swap3A_160] {strides = array<i32>} : memref<128xi32, #tpu.memory_space<vmem>>, vector<16xi32>,
        tpu.vector_store %arg11[%swap3A_160], %get3A_159 {strides = array<i32>} : memref<128xi32, #tpu.memory_space<vmem>>, vector<16xi32>,
        %add3A_162 = arith.constant 64 : i32
        %add3A_163 = arith.addi %mul3A_133, %add3A_162 : i32
        %get3A_164 = arith.index_cast %add3A_163 : i32 to index
        %get3A_165 = tpu.vector_load %arg9[%get3A_164] {strides = array<i32>} : memref<2144xi32, #tpu.memory_space<vmem>>, vector<16xi32>,
        %swap3A_166 = arith.constant 64 : index
        %swap3A_167 = tpu.vector_load %arg11[%swap3A_166] {strides = array<i32>} : memref<128xi32, #tpu.memory_space<vmem>>, vector<16xi32>,
        tpu.vector_store %arg11[%swap3A_166], %get3A_165 {strides = array<i32>} : memref<128xi32, #tpu.memory_space<vmem>>, vector<16xi32>,
        %add3A_168 = arith.constant 80 : i32
        %add3A_169 = arith.addi %mul3A_133, %add3A_168 : i32
        %get3A_170 = arith.index_cast %add3A_169 : i32 to index
        %get3A_171 = tpu.vector_load %arg9[%get3A_170] {strides = array<i32>} : memref<2144xi32, #tpu.memory_space<vmem>>, vector<16xi32>,
        %swap3A_172 = arith.constant 80 : index
        %swap3A_173 = tpu.vector_load %arg11[%swap3A_172] {strides = array<i32>} : memref<128xi32, #tpu.memory_space<vmem>>, vector<16xi32>,
        tpu.vector_store %arg11[%swap3A_172], %get3A_171 {strides = array<i32>} : memref<128xi32, #tpu.memory_space<vmem>>, vector<16xi32>,
        %add3A_174 = arith.constant 96 : i32
        %add3A_175 = arith.addi %mul3A_133, %add3A_174 : i32
        %get3A_176 = arith.index_cast %add3A_175 : i32 to index
        %get3A_177 = tpu.vector_load %arg9[%get3A_176] {strides = array<i32>} : memref<2144xi32, #tpu.memory_space<vmem>>, vector<16xi32>,
        %swap3A_178 = arith.constant 96 : index
        %swap3A_179 = tpu.vector_load %arg11[%swap3A_178] {strides = array<i32>} : memref<128xi32, #tpu.memory_space<vmem>>, vector<16xi32>,
        tpu.vector_store %arg11[%swap3A_178], %get3A_177 {strides = array<i32>} : memref<128xi32, #tpu.memory_space<vmem>>, vector<16xi32>,
        %add3A_180 = arith.constant 112 : i32
        %add3A_181 = arith.addi %mul3A_133, %add3A_180 : i32
        %get3A_182 = arith.index_cast %add3A_181 : i32 to index
        %get3A_183 = tpu.vector_load %arg9[%get3A_182] {strides = array<i32>} : memref<2144xi32, #tpu.memory_space<vmem>>, vector<16xi32>,
        %swap3A_184 = arith.constant 112 : index
        %swap3A_185 = tpu.vector_load %arg11[%swap3A_184] {strides = array<i32>} : memref<128xi32, #tpu.memory_space<vmem>>, vector<16xi32>,
        tpu.vector_store %arg11[%swap3A_184], %get3A_183 {strides = array<i32>} : memref<128xi32, #tpu.memory_space<vmem>>, vector<16xi32>,
        "tpu.region"() ({
          %run_scoped3A = tpu.sem_alloc : memref<!tpu.dma_semaphore, #tpu.memory_space<semaphore_mem>>
          %dma_start3A_186 = arith.constant 0 : i32
          %dma_start3A_187 = arith.constant 0 : i32
          %dma_start3A_188 = tpu.memref_slice %arg12[%dma_start3A_186, %dma_start3A_187] : memref<5128x256xf32, #tpu.memory_space<vmem_shared>> -> memref<5128x256xf32, #tpu.memory_space<vmem_shared>>
          %dma_start3A_189 = arith.constant -1 : i32
          tpu.enqueue_indirect_dma source(%arg10 : memref<128x256xf32, #tpu.memory_space<vmem>>) target(%dma_start3A_188 : memref<5128x256xf32, #tpu.memory_space<vmem_shared>>) offsets(%arg11 : memref<128xi32, #tpu.memory_space<vmem>>) offset_filter(%dma_start3A_189) semaphore(%run_scoped3A : memref<!tpu.dma_semaphore, #tpu.memory_space<semaphore_mem>>) {add = true}
          %dma_wait3A_190 = arith.constant 0 : i32
          %dma_wait3A_191 = arith.constant 0 : i32
          %dma_wait3A_192 = tpu.memref_slice %arg12[%dma_wait3A_190, %dma_wait3A_191] : memref<5128x256xf32, #tpu.memory_space<vmem_shared>> -> memref<5128x256xf32, #tpu.memory_space<vmem_shared>>
          tpu.wait_indirect_dma semaphore(%run_scoped3A : memref<!tpu.dma_semaphore, #tpu.memory_space<semaphore_mem>>) src(%arg10 : memref<128x256xf32, #tpu.memory_space<vmem>>) dst(%dma_wait3A_192 : memref<5128x256xf32, #tpu.memory_space<vmem_shared>>)
          tpu.yield
        }) : () -> ()
      }
      %while3A_130 = arith.constant 1 : i32
      scf.for %while3A_131 = %while3A_128 to %while3A_124 step %while3A_130  : i32 {
        %mul3A_132 = arith.constant 128 : i32
        %mul3A_133 = arith.muli %while3A_131, %mul3A_132 : i32
        %dma_start3A = tpu.memref_slice %arg8[%mul3A_133] : memref<2144xi32, #tpu.memory_space<vmem>> -> memref<128xi32, #tpu.memory_space<vmem>>
        %dma_start3A_134 = arith.constant 0 : i32
        %dma_start3A_135 = arith.constant 0 : i32
        %dma_start3A_136 = tpu.memref_slice %arg2[%dma_start3A_134, %dma_start3A_135] : memref<10240x256xf32, #tpu.memory_space<hbm>> -> memref<10240x256xf32, #tpu.memory_space<hbm>>
        tpu.enqueue_indirect_dma source(%dma_start3A_136 : memref<10240x256xf32, #tpu.memory_space<hbm>>) target(%arg10 : memref<128x256xf32, #tpu.memory_space<vmem>>) offsets(%dma_start3A : memref<128xi32, #tpu.memory_space<vmem>>) semaphore(%arg13 : memref<!tpu.dma_semaphore, #tpu.memory_space<semaphore_mem>>)
        %dma_wait3A = tpu.memref_slice %arg8[%mul3A_133] : memref<2144xi32, #tpu.memory_space<vmem>> -> memref<128xi32, #tpu.memory_space<vmem>>
        %dma_wait3A_137 = arith.constant 0 : i32
        %dma_wait3A_138 = arith.constant 0 : i32
        %dma_wait3A_139 = tpu.memref_slice %arg2[%dma_wait3A_137, %dma_wait3A_138] : memref<10240x256xf32, #tpu.memory_space<hbm>> -> memref<10240x256xf32, #tpu.memory_space<hbm>>
        tpu.wait_indirect_dma semaphore(%arg13 : memref<!tpu.dma_semaphore, #tpu.memory_space<semaphore_mem>>) src(%dma_wait3A_139 : memref<10240x256xf32, #tpu.memory_space<hbm>>) dst(%arg10 : memref<128x256xf32, #tpu.memory_space<vmem>>)
        %add3A_140 = arith.constant 0 : i32
        %add3A_141 = arith.addi %mul3A_133, %add3A_140 : i32
        %get3A = arith.index_cast %add3A_141 : i32 to index
        %get3A_142 = tpu.vector_load %arg9[%get3A] {strides = array<i32>} : memref<2144xi32, #tpu.memory_space<vmem>>, vector<16xi32>,
        %swap3A = arith.constant 0 : index
        %swap3A_143 = tpu.vector_load %arg11[%swap3A] {strides = array<i32>} : memref<128xi32, #tpu.memory_space<vmem>>, vector<16xi32>,
        tpu.vector_store %arg11[%swap3A], %get3A_142 {strides = array<i32>} : memref<128xi32, #tpu.memory_space<vmem>>, vector<16xi32>,
        %add3A_144 = arith.constant 16 : i32
        %add3A_145 = arith.addi %mul3A_133, %add3A_144 : i32
        %get3A_146 = arith.index_cast %add3A_145 : i32 to index
        %get3A_147 = tpu.vector_load %arg9[%get3A_146] {strides = array<i32>} : memref<2144xi32, #tpu.memory_space<vmem>>, vector<16xi32>,
        %swap3A_148 = arith.constant 16 : index
        %swap3A_149 = tpu.vector_load %arg11[%swap3A_148] {strides = array<i32>} : memref<128xi32, #tpu.memory_space<vmem>>, vector<16xi32>,
        tpu.vector_store %arg11[%swap3A_148], %get3A_147 {strides = array<i32>} : memref<128xi32, #tpu.memory_space<vmem>>, vector<16xi32>,
        %add3A_150 = arith.constant 32 : i32
        %add3A_151 = arith.addi %mul3A_133, %add3A_150 : i32
        %get3A_152 = arith.index_cast %add3A_151 : i32 to index
        %get3A_153 = tpu.vector_load %arg9[%get3A_152] {strides = array<i32>} : memref<2144xi32, #tpu.memory_space<vmem>>, vector<16xi32>,
        %swap3A_154 = arith.constant 32 : index
        %swap3A_155 = tpu.vector_load %arg11[%swap3A_154] {strides = array<i32>} : memref<128xi32, #tpu.memory_space<vmem>>, vector<16xi32>,
        tpu.vector_store %arg11[%swap3A_154], %get3A_153 {strides = array<i32>} : memref<128xi32, #tpu.memory_space<vmem>>, vector<16xi32>,
        %add3A_156 = arith.constant 48 : i32
        %add3A_157 = arith.addi %mul3A_133, %add3A_156 : i32
        %get3A_158 = arith.index_cast %add3A_157 : i32 to index
        %get3A_159 = tpu.vector_load %arg9[%get3A_158] {strides = array<i32>} : memref<2144xi32, #tpu.memory_space<vmem>>, vector<16xi32>,
        %swap3A_160 = arith.constant 48 : index
        %swap3A_161 = tpu.vector_load %arg11[%swap3A_160] {strides = array<i32>} : memref<128xi32, #tpu.memory_space<vmem>>, vector<16xi32>,
        tpu.vector_store %arg11[%swap3A_160], %get3A_159 {strides = array<i32>} : memref<128xi32, #tpu.memory_space<vmem>>, vector<16xi32>,
        %add3A_162 = arith.constant 64 : i32
        %add3A_163 = arith.addi %mul3A_133, %add3A_162 : i32
        %get3A_164 = arith.index_cast %add3A_163 : i32 to index
        %get3A_165 = tpu.vector_load %arg9[%get3A_164] {strides = array<i32>} : memref<2144xi32, #tpu.memory_space<vmem>>, vector<16xi32>,
        %swap3A_166 = arith.constant 64 : index
        %swap3A_167 = tpu.vector_load %arg11[%swap3A_166] {strides = array<i32>} : memref<128xi32, #tpu.memory_space<vmem>>, vector<16xi32>,
        tpu.vector_store %arg11[%swap3A_166], %get3A_165 {strides = array<i32>} : memref<128xi32, #tpu.memory_space<vmem>>, vector<16xi32>,
        %add3A_168 = arith.constant 80 : i32
        %add3A_169 = arith.addi %mul3A_133, %add3A_168 : i32
        %get3A_170 = arith.index_cast %add3A_169 : i32 to index
        %get3A_171 = tpu.vector_load %arg9[%get3A_170] {strides = array<i32>} : memref<2144xi32, #tpu.memory_space<vmem>>, vector<16xi32>,
        %swap3A_172 = arith.constant 80 : index
        %swap3A_173 = tpu.vector_load %arg11[%swap3A_172] {strides = array<i32>} : memref<128xi32, #tpu.memory_space<vmem>>, vector<16xi32>,
        tpu.vector_store %arg11[%swap3A_172], %get3A_171 {strides = array<i32>} : memref<128xi32, #tpu.memory_space<vmem>>, vector<16xi32>,
        %add3A_174 = arith.constant 96 : i32
        %add3A_175 = arith.addi %mul3A_133, %add3A_174 : i32
        %get3A_176 = arith.index_cast %add3A_175 : i32 to index
        %get3A_177 = tpu.vector_load %arg9[%get3A_176] {strides = array<i32>} : memref<2144xi32, #tpu.memory_space<vmem>>, vector<16xi32>,
        %swap3A_178 = arith.constant 96 : index
        %swap3A_179 = tpu.vector_load %arg11[%swap3A_178] {strides = array<i32>} : memref<128xi32, #tpu.memory_space<vmem>>, vector<16xi32>,
        tpu.vector_store %arg11[%swap3A_178], %get3A_177 {strides = array<i32>} : memref<128xi32, #tpu.memory_space<vmem>>, vector<16xi32>,
        %add3A_180 = arith.constant 112 : i32
        %add3A_181 = arith.addi %mul3A_133, %add3A_180 : i32
        %get3A_182 = arith.index_cast %add3A_181 : i32 to index
        %get3A_183 = tpu.vector_load %arg9[%get3A_182] {strides = array<i32>} : memref<2144xi32, #tpu.memory_space<vmem>>, vector<16xi32>,
        %swap3A_184 = arith.constant 112 : index
        %swap3A_185 = tpu.vector_load %arg11[%swap3A_184] {strides = array<i32>} : memref<128xi32, #tpu.memory_space<vmem>>, vector<16xi32>,
        tpu.vector_store %arg11[%swap3A_184], %get3A_183 {strides = array<i32>} : memref<128xi32, #tpu.memory_space<vmem>>, vector<16xi32>,
        "tpu.region"() ({
          %run_scoped3A = tpu.sem_alloc : memref<!tpu.dma_semaphore, #tpu.memory_space<semaphore_mem>>
          %dma_start3A_186 = arith.constant 0 : i32
          %dma_start3A_187 = arith.constant 0 : i32
          %dma_start3A_188 = tpu.memref_slice %arg12[%dma_start3A_186, %dma_start3A_187] : memref<5128x256xf32, #tpu.memory_space<vmem_shared>> -> memref<5128x256xf32, #tpu.memory_space<vmem_shared>>
          %dma_start3A_189 = arith.constant -1 : i32
          tpu.enqueue_indirect_dma source(%arg10 : memref<128x256xf32, #tpu.memory_space<vmem>>) target(%dma_start3A_188 : memref<5128x256xf32, #tpu.memory_space<vmem_shared>>) offsets(%arg11 : memref<128xi32, #tpu.memory_space<vmem>>) offset_filter(%dma_start3A_189) semaphore(%run_scoped3A : memref<!tpu.dma_semaphore, #tpu.memory_space<semaphore_mem>>) {add = true}
          %dma_wait3A_190 = arith.constant 0 : i32
          %dma_wait3A_191 = arith.constant 0 : i32
          %dma_wait3A_192 = tpu.memref_slice %arg12[%dma_wait3A_190, %dma_wait3A_191] : memref<5128x256xf32, #tpu.memory_space<vmem_shared>> -> memref<5128x256xf32, #tpu.memory_space<vmem_shared>>
          tpu.wait_indirect_dma semaphore(%run_scoped3A : memref<!tpu.dma_semaphore, #tpu.memory_space<semaphore_mem>>) src(%arg10 : memref<128x256xf32, #tpu.memory_space<vmem>>) dst(%dma_wait3A_192 : memref<5128x256xf32, #tpu.memory_space<vmem_shared>>)
          tpu.yield
        }) : () -> ()
      }
    }
    %scan3A_13 = arith.constant 5 : i32
    %barrier3A_14 = arith.constant 0 : index
    tpu.barrier barrier_id(%barrier3A_14)
    %mul3A_15 = arith.constant 320 : i32
    %mul3A_16 = arith.muli %arg1, %mul3A_15 : i32
    %mul3A_17 = arith.constant 320 : i32
    %mul3A_18 = arith.muli %arg1, %mul3A_17 : i32
    %add3A_19 = arith.addi %mul3A_3, %mul3A_18 : i32
    "tpu.region"() ({
      %run_scoped3A = tpu.sem_alloc : memref<!tpu.dma_semaphore, #tpu.memory_space<semaphore_mem>>
      %dma_start3A = arith.constant 0 : i32
      %dma_start3A_21 = tpu.memref_slice %arg5[%add3A_19, %dma_start3A] : memref<10240x256xf32, #tpu.memory_space<hbm>> -> memref<320x256xf32, #tpu.memory_space<hbm>>
      %dma_start3A_22 = arith.constant 0 : i32
      %dma_start3A_23 = tpu.memref_slice %arg12[%mul3A_16, %dma_start3A_22] : memref<5128x256xf32, #tpu.memory_space<vmem_shared>> -> memref<320x256xf32, #tpu.memory_space<vmem_shared>>
      tpu.enqueue_dma source(%dma_start3A_23 : memref<320x256xf32, #tpu.memory_space<vmem_shared>>) target(%dma_start3A_21 : memref<320x256xf32, #tpu.memory_space<hbm>>) target_semaphore(%run_scoped3A : memref<!tpu.dma_semaphore, #tpu.memory_space<semaphore_mem>>)
      %dma_wait3A = arith.constant 0 : i32
      %dma_wait3A_24 = tpu.memref_slice %arg5[%add3A_19, %dma_wait3A] : memref<10240x256xf32, #tpu.memory_space<hbm>> -> memref<320x256xf32, #tpu.memory_space<hbm>>
      %dma_wait3A_25 = arith.constant 0 : i32
      %dma_wait3A_26 = tpu.memref_slice %arg12[%mul3A_16, %dma_wait3A_25] : memref<5128x256xf32, #tpu.memory_space<vmem_shared>> -> memref<320x256xf32, #tpu.memory_space<vmem_shared>>
      tpu.wait_dma2 semaphore(%run_scoped3A : memref<!tpu.dma_semaphore, #tpu.memory_space<semaphore_mem>>) src(%dma_wait3A_26 : memref<320x256xf32, #tpu.memory_space<vmem_shared>>) dst(%dma_wait3A_24 : memref<320x256xf32, #tpu.memory_space<hbm>>)
      tpu.yield
    }) : () -> ()
    %barrier3A_20 = arith.constant 0 : index
    tpu.barrier barrier_id(%barrier3A_20)
    return
  }
}

#map = affine_map<(d0, d1) -> (0, 0)>
#map1 = affine_map<(d0, d1) -> (0)>
module attributes {stable_mosaic.version = 14 : i64} {
  func.func @scat(%arg0: i32, %arg1: i32, %arg2: memref<10240x256xf32, #tpu.memory_space<hbm>>, %arg3: memref<160000xi32, #tpu.memory_space<hbm>>, %arg4: memref<160000xi32, #tpu.memory_space<hbm>>, %arg5: memref<10240x256xf32, #tpu.memory_space<hbm>>, %arg6: memref<2000xi32, #tpu.memory_space<vmem>>, %arg7: memref<2000xi32, #tpu.memory_space<vmem>>, %arg8: memref<2144xi32, #tpu.memory_space<vmem>>, %arg9: memref<2144xi32, #tpu.memory_space<vmem>>, %arg10: memref<128x256xf32, #tpu.memory_space<vmem>>, %arg11: memref<128xi32, #tpu.memory_space<vmem>>, %arg12: memref<5128x256xf32, #tpu.memory_space<vmem_shared>>, %arg13: memref<!tpu.dma_semaphore, #tpu.memory_space<semaphore_mem>>) attributes {dimension_semantics = [#tpu.dimension_semantics<core_parallel>, #tpu.dimension_semantics<subcore_parallel>], iteration_bounds = array<i64: 2, 16>, scalar_prefetch = 0 : i64, scratch_operands = 8 : i64, tpu.core_type = #tpu.core_type<sc_vector_subcore>, window_params = [{transform_indices = #map}, {transform_indices = #map1}, {transform_indices = #map1}, {transform_indices = #map}]} {
    %iota3A = tpu.iota {dimensions = array<i32: 0>} : vector<16xi32>
    %mul3A = arith.constant 1 : i32
    %mul3A_0 = arith.muli %arg0, %mul3A : i32
    %add3A = arith.constant 0 : i32
    %add3A_1 = arith.addi %mul3A_0, %add3A : i32
    %mul3A_2 = arith.constant 5120 : i32
    %mul3A_3 = arith.muli %add3A_1, %mul3A_2 : i32
    %mul3A_4 = arith.constant 320 : i32
    %mul3A_5 = arith.muli %arg1, %mul3A_4 : i32
    %add3A_6 = arith.addi %mul3A_3, %mul3A_5 : i32
    %mul3A_7 = arith.constant 320 : i32
    %mul3A_8 = arith.muli %arg1, %mul3A_7 : i32
    "tpu.region"() ({
      %run_scoped3A = tpu.sem_alloc : memref<!tpu.dma_semaphore, #tpu.memory_space<semaphore_mem>>
      %dma_start3A = arith.constant 0 : i32
      %dma_start3A_21 = tpu.memref_slice %arg12[%mul3A_8, %dma_start3A] : memref<5128x256xf32, #tpu.memory_space<vmem_shared>> -> memref<320x256xf32, #tpu.memory_space<vmem_shared>>
      %dma_start3A_22 = arith.constant 0 : i32
      %dma_start3A_23 = tpu.memref_slice %arg2[%add3A_6, %dma_start3A_22] : memref<10240x256xf32, #tpu.memory_space<hbm>> -> memref<320x256xf32, #tpu.memory_space<hbm>>
      tpu.enqueue_dma source(%dma_start3A_23 : memref<320x256xf32, #tpu.memory_space<hbm>>) target(%dma_start3A_21 : memref<320x256xf32, #tpu.memory_space<vmem_shared>>) target_semaphore(%run_scoped3A : memref<!tpu.dma_semaphore, #tpu.memory_space<semaphore_mem>>)
      %dma_wait3A = arith.constant 0 : i32
      %dma_wait3A_24 = tpu.memref_slice %arg12[%mul3A_8, %dma_wait3A] : memref<5128x256xf32, #tpu.memory_space<vmem_shared>> -> memref<320x256xf32, #tpu.memory_space<vmem_shared>>
      %dma_wait3A_25 = arith.constant 0 : i32
      %dma_wait3A_26 = tpu.memref_slice %arg2[%add3A_6, %dma_wait3A_25] : memref<10240x256xf32, #tpu.memory_space<hbm>> -> memref<320x256xf32, #tpu.memory_space<hbm>>
      tpu.wait_dma2 semaphore(%run_scoped3A : memref<!tpu.dma_semaphore, #tpu.memory_space<semaphore_mem>>) src(%dma_wait3A_26 : memref<320x256xf32, #tpu.memory_space<hbm>>) dst(%dma_wait3A_24 : memref<320x256xf32, #tpu.memory_space<vmem_shared>>)
      tpu.yield
    }) : () -> ()
    %barrier3A = arith.constant 0 : index
    tpu.barrier barrier_id(%barrier3A)
    %scan3A = arith.constant 0 : i32
    %scan3A_9 = arith.constant 0 : i32
    %scan3A_10 = arith.constant 5 : i32
    %scan3A_11 = arith.addi %scan3A_9, %scan3A_10 : i32
    %scan3A_12 = arith.constant 1 : i32
    scf.for %scan3A_21 = %scan3A_9 to %scan3A_11 step %scan3A_12  : i32 {
      %mul3A_22 = arith.constant 10000 : i32
      %mul3A_23 = arith.muli %arg1, %mul3A_22 : i32
      %mul3A_24 = arith.constant 2000 : i32
      %mul3A_25 = arith.muli %scan3A_21, %mul3A_24 : i32
      %add3A_26 = arith.addi %mul3A_23, %mul3A_25 : i32
      "tpu.region"() ({
        %run_scoped3A = tpu.sem_alloc : memref<!tpu.dma_semaphore, #tpu.memory_space<semaphore_mem>>
        %dma_start3A = tpu.memref_slice %arg3[%add3A_26] : memref<160000xi32, #tpu.memory_space<hbm>> -> memref<2000xi32, #tpu.memory_space<hbm>>
        %dma_start3A_131 = tpu.memref_slice %arg3[%add3A_26] : memref<160000xi32, #tpu.memory_space<hbm>> -> memref<2000xi32, #tpu.memory_space<hbm>>
        tpu.enqueue_dma source(%dma_start3A_131 : memref<2000xi32, #tpu.memory_space<hbm>>) target(%arg6 : memref<2000xi32, #tpu.memory_space<vmem>>) target_semaphore(%run_scoped3A : memref<!tpu.dma_semaphore, #tpu.memory_space<semaphore_mem>>)
        %dma_wait3A = tpu.memref_slice %arg3[%add3A_26] : memref<160000xi32, #tpu.memory_space<hbm>> -> memref<2000xi32, #tpu.memory_space<hbm>>
        %dma_wait3A_132 = tpu.memref_slice %arg3[%add3A_26] : memref<160000xi32, #tpu.memory_space<hbm>> -> memref<2000xi32, #tpu.memory_space<hbm>>
        tpu.wait_dma2 semaphore(%run_scoped3A : memref<!tpu.dma_semaphore, #tpu.memory_space<semaphore_mem>>) src(%dma_wait3A_132 : memref<2000xi32, #tpu.memory_space<hbm>>) dst(%arg6 : memref<2000xi32, #tpu.memory_space<vmem>>)
        tpu.yield
      }) : () -> ()
      %mul3A_27 = arith.constant 10000 : i32
      %mul3A_28 = arith.muli %arg1, %mul3A_27 : i32
      %mul3A_29 = arith.constant 2000 : i32
      %mul3A_30 = arith.muli %scan3A_21, %mul3A_29 : i32
      %add3A_31 = arith.addi %mul3A_28, %mul3A_30 : i32
      "tpu.region"() ({
        %run_scoped3A = tpu.sem_alloc : memref<!tpu.dma_semaphore, #tpu.memory_space<semaphore_mem>>
        %dma_start3A = tpu.memref_slice %arg4[%add3A_31] : memref<160000xi32, #tpu.memory_space<hbm>> -> memref<2000xi32, #tpu.memory_space<hbm>>
        %dma_start3A_131 = tpu.memref_slice %arg4[%add3A_31] : memref<160000xi32, #tpu.memory_space<hbm>> -> memref<2000xi32, #tpu.memory_space<hbm>>
        tpu.enqueue_dma source(%dma_start3A_131 : memref<2000xi32, #tpu.memory_space<hbm>>) target(%arg7 : memref<2000xi32, #tpu.memory_space<vmem>>) target_semaphore(%run_scoped3A : memref<!tpu.dma_semaphore, #tpu.memory_space<semaphore_mem>>)
        %dma_wait3A = tpu.memref_slice %arg4[%add3A_31] : memref<160000xi32, #tpu.memory_space<hbm>> -> memref<2000xi32, #tpu.memory_space<hbm>>
        %dma_wait3A_132 = tpu.memref_slice %arg4[%add3A_31] : memref<160000xi32, #tpu.memory_space<hbm>> -> memref<2000xi32, #tpu.memory_space<hbm>>
        tpu.wait_dma2 semaphore(%run_scoped3A : memref<!tpu.dma_semaphore, #tpu.memory_space<semaphore_mem>>) src(%dma_wait3A_132 : memref<2000xi32, #tpu.memory_space<hbm>>) dst(%arg7 : memref<2000xi32, #tpu.memory_space<vmem>>)
        tpu.yield
      }) : () -> ()
      %scan3A_32 = arith.constant 0 : i32
      %scan3A_33 = arith.constant 0 : i32
      %scan3A_34 = arith.constant 125 : i32
      %scan3A_35 = arith.addi %scan3A_33, %scan3A_34 : i32
      %scan3A_36 = arith.constant 1 : i32
      %scan3A_37 = scf.for %scan3A_131 = %scan3A_33 to %scan3A_35 step %scan3A_36 iter_args(%scan3A_132 = %scan3A_32) -> (i32)  : i32 {
        %mul3A_133 = arith.constant 16 : i32
        %mul3A_134 = arith.muli %scan3A_131, %mul3A_133 : i32
        %get3A = arith.index_cast %mul3A_134 : i32 to index
        %get3A_135 = tpu.vector_load %arg7[%get3A] {strides = array<i32>} : memref<2000xi32, #tpu.memory_space<vmem>>, vector<16xi32>,
        %mul3A_136 = arith.constant 16 : i32
        %mul3A_137 = arith.muli %scan3A_131, %mul3A_136 : i32
        %get3A_138 = arith.index_cast %mul3A_137 : i32 to index
        %get3A_139 = tpu.vector_load %arg6[%get3A_138] {strides = array<i32>} : memref<2000xi32, #tpu.memory_space<vmem>>, vector<16xi32>,
        %ge3A = vector.broadcast %mul3A_3 : i32 to vector<16xi32>
        %ge3A_140 = arith.cmpi sge, %get3A_135, %ge3A : vector<16xi32>
        %add3A_141 = arith.constant 5120 : i32
        %add3A_142 = arith.addi %mul3A_3, %add3A_141 : i32
        %lt3A = vector.broadcast %add3A_142 : i32 to vector<16xi32>
        %lt3A_143 = arith.cmpi slt, %get3A_135, %lt3A : vector<16xi32>
        %and3A_144 = arith.andi %ge3A_140, %lt3A_143 : vector<16xi1>
        %swap3A = arith.index_cast %scan3A_132 : i32 to index
        %swap3A_145 = tpu.vector_load %arg8[%swap3A] masked %and3A_144 {strides = array<i32>} : memref<2144xi32, #tpu.memory_space<vmem>>, vector<16xi32>, vector<16xi1>
        tpu.vector_store %arg8[%swap3A], %get3A_139 masked %and3A_144 {strides = array<i32>} : memref<2144xi32, #tpu.memory_space<vmem>>, vector<16xi32>, vector<16xi1>
        %sub3A_146 = vector.broadcast %mul3A_3 : i32 to vector<16xi32>
        %sub3A_147 = arith.subi %get3A_135, %sub3A_146 : vector<16xi32>
        %swap3A_148 = arith.index_cast %scan3A_132 : i32 to index
        %swap3A_149 = tpu.vector_load %arg9[%swap3A_148] masked %and3A_144 {strides = array<i32>} : memref<2144xi32, #tpu.memory_space<vmem>>, vector<16xi32>, vector<16xi1>
        tpu.vector_store %arg9[%swap3A_148], %sub3A_147 masked %and3A_144 {strides = array<i32>} : memref<2144xi32, #tpu.memory_space<vmem>>, vector<16xi32>, vector<16xi1>
        %jit3A_150 = arith.constant 1 : i32
        %jit3A_151 = arith.constant 0 : i32
        %broadcast_in_dim3A_152 = vector.broadcast %jit3A_150 : i32 to vector<16xi32>
        %broadcast_in_dim3A_153 = vector.broadcast %jit3A_151 : i32 to vector<16xi32>
        %select_n3A_154 = arith.select %and3A_144, %broadcast_in_dim3A_152, %broadcast_in_dim3A_153 : vector<16xi1>, vector<16xi32>
        %reduce_sum3A = arith.constant true
        %reduce_sum3A_155 = vector.broadcast %reduce_sum3A : i1 to vector<16xi1>
        %reduce_sum3A_156 = tpu.scan <sum>, %select_n3A_154 masked %reduce_sum3A_155 : vector<16xi32>, vector<16xi1> -> vector<16xi32>
        %reduce_sum3A_157 = vector.extract %reduce_sum3A_156[15] : i32 from vector<16xi32>
        %add3A_158 = arith.addi %scan3A_132, %reduce_sum3A_157 : i32
        scf.yield %add3A_158 : i32
      }
      %scan3A_38 = arith.constant 125 : i32
      %add3A_39 = arith.constant 0 : i32
      %add3A_40 = arith.addi %scan3A_37, %add3A_39 : i32
      %add3A_41 = vector.broadcast %add3A_40 : i32 to vector<16xi32>
      %add3A_42 = arith.addi %add3A_41, %iota3A : vector<16xi32>
      %broadcast_in_dim3A = arith.constant -1 : i32
      %broadcast_in_dim3A_43 = vector.broadcast %broadcast_in_dim3A : i32 to vector<16xi32>
      tpu.vector_store_idx %arg9[%add3A_42], %broadcast_in_dim3A_43 : memref<2144xi32, #tpu.memory_space<vmem>>[vector<16xi32>], vector<16xi32>,
      %broadcast_in_dim3A_44 = arith.constant 0 : i32
      %broadcast_in_dim3A_45 = vector.broadcast %broadcast_in_dim3A_44 : i32 to vector<16xi32>
      tpu.vector_store_idx %arg8[%add3A_42], %broadcast_in_dim3A_45 : memref<2144xi32, #tpu.memory_space<vmem>>[vector<16xi32>], vector<16xi32>,
      %add3A_46 = arith.constant 16 : i32
      %add3A_47 = arith.addi %scan3A_37, %add3A_46 : i32
      %add3A_48 = vector.broadcast %add3A_47 : i32 to vector<16xi32>
      %add3A_49 = arith.addi %add3A_48, %iota3A : vector<16xi32>
      %broadcast_in_dim3A_50 = arith.constant -1 : i32
      %broadcast_in_dim3A_51 = vector.broadcast %broadcast_in_dim3A_50 : i32 to vector<16xi32>
      tpu.vector_store_idx %arg9[%add3A_49], %broadcast_in_dim3A_51 : memref<2144xi32, #tpu.memory_space<vmem>>[vector<16xi32>], vector<16xi32>,
      %broadcast_in_dim3A_52 = arith.constant 0 : i32
      %broadcast_in_dim3A_53 = vector.broadcast %broadcast_in_dim3A_52 : i32 to vector<16xi32>
      tpu.vector_store_idx %arg8[%add3A_49], %broadcast_in_dim3A_53 : memref<2144xi32, #tpu.memory_space<vmem>>[vector<16xi32>], vector<16xi32>,
      %add3A_54 = arith.constant 32 : i32
      %add3A_55 = arith.addi %scan3A_37, %add3A_54 : i32
      %add3A_56 = vector.broadcast %add3A_55 : i32 to vector<16xi32>
      %add3A_57 = arith.addi %add3A_56, %iota3A : vector<16xi32>
      %broadcast_in_dim3A_58 = arith.constant -1 : i32
      %broadcast_in_dim3A_59 = vector.broadcast %broadcast_in_dim3A_58 : i32 to vector<16xi32>
      tpu.vector_store_idx %arg9[%add3A_57], %broadcast_in_dim3A_59 : memref<2144xi32, #tpu.memory_space<vmem>>[vector<16xi32>], vector<16xi32>,
      %broadcast_in_dim3A_60 = arith.constant 0 : i32
      %broadcast_in_dim3A_61 = vector.broadcast %broadcast_in_dim3A_60 : i32 to vector<16xi32>
      tpu.vector_store_idx %arg8[%add3A_57], %broadcast_in_dim3A_61 : memref<2144xi32, #tpu.memory_space<vmem>>[vector<16xi32>], vector<16xi32>,
      %add3A_62 = arith.constant 48 : i32
      %add3A_63 = arith.addi %scan3A_37, %add3A_62 : i32
      %add3A_64 = vector.broadcast %add3A_63 : i32 to vector<16xi32>
      %add3A_65 = arith.addi %add3A_64, %iota3A : vector<16xi32>
      %broadcast_in_dim3A_66 = arith.constant -1 : i32
      %broadcast_in_dim3A_67 = vector.broadcast %broadcast_in_dim3A_66 : i32 to vector<16xi32>
      tpu.vector_store_idx %arg9[%add3A_65], %broadcast_in_dim3A_67 : memref<2144xi32, #tpu.memory_space<vmem>>[vector<16xi32>], vector<16xi32>,
      %broadcast_in_dim3A_68 = arith.constant 0 : i32
      %broadcast_in_dim3A_69 = vector.broadcast %broadcast_in_dim3A_68 : i32 to vector<16xi32>
      tpu.vector_store_idx %arg8[%add3A_65], %broadcast_in_dim3A_69 : memref<2144xi32, #tpu.memory_space<vmem>>[vector<16xi32>], vector<16xi32>,
      %add3A_70 = arith.constant 64 : i32
      %add3A_71 = arith.addi %scan3A_37, %add3A_70 : i32
      %add3A_72 = vector.broadcast %add3A_71 : i32 to vector<16xi32>
      %add3A_73 = arith.addi %add3A_72, %iota3A : vector<16xi32>
      %broadcast_in_dim3A_74 = arith.constant -1 : i32
      %broadcast_in_dim3A_75 = vector.broadcast %broadcast_in_dim3A_74 : i32 to vector<16xi32>
      tpu.vector_store_idx %arg9[%add3A_73], %broadcast_in_dim3A_75 : memref<2144xi32, #tpu.memory_space<vmem>>[vector<16xi32>], vector<16xi32>,
      %broadcast_in_dim3A_76 = arith.constant 0 : i32
      %broadcast_in_dim3A_77 = vector.broadcast %broadcast_in_dim3A_76 : i32 to vector<16xi32>
      tpu.vector_store_idx %arg8[%add3A_73], %broadcast_in_dim3A_77 : memref<2144xi32, #tpu.memory_space<vmem>>[vector<16xi32>], vector<16xi32>,
      %add3A_78 = arith.constant 80 : i32
      %add3A_79 = arith.addi %scan3A_37, %add3A_78 : i32
      %add3A_80 = vector.broadcast %add3A_79 : i32 to vector<16xi32>
      %add3A_81 = arith.addi %add3A_80, %iota3A : vector<16xi32>
      %broadcast_in_dim3A_82 = arith.constant -1 : i32
      %broadcast_in_dim3A_83 = vector.broadcast %broadcast_in_dim3A_82 : i32 to vector<16xi32>
      tpu.vector_store_idx %arg9[%add3A_81], %broadcast_in_dim3A_83 : memref<2144xi32, #tpu.memory_space<vmem>>[vector<16xi32>], vector<16xi32>,
      %broadcast_in_dim3A_84 = arith.constant 0 : i32
      %broadcast_in_dim3A_85 = vector.broadcast %broadcast_in_dim3A_84 : i32 to vector<16xi32>
      tpu.vector_store_idx %arg8[%add3A_81], %broadcast_in_dim3A_85 : memref<2144xi32, #tpu.memory_space<vmem>>[vector<16xi32>], vector<16xi32>,
      %add3A_86 = arith.constant 96 : i32
      %add3A_87 = arith.addi %scan3A_37, %add3A_86 : i32
      %add3A_88 = vector.broadcast %add3A_87 : i32 to vector<16xi32>
      %add3A_89 = arith.addi %add3A_88, %iota3A : vector<16xi32>
      %broadcast_in_dim3A_90 = arith.constant -1 : i32
      %broadcast_in_dim3A_91 = vector.broadcast %broadcast_in_dim3A_90 : i32 to vector<16xi32>
      tpu.vector_store_idx %arg9[%add3A_89], %broadcast_in_dim3A_91 : memref<2144xi32, #tpu.memory_space<vmem>>[vector<16xi32>], vector<16xi32>,
      %broadcast_in_dim3A_92 = arith.constant 0 : i32
      %broadcast_in_dim3A_93 = vector.broadcast %broadcast_in_dim3A_92 : i32 to vector<16xi32>
      tpu.vector_store_idx %arg8[%add3A_89], %broadcast_in_dim3A_93 : memref<2144xi32, #tpu.memory_space<vmem>>[vector<16xi32>], vector<16xi32>,
      %add3A_94 = arith.constant 112 : i32
      %add3A_95 = arith.addi %scan3A_37, %add3A_94 : i32
      %add3A_96 = vector.broadcast %add3A_95 : i32 to vector<16xi32>
      %add3A_97 = arith.addi %add3A_96, %iota3A : vector<16xi32>
      %broadcast_in_dim3A_98 = arith.constant -1 : i32
      %broadcast_in_dim3A_99 = vector.broadcast %broadcast_in_dim3A_98 : i32 to vector<16xi32>
      tpu.vector_store_idx %arg9[%add3A_97], %broadcast_in_dim3A_99 : memref<2144xi32, #tpu.memory_space<vmem>>[vector<16xi32>], vector<16xi32>,
      %broadcast_in_dim3A_100 = arith.constant 0 : i32
      %broadcast_in_dim3A_101 = vector.broadcast %broadcast_in_dim3A_100 : i32 to vector<16xi32>
      tpu.vector_store_idx %arg8[%add3A_97], %broadcast_in_dim3A_101 : memref<2144xi32, #tpu.memory_space<vmem>>[vector<16xi32>], vector<16xi32>,
      %add3A_102 = arith.constant 128 : i32
      %add3A_103 = arith.addi %scan3A_37, %add3A_102 : i32
      %sub3A = arith.constant 1 : i32
      %sub3A_104 = arith.subi %add3A_103, %sub3A : i32
      %jit3A = arith.constant 128 : i32
      %div3A = arith.divsi %sub3A_104, %jit3A : i32
      %sign3A = arith.constant 0 : i32
      %sign3A_105 = arith.cmpi sgt, %sub3A_104, %sign3A : i32
      %sign3A_106 = arith.extui %sign3A_105 : i1 to i32
      %sign3A_107 = arith.constant 0 : i32
      %sign3A_108 = arith.cmpi slt, %sub3A_104, %sign3A_107 : i32
      %sign3A_109 = arith.extui %sign3A_108 : i1 to i32
      %sign3A_110 = arith.subi %sign3A_106, %sign3A_109 : i32
      %sign3A_111 = arith.constant 0 : i32
      %sign3A_112 = arith.cmpi sgt, %jit3A, %sign3A_111 : i32
      %sign3A_113 = arith.extui %sign3A_112 : i1 to i32
      %sign3A_114 = arith.constant 0 : i32
      %sign3A_115 = arith.cmpi slt, %jit3A, %sign3A_114 : i32
      %sign3A_116 = arith.extui %sign3A_115 : i1 to i32
      %sign3A_117 = arith.subi %sign3A_113, %sign3A_116 : i32
      %ne3A = arith.cmpi ne, %sign3A_110, %sign3A_117 : i32
      %rem3A = arith.remsi %sub3A_104, %jit3A : i32
      %ne3A_118 = arith.constant 0 : i32
      %ne3A_119 = arith.cmpi ne, %rem3A, %ne3A_118 : i32
      %and3A = arith.andi %ne3A, %ne3A_119 : i1
      %sub3A_120 = arith.constant 1 : i32
      %sub3A_121 = arith.subi %div3A, %sub3A_120 : i32
      %select_n3A = arith.select %and3A, %sub3A_121, %div3A : i32
      %while3A = arith.constant 0 : i32
      %while3A_122 = arith.constant 0 : i32
      %while3A_123 = arith.subi %select_n3A, %while3A_122 : i32
      %while3A_124 = arith.addi %while3A_122, %while3A_123 : i32
      %while3A_125 = arith.constant 1 : i32
      %while3A_126 = arith.divsi %while3A_123, %while3A_125 : i32
      %while3A_127 = arith.muli %while3A_126, %while3A_125 : i32
      %while3A_128 = arith.addi %while3A_122, %while3A_127 : i32
      %while3A_129 = arith.constant 1 : i32
      scf.for %while3A_131 = %while3A_122 to %while3A_128 step %while3A_129  : i32 {
        %mul3A_132 = arith.constant 128 : i32
        %mul3A_133 = arith.muli %while3A_131, %mul3A_132 : i32
        %dma_start3A = tpu.memref_slice %arg8[%mul3A_133] : memref<2144xi32, #tpu.memory_space<vmem>> -> memref<128xi32, #tpu.memory_space<vmem>>
        %dma_start3A_134 = arith.constant 0 : i32
        %dma_start3A_135 = arith.constant 0 : i32
        %dma_start3A_136 = tpu.memref_slice %arg2[%dma_start3A_134, %dma_start3A_135] : memref<10240x256xf32, #tpu.memory_space<hbm>> -> memref<10240x256xf32, #tpu.memory_space<hbm>>
        tpu.enqueue_indirect_dma source(%dma_start3A_136 : memref<10240x256xf32, #tpu.memory_space<hbm>>) target(%arg10 : memref<128x256xf32, #tpu.memory_space<vmem>>) offsets(%dma_start3A : memref<128xi32, #tpu.memory_space<vmem>>) semaphore(%arg13 : memref<!tpu.dma_semaphore, #tpu.memory_space<semaphore_mem>>)
        %dma_wait3A = tpu.memref_slice %arg8[%mul3A_133] : memref<2144xi32, #tpu.memory_space<vmem>> -> memref<128xi32, #tpu.memory_space<vmem>>
        %dma_wait3A_137 = arith.constant 0 : i32
        %dma_wait3A_138 = arith.constant 0 : i32
        %dma_wait3A_139 = tpu.memref_slice %arg2[%dma_wait3A_137, %dma_wait3A_138] : memref<10240x256xf32, #tpu.memory_space<hbm>> -> memref<10240x256xf32, #tpu.memory_space<hbm>>
        tpu.wait_indirect_dma semaphore(%arg13 : memref<!tpu.dma_semaphore, #tpu.memory_space<semaphore_mem>>) src(%dma_wait3A_139 : memref<10240x256xf32, #tpu.memory_space<hbm>>) dst(%arg10 : memref<128x256xf32, #tpu.memory_space<vmem>>)
        %add3A_140 = arith.constant 0 : i32
        %add3A_141 = arith.addi %mul3A_133, %add3A_140 : i32
        %get3A = arith.index_cast %add3A_141 : i32 to index
        %get3A_142 = tpu.vector_load %arg9[%get3A] {strides = array<i32>} : memref<2144xi32, #tpu.memory_space<vmem>>, vector<16xi32>,
        %swap3A = arith.constant 0 : index
        %swap3A_143 = tpu.vector_load %arg11[%swap3A] {strides = array<i32>} : memref<128xi32, #tpu.memory_space<vmem>>, vector<16xi32>,
        tpu.vector_store %arg11[%swap3A], %get3A_142 {strides = array<i32>} : memref<128xi32, #tpu.memory_space<vmem>>, vector<16xi32>,
        %add3A_144 = arith.constant 16 : i32
        %add3A_145 = arith.addi %mul3A_133, %add3A_144 : i32
        %get3A_146 = arith.index_cast %add3A_145 : i32 to index
        %get3A_147 = tpu.vector_load %arg9[%get3A_146] {strides = array<i32>} : memref<2144xi32, #tpu.memory_space<vmem>>, vector<16xi32>,
        %swap3A_148 = arith.constant 16 : index
        %swap3A_149 = tpu.vector_load %arg11[%swap3A_148] {strides = array<i32>} : memref<128xi32, #tpu.memory_space<vmem>>, vector<16xi32>,
        tpu.vector_store %arg11[%swap3A_148], %get3A_147 {strides = array<i32>} : memref<128xi32, #tpu.memory_space<vmem>>, vector<16xi32>,
        %add3A_150 = arith.constant 32 : i32
        %add3A_151 = arith.addi %mul3A_133, %add3A_150 : i32
        %get3A_152 = arith.index_cast %add3A_151 : i32 to index
        %get3A_153 = tpu.vector_load %arg9[%get3A_152] {strides = array<i32>} : memref<2144xi32, #tpu.memory_space<vmem>>, vector<16xi32>,
        %swap3A_154 = arith.constant 32 : index
        %swap3A_155 = tpu.vector_load %arg11[%swap3A_154] {strides = array<i32>} : memref<128xi32, #tpu.memory_space<vmem>>, vector<16xi32>,
        tpu.vector_store %arg11[%swap3A_154], %get3A_153 {strides = array<i32>} : memref<128xi32, #tpu.memory_space<vmem>>, vector<16xi32>,
        %add3A_156 = arith.constant 48 : i32
        %add3A_157 = arith.addi %mul3A_133, %add3A_156 : i32
        %get3A_158 = arith.index_cast %add3A_157 : i32 to index
        %get3A_159 = tpu.vector_load %arg9[%get3A_158] {strides = array<i32>} : memref<2144xi32, #tpu.memory_space<vmem>>, vector<16xi32>,
        %swap3A_160 = arith.constant 48 : index
        %swap3A_161 = tpu.vector_load %arg11[%swap3A_160] {strides = array<i32>} : memref<128xi32, #tpu.memory_space<vmem>>, vector<16xi32>,
        tpu.vector_store %arg11[%swap3A_160], %get3A_159 {strides = array<i32>} : memref<128xi32, #tpu.memory_space<vmem>>, vector<16xi32>,
        %add3A_162 = arith.constant 64 : i32
        %add3A_163 = arith.addi %mul3A_133, %add3A_162 : i32
        %get3A_164 = arith.index_cast %add3A_163 : i32 to index
        %get3A_165 = tpu.vector_load %arg9[%get3A_164] {strides = array<i32>} : memref<2144xi32, #tpu.memory_space<vmem>>, vector<16xi32>,
        %swap3A_166 = arith.constant 64 : index
        %swap3A_167 = tpu.vector_load %arg11[%swap3A_166] {strides = array<i32>} : memref<128xi32, #tpu.memory_space<vmem>>, vector<16xi32>,
        tpu.vector_store %arg11[%swap3A_166], %get3A_165 {strides = array<i32>} : memref<128xi32, #tpu.memory_space<vmem>>, vector<16xi32>,
        %add3A_168 = arith.constant 80 : i32
        %add3A_169 = arith.addi %mul3A_133, %add3A_168 : i32
        %get3A_170 = arith.index_cast %add3A_169 : i32 to index
        %get3A_171 = tpu.vector_load %arg9[%get3A_170] {strides = array<i32>} : memref<2144xi32, #tpu.memory_space<vmem>>, vector<16xi32>,
        %swap3A_172 = arith.constant 80 : index
        %swap3A_173 = tpu.vector_load %arg11[%swap3A_172] {strides = array<i32>} : memref<128xi32, #tpu.memory_space<vmem>>, vector<16xi32>,
        tpu.vector_store %arg11[%swap3A_172], %get3A_171 {strides = array<i32>} : memref<128xi32, #tpu.memory_space<vmem>>, vector<16xi32>,
        %add3A_174 = arith.constant 96 : i32
        %add3A_175 = arith.addi %mul3A_133, %add3A_174 : i32
        %get3A_176 = arith.index_cast %add3A_175 : i32 to index
        %get3A_177 = tpu.vector_load %arg9[%get3A_176] {strides = array<i32>} : memref<2144xi32, #tpu.memory_space<vmem>>, vector<16xi32>,
        %swap3A_178 = arith.constant 96 : index
        %swap3A_179 = tpu.vector_load %arg11[%swap3A_178] {strides = array<i32>} : memref<128xi32, #tpu.memory_space<vmem>>, vector<16xi32>,
        tpu.vector_store %arg11[%swap3A_178], %get3A_177 {strides = array<i32>} : memref<128xi32, #tpu.memory_space<vmem>>, vector<16xi32>,
        %add3A_180 = arith.constant 112 : i32
        %add3A_181 = arith.addi %mul3A_133, %add3A_180 : i32
        %get3A_182 = arith.index_cast %add3A_181 : i32 to index
        %get3A_183 = tpu.vector_load %arg9[%get3A_182] {strides = array<i32>} : memref<2144xi32, #tpu.memory_space<vmem>>, vector<16xi32>,
        %swap3A_184 = arith.constant 112 : index
        %swap3A_185 = tpu.vector_load %arg11[%swap3A_184] {strides = array<i32>} : memref<128xi32, #tpu.memory_space<vmem>>, vector<16xi32>,
        tpu.vector_store %arg11[%swap3A_184], %get3A_183 {strides = array<i32>} : memref<128xi32, #tpu.memory_space<vmem>>, vector<16xi32>,
        "tpu.region"() ({
          %run_scoped3A = tpu.sem_alloc : memref<!tpu.dma_semaphore, #tpu.memory_space<semaphore_mem>>
          %dma_start3A_186 = arith.constant 0 : i32
          %dma_start3A_187 = arith.constant 0 : i32
          %dma_start3A_188 = tpu.memref_slice %arg12[%dma_start3A_186, %dma_start3A_187] : memref<5128x256xf32, #tpu.memory_space<vmem_shared>> -> memref<5128x256xf32, #tpu.memory_space<vmem_shared>>
          %dma_start3A_189 = arith.constant -1 : i32
          tpu.enqueue_indirect_dma source(%arg10 : memref<128x256xf32, #tpu.memory_space<vmem>>) target(%dma_start3A_188 : memref<5128x256xf32, #tpu.memory_space<vmem_shared>>) offsets(%arg11 : memref<128xi32, #tpu.memory_space<vmem>>) offset_filter(%dma_start3A_189) semaphore(%run_scoped3A : memref<!tpu.dma_semaphore, #tpu.memory_space<semaphore_mem>>) {add = true}
          %dma_wait3A_190 = arith.constant 0 : i32
          %dma_wait3A_191 = arith.constant 0 : i32
          %dma_wait3A_192 = tpu.memref_slice %arg12[%dma_wait3A_190, %dma_wait3A_191] : memref<5128x256xf32, #tpu.memory_space<vmem_shared>> -> memref<5128x256xf32, #tpu.memory_space<vmem_shared>>
          tpu.wait_indirect_dma semaphore(%run_scoped3A : memref<!tpu.dma_semaphore, #tpu.memory_space<semaphore_mem>>) src(%arg10 : memref<128x256xf32, #tpu.memory_space<vmem>>) dst(%dma_wait3A_192 : memref<5128x256xf32, #tpu.memory_space<vmem_shared>>)
          tpu.yield
        }) : () -> ()
      }
      %while3A_130 = arith.constant 1 : i32
      scf.for %while3A_131 = %while3A_128 to %while3A_124 step %while3A_130  : i32 {
        %mul3A_132 = arith.constant 128 : i32
        %mul3A_133 = arith.muli %while3A_131, %mul3A_132 : i32
        %dma_start3A = tpu.memref_slice %arg8[%mul3A_133] : memref<2144xi32, #tpu.memory_space<vmem>> -> memref<128xi32, #tpu.memory_space<vmem>>
        %dma_start3A_134 = arith.constant 0 : i32
        %dma_start3A_135 = arith.constant 0 : i32
        %dma_start3A_136 = tpu.memref_slice %arg2[%dma_start3A_134, %dma_start3A_135] : memref<10240x256xf32, #tpu.memory_space<hbm>> -> memref<10240x256xf32, #tpu.memory_space<hbm>>
        tpu.enqueue_indirect_dma source(%dma_start3A_136 : memref<10240x256xf32, #tpu.memory_space<hbm>>) target(%arg10 : memref<128x256xf32, #tpu.memory_space<vmem>>) offsets(%dma_start3A : memref<128xi32, #tpu.memory_space<vmem>>) semaphore(%arg13 : memref<!tpu.dma_semaphore, #tpu.memory_space<semaphore_mem>>)
        %dma_wait3A = tpu.memref_slice %arg8[%mul3A_133] : memref<2144xi32, #tpu.memory_space<vmem>> -> memref<128xi32, #tpu.memory_space<vmem>>
        %dma_wait3A_137 = arith.constant 0 : i32
        %dma_wait3A_138 = arith.constant 0 : i32
        %dma_wait3A_139 = tpu.memref_slice %arg2[%dma_wait3A_137, %dma_wait3A_138] : memref<10240x256xf32, #tpu.memory_space<hbm>> -> memref<10240x256xf32, #tpu.memory_space<hbm>>
        tpu.wait_indirect_dma semaphore(%arg13 : memref<!tpu.dma_semaphore, #tpu.memory_space<semaphore_mem>>) src(%dma_wait3A_139 : memref<10240x256xf32, #tpu.memory_space<hbm>>) dst(%arg10 : memref<128x256xf32, #tpu.memory_space<vmem>>)
        %add3A_140 = arith.constant 0 : i32
        %add3A_141 = arith.addi %mul3A_133, %add3A_140 : i32
        %get3A = arith.index_cast %add3A_141 : i32 to index
        %get3A_142 = tpu.vector_load %arg9[%get3A] {strides = array<i32>} : memref<2144xi32, #tpu.memory_space<vmem>>, vector<16xi32>,
        %swap3A = arith.constant 0 : index
        %swap3A_143 = tpu.vector_load %arg11[%swap3A] {strides = array<i32>} : memref<128xi32, #tpu.memory_space<vmem>>, vector<16xi32>,
        tpu.vector_store %arg11[%swap3A], %get3A_142 {strides = array<i32>} : memref<128xi32, #tpu.memory_space<vmem>>, vector<16xi32>,
        %add3A_144 = arith.constant 16 : i32
        %add3A_145 = arith.addi %mul3A_133, %add3A_144 : i32
        %get3A_146 = arith.index_cast %add3A_145 : i32 to index
        %get3A_147 = tpu.vector_load %arg9[%get3A_146] {strides = array<i32>} : memref<2144xi32, #tpu.memory_space<vmem>>, vector<16xi32>,
        %swap3A_148 = arith.constant 16 : index
        %swap3A_149 = tpu.vector_load %arg11[%swap3A_148] {strides = array<i32>} : memref<128xi32, #tpu.memory_space<vmem>>, vector<16xi32>,
        tpu.vector_store %arg11[%swap3A_148], %get3A_147 {strides = array<i32>} : memref<128xi32, #tpu.memory_space<vmem>>, vector<16xi32>,
        %add3A_150 = arith.constant 32 : i32
        %add3A_151 = arith.addi %mul3A_133, %add3A_150 : i32
        %get3A_152 = arith.index_cast %add3A_151 : i32 to index
        %get3A_153 = tpu.vector_load %arg9[%get3A_152] {strides = array<i32>} : memref<2144xi32, #tpu.memory_space<vmem>>, vector<16xi32>,
        %swap3A_154 = arith.constant 32 : index
        %swap3A_155 = tpu.vector_load %arg11[%swap3A_154] {strides = array<i32>} : memref<128xi32, #tpu.memory_space<vmem>>, vector<16xi32>,
        tpu.vector_store %arg11[%swap3A_154], %get3A_153 {strides = array<i32>} : memref<128xi32, #tpu.memory_space<vmem>>, vector<16xi32>,
        %add3A_156 = arith.constant 48 : i32
        %add3A_157 = arith.addi %mul3A_133, %add3A_156 : i32
        %get3A_158 = arith.index_cast %add3A_157 : i32 to index
        %get3A_159 = tpu.vector_load %arg9[%get3A_158] {strides = array<i32>} : memref<2144xi32, #tpu.memory_space<vmem>>, vector<16xi32>,
        %swap3A_160 = arith.constant 48 : index
        %swap3A_161 = tpu.vector_load %arg11[%swap3A_160] {strides = array<i32>} : memref<128xi32, #tpu.memory_space<vmem>>, vector<16xi32>,
        tpu.vector_store %arg11[%swap3A_160], %get3A_159 {strides = array<i32>} : memref<128xi32, #tpu.memory_space<vmem>>, vector<16xi32>,
        %add3A_162 = arith.constant 64 : i32
        %add3A_163 = arith.addi %mul3A_133, %add3A_162 : i32
        %get3A_164 = arith.index_cast %add3A_163 : i32 to index
        %get3A_165 = tpu.vector_load %arg9[%get3A_164] {strides = array<i32>} : memref<2144xi32, #tpu.memory_space<vmem>>, vector<16xi32>,
        %swap3A_166 = arith.constant 64 : index
        %swap3A_167 = tpu.vector_load %arg11[%swap3A_166] {strides = array<i32>} : memref<128xi32, #tpu.memory_space<vmem>>, vector<16xi32>,
        tpu.vector_store %arg11[%swap3A_166], %get3A_165 {strides = array<i32>} : memref<128xi32, #tpu.memory_space<vmem>>, vector<16xi32>,
        %add3A_168 = arith.constant 80 : i32
        %add3A_169 = arith.addi %mul3A_133, %add3A_168 : i32
        %get3A_170 = arith.index_cast %add3A_169 : i32 to index
        %get3A_171 = tpu.vector_load %arg9[%get3A_170] {strides = array<i32>} : memref<2144xi32, #tpu.memory_space<vmem>>, vector<16xi32>,
        %swap3A_172 = arith.constant 80 : index
        %swap3A_173 = tpu.vector_load %arg11[%swap3A_172] {strides = array<i32>} : memref<128xi32, #tpu.memory_space<vmem>>, vector<16xi32>,
        tpu.vector_store %arg11[%swap3A_172], %get3A_171 {strides = array<i32>} : memref<128xi32, #tpu.memory_space<vmem>>, vector<16xi32>,
        %add3A_174 = arith.constant 96 : i32
        %add3A_175 = arith.addi %mul3A_133, %add3A_174 : i32
        %get3A_176 = arith.index_cast %add3A_175 : i32 to index
        %get3A_177 = tpu.vector_load %arg9[%get3A_176] {strides = array<i32>} : memref<2144xi32, #tpu.memory_space<vmem>>, vector<16xi32>,
        %swap3A_178 = arith.constant 96 : index
        %swap3A_179 = tpu.vector_load %arg11[%swap3A_178] {strides = array<i32>} : memref<128xi32, #tpu.memory_space<vmem>>, vector<16xi32>,
        tpu.vector_store %arg11[%swap3A_178], %get3A_177 {strides = array<i32>} : memref<128xi32, #tpu.memory_space<vmem>>, vector<16xi32>,
        %add3A_180 = arith.constant 112 : i32
        %add3A_181 = arith.addi %mul3A_133, %add3A_180 : i32
        %get3A_182 = arith.index_cast %add3A_181 : i32 to index
        %get3A_183 = tpu.vector_load %arg9[%get3A_182] {strides = array<i32>} : memref<2144xi32, #tpu.memory_space<vmem>>, vector<16xi32>,
        %swap3A_184 = arith.constant 112 : index
        %swap3A_185 = tpu.vector_load %arg11[%swap3A_184] {strides = array<i32>} : memref<128xi32, #tpu.memory_space<vmem>>, vector<16xi32>,
        tpu.vector_store %arg11[%swap3A_184], %get3A_183 {strides = array<i32>} : memref<128xi32, #tpu.memory_space<vmem>>, vector<16xi32>,
        "tpu.region"() ({
          %run_scoped3A = tpu.sem_alloc : memref<!tpu.dma_semaphore, #tpu.memory_space<semaphore_mem>>
          %dma_start3A_186 = arith.constant 0 : i32
          %dma_start3A_187 = arith.constant 0 : i32
          %dma_start3A_188 = tpu.memref_slice %arg12[%dma_start3A_186, %dma_start3A_187] : memref<5128x256xf32, #tpu.memory_space<vmem_shared>> -> memref<5128x256xf32, #tpu.memory_space<vmem_shared>>
          %dma_start3A_189 = arith.constant -1 : i32
          tpu.enqueue_indirect_dma source(%arg10 : memref<128x256xf32, #tpu.memory_space<vmem>>) target(%dma_start3A_188 : memref<5128x256xf32, #tpu.memory_space<vmem_shared>>) offsets(%arg11 : memref<128xi32, #tpu.memory_space<vmem>>) offset_filter(%dma_start3A_189) semaphore(%run_scoped3A : memref<!tpu.dma_semaphore, #tpu.memory_space<semaphore_mem>>) {add = true}
          %dma_wait3A_190 = arith.constant 0 : i32
          %dma_wait3A_191 = arith.constant 0 : i32
          %dma_wait3A_192 = tpu.memref_slice %arg12[%dma_wait3A_190, %dma_wait3A_191] : memref<5128x256xf32, #tpu.memory_space<vmem_shared>> -> memref<5128x256xf32, #tpu.memory_space<vmem_shared>>
          tpu.wait_indirect_dma semaphore(%run_scoped3A : memref<!tpu.dma_semaphore, #tpu.memory_space<semaphore_mem>>) src(%arg10 : memref<128x256xf32, #tpu.memory_space<vmem>>) dst(%dma_wait3A_192 : memref<5128x256xf32, #tpu.memory_space<vmem_shared>>)
          tpu.yield
        }) : () -> ()
      }
    }
    %scan3A_13 = arith.constant 5 : i32
    %barrier3A_14 = arith.constant 0 : index
    tpu.barrier barrier_id(%barrier3A_14)
    %mul3A_15 = arith.constant 320 : i32
    %mul3A_16 = arith.muli %arg1, %mul3A_15 : i32
    %mul3A_17 = arith.constant 320 : i32
    %mul3A_18 = arith.muli %arg1, %mul3A_17 : i32
    %add3A_19 = arith.addi %mul3A_3, %mul3A_18 : i32
    "tpu.region"() ({
      %run_scoped3A = tpu.sem_alloc : memref<!tpu.dma_semaphore, #tpu.memory_space<semaphore_mem>>
      %dma_start3A = arith.constant 0 : i32
      %dma_start3A_21 = tpu.memref_slice %arg5[%add3A_19, %dma_start3A] : memref<10240x256xf32, #tpu.memory_space<hbm>> -> memref<320x256xf32, #tpu.memory_space<hbm>>
      %dma_start3A_22 = arith.constant 0 : i32
      %dma_start3A_23 = tpu.memref_slice %arg12[%mul3A_16, %dma_start3A_22] : memref<5128x256xf32, #tpu.memory_space<vmem_shared>> -> memref<320x256xf32, #tpu.memory_space<vmem_shared>>
      tpu.enqueue_dma source(%dma_start3A_23 : memref<320x256xf32, #tpu.memory_space<vmem_shared>>) target(%dma_start3A_21 : memref<320x256xf32, #tpu.memory_space<hbm>>) target_semaphore(%run_scoped3A : memref<!tpu.dma_semaphore, #tpu.memory_space<semaphore_mem>>)
      %dma_wait3A = arith.constant 0 : i32
      %dma_wait3A_24 = tpu.memref_slice %arg5[%add3A_19, %dma_wait3A] : memref<10240x256xf32, #tpu.memory_space<hbm>> -> memref<320x256xf32, #tpu.memory_space<hbm>>
      %dma_wait3A_25 = arith.constant 0 : i32
      %dma_wait3A_26 = tpu.memref_slice %arg12[%mul3A_16, %dma_wait3A_25] : memref<5128x256xf32, #tpu.memory_space<vmem_shared>> -> memref<320x256xf32, #tpu.memory_space<vmem_shared>>
      tpu.wait_dma2 semaphore(%run_scoped3A : memref<!tpu.dma_semaphore, #tpu.memory_space<semaphore_mem>>) src(%dma_wait3A_26 : memref<320x256xf32, #tpu.memory_space<vmem_shared>>) dst(%dma_wait3A_24 : memref<320x256xf32, #tpu.memory_space<hbm>>)
      tpu.yield
    }) : () -> ()
    %barrier3A_20 = arith.constant 0 : index
    tpu.barrier barrier_id(%barrier3A_20)
    return
  }
}

module attributes {stable_mosaic.version = 14 : i64} {
  func.func @body(%arg0: memref<10240x1xf32, #tpu.memory_space<vmem>>, %arg1: memref<10240x1xf32, #tpu.memory_space<vmem>>, %arg2: memref<10240x1xf32, #tpu.memory_space<vmem>>) attributes {dimension_semantics = [], scalar_prefetch = 0 : i64, scratch_operands = 0 : i64, tpu.core_type = #tpu.core_type<tc>} {
    %get3A = arith.constant 0 : index
    %get3A_0 = arith.constant 0 : index
    %get3A_1 = vector.load %arg0[%get3A, %get3A_0] : memref<10240x1xf32, #tpu.memory_space<vmem>>, vector<10240x1xf32>
    %get3A_2 = arith.constant 0 : index
    %get3A_3 = arith.constant 0 : index
    %get3A_4 = vector.load %arg1[%get3A_2, %get3A_3] : memref<10240x1xf32, #tpu.memory_space<vmem>>, vector<10240x1xf32>
    %add3A = arith.addf %get3A_1, %get3A_4 : vector<10240x1xf32>
    %add3A_5 = arith.constant 1.000000e+00 : f32
    %add3A_6 = vector.broadcast %add3A_5 : f32 to vector<10240x1xf32>
    %add3A_7 = arith.addf %add3A, %add3A_6 : vector<10240x1xf32>
    %rsqrt3A = math.rsqrt %add3A_7 : vector<10240x1xf32>
    %swap3A = arith.constant 0 : index
    %swap3A_8 = arith.constant 0 : index
    %swap3A_9 = vector.load %arg2[%swap3A, %swap3A_8] : memref<10240x1xf32, #tpu.memory_space<vmem>>, vector<10240x1xf32>
    tpu.vector_store %arg2[%swap3A, %swap3A_8], %rsqrt3A {strides = array<i32>} : memref<10240x1xf32, #tpu.memory_space<vmem>>, vector<10240x1xf32>,
    return
  }
}

module attributes {stable_mosaic.version = 14 : i64} {
  func.func @body(%arg0: i32, %arg1: memref<2048x256xf32, #tpu.memory_space<vmem>>, %arg2: memref<2048x256xf32, #tpu.memory_space<vmem>>, %arg3: memref<256x512xf32, #tpu.memory_space<vmem>>, %arg4: memref<256x512xf32, #tpu.memory_space<vmem>>, %arg5: memref<2048x1xf32, #tpu.memory_space<vmem>>, %arg6: memref<2048x256xf32, #tpu.memory_space<vmem>>, %arg7: memref<2048x256xf32, #tpu.memory_space<vmem>>) attributes {dimension_semantics = [#tpu.dimension_semantics<arbitrary>], iteration_bounds = array<i64: 5>, scalar_prefetch = 0 : i64, scratch_operands = 0 : i64, tpu.core_type = #tpu.core_type<tc>, window_params = [{transform_indices = @transform_0, window_bounds = array<i64: 2048, 256>}, {transform_indices = @transform_1, window_bounds = array<i64: 2048, 256>}, {pipeline_mode = #tpu.pipeline_mode<synchronous>, transform_indices = @transform_2, window_bounds = array<i64: 256, 512>}, {pipeline_mode = #tpu.pipeline_mode<synchronous>, transform_indices = @transform_3, window_bounds = array<i64: 256, 512>}, {transform_indices = @transform_4, window_bounds = array<i64: 2048, 1>}, {transform_indices = @transform_5, window_bounds = array<i64: 2048, 256>}, {transform_indices = @transform_6, window_bounds = array<i64: 2048, 256>}]} {
    %get3A = arith.constant 0 : index
    %get3A_0 = arith.constant 0 : index
    %get3A_1 = vector.load %arg1[%get3A, %get3A_0] : memref<2048x256xf32, #tpu.memory_space<vmem>>, vector<2048x256xf32>
    %get3A_2 = arith.constant 0 : index
    %get3A_3 = arith.constant 0 : index
    %get3A_4 = vector.load %arg3[%get3A_2, %get3A_3] : memref<256x512xf32, #tpu.memory_space<vmem>>, vector<256x512xf32>
    %dot_general3A = arith.constant dense<0.000000e+00> : vector<2048x512xf32>
    %dot_general3A_5 = tpu.matmul %get3A_1, %get3A_4, %dot_general3A {dimension_numbers = #tpu.dot_dimension_numbers<[1], [0], [0], [1], [0, 0, 1, 1], [], []>, transpose_lhs_hint = false} : vector<2048x256xf32>, vector<256x512xf32>, vector<2048x512xf32> -> vector<2048x512xf32>
    %get3A_6 = arith.constant 0 : index
    %get3A_7 = arith.constant 0 : index
    %get3A_8 = vector.load %arg2[%get3A_6, %get3A_7] : memref<2048x256xf32, #tpu.memory_space<vmem>>, vector<2048x256xf32>
    %get3A_9 = arith.constant 0 : index
    %get3A_10 = arith.constant 0 : index
    %get3A_11 = vector.load %arg4[%get3A_9, %get3A_10] : memref<256x512xf32, #tpu.memory_space<vmem>>, vector<256x512xf32>
    %dot_general3A_12 = arith.constant dense<0.000000e+00> : vector<2048x512xf32>
    %dot_general3A_13 = tpu.matmul %get3A_8, %get3A_11, %dot_general3A_12 {dimension_numbers = #tpu.dot_dimension_numbers<[1], [0], [0], [1], [0, 0, 1, 1], [], []>, transpose_lhs_hint = false} : vector<2048x256xf32>, vector<256x512xf32>, vector<2048x512xf32> -> vector<2048x512xf32>
    %add3A = arith.addf %dot_general3A_5, %dot_general3A_13 : vector<2048x512xf32>
    %get3A_14 = arith.constant 0 : index
    %get3A_15 = arith.constant 0 : index
    %get3A_16 = vector.load %arg5[%get3A_14, %get3A_15] : memref<2048x1xf32, #tpu.memory_space<vmem>>, vector<2048x1xf32>
    %mul3A = vector.broadcast %get3A_16 : vector<2048x1xf32> to vector<2048x512xf32>
    %mul3A_17 = arith.mulf %add3A, %mul3A : vector<2048x512xf32>
    %slice3A = vector.extract_strided_slice %mul3A_17 {offsets = [0, 0], sizes = [2048, 256], strides = [1, 1]} : vector<2048x512xf32> to vector<2048x256xf32>
    %swap3A = arith.constant 0 : index
    %swap3A_18 = arith.constant 0 : index
    %swap3A_19 = vector.load %arg6[%swap3A, %swap3A_18] : memref<2048x256xf32, #tpu.memory_space<vmem>>, vector<2048x256xf32>
    tpu.vector_store %arg6[%swap3A, %swap3A_18], %slice3A {strides = array<i32>} : memref<2048x256xf32, #tpu.memory_space<vmem>>, vector<2048x256xf32>,
    %slice3A_20 = vector.extract_strided_slice %mul3A_17 {offsets = [0, 256], sizes = [2048, 256], strides = [1, 1]} : vector<2048x512xf32> to vector<2048x256xf32>
    %swap3A_21 = arith.constant 0 : index
    %swap3A_22 = arith.constant 0 : index
    %swap3A_23 = vector.load %arg7[%swap3A_21, %swap3A_22] : memref<2048x256xf32, #tpu.memory_space<vmem>>, vector<2048x256xf32>
    tpu.vector_store %arg7[%swap3A_21, %swap3A_22], %slice3A_20 {strides = array<i32>} : memref<2048x256xf32, #tpu.memory_space<vmem>>, vector<2048x256xf32>,
    return
  }
  func.func @transform_0(%arg0: i32) -> (i32, i32) {
    %c0_i32 = arith.constant 0 : i32
    %c0_i32_0 = arith.constant 0 : i32
    return %arg0, %c0_i32 : i32, i32
  }
  func.func @transform_1(%arg0: i32) -> (i32, i32) {
    %c0_i32 = arith.constant 0 : i32
    %c0_i32_0 = arith.constant 0 : i32
    return %arg0, %c0_i32 : i32, i32
  }
  func.func @transform_2(%arg0: i32) -> (i32, i32) {
    %c0_i32 = arith.constant 0 : i32
    %c0_i32_0 = arith.constant 0 : i32
    %c0_i32_1 = arith.constant 0 : i32
    return %c0_i32, %c0_i32_0 : i32, i32
  }
  func.func @transform_3(%arg0: i32) -> (i32, i32) {
    %c0_i32 = arith.constant 0 : i32
    %c0_i32_0 = arith.constant 0 : i32
    %c0_i32_1 = arith.constant 0 : i32
    return %c0_i32, %c0_i32_0 : i32, i32
  }
  func.func @transform_4(%arg0: i32) -> (i32, i32) {
    %c0_i32 = arith.constant 0 : i32
    %c0_i32_0 = arith.constant 0 : i32
    return %arg0, %c0_i32 : i32, i32
  }
  func.func @transform_5(%arg0: i32) -> (i32, i32) {
    %c0_i32 = arith.constant 0 : i32
    %c0_i32_0 = arith.constant 0 : i32
    return %arg0, %c0_i32 : i32, i32
  }
  func.func @transform_6(%arg0: i32) -> (i32, i32) {
    %c0_i32 = arith.constant 0 : i32
    %c0_i32_0 = arith.constant 0 : i32
    return %arg0, %c0_i32 : i32, i32
  }
}

module attributes {stable_mosaic.version = 14 : i64} {
  func.func @body(%arg0: i32, %arg1: memref<10240x128xf32, #tpu.memory_space<vmem>>, %arg2: memref<10240x1xf32, #tpu.memory_space<vmem>>, %arg3: memref<1x128xf32, #tpu.memory_space<vmem>>, %arg4: memref<1x128xf32, #tpu.memory_space<vmem>>, %arg5: memref<1x128xf32, #tpu.memory_space<vmem>>, %arg6: memref<10240x128xf32, #tpu.memory_space<vmem>>) attributes {dimension_semantics = [#tpu.dimension_semantics<arbitrary>], iteration_bounds = array<i64: 2>, scalar_prefetch = 0 : i64, scratch_operands = 0 : i64, tpu.core_type = #tpu.core_type<tc>, window_params = [{transform_indices = @transform_0, window_bounds = array<i64: 10240, 128>}, {pipeline_mode = #tpu.pipeline_mode<synchronous>, transform_indices = @transform_1, window_bounds = array<i64: 10240, 1>}, {transform_indices = @transform_2, window_bounds = array<i64: 1, 128>}, {transform_indices = @transform_3, window_bounds = array<i64: 1, 128>}, {transform_indices = @transform_4, window_bounds = array<i64: 1, 128>}, {transform_indices = @transform_5, window_bounds = array<i64: 10240, 128>}]} {
    %get3A = arith.constant 0 : index
    %get3A_0 = arith.constant 0 : index
    %get3A_1 = vector.load %arg1[%get3A, %get3A_0] : memref<10240x128xf32, #tpu.memory_space<vmem>>, vector<10240x128xf32>
    %get3A_2 = arith.constant 0 : index
    %get3A_3 = arith.constant 0 : index
    %get3A_4 = vector.load %arg2[%get3A_2, %get3A_3] : memref<10240x1xf32, #tpu.memory_space<vmem>>, vector<10240x1xf32>
    %mul3A = vector.broadcast %get3A_4 : vector<10240x1xf32> to vector<10240x128xf32>
    %mul3A_5 = arith.mulf %get3A_1, %mul3A : vector<10240x128xf32>
    %get3A_6 = arith.constant 0 : index
    %get3A_7 = arith.constant 0 : index
    %get3A_8 = vector.load %arg3[%get3A_6, %get3A_7] : memref<1x128xf32, #tpu.memory_space<vmem>>, vector<1x128xf32>
    %add3A = vector.broadcast %get3A_8 : vector<1x128xf32> to vector<10240x128xf32>
    %add3A_9 = arith.addf %mul3A_5, %add3A : vector<10240x128xf32>
    %logistic3A = arith.negf %add3A_9 : vector<10240x128xf32>
    %logistic3A_10 = math.exp %logistic3A : vector<10240x128xf32>
    %logistic3A_11 = arith.constant 1.000000e+00 : f32
    %logistic3A_12 = vector.broadcast %logistic3A_11 : f32 to vector<10240x128xf32>
    %logistic3A_13 = arith.addf %logistic3A_12, %logistic3A_10 : vector<10240x128xf32>
    %logistic3A_14 = arith.divf %logistic3A_12, %logistic3A_13 : vector<10240x128xf32>
    %iota3A = tpu.iota {dimensions = array<i32: 0>} : vector<10240x1xi32>
    %lt3A = arith.constant 10000 : i32
    %lt3A_15 = vector.broadcast %lt3A : i32 to vector<10240x1xi32>
    %lt3A_16 = arith.cmpi slt, %iota3A, %lt3A_15 : vector<10240x1xi32>
    %jit3A = arith.constant 0.000000e+00 : f32
    %broadcast_in_dim3A = vector.shape_cast %lt3A_16 : vector<10240x1xi1> to vector<10240x1xi1>
    %broadcast_in_dim3A_17 = vector.broadcast %broadcast_in_dim3A : vector<10240x1xi1> to vector<10240x128xi1>
    %broadcast_in_dim3A_18 = vector.broadcast %jit3A : f32 to vector<10240x128xf32>
    %select_n3A = arith.select %broadcast_in_dim3A_17, %logistic3A_14, %broadcast_in_dim3A_18 : vector<10240x128xi1>, vector<10240x128xf32>
    %reduce_sum3A = arith.constant dense<0.000000e+00> : vector<128xf32>
    %reduce_sum3A_19 = vector.multi_reduction <add>, %select_n3A, %reduce_sum3A [0] : vector<10240x128xf32> to vector<128xf32>
    %broadcast_in_dim3A_20 = vector.shape_cast %reduce_sum3A_19 : vector<128xf32> to vector<1x128xf32>
    %mul3A_21 = arith.constant 9.99999974E-5 : f32
    %mul3A_22 = vector.broadcast %mul3A_21 : f32 to vector<1x128xf32>
    %mul3A_23 = arith.mulf %broadcast_in_dim3A_20, %mul3A_22 : vector<1x128xf32>
    %sub3A = vector.broadcast %mul3A_23 : vector<1x128xf32> to vector<10240x128xf32>
    %sub3A_24 = arith.subf %logistic3A_14, %sub3A : vector<10240x128xf32>
    %jit3A_25 = arith.constant 0.000000e+00 : f32
    %broadcast_in_dim3A_26 = vector.shape_cast %lt3A_16 : vector<10240x1xi1> to vector<10240x1xi1>
    %broadcast_in_dim3A_27 = vector.broadcast %broadcast_in_dim3A_26 : vector<10240x1xi1> to vector<10240x128xi1>
    %broadcast_in_dim3A_28 = vector.broadcast %jit3A_25 : f32 to vector<10240x128xf32>
    %select_n3A_29 = arith.select %broadcast_in_dim3A_27, %sub3A_24, %broadcast_in_dim3A_28 : vector<10240x128xi1>, vector<10240x128xf32>
    %mul3A_30 = arith.mulf %select_n3A_29, %select_n3A_29 : vector<10240x128xf32>
    %reduce_sum3A_31 = arith.constant dense<0.000000e+00> : vector<128xf32>
    %reduce_sum3A_32 = vector.multi_reduction <add>, %mul3A_30, %reduce_sum3A_31 [0] : vector<10240x128xf32> to vector<128xf32>
    %broadcast_in_dim3A_33 = vector.shape_cast %reduce_sum3A_32 : vector<128xf32> to vector<1x128xf32>
    %mul3A_34 = arith.constant 9.99999974E-5 : f32
    %mul3A_35 = vector.broadcast %mul3A_34 : f32 to vector<1x128xf32>
    %mul3A_36 = arith.mulf %broadcast_in_dim3A_33, %mul3A_35 : vector<1x128xf32>
    %sub3A_37 = vector.broadcast %mul3A_23 : vector<1x128xf32> to vector<10240x128xf32>
    %sub3A_38 = arith.subf %logistic3A_14, %sub3A_37 : vector<10240x128xf32>
    %add3A_39 = arith.constant 9.99999974E-5 : f32
    %add3A_40 = vector.broadcast %add3A_39 : f32 to vector<1x128xf32>
    %add3A_41 = arith.addf %mul3A_36, %add3A_40 : vector<1x128xf32>
    %rsqrt3A = math.rsqrt %add3A_41 : vector<1x128xf32>
    %mul3A_42 = vector.broadcast %rsqrt3A : vector<1x128xf32> to vector<10240x128xf32>
    %mul3A_43 = arith.mulf %sub3A_38, %mul3A_42 : vector<10240x128xf32>
    %get3A_44 = arith.constant 0 : index
    %get3A_45 = arith.constant 0 : index
    %get3A_46 = vector.load %arg4[%get3A_44, %get3A_45] : memref<1x128xf32, #tpu.memory_space<vmem>>, vector<1x128xf32>
    %mul3A_47 = vector.broadcast %get3A_46 : vector<1x128xf32> to vector<10240x128xf32>
    %mul3A_48 = arith.mulf %mul3A_43, %mul3A_47 : vector<10240x128xf32>
    %get3A_49 = arith.constant 0 : index
    %get3A_50 = arith.constant 0 : index
    %get3A_51 = vector.load %arg5[%get3A_49, %get3A_50] : memref<1x128xf32, #tpu.memory_space<vmem>>, vector<1x128xf32>
    %add3A_52 = vector.broadcast %get3A_51 : vector<1x128xf32> to vector<10240x128xf32>
    %add3A_53 = arith.addf %mul3A_48, %add3A_52 : vector<10240x128xf32>
    %jit3A_54 = arith.constant 0.000000e+00 : f32
    %broadcast_in_dim3A_55 = vector.shape_cast %lt3A_16 : vector<10240x1xi1> to vector<10240x1xi1>
    %broadcast_in_dim3A_56 = vector.broadcast %broadcast_in_dim3A_55 : vector<10240x1xi1> to vector<10240x128xi1>
    %broadcast_in_dim3A_57 = vector.broadcast %jit3A_54 : f32 to vector<10240x128xf32>
    %select_n3A_58 = arith.select %broadcast_in_dim3A_56, %add3A_53, %broadcast_in_dim3A_57 : vector<10240x128xi1>, vector<10240x128xf32>
    %swap3A = arith.constant 0 : index
    %swap3A_59 = arith.constant 0 : index
    %swap3A_60 = vector.load %arg6[%swap3A, %swap3A_59] : memref<10240x128xf32, #tpu.memory_space<vmem>>, vector<10240x128xf32>
    tpu.vector_store %arg6[%swap3A, %swap3A_59], %select_n3A_58 {strides = array<i32>} : memref<10240x128xf32, #tpu.memory_space<vmem>>, vector<10240x128xf32>,
    return
  }
  func.func @transform_0(%arg0: i32) -> (i32, i32) {
    %c0_i32 = arith.constant 0 : i32
    %c0_i32_0 = arith.constant 0 : i32
    return %c0_i32, %arg0 : i32, i32
  }
  func.func @transform_1(%arg0: i32) -> (i32, i32) {
    %c0_i32 = arith.constant 0 : i32
    %c0_i32_0 = arith.constant 0 : i32
    %c0_i32_1 = arith.constant 0 : i32
    return %c0_i32, %c0_i32_0 : i32, i32
  }
  func.func @transform_2(%arg0: i32) -> (i32, i32) {
    %c0_i32 = arith.constant 0 : i32
    %c0_i32_0 = arith.constant 0 : i32
    return %c0_i32, %arg0 : i32, i32
  }
  func.func @transform_3(%arg0: i32) -> (i32, i32) {
    %c0_i32 = arith.constant 0 : i32
    %c0_i32_0 = arith.constant 0 : i32
    return %c0_i32, %arg0 : i32, i32
  }
  func.func @transform_4(%arg0: i32) -> (i32, i32) {
    %c0_i32 = arith.constant 0 : i32
    %c0_i32_0 = arith.constant 0 : i32
    return %c0_i32, %arg0 : i32, i32
  }
  func.func @transform_5(%arg0: i32) -> (i32, i32) {
    %c0_i32 = arith.constant 0 : i32
    %c0_i32_0 = arith.constant 0 : i32
    return %c0_i32, %arg0 : i32, i32
  }
}

module attributes {stable_mosaic.version = 14 : i64} {
  func.func @body(%arg0: i32, %arg1: memref<2048x256xf32, #tpu.memory_space<vmem>>, %arg2: memref<2048x256xf32, #tpu.memory_space<vmem>>, %arg3: memref<256x256xf32, #tpu.memory_space<vmem>>, %arg4: memref<256x256xf32, #tpu.memory_space<vmem>>, %arg5: memref<2048x1xf32, #tpu.memory_space<vmem>>, %arg6: memref<2048x256xf32, #tpu.memory_space<vmem>>) attributes {dimension_semantics = [#tpu.dimension_semantics<arbitrary>], iteration_bounds = array<i64: 5>, scalar_prefetch = 0 : i64, scratch_operands = 0 : i64, tpu.core_type = #tpu.core_type<tc>, window_params = [{transform_indices = @transform_0, window_bounds = array<i64: 2048, 256>}, {transform_indices = @transform_1, window_bounds = array<i64: 2048, 256>}, {pipeline_mode = #tpu.pipeline_mode<synchronous>, transform_indices = @transform_2, window_bounds = array<i64: 256, 256>}, {pipeline_mode = #tpu.pipeline_mode<synchronous>, transform_indices = @transform_3, window_bounds = array<i64: 256, 256>}, {transform_indices = @transform_4, window_bounds = array<i64: 2048, 1>}, {transform_indices = @transform_5, window_bounds = array<i64: 2048, 256>}]} {
    %get3A = arith.constant 0 : index
    %get3A_0 = arith.constant 0 : index
    %get3A_1 = vector.load %arg1[%get3A, %get3A_0] : memref<2048x256xf32, #tpu.memory_space<vmem>>, vector<2048x256xf32>
    %get3A_2 = arith.constant 0 : index
    %get3A_3 = arith.constant 0 : index
    %get3A_4 = vector.load %arg3[%get3A_2, %get3A_3] : memref<256x256xf32, #tpu.memory_space<vmem>>, vector<256x256xf32>
    %dot_general3A = arith.constant dense<0.000000e+00> : vector<2048x256xf32>
    %dot_general3A_5 = tpu.matmul %get3A_1, %get3A_4, %dot_general3A {dimension_numbers = #tpu.dot_dimension_numbers<[1], [0], [0], [1], [0, 0, 1, 1], [], []>, transpose_lhs_hint = false} : vector<2048x256xf32>, vector<256x256xf32>, vector<2048x256xf32> -> vector<2048x256xf32>
    %get3A_6 = arith.constant 0 : index
    %get3A_7 = arith.constant 0 : index
    %get3A_8 = vector.load %arg2[%get3A_6, %get3A_7] : memref<2048x256xf32, #tpu.memory_space<vmem>>, vector<2048x256xf32>
    %get3A_9 = arith.constant 0 : index
    %get3A_10 = arith.constant 0 : index
    %get3A_11 = vector.load %arg4[%get3A_9, %get3A_10] : memref<256x256xf32, #tpu.memory_space<vmem>>, vector<256x256xf32>
    %dot_general3A_12 = arith.constant dense<0.000000e+00> : vector<2048x256xf32>
    %dot_general3A_13 = tpu.matmul %get3A_8, %get3A_11, %dot_general3A_12 {dimension_numbers = #tpu.dot_dimension_numbers<[1], [0], [0], [1], [0, 0, 1, 1], [], []>, transpose_lhs_hint = false} : vector<2048x256xf32>, vector<256x256xf32>, vector<2048x256xf32> -> vector<2048x256xf32>
    %add3A = arith.addf %dot_general3A_5, %dot_general3A_13 : vector<2048x256xf32>
    %get3A_14 = arith.constant 0 : index
    %get3A_15 = arith.constant 0 : index
    %get3A_16 = vector.load %arg5[%get3A_14, %get3A_15] : memref<2048x1xf32, #tpu.memory_space<vmem>>, vector<2048x1xf32>
    %mul3A = vector.broadcast %get3A_16 : vector<2048x1xf32> to vector<2048x256xf32>
    %mul3A_17 = arith.mulf %add3A, %mul3A : vector<2048x256xf32>
    %swap3A = arith.constant 0 : index
    %swap3A_18 = arith.constant 0 : index
    %swap3A_19 = vector.load %arg6[%swap3A, %swap3A_18] : memref<2048x256xf32, #tpu.memory_space<vmem>>, vector<2048x256xf32>
    tpu.vector_store %arg6[%swap3A, %swap3A_18], %mul3A_17 {strides = array<i32>} : memref<2048x256xf32, #tpu.memory_space<vmem>>, vector<2048x256xf32>,
    return
  }
  func.func @transform_0(%arg0: i32) -> (i32, i32) {
    %c0_i32 = arith.constant 0 : i32
    %c0_i32_0 = arith.constant 0 : i32
    return %arg0, %c0_i32 : i32, i32
  }
  func.func @transform_1(%arg0: i32) -> (i32, i32) {
    %c0_i32 = arith.constant 0 : i32
    %c0_i32_0 = arith.constant 0 : i32
    return %arg0, %c0_i32 : i32, i32
  }
  func.func @transform_2(%arg0: i32) -> (i32, i32) {
    %c0_i32 = arith.constant 0 : i32
    %c0_i32_0 = arith.constant 0 : i32
    %c0_i32_1 = arith.constant 0 : i32
    return %c0_i32, %c0_i32_0 : i32, i32
  }
  func.func @transform_3(%arg0: i32) -> (i32, i32) {
    %c0_i32 = arith.constant 0 : i32
    %c0_i32_0 = arith.constant 0 : i32
    %c0_i32_1 = arith.constant 0 : i32
    return %c0_i32, %c0_i32_0 : i32, i32
  }
  func.func @transform_4(%arg0: i32) -> (i32, i32) {
    %c0_i32 = arith.constant 0 : i32
    %c0_i32_0 = arith.constant 0 : i32
    return %arg0, %c0_i32 : i32, i32
  }
  func.func @transform_5(%arg0: i32) -> (i32, i32) {
    %c0_i32 = arith.constant 0 : i32
    %c0_i32_0 = arith.constant 0 : i32
    return %arg0, %c0_i32 : i32, i32
  }
}

module attributes {stable_mosaic.version = 14 : i64} {
  func.func @body(%arg0: i32, %arg1: memref<10240x128xf32, #tpu.memory_space<vmem>>, %arg2: memref<10240x1xf32, #tpu.memory_space<vmem>>, %arg3: memref<1x128xf32, #tpu.memory_space<vmem>>, %arg4: memref<1x128xf32, #tpu.memory_space<vmem>>, %arg5: memref<1x128xf32, #tpu.memory_space<vmem>>, %arg6: memref<10240x128xf32, #tpu.memory_space<vmem>>) attributes {dimension_semantics = [#tpu.dimension_semantics<arbitrary>], iteration_bounds = array<i64: 2>, scalar_prefetch = 0 : i64, scratch_operands = 0 : i64, tpu.core_type = #tpu.core_type<tc>, window_params = [{transform_indices = @transform_0, window_bounds = array<i64: 10240, 128>}, {pipeline_mode = #tpu.pipeline_mode<synchronous>, transform_indices = @transform_1, window_bounds = array<i64: 10240, 1>}, {transform_indices = @transform_2, window_bounds = array<i64: 1, 128>}, {transform_indices = @transform_3, window_bounds = array<i64: 1, 128>}, {transform_indices = @transform_4, window_bounds = array<i64: 1, 128>}, {transform_indices = @transform_5, window_bounds = array<i64: 10240, 128>}]} {
    %get3A = arith.constant 0 : index
    %get3A_0 = arith.constant 0 : index
    %get3A_1 = vector.load %arg1[%get3A, %get3A_0] : memref<10240x128xf32, #tpu.memory_space<vmem>>, vector<10240x128xf32>
    %get3A_2 = arith.constant 0 : index
    %get3A_3 = arith.constant 0 : index
    %get3A_4 = vector.load %arg2[%get3A_2, %get3A_3] : memref<10240x1xf32, #tpu.memory_space<vmem>>, vector<10240x1xf32>
    %mul3A = vector.broadcast %get3A_4 : vector<10240x1xf32> to vector<10240x128xf32>
    %mul3A_5 = arith.mulf %get3A_1, %mul3A : vector<10240x128xf32>
    %get3A_6 = arith.constant 0 : index
    %get3A_7 = arith.constant 0 : index
    %get3A_8 = vector.load %arg3[%get3A_6, %get3A_7] : memref<1x128xf32, #tpu.memory_space<vmem>>, vector<1x128xf32>
    %add3A = vector.broadcast %get3A_8 : vector<1x128xf32> to vector<10240x128xf32>
    %add3A_9 = arith.addf %mul3A_5, %add3A : vector<10240x128xf32>
    %iota3A = tpu.iota {dimensions = array<i32: 0>} : vector<10240x1xi32>
    %lt3A = arith.constant 10000 : i32
    %lt3A_10 = vector.broadcast %lt3A : i32 to vector<10240x1xi32>
    %lt3A_11 = arith.cmpi slt, %iota3A, %lt3A_10 : vector<10240x1xi32>
    %jit3A = arith.constant 0.000000e+00 : f32
    %broadcast_in_dim3A = vector.shape_cast %lt3A_11 : vector<10240x1xi1> to vector<10240x1xi1>
    %broadcast_in_dim3A_12 = vector.broadcast %broadcast_in_dim3A : vector<10240x1xi1> to vector<10240x128xi1>
    %broadcast_in_dim3A_13 = vector.broadcast %jit3A : f32 to vector<10240x128xf32>
    %select_n3A = arith.select %broadcast_in_dim3A_12, %add3A_9, %broadcast_in_dim3A_13 : vector<10240x128xi1>, vector<10240x128xf32>
    %reduce_sum3A = arith.constant dense<0.000000e+00> : vector<128xf32>
    %reduce_sum3A_14 = vector.multi_reduction <add>, %select_n3A, %reduce_sum3A [0] : vector<10240x128xf32> to vector<128xf32>
    %broadcast_in_dim3A_15 = vector.shape_cast %reduce_sum3A_14 : vector<128xf32> to vector<1x128xf32>
    %mul3A_16 = arith.constant 9.99999974E-5 : f32
    %mul3A_17 = vector.broadcast %mul3A_16 : f32 to vector<1x128xf32>
    %mul3A_18 = arith.mulf %broadcast_in_dim3A_15, %mul3A_17 : vector<1x128xf32>
    %sub3A = vector.broadcast %mul3A_18 : vector<1x128xf32> to vector<10240x128xf32>
    %sub3A_19 = arith.subf %add3A_9, %sub3A : vector<10240x128xf32>
    %jit3A_20 = arith.constant 0.000000e+00 : f32
    %broadcast_in_dim3A_21 = vector.shape_cast %lt3A_11 : vector<10240x1xi1> to vector<10240x1xi1>
    %broadcast_in_dim3A_22 = vector.broadcast %broadcast_in_dim3A_21 : vector<10240x1xi1> to vector<10240x128xi1>
    %broadcast_in_dim3A_23 = vector.broadcast %jit3A_20 : f32 to vector<10240x128xf32>
    %select_n3A_24 = arith.select %broadcast_in_dim3A_22, %sub3A_19, %broadcast_in_dim3A_23 : vector<10240x128xi1>, vector<10240x128xf32>
    %mul3A_25 = arith.mulf %select_n3A_24, %select_n3A_24 : vector<10240x128xf32>
    %reduce_sum3A_26 = arith.constant dense<0.000000e+00> : vector<128xf32>
    %reduce_sum3A_27 = vector.multi_reduction <add>, %mul3A_25, %reduce_sum3A_26 [0] : vector<10240x128xf32> to vector<128xf32>
    %broadcast_in_dim3A_28 = vector.shape_cast %reduce_sum3A_27 : vector<128xf32> to vector<1x128xf32>
    %mul3A_29 = arith.constant 9.99999974E-5 : f32
    %mul3A_30 = vector.broadcast %mul3A_29 : f32 to vector<1x128xf32>
    %mul3A_31 = arith.mulf %broadcast_in_dim3A_28, %mul3A_30 : vector<1x128xf32>
    %sub3A_32 = vector.broadcast %mul3A_18 : vector<1x128xf32> to vector<10240x128xf32>
    %sub3A_33 = arith.subf %add3A_9, %sub3A_32 : vector<10240x128xf32>
    %add3A_34 = arith.constant 9.99999974E-5 : f32
    %add3A_35 = vector.broadcast %add3A_34 : f32 to vector<1x128xf32>
    %add3A_36 = arith.addf %mul3A_31, %add3A_35 : vector<1x128xf32>
    %rsqrt3A = math.rsqrt %add3A_36 : vector<1x128xf32>
    %mul3A_37 = vector.broadcast %rsqrt3A : vector<1x128xf32> to vector<10240x128xf32>
    %mul3A_38 = arith.mulf %sub3A_33, %mul3A_37 : vector<10240x128xf32>
    %get3A_39 = arith.constant 0 : index
    %get3A_40 = arith.constant 0 : index
    %get3A_41 = vector.load %arg4[%get3A_39, %get3A_40] : memref<1x128xf32, #tpu.memory_space<vmem>>, vector<1x128xf32>
    %mul3A_42 = vector.broadcast %get3A_41 : vector<1x128xf32> to vector<10240x128xf32>
    %mul3A_43 = arith.mulf %mul3A_38, %mul3A_42 : vector<10240x128xf32>
    %get3A_44 = arith.constant 0 : index
    %get3A_45 = arith.constant 0 : index
    %get3A_46 = vector.load %arg5[%get3A_44, %get3A_45] : memref<1x128xf32, #tpu.memory_space<vmem>>, vector<1x128xf32>
    %add3A_47 = vector.broadcast %get3A_46 : vector<1x128xf32> to vector<10240x128xf32>
    %add3A_48 = arith.addf %mul3A_43, %add3A_47 : vector<10240x128xf32>
    %jit3A_49 = arith.constant 0.000000e+00 : f32
    %broadcast_in_dim3A_50 = vector.shape_cast %lt3A_11 : vector<10240x1xi1> to vector<10240x1xi1>
    %broadcast_in_dim3A_51 = vector.broadcast %broadcast_in_dim3A_50 : vector<10240x1xi1> to vector<10240x128xi1>
    %broadcast_in_dim3A_52 = vector.broadcast %jit3A_49 : f32 to vector<10240x128xf32>
    %select_n3A_53 = arith.select %broadcast_in_dim3A_51, %add3A_48, %broadcast_in_dim3A_52 : vector<10240x128xi1>, vector<10240x128xf32>
    %swap3A = arith.constant 0 : index
    %swap3A_54 = arith.constant 0 : index
    %swap3A_55 = vector.load %arg6[%swap3A, %swap3A_54] : memref<10240x128xf32, #tpu.memory_space<vmem>>, vector<10240x128xf32>
    tpu.vector_store %arg6[%swap3A, %swap3A_54], %select_n3A_53 {strides = array<i32>} : memref<10240x128xf32, #tpu.memory_space<vmem>>, vector<10240x128xf32>,
    return
  }
  func.func @transform_0(%arg0: i32) -> (i32, i32) {
    %c0_i32 = arith.constant 0 : i32
    %c0_i32_0 = arith.constant 0 : i32
    return %c0_i32, %arg0 : i32, i32
  }
  func.func @transform_1(%arg0: i32) -> (i32, i32) {
    %c0_i32 = arith.constant 0 : i32
    %c0_i32_0 = arith.constant 0 : i32
    %c0_i32_1 = arith.constant 0 : i32
    return %c0_i32, %c0_i32_0 : i32, i32
  }
  func.func @transform_2(%arg0: i32) -> (i32, i32) {
    %c0_i32 = arith.constant 0 : i32
    %c0_i32_0 = arith.constant 0 : i32
    return %c0_i32, %arg0 : i32, i32
  }
  func.func @transform_3(%arg0: i32) -> (i32, i32) {
    %c0_i32 = arith.constant 0 : i32
    %c0_i32_0 = arith.constant 0 : i32
    return %c0_i32, %arg0 : i32, i32
  }
  func.func @transform_4(%arg0: i32) -> (i32, i32) {
    %c0_i32 = arith.constant 0 : i32
    %c0_i32_0 = arith.constant 0 : i32
    return %c0_i32, %arg0 : i32, i32
  }
  func.func @transform_5(%arg0: i32) -> (i32, i32) {
    %c0_i32 = arith.constant 0 : i32
    %c0_i32_0 = arith.constant 0 : i32
    return %c0_i32, %arg0 : i32, i32
  }
}

</mosaic_0001>

<sc_bundles>
// kernel: kernel.17.cloned.1.call-start
scs
__scs_entry_jumppad:
0x0: {  	(pc) =	sbr.rel $0x88, $3  }
0x1: {  	(tag) =	ssettag $0x0;
	lr =	simm.s32 $0x1  }
0x2: {  	[smem:$0x3F93] =	sst lr;
	_ =	strace $0xD0000000  }
0x3: {  	_ = 	snop  }
0x4: {  	_ = 	snop  }
0x5: {  	_ = 	snop  }
0x6: {  	_ = 	snop  }
0x7: {  	_ = 	snop  }
__scs_overlays_trampoline_lowered:
0x8: {  	[smem:$0x3FA2] =	sst s0  }
0x9: {  	[smem:$0x3FA3] =	sst s1  }
0xa: {  	[smem:$0x3FA4] =	sst s2  }
0xb: {  	[smem:$0x3FA5] =	sst s3  }
0xc: {  	[smem:$0x3FA6] =	sst s4  }
0xd: {  	[smem:$0x3FA7] =	sst s5  }
0xe: {  	[smem:$0x3FA8] =	sst s6  }
0xf: {  	[smem:$0x3FA9] =	sst s7  }
0x10: {  	[smem:$0x3FAA] =	sst s8  }
0x11: {  	[smem:$0x3FAB] =	sst s9;
	s0 =	simm.s32 @!p0 $0x0  }
0x12: {  	s1 =	sld [smem:$0x3F91];
	s0 =	simm.s32 @p0 $0x1  }
0x13: {  	[smem:$0x3FAC] =	sst s0;
	s0 =	simm.s32 @!p1 $0x0  }
0x14: {  	s2 =	sld [smem:$0x3F90];
	s0 =	simm.s32 @p1 $0x1  }
0x15: {  	[smem:$0x3FAD] =	sst s0;
	s0 =	simm.s32 @!p2 $0x0  }
0x16: {  	s3 =	sld [smem:$0x3FDB];
	s0 =	simm.s32 @p2 $0x1  }
0x17: {  	s4 =	simm.s32 $0x1BF5;
	[smem:$0x3FAF] =	sst s0  }
0x18: {  	s0 =	sld [smem:$0x3F92];
	_ =	swait.ge [sflag:s4], $0x0  }
0x19: {  	s7 =	sld [smem:$0x3F93]  }
0x1a: {  	s8 =	sadd.s32 $0xFFFFE003, lr  }
0x1b: {  	s9 =	sadd.s32 $0xFFFFFEF7, lr;
	s5 =	simm.s32 $0xFFFFFFFF;
	p2 =	slt.u32 s8, $0xFFFFF086  }
0x1c: {  	p1 =	slt.u32 s9, $0xF7A;
	s5 =	simm.s32 @!p2 $0x0  }
0x1d: {  	s5 =	simm.s32 @p1 $0x1;
	p0 =	seq.s32 s7, s2  }
0x1e: {  	s7 =	smul.u32 @!p0 $0xF7A, s2;
	p2 =	seq.s32 @!p0 s5, $0x0  }
0x1f: {  	s9 =	smul.u32 $0xF7A, s1;
	s8 =	simm.s32 @!p0 $0x1BF5;
	p2 =	por !p2, p0  }
0x20: {  	[sflag:s8] =	ssyncset.s32 @!p0 $0xFFFFF086;
	s6 =	sadd.s32 @!p0 s3, s7;
	s7 =	simm.s32 @!p0 $0x108  }
0x21: {  	s3 =	sadd.s32 s3, s9;
	s6 =	sadd.s32 @!p0 $0x88, s6;
	s7 =	simm.s32 @p2 $0x1082  }
0x22: {  	[simem:s7], [sflag:s8] =	dma.local @!p0 [hbm:s6], $0xF7A  }
0x23: {  	s9 =	sor.u32 $0xD0000000, s2;
	s6 =	simm.s32 $0x108;
	_ =	swait.ge @!p0 [sflag:s8], $0x0  }
0x24: {  	s3 =	sadd.s32 $0x88, s3;
	s6 =	simm.s32 @!p1 $0x1082;
	[sflag:s4] =	ssyncset.s32 $0xFFFFF086  }
0x25: {  	[simem:s6], [sflag:s4] =	dma.local [hbm:s3], $0xF7A  }
0x26: {  	[smem:$0x3F93] =	sst s1;
	(tag) =	ssettag s2;
	_ =	strace s9  }
0x27: {  	s1 =	sld [smem:$0x3FA3]  }
0x28: {  	s2 =	sld [smem:$0x3FA4]  }
0x29: {  	s4 =	sld [smem:$0x3FA6]  }
0x2a: {  	p0 =	seq.s32 s5, $0x0;
	s5 =	sld [smem:$0x3FA7]  }
0x2b: {  	s6 =	sld [smem:$0x3FA8]  }
0x2c: {  	s7 =	sld [smem:$0x3FA9]  }
0x2d: {  	s3 =	simm.s32 $0x108;
	s8 =	sld [smem:$0x3FAA]  }
0x2e: {  	s3 =	simm.s32 @!p0 $0x1082;
	s9 =	sld [smem:$0x3FAB]  }
0x2f: {  	lr =	sadd.s32 s0, s3;
	s0 =	sld [smem:$0x3FA2]  }
0x30: {  	s3 =	sld [smem:$0x3FA5]  }
0x31: {  	[smem:$0x3FAE] =	sst s10  }
0x32: {  	s10 =	sld [smem:$0x3FAC];
	_ =	sdelay $0x3  }
0x33: {  	p0 =	seq.s32 s10, $0x1;
	s10 =	sld [smem:$0x3FAE];
	_ =	sdelay $0x3  }
0x34: {  	[smem:$0x3FAE] =	sst s10  }
0x35: {  	s10 =	sld [smem:$0x3FAD];
	_ =	sdelay $0x3  }
0x36: {  	p1 =	seq.s32 s10, $0x1;
	s10 =	sld [smem:$0x3FAE];
	_ =	sdelay $0x3  }
0x37: {  	[smem:$0x3FAE] =	sst s10  }
0x38: {  	s10 =	sld [smem:$0x3FAF]  }
0x39: {  	_ = 	snop;
	(pc) =	sbr.ind lr, $3  }
0x3a: {  	_ = 	snop  }
0x3b: {  	_ = 	snop  }
0x3c: {  	p2 =	seq.s32 s10, $0x1;
	s10 =	sld [smem:$0x3FAE]  }
0x3d: {  	_ =	shalt  }
0x3e: {  	_ =	shalt  }
0x3f: {  	_ =	shalt  }
0x40: {  	_ =	shalt  }
0x41: {  	_ =	shalt  }
0x42: {  	_ =	shalt  }
0x43: {  	_ =	shalt  }
0x44: {  	_ =	shalt  }
0x45: {  	_ =	shalt  }
0x46: {  	_ =	shalt  }
0x47: {  	_ =	shalt  }
0x48: {  	_ =	shalt  }
0x49: {  	_ =	shalt  }
0x4a: {  	_ =	shalt  }
0x4b: {  	_ =	shalt  }
0x4c: {  	_ =	shalt  }
0x4d: {  	_ =	shalt  }
0x4e: {  	_ =	shalt  }
0x4f: {  	_ =	shalt  }
0x50: {  	_ =	shalt  }
0x51: {  	_ =	shalt  }
0x52: {  	_ =	shalt  }
0x53: {  	_ =	shalt  }
0x54: {  	_ =	shalt  }
0x55: {  	_ =	shalt  }
0x56: {  	_ =	shalt  }
0x57: {  	_ =	shalt  }
0x58: {  	_ =	shalt  }
0x59: {  	_ =	shalt  }
0x5a: {  	_ =	shalt  }
0x5b: {  	_ =	shalt  }
0x5c: {  	_ =	shalt  }
0x5d: {  	_ =	shalt  }
0x5e: {  	_ =	shalt  }
0x5f: {  	_ =	shalt  }
0x60: {  	_ =	shalt  }
0x61: {  	_ =	shalt  }
0x62: {  	_ =	shalt  }
0x63: {  	_ =	shalt  }
0x64: {  	_ =	shalt  }
0x65: {  	_ =	shalt  }
0x66: {  	_ =	shalt  }
0x67: {  	_ =	shalt  }
0x68: {  	_ =	shalt  }
0x69: {  	_ =	shalt  }
0x6a: {  	_ =	shalt  }
0x6b: {  	_ =	shalt  }
0x6c: {  	_ =	shalt  }
0x6d: {  	_ =	shalt  }
0x6e: {  	_ =	shalt  }
0x6f: {  	_ =	shalt  }
0x70: {  	_ =	shalt  }
0x71: {  	_ =	shalt  }
0x72: {  	_ =	shalt  }
0x73: {  	_ =	shalt  }
0x74: {  	_ =	shalt  }
0x75: {  	_ =	shalt  }
0x76: {  	_ =	shalt  }
0x77: {  	_ =	shalt  }
0x78: {  	_ =	shalt  }
0x79: {  	_ =	shalt  }
0x7a: {  	_ =	shalt  }
0x7b: {  	_ =	shalt  }
0x7c: {  	_ =	shalt  }
0x7d: {  	_ =	shalt  }
0x7e: {  	_ =	shalt  }
0x7f: {  	_ =	shalt  }
0x80: {  	_ =	shalt  }
0x81: {  	_ =	shalt  }
0x82: {  	_ =	shalt  }
0x83: {  	_ =	shalt  }
0x84: {  	_ =	shalt  }
0x85: {  	_ =	shalt  }
0x86: {  	_ =	shalt  }
0x87: {  	_ =	shalt  }
.Lfunc_end0:
.L_simem_size_0:
called_computation_lowered:
.L_overlay_start_0:
0x88: {  	s2 =	sld [smem:$0x3FD9]  }
0x89: {  	s3 =	sld [smem:$0x3FFE];
	_ =	sdelay $0x1  }
0x8a: {  	s1 =	srdreg.scid  }
0x8b: {  	s0 =	sand.u32 $0x1, s1  }
0x8c: {  	s16 =	sshll.u32 s0, $0xA;
	s2 =	sadd.s32 s3, s2  }
0x8d: {  	s2 =	sadd.s32 s2, s16  }
0x8e: {  	[smem:$0x3FBA] =	sst s2  }
0x8f: {  	_ = 	snop  }
0x90: {  	(tm) =	ssettm $0x1  }
0x91: {  	s17 =	sld [smem:$0x3FFB];
	_ =	sdelay $0x3  }
0x92: {  	_ =	strace s17  }
0x93: {  	s2 =	sld [smem:$0x3FFC];
	_ =	sdelay $0x3  }
0x94: {  	_ =	strace s2  }
0x95: {  	s2 =	sld [smem:$0x3FFD];
	_ =	sdelay $0x3  }
0x96: {  	_ =	strace s2  }
0x97: {  	_ =	strace $0x8FFFFFFF  }
0x98: {  	s18 =	sld [smem:$0x3FDB];
	_ =	sdelay $0x1  }
0x99: {  	s19 =	simm.s32 $_scs_section_size  }
0x9a: {  	s4 =	simm.s32 $_size__tile_overlayer_lowered;
	s5 =	simm.s32 $_tile_overlayer_lowered  }
0x9b: {  	s22 =	simm.s32 $0x1BFF;
	s21 =	sshll.u32 s5, $0x1;
	s2 =	sadd.s32 s19, s18  }
0x9c: {  	s6 =	simm.s32 $0x0;
	s20 =	sshll.u32 s4, $0x1;
	s4 =	sadd.s32 s21, s2  }
0x9d: {  	[timem:s6], [sflag:s22] =	dma.local [hbm:s4], s20  }
0x9e: {  	_ =	swait.ge [sflag:s22], s20  }
0x9f: {  	s3 =	ssub.s32 $0x0, s20;
	[sflag:s22] =	ssyncset.done $0x0  }
0xa0: {  	[sflag:s22] =	ssyncadd.s32 s3;
	_ =	sdelay $0x1  }
0xa1: {  	s23 =	simm.s32 $0x1B8B  }
0xa2: {  	_ =	swait.ge [sflag:s23], $0x1  }
0xa3: {  	[sflag:s23] =	ssyncset.done $0x0  }
0xa4: {  	s25 =	simm.s32 $0x1B8E;
	s24 =	sld [smem:$0x3FFE];
	[sflag:s23] =	ssyncadd.s32 $0xFFFFFFFF  }
0xa5: {  	s26 =	simm.s32 $execute0_lowered;
	[smem:$0x3FD2] =	sst s25  }
0xa6: {  	s4 =	sshll.u32 s26, $0x1;
	_ =	strace $0x80000046;
	[dreg:$0x1] =	wrdreg $0xFFFFFFFF  }
0xa7: {  	s28 =	simm.s32 $_size_execute0_lowered;
	s2 =	sadd.s32 s2, s4;
	[dreg:$0x0] =	wrdreg $0x0  }
0xa8: {  	s4 =	sshll.u32 s28, $0x1;
	[dreg:$0x2] =	wrdreg s2  }
0xa9: {  	[dreg:$0x3] =	wrdreg s4  }
0xaa: {  	[dreg:$0x4] =	wrdreg $0xC0  }
0xab: {  	_ =	task [dreg:s6], $0x5FFFF  }
0xac: {  	[dreg:$0x1] =	wrdreg $0xFFFFFFFF  }
0xad: {  	[dreg:$0x0] =	wrdreg $0x60  }
0xae: {  	[dreg:$0x2] =	wrdreg s24  }
0xaf: {  	[dreg:$0x3] =	wrdreg $0x29980  }
0xb0: {  	[dreg:$0x4] =	wrdreg $0x9  }
0xb1: {  	_ =	task.clear_ibuf [dreg:s6], $0x5FFFF;
	_ =	strace $0x90000046  }
0xb2: {  	s29 =	simm.s32 $0x9;
	_ =	strace $0x80000048  }
0xb3: {  	_ =	swait.ge [sflag:s29], $0x1  }
0xb4: {  	[sflag:s29] =	ssyncadd.s32 $0xFFFFFFFF  }
0xb5: {  	_ =	strace $0x90000048  }
0xb6: {  	_ =	sfence  }
0xb7: {  	s30 =	sld [smem:$0x0];
	_ =	sdelay $0x2  }
0xb8: {  	s31 =	sshll.u32 s1, $0xD;
	s1 =	sshrl.u32 s1, $0x2  }
0xb9: {  	s3 =	sand.u32 $0x4000, s31;
	s1 =	sadd.s32 s1, s30  }
0xba: {  	s0 =	sor.u32 s3, s0;
	s1 =	sshll.u32 s1, $0x11  }
0xbb: {  	s0 =	sor.u32 s1, s0  }
0xbc: {  	s0 =	sadd.s32 $0x8F2B, s0  }
0xbd: {  	[sflag:s0] =	ssyncadd.remote.s32 $0x1  }
0xbe: {  	_ =	sfence.sel $0xFFFF  }
0xbf: {  	[dreg:$0x0] =	wrdreg $0xFFFFFFFF;
	(pc) =	sbr.abs _section_cstart, $3  }
0xc0: {  	[dreg:$0x1] =	wrdreg $0xFFFFFFFF  }
0xc1: {  	_ =	task.clear_ibuf [dreg:s6], $0x2FFFF;
	_ =	strace $0x9FFFFFFF  }
0xc2: {  	(tm) =	ssettm $0x7FFFFFFF  }
0xc3: {  	_ =	shalt  }
tec
execute0_lowered:
.L_overlay_start_1:
0x0: {  	(tag) =	ssettag $0x1  }
0x1: {  	s1 =	srdreg.scid;
	s4 =	rddreg [dreg:$0x0]  }
0x2: {  	s0 =	stileid.u32;
	s2 =	rddreg [dreg:$0x1];
	s3 =	simm.s32 $0x0  }
0x3: {  	s10 =	simm.s32 $0x1388;
	s5 =	sand.u32 $0x1, s1;
	s1 =	rddreg [dreg:$0x2]  }
0x4: {  	s13 =	simm.s32 $0x0;
	s6 =	smul.u32 $0x280, s0;
	[smem:$0x7FF] =	sst s3  }
0x5: {  	s11 =	sshll.u32 s0, $0x6;
	s7 =	sshll.u32 s5, $0x4;
	s8 =	smul.u32 $0x2800, s5  }
0x6: {  	_ =	strace $0x80000047;
	s5 =	ssub.s32 $0x2, s5;
	s7 =	sor.u32 s0, s7  }
0x7: {  	s31 =	sshrl.u32 s5, $0x1;
	s7 =	smul.u32 $0x271, s7;
	s8 =	sadd.s32 s6, s8  }
0x8: {  	s11 =	sor.u32 $0x1C01, s11;
	s9 =	ssub.s32 s5, s31;
	s8 =	sshrl.u32 s8, $0x3  }
0x9: {  	s5 =	sadd.s32 s6, s2;
	s7 =	sadd.s32 s7, s4;
	s8 =	sadd.s32 s8, s4  }
0xa: {  	s12 =	sshrl.u32 s5, $0x3;
	s4 =	sadd.s32 $0x4800, s7;
	s6 =	sadd.s32 $0x9800, s8  }
0xb: {  	v0 =	vimm.f32 $1.000000000e+00;
	v1 =	vimm.f32 $0.0e+00;
	s7 =	smax.u32 s9, $0x1;
	s8 =	simm.s32 $0x1;
	s9 =	simm.s32 $0x2718  }
.LBB2_1:
0xc: {  	[tilespmem:s3], [sflag:$0x1] =	stream.linear.gather [hbm4b:s4+s3], $0x1388, $0x38;
	[tilespmem:$0x2C18] =	vst v63  }
0xd: {  	_ =	swait.ge [sflag:s8], $0x1388  }
0xe: {  	[sflag:s8] =	ssyncset.done $0x0  }
0xf: {  	s14 =	simm.s32 $0x40;
	s15 =	simm.s32 $0x0;
	[sflag:s8] =	ssyncadd.s32 $0xFFFFEC78  }
.LBB2_2:
0x10: {  	p0 =	sne.s32 s14, $0x4E00;
	[tilespmem:s15+$0x1388] =	vst v0;
	s15 =	smov.u32 s14;
	s14 =	sadd.s32 $0x40, s14  }
.Ltmp0:
0x11: {  	(pc) =	sbr.rel @p0 .LBB2_2-.Ltmp0, $2  }
0x12: {  	_ =	sdelay $0x2  }
0x13: {  	s15 =	sshra.s32 s15, $0x2  }
0x14: {  	[tilespmem:s15+$0x1388] =	vst v0  }
0x15: {  	[tilespmem:$0x2718] =	vst v1  }
0x16: {  	[tilespmem:$0x2728] =	vst v1  }
0x17: {  	[tilespmem:$0x2738] =	vst v1  }
0x18: {  	[tilespmem:$0x2748] =	vst v1  }
0x19: {  	[tilespmem:$0x2758] =	vst v1  }
0x1a: {  	[tilespmem:$0x2768] =	vst v1  }
0x1b: {  	[tilespmem:$0x2778] =	vst v1  }
0x1c: {  	[tilespmem:$0x2788] =	vst v1  }
0x1d: {  	[tilespmem:$0x2798] =	vst v1  }
0x1e: {  	[tilespmem:$0x27A8] =	vst v1  }
0x1f: {  	[tilespmem:$0x27B8] =	vst v1  }
0x20: {  	[tilespmem:$0x27C8] =	vst v1  }
0x21: {  	[tilespmem:$0x27D8] =	vst v1  }
0x22: {  	[tilespmem:$0x27E8] =	vst v1  }
0x23: {  	[tilespmem:$0x27F8] =	vst v1  }
0x24: {  	[tilespmem:$0x2808] =	vst v1  }
0x25: {  	[tilespmem:$0x2818] =	vst v1  }
0x26: {  	[tilespmem:$0x2828] =	vst v1  }
0x27: {  	[tilespmem:$0x2838] =	vst v1  }
0x28: {  	[tilespmem:$0x2848] =	vst v1  }
0x29: {  	[tilespmem:$0x2858] =	vst v1  }
0x2a: {  	[tilespmem:$0x2868] =	vst v1  }
0x2b: {  	[tilespmem:$0x2878] =	vst v1  }
0x2c: {  	[tilespmem:$0x2888] =	vst v1  }
0x2d: {  	[tilespmem:$0x2898] =	vst v1  }
0x2e: {  	[tilespmem:$0x28A8] =	vst v1  }
0x2f: {  	[tilespmem:$0x28B8] =	vst v1  }
0x30: {  	[tilespmem:$0x28C8] =	vst v1  }
0x31: {  	[tilespmem:$0x28D8] =	vst v1  }
0x32: {  	[tilespmem:$0x28E8] =	vst v1  }
0x33: {  	[tilespmem:$0x28F8] =	vst v1  }
0x34: {  	[tilespmem:$0x2908] =	vst v1  }
0x35: {  	[tilespmem:$0x2918] =	vst v1  }
0x36: {  	[tilespmem:$0x2928] =	vst v1  }
0x37: {  	[tilespmem:$0x2938] =	vst v1  }
0x38: {  	[tilespmem:$0x2948] =	vst v1  }
0x39: {  	[tilespmem:$0x2958] =	vst v1  }
0x3a: {  	[tilespmem:$0x2968] =	vst v1  }
0x3b: {  	[tilespmem:$0x2978] =	vst v1  }
0x3c: {  	[tilespmem:$0x2988] =	vst v1  }
0x3d: {  	[spmem:s5] =	stream.linear.scatter [tilespmem:s9], [sflag:$0x1], $0x280, $0x38;
	[tilespmem:$0x2C18] =	vst v63  }
0x3e: {  	_ =	swait.ge [sflag:s8], $0x280  }
0x3f: {  	[sflag:s8] =	ssyncset.done $0x0  }
0x40: {  	[sflag:s8] =	ssyncadd.s32 $0xFFFFFD80  }
0x41: {  	[bflag:$0x0] =	sbarrier.arrive $0xFFFF  }
0x42: {  	[spmem:s2] =	stream.indirect.scatter.add.f32 [tilespmem:s10], [sflag:$0x1], $0x1, s3, s10, $0xb8;
	[tilespmem:$0x2C18] =	vst v63  }
0x43: {  	_ =	swait.ge [sflag:s8], $0x1388  }
0x44: {  	s13 =	sadd.s32 $0x1, s13;
	[sflag:s8] =	ssyncset.done $0x0  }
0x45: {  	p0 =	sne.s32 s13, s7;
	[sflag:s8] =	ssyncadd.s32 $0xFFFFEC78  }
.Ltmp1:
0x46: {  	[bflag:$0x0] =	sbarrier.arrive $0xFFFF;
	(pc) =	sbr.rel @p0 .LBB2_1-.Ltmp1, $4  }
0x47: {  	[hbm:s6], [sflag:s11] =	dma.local [spmem:s12], $0x50  }
0x48: {  	_ =	swait.ge [sflag:s8], $0x50  }
0x49: {  	[sflag:s8] =	ssyncset.done $0x0  }
0x4a: {  	[sflag:s8] =	ssyncadd.s32 $0xFFFFFFB0  }
0x4b: {  	_ =	sfence.sel $0x180000  }
0x4c: {  	[bflag:$0x0] =	sbarrier.arrive $0xFFFF  }
0x4d: {  	p0 =	sne.s32 s0, $0x0;
	_ =	strace $0x90000047  }
0x4e: {  	s0 =	sadd.s32 @!p0 $0x100000, s1;
	[bflag:$0x2] =	sbarrier.arrive $0xFFFF  }
0x4f: {  	[sflag:s0] =	ssyncadd.tile.s32 @!p0 $0x1;
	_ =	shalt  }
.Lfunc_end2:
_tile_overlayer_lowered:
.L_overlay_start_2:
0x50: {  	(tag) =	ssettag $0x2  }
0x51: {  	s0 =	rddreg [dreg:$0x0];
	s2 =	stileid.u32  }
0x52: {  	s1 =	rddreg [dreg:$0x1];
	p0 =	sne.s32 s2, $0x0  }
0x53: {  	s3 =	rddreg [dreg:$0x2];
	[bflag:$0x3] =	sbarrier.arrive $0xFFFF;
	s2 =	simm.s32 @!p0 $0x1C01  }
0x54: {  	[timem:s3], [sflag:s2] =	dma.local @!p0 [hbm:s0], s1  }
0x55: {  	s0 =	simm.s32 @!p0 $0x1  }
0x56: {  	_ =	swait.ge @!p0 [sflag:s0], s1  }
0x57: {  	s1 =	ssub.s32 @!p0 $0x0, s1;
	[sflag:s0] =	ssyncset.done @!p0 $0x0  }
0x58: {  	[sflag:s0] =	ssyncadd.s32 @!p0 s1  }
0x59: {  	[bflag:$0x3] =	sbarrier.arrive $0xFFFF  }
0x5a: {  	_ =	shalt  }

// kernel: kernel.20.cloned.1.call-start
scs
__scs_entry_jumppad:
0x0: {  	(pc) =	sbr.rel $0x88, $3  }
0x1: {  	(tag) =	ssettag $0x0;
	lr =	simm.s32 $0x1  }
0x2: {  	[smem:$0x3F93] =	sst lr;
	_ =	strace $0xD0000000  }
0x3: {  	_ = 	snop  }
0x4: {  	_ = 	snop  }
0x5: {  	_ = 	snop  }
0x6: {  	_ = 	snop  }
0x7: {  	_ = 	snop  }
__scs_overlays_trampoline_lowered:
0x8: {  	[smem:$0x3FA2] =	sst s0  }
0x9: {  	[smem:$0x3FA3] =	sst s1  }
0xa: {  	[smem:$0x3FA4] =	sst s2  }
0xb: {  	[smem:$0x3FA5] =	sst s3  }
0xc: {  	[smem:$0x3FA6] =	sst s4  }
0xd: {  	[smem:$0x3FA7] =	sst s5  }
0xe: {  	[smem:$0x3FA8] =	sst s6  }
0xf: {  	[smem:$0x3FA9] =	sst s7  }
0x10: {  	[smem:$0x3FAA] =	sst s8  }
0x11: {  	[smem:$0x3FAB] =	sst s9;
	s0 =	simm.s32 @!p0 $0x0  }
0x12: {  	s1 =	sld [smem:$0x3F91];
	s0 =	simm.s32 @p0 $0x1  }
0x13: {  	[smem:$0x3FAC] =	sst s0;
	s0 =	simm.s32 @!p1 $0x0  }
0x14: {  	s2 =	sld [smem:$0x3F90];
	s0 =	simm.s32 @p1 $0x1  }
0x15: {  	[smem:$0x3FAD] =	sst s0;
	s0 =	simm.s32 @!p2 $0x0  }
0x16: {  	s3 =	sld [smem:$0x3FDB];
	s0 =	simm.s32 @p2 $0x1  }
0x17: {  	s4 =	simm.s32 $0x1BF5;
	[smem:$0x3FAF] =	sst s0  }
0x18: {  	s0 =	sld [smem:$0x3F92];
	_ =	swait.ge [sflag:s4], $0x0  }
0x19: {  	s7 =	sld [smem:$0x3F93]  }
0x1a: {  	s8 =	sadd.s32 $0xFFFFE003, lr  }
0x1b: {  	s9 =	sadd.s32 $0xFFFFFEF7, lr;
	s5 =	simm.s32 $0xFFFFFFFF;
	p2 =	slt.u32 s8, $0xFFFFF086  }
0x1c: {  	p1 =	slt.u32 s9, $0xF7A;
	s5 =	simm.s32 @!p2 $0x0  }
0x1d: {  	s5 =	simm.s32 @p1 $0x1;
	p0 =	seq.s32 s7, s2  }
0x1e: {  	s7 =	smul.u32 @!p0 $0xF7A, s2;
	p2 =	seq.s32 @!p0 s5, $0x0  }
0x1f: {  	s9 =	smul.u32 $0xF7A, s1;
	s8 =	simm.s32 @!p0 $0x1BF5;
	p2 =	por !p2, p0  }
0x20: {  	[sflag:s8] =	ssyncset.s32 @!p0 $0xFFFFF086;
	s6 =	sadd.s32 @!p0 s3, s7;
	s7 =	simm.s32 @!p0 $0x108  }
0x21: {  	s3 =	sadd.s32 s3, s9;
	s6 =	sadd.s32 @!p0 $0x88, s6;
	s7 =	simm.s32 @p2 $0x1082  }
0x22: {  	[simem:s7], [sflag:s8] =	dma.local @!p0 [hbm:s6], $0xF7A  }
0x23: {  	s9 =	sor.u32 $0xD0000000, s2;
	s6 =	simm.s32 $0x108;
	_ =	swait.ge @!p0 [sflag:s8], $0x0  }
0x24: {  	s3 =	sadd.s32 $0x88, s3;
	s6 =	simm.s32 @!p1 $0x1082;
	[sflag:s4] =	ssyncset.s32 $0xFFFFF086  }
0x25: {  	[simem:s6], [sflag:s4] =	dma.local [hbm:s3], $0xF7A  }
0x26: {  	[smem:$0x3F93] =	sst s1;
	(tag) =	ssettag s2;
	_ =	strace s9  }
0x27: {  	s1 =	sld [smem:$0x3FA3]  }
0x28: {  	s2 =	sld [smem:$0x3FA4]  }
0x29: {  	s4 =	sld [smem:$0x3FA6]  }
0x2a: {  	p0 =	seq.s32 s5, $0x0;
	s5 =	sld [smem:$0x3FA7]  }
0x2b: {  	s6 =	sld [smem:$0x3FA8]  }
0x2c: {  	s7 =	sld [smem:$0x3FA9]  }
0x2d: {  	s3 =	simm.s32 $0x108;
	s8 =	sld [smem:$0x3FAA]  }
0x2e: {  	s3 =	simm.s32 @!p0 $0x1082;
	s9 =	sld [smem:$0x3FAB]  }
0x2f: {  	lr =	sadd.s32 s0, s3;
	s0 =	sld [smem:$0x3FA2]  }
0x30: {  	s3 =	sld [smem:$0x3FA5]  }
0x31: {  	[smem:$0x3FAE] =	sst s10  }
0x32: {  	s10 =	sld [smem:$0x3FAC];
	_ =	sdelay $0x3  }
0x33: {  	p0 =	seq.s32 s10, $0x1;
	s10 =	sld [smem:$0x3FAE];
	_ =	sdelay $0x3  }
0x34: {  	[smem:$0x3FAE] =	sst s10  }
0x35: {  	s10 =	sld [smem:$0x3FAD];
	_ =	sdelay $0x3  }
0x36: {  	p1 =	seq.s32 s10, $0x1;
	s10 =	sld [smem:$0x3FAE];
	_ =	sdelay $0x3  }
0x37: {  	[smem:$0x3FAE] =	sst s10  }
0x38: {  	s10 =	sld [smem:$0x3FAF]  }
0x39: {  	_ = 	snop;
	(pc) =	sbr.ind lr, $3  }
0x3a: {  	_ = 	snop  }
0x3b: {  	_ = 	snop  }
0x3c: {  	p2 =	seq.s32 s10, $0x1;
	s10 =	sld [smem:$0x3FAE]  }
0x3d: {  	_ =	shalt  }
0x3e: {  	_ =	shalt  }
0x3f: {  	_ =	shalt  }
0x40: {  	_ =	shalt  }
0x41: {  	_ =	shalt  }
0x42: {  	_ =	shalt  }
0x43: {  	_ =	shalt  }
0x44: {  	_ =	shalt  }
0x45: {  	_ =	shalt  }
0x46: {  	_ =	shalt  }
0x47: {  	_ =	shalt  }
0x48: {  	_ =	shalt  }
0x49: {  	_ =	shalt  }
0x4a: {  	_ =	shalt  }
0x4b: {  	_ =	shalt  }
0x4c: {  	_ =	shalt  }
0x4d: {  	_ =	shalt  }
0x4e: {  	_ =	shalt  }
0x4f: {  	_ =	shalt  }
0x50: {  	_ =	shalt  }
0x51: {  	_ =	shalt  }
0x52: {  	_ =	shalt  }
0x53: {  	_ =	shalt  }
0x54: {  	_ =	shalt  }
0x55: {  	_ =	shalt  }
0x56: {  	_ =	shalt  }
0x57: {  	_ =	shalt  }
0x58: {  	_ =	shalt  }
0x59: {  	_ =	shalt  }
0x5a: {  	_ =	shalt  }
0x5b: {  	_ =	shalt  }
0x5c: {  	_ =	shalt  }
0x5d: {  	_ =	shalt  }
0x5e: {  	_ =	shalt  }
0x5f: {  	_ =	shalt  }
0x60: {  	_ =	shalt  }
0x61: {  	_ =	shalt  }
0x62: {  	_ =	shalt  }
0x63: {  	_ =	shalt  }
0x64: {  	_ =	shalt  }
0x65: {  	_ =	shalt  }
0x66: {  	_ =	shalt  }
0x67: {  	_ =	shalt  }
0x68: {  	_ =	shalt  }
0x69: {  	_ =	shalt  }
0x6a: {  	_ =	shalt  }
0x6b: {  	_ =	shalt  }
0x6c: {  	_ =	shalt  }
0x6d: {  	_ =	shalt  }
0x6e: {  	_ =	shalt  }
0x6f: {  	_ =	shalt  }
0x70: {  	_ =	shalt  }
0x71: {  	_ =	shalt  }
0x72: {  	_ =	shalt  }
0x73: {  	_ =	shalt  }
0x74: {  	_ =	shalt  }
0x75: {  	_ =	shalt  }
0x76: {  	_ =	shalt  }
0x77: {  	_ =	shalt  }
0x78: {  	_ =	shalt  }
0x79: {  	_ =	shalt  }
0x7a: {  	_ =	shalt  }
0x7b: {  	_ =	shalt  }
0x7c: {  	_ =	shalt  }
0x7d: {  	_ =	shalt  }
0x7e: {  	_ =	shalt  }
0x7f: {  	_ =	shalt  }
0x80: {  	_ =	shalt  }
0x81: {  	_ =	shalt  }
0x82: {  	_ =	shalt  }
0x83: {  	_ =	shalt  }
0x84: {  	_ =	shalt  }
0x85: {  	_ =	shalt  }
0x86: {  	_ =	shalt  }
0x87: {  	_ =	shalt  }
.Lfunc_end0:
.L_simem_size_0:
called_computation.1_lowered:
.L_overlay_start_0:
0x88: {  	s2 =	sld [smem:$0x3FD9]  }
0x89: {  	s3 =	sld [smem:$0x3FFE];
	_ =	sdelay $0x1  }
0x8a: {  	s1 =	srdreg.scid  }
0x8b: {  	s0 =	sand.u32 $0x1, s1  }
0x8c: {  	s17 =	sshll.u32 s0, $0xA;
	s2 =	sadd.s32 s3, s2  }
0x8d: {  	s2 =	sadd.s32 s2, s17  }
0x8e: {  	[smem:$0x3FBA] =	sst s2  }
0x8f: {  	_ = 	snop  }
0x90: {  	s18 =	sld [smem:$0x3FD0];
	(tm) =	ssettm $0x1  }
0x91: {  	s19 =	sld [smem:$0x3FFB];
	_ =	sdelay $0x3  }
0x92: {  	_ =	strace s19  }
0x93: {  	s2 =	sld [smem:$0x3FFC];
	_ =	sdelay $0x3  }
0x94: {  	_ =	strace s2  }
0x95: {  	s2 =	sld [smem:$0x3FFD];
	_ =	sdelay $0x3  }
0x96: {  	_ =	strace s2  }
0x97: {  	_ =	strace $0x8FFFFFFF  }
0x98: {  	s20 =	sld [smem:$0x3FDB];
	_ =	sdelay $0x1  }
0x99: {  	s4 =	simm.s32 $_scs_section_size  }
0x9a: {  	s5 =	simm.s32 $_size__tile_overlayer_lowered;
	s6 =	simm.s32 $_tile_overlayer_lowered  }
0x9b: {  	s7 =	simm.s32 $0x1BFF;
	s21 =	sshll.u32 s6, $0x1;
	s4 =	sadd.s32 s4, s20  }
0x9c: {  	s22 =	simm.s32 $0x0;
	s5 =	sshll.u32 s5, $0x1;
	s6 =	sadd.s32 s21, s4  }
0x9d: {  	[timem:s22], [sflag:s7] =	dma.local [hbm:s6], s5  }
0x9e: {  	_ =	swait.ge [sflag:s7], s5  }
0x9f: {  	s5 =	ssub.s32 $0x0, s5;
	[sflag:s7] =	ssyncset.done $0x0  }
0xa0: {  	[sflag:s7] =	ssyncadd.s32 s5;
	_ =	sdelay $0x1  }
0xa1: {  	s23 =	simm.s32 $0x1B8B  }
0xa2: {  	_ =	swait.ge [sflag:s23], $0x1  }
0xa3: {  	[sflag:s23] =	ssyncset.done $0x0  }
0xa4: {  	[sflag:s23] =	ssyncadd.s32 $0xFFFFFFFF  }
0xa5: {  	s5 =	sld [smem:$0x0]  }
0xa6: {  	s6 =	sand.u32 $0xFFFFFFFE, s1  }
0xa7: {  	p0 =	sne.s32 s1, s6  }
0xa8: {  	s6 =	sshll.u32 @p0 s6, $0xE  }
0xa9: {  	s6 =	sadd.s32 @p0 $0x11B8D, s6;
	s7 =	sshll.u32 @p0 s5, $0x11  }
0xaa: {  	s6 =	sor.u32 @p0 s7, s6  }
0xab: {  	[sflag:s6] =	ssyncadd.remote.s32 @p0 $0x1;
	_ =	sdelay $0x1  }
0xac: {  	s6 =	simm.s32 @p0 $0x1B8D  }
0xad: {  	_ =	swait.eq @p0 [sflag:s6], $0x1  }
0xae: {  	[sflag:s6] =	ssyncadd.s32 @p0 $0xFFFFFFFF  }
0xaf: {  	s7 =	sshll.u32 @!p0 s1, $0xE  }
0xb0: {  	s7 =	sor.u32 @!p0 $0x4000, s7;
	s6 =	simm.s32 @!p0 $0x1B8D  }
0xb1: {  	s5 =	sshll.u32 @!p0 s5, $0x11;
	s7 =	sadd.s32 @!p0 $0x11B8D, s7;
	_ =	swait.eq @!p0 [sflag:s6], $0x1  }
0xb2: {  	s5 =	sor.u32 @!p0 s5, s7;
	[sflag:s6] =	ssyncadd.s32 @!p0 $0xFFFFFFFF  }
0xb3: {  	s25 =	simm.s32 $0x1B8E;
	s24 =	sld [smem:$0x3FFE];
	[sflag:s5] =	ssyncadd.remote.s32 @!p0 $0x1  }
0xb4: {  	s26 =	simm.s32 $execute0_lowered;
	[smem:$0x3FD2] =	sst s25  }
0xb5: {  	s6 =	sshll.u32 s26, $0x1;
	_ =	strace $0x8000004C;
	[dreg:$0x1] =	wrdreg $0xFFFFFFFF  }
0xb6: {  	s28 =	simm.s32 $_size_execute0_lowered;
	s4 =	sadd.s32 s4, s6;
	[dreg:$0x0] =	wrdreg $0x0  }
0xb7: {  	s6 =	sshll.u32 s28, $0x1;
	[dreg:$0x2] =	wrdreg s4  }
0xb8: {  	[dreg:$0x3] =	wrdreg s6  }
0xb9: {  	[dreg:$0x4] =	wrdreg $0xC0  }
0xba: {  	_ =	task [dreg:s22], $0x5FFFF  }
0xbb: {  	[dreg:$0x1] =	wrdreg $0xFFFFFFFF  }
0xbc: {  	[dreg:$0x0] =	wrdreg $0x60  }
0xbd: {  	[dreg:$0x2] =	wrdreg s24  }
0xbe: {  	[dreg:$0x3] =	wrdreg s18  }
0xbf: {  	[dreg:$0x4] =	wrdreg $0xA0E00  }
0xc0: {  	[dreg:$0x5] =	wrdreg $0x9  }
0xc1: {  	_ =	task.clear_ibuf [dreg:s22], $0x6FFFF;
	_ =	strace $0x9000004C  }
0xc2: {  	s29 =	simm.s32 $0x9;
	_ =	strace $0x8000004E  }
0xc3: {  	_ =	swait.ge [sflag:s29], $0x1  }
0xc4: {  	[sflag:s29] =	ssyncadd.s32 $0xFFFFFFFF  }
0xc5: {  	_ =	strace $0x9000004E  }
0xc6: {  	_ =	sfence  }
0xc7: {  	s30 =	sld [smem:$0x0];
	_ =	sdelay $0x2  }
0xc8: {  	s31 =	sshll.u32 s1, $0xD;
	s1 =	sshrl.u32 s1, $0x2  }
0xc9: {  	s4 =	sand.u32 $0x4000, s31;
	s1 =	sadd.s32 s1, s30  }
0xca: {  	s0 =	sor.u32 s4, s0;
	s1 =	sshll.u32 s1, $0x11  }
0xcb: {  	s0 =	sor.u32 s1, s0  }
0xcc: {  	s0 =	sadd.s32 $0x8F2B, s0  }
0xcd: {  	[sflag:s0] =	ssyncadd.remote.s32 $0x1  }
0xce: {  	_ =	sfence.sel $0xFFFF  }
0xcf: {  	[dreg:$0x0] =	wrdreg $0xFFFFFFFF;
	(pc) =	sbr.abs _section_cstart, $3  }
0xd0: {  	[dreg:$0x1] =	wrdreg $0xFFFFFFFF  }
0xd1: {  	_ =	task.clear_ibuf [dreg:s22], $0x2FFFF;
	_ =	strace $0x9FFFFFFF  }
0xd2: {  	(tm) =	ssettm $0x7FFFFFFF  }
0xd3: {  	_ =	shalt  }
tec
execute0_lowered:
.L_overlay_start_1:
0x0: {  	(tag) =	ssettag $0x1  }
0x1: {  	s7 =	rddreg [dreg:$0x0]  }
0x2: {  	s2 =	rddreg [dreg:$0x1];
	s0 =	srdreg.scid  }
0x3: {  	s3 =	rddreg [dreg:$0x2];
	s1 =	stileid.u32;
	s4 =	simm.s32 $0x0  }
0x4: {  	s16 =	simm.s32 $0x1;
	s17 =	simm.s32 $0x80;
	s18 =	simm.s32 $0x2060  }
0x5: {  	s6 =	sand.u32 $0x1, s0;
	s0 =	rddreg [dreg:$0x3];
	s8 =	smul.u32 $0x140, s1  }
0x6: {  	s19 =	simm.s32 $0xA060;
	[smem:$0x7FF] =	sst s4;
	s10 =	smul.u32 $0x50000, s1  }
0x7: {  	s5 =	sadd.s32 $0xA9800, s7;
	s31 =	sshll.u32 s1, $0x6;
	s14 =	smul.u32 $0x1400, s6  }
0x8: {  	_ =	strace $0x8000004D;
	s9 =	ssub.s32 $0x2, s6;
	s6 =	sadd.s32 $0x4800, s7  }
0x9: {  	s29 =	sshrl.u32 s9, $0x1;
	s30 =	sshrl.u32 s10, $0x2;
	s8 =	sadd.s32 s8, s14  }
.Ltmp0:
0xa: {  	s12 =	ssub.s32 s9, s29;
	s13 =	sadd.s32 s30, s3;
	(pc) =	sbr.rel .LBB2_1-.Ltmp0, $4  }
0xb: {  	s9 =	smul.u32 $0x2710, s1;
	s15 =	sadd.s32 $0x1400, s14;
	s8 =	sshll.u32 s8, $0x5  }
0xc: {  	v0 =	vmov s14;
	s14 =	simm.s32 $0x7D0;
	v1 =	vmov s15;
	s15 =	simm.s32 $0x1800;
	s11 =	sadd.s32 s8, s7  }
0xd: {  	s7 =	sadd.s32 s5, s8;
	s8 =	sor.u32 $0x1C02, s31;
	s10 =	sadd.s32 $0xF9800, s11  }
0xe: {  	v2 =	vimm.s32 $0x0;
	v3 =	vlaneseq.u32;
	v4 =	vimm.s32 $0xFFFFFFFF;
	s11 =	smax.u32 s12, $0x1;
	s12 =	sshrl.u32 s13, $0x3;
	s13 =	simm.s32 $0x2  }
.LBB2_9:
0xf: {  	[bflag:$0x0] =	sbarrier.arrive $0xFFFF;
	s4 =	sadd.s32 $0x1, s4  }
0x10: {  	[hbm:s10], [sflag:s8] =	dma.local [spmem:s12], $0x2800  }
0x11: {  	p0 =	sne.s32 s4, s11  }
.Ltmp1:
0x12: {  	_ =	swait.ge [sflag:s13], $0x2800;
	(pc) =	sbr.rel @!p0 .LBB2_10-.Ltmp1, $3  }
0x13: {  	[sflag:s13] =	ssyncset.done $0x0  }
0x14: {  	[sflag:s13] =	ssyncadd.s32 $0xFFFFD800  }
0x15: {  	[bflag:$0x0] =	sbarrier.arrive $0xFFFF;
	_ =	sdelay $0x1  }
.LBB2_1:
0x16: {  	[spmem:s12], [sflag:s8] =	dma.local [hbm:s7], $0x2800  }
.Ltmp2:
0x17: {  	_ =	swait.ge [sflag:s13], $0x2800;
	(pc) =	sbr.rel .LBB2_2-.Ltmp2, $4  }
0x18: {  	[sflag:s13] =	ssyncset.done $0x0  }
0x19: {  	[sflag:s13] =	ssyncadd.s32 $0xFFFFD800  }
0x1a: {  	[bflag:$0x0] =	sbarrier.arrive $0xFFFF  }
0x1b: {  	s20 =	simm.s32 $0x0  }
.LBB2_7:
0x1c: {  	[sflag:s13] =	ssyncadd.s32 $0xFFFF8000  }
.LBB2_8:
0x1d: {  	s20 =	sadd.s32 $0x1, s20  }
0x1e: {  	p0 =	sne.s32 s20, $0x5  }
.Ltmp3:
0x1f: {  	_ = 	snop;
	(pc) =	sbr.rel @!p0 .LBB2_9-.Ltmp3, $1  }
0x20: {  	_ =	sdelay $0x3  }
.LBB2_2:
0x21: {  	s21 =	smul.u32 $0x7D0, s20;
	_ =	sdelay $0x1  }
0x22: {  	s21 =	sadd.s32 s9, s21  }
0x23: {  	s22 =	sshrl.u32 s21, $0x3  }
0x24: {  	s21 =	simm.s32 $0x0;
	s23 =	sadd.s32 s2, s22  }
0x25: {  	[tilespmem:s21], [sflag:$0x2] =	stream.linear.gather [hbm4b:s23+s21], $0x7D0, $0x38;
	[tilespmem:$0x1E160] =	vst v63  }
0x26: {  	_ =	swait.ge [sflag:s13], $0x7D0  }
0x27: {  	[sflag:s13] =	ssyncset.done $0x0  }
0x28: {  	s22 =	sadd.s32 s6, s22;
	[sflag:s13] =	ssyncadd.s32 $0xFFFFF830  }
0x29: {  	[tilespmem:s14], [sflag:$0x2] =	stream.linear.gather [hbm4b:s22+s21], $0x7D0, $0x38;
	[tilespmem:$0x1E160] =	vst v63  }
0x2a: {  	_ =	swait.ge [sflag:s13], $0x7D0  }
0x2b: {  	[sflag:s13] =	ssyncset.done $0x0  }
0x2c: {  	s31 =	simm.s32 $0x0;
	[sflag:s13] =	ssyncadd.s32 $0xFFFFF830  }
0x2d: {  	v5 =	vld [tilespmem:s31+$0x7D0];
	_ =	sdelay $0x4  }
0x2e: {  	vm0 =	vge.s32 v5, v0;
	vm1 =	vlt.s32 v5, v1  }
0x2f: {  	vm0 =	vmand vm0, vm1  }
0x30: {  	v6 =	vsel vm0, $0x1, v2  }
0x31: {  	(xrf0) =	vadd.scan.msk.s32 $0xffff, v6;
	_ =	sdelay $0x1  }
0x32: {  	v6 =	vld [tilespmem:s31+$0x0];
	_ =	sdelay $0x3  }
0x33: {  	v7, _, _ =	vpop (xrf0)  }
0x34: {  	v5 =	vsub.s32 v5, v0;
	[tilespmem:s21+$0xFA0] =	vst.msk vm0, v6;
	(v2sf) =	vpush v7, $0xF  }
0x35: {  	s23 =	simm.s32 $0x10;
	s22 =	simm.s32 $0x80;
	[tilespmem:s21+$0x1800] =	vst.msk vm0, v5  }
.LBB2_3:
0x36: {  	p0 =	sne.s32 s22, $0x1F00;
	v5 =	vld [tilespmem:s23+$0x7D0];
	_ =	sdelay $0x4  }
0x37: {  	vm0 =	vge.s32 v5, v0;
	vm1 =	vlt.s32 v5, v1;
	v5 =	vsub.s32 v5, v0  }
0x38: {  	vm0 =	vmand vm0, vm1  }
0x39: {  	v6 =	vsel vm0, $0x1, v2  }
0x3a: {  	(xrf0) =	vadd.scan.msk.s32 $0xffff, v6;
	_ =	sdelay $0x1  }
0x3b: {  	v6 =	vld [tilespmem:s23+$0x0];
	_ =	sdelay $0x1  }
.Ltmp4:
0x3c: {  	(pc) =	sbr.rel @p0 .LBB2_3-.Ltmp4, $4  }
0x3d: {  	s23 =	spop (v2sf)  }
0x3e: {  	v7, _, _ =	vpop (xrf0);
	s21 =	sadd.s32 s21, s23  }
0x3f: {  	[tilespmem:s21+$0xFA0] =	vst.msk vm0, v6;
	(v2sf) =	vpush v7, $0xF  }
0x40: {  	s23 =	sshra.s32 s22, $0x2;
	s22 =	sadd.s32 $0x40, s22;
	[tilespmem:s21+$0x1800] =	vst.msk vm0, v5  }
0x41: {  	v5 =	vld [tilespmem:s23+$0x7D0];
	_ =	sdelay $0x4  }
0x42: {  	vm0 =	vge.s32 v5, v0;
	vm1 =	vlt.s32 v5, v1  }
0x43: {  	vm0 =	vmand vm0, vm1  }
0x44: {  	v6 =	vsel vm0, $0x1, v2  }
0x45: {  	(xrf0) =	vadd.scan.msk.s32 $0xffff, v6;
	_ =	sdelay $0x5  }
0x46: {  	v6, _, _ =	vpop (xrf0)  }
0x47: {  	(v2sf) =	vpush v6, $0xF;
	_ =	sdelay $0xd  }
0x48: {  	s22 =	spop (v2sf)  }
0x49: {  	s21 =	sadd.s32 s21, s22;
	v6 =	vld [tilespmem:s23+$0x0];
	s30 =	spop (v2sf)  }
0x4a: {  	s22 =	sadd.s32 s21, s30  }
0x4b: {  	v7 =	vadd.s32 s22, v3  }
0x4c: {  	s31 =	sadd.s32 $0x10, s22  }
0x4d: {  	v8 =	vadd.s32 s31, v3  }
0x4e: {  	v5 =	vsub.s32 v5, v0;
	[tilespmem:s21+$0xFA0] =	vst.msk vm0, v6;
	s24 =	sadd.s32 $0x20, s22  }
0x4f: {  	[tilespmem:s21+$0x1800] =	vst.msk vm0, v5;
	v5 =	vadd.s32 s24, v3  }
0x50: {  	s21 =	simm.s32 $0xFA0;
	s25 =	sadd.s32 $0x30, s22;
	[tilespmem:v7+s15+$0x0] =	vst.idx.msk $0xffff, v4  }
0x51: {  	v6 =	vadd.s32 s25, v3;
	[tilespmem:v7+s21+$0x0] =	vst.idx.msk $0xffff, v2  }
0x52: {  	s26 =	sadd.s32 $0x40, s22;
	[tilespmem:v8+s15+$0x0] =	vst.idx.msk $0xffff, v4  }
0x53: {  	s28 =	sadd.s32 $0x50, s22;
	s30 =	sadd.s32 $0x7F, s22;
	v7 =	vadd.s32 s26, v3;
	[tilespmem:v8+s21+$0x0] =	vst.idx.msk $0xffff, v2  }
0x54: {  	s29 =	sadd.s32 $0x60, s22;
	s22 =	sadd.s32 $0x70, s22;
	s24 =	sand.u32 $0x7F, s30;
	[tilespmem:v5+s15+$0x0] =	vst.idx.msk $0xffff, v4  }
0x55: {  	s31 =	sshra.s32 s30, $0x1F;
	p1 =	slt.s32 s30, $0x1;
	p0 =	sne.s32 s24, $0x0;
	[tilespmem:v5+s21+$0x0] =	vst.idx.msk $0xffff, v2;
	v5 =	vadd.s32 s28, v3  }
0x56: {  	v63 =	vadd.s32 s22, v3;
	s22 =	sshrl.u32 s31, $0x19;
	p0 =	por !p1, !p0;
	[tilespmem:v6+s15+$0x0] =	vst.idx.msk $0xffff, v4  }
0x57: {  	s23 =	simm.s32 $0x1;
	s22 =	sadd.s32 s22, s30;
	p0 =	por !p0, !p0;
	[tilespmem:v6+s21+$0x0] =	vst.idx.msk $0xffff, v2;
	v6 =	vadd.s32 s29, v3  }
0x58: {  	s22 =	sshra.s32 s22, $0x7;
	s23 =	simm.s32 @!p0 $0x0;
	[tilespmem:v7+s15+$0x0] =	vst.idx.msk $0xffff, v4  }
0x59: {  	s23 =	ssub.s32 s22, s23;
	[tilespmem:v7+s21+$0x0] =	vst.idx.msk $0xffff, v2  }
0x5a: {  	p0 =	slt.s32 s23, $0x1;
	[tilespmem:v5+s15+$0x0] =	vst.idx.msk $0xffff, v4  }
.Ltmp5:
0x5b: {  	[tilespmem:v5+s21+$0x0] =	vst.idx.msk $0xffff, v2;
	(pc) =	sbr.rel @p0 .LBB2_8-.Ltmp5, $4  }
0x5c: {  	[tilespmem:v6+s15+$0x0] =	vst.idx.msk $0xffff, v4  }
0x5d: {  	[tilespmem:v6+s21+$0x0] =	vst.idx.msk $0xffff, v2  }
0x5e: {  	[tilespmem:v63+s15+$0x0] =	vst.idx.msk $0xffff, v4  }
0x5f: {  	s22 =	simm.s32 $0x1840;
	[tilespmem:v63+s21+$0x0] =	vst.idx.msk $0xffff, v2  }
0x60: {  	[tilespmem:s18], [sflag:$0x1] =	stream.indirect.gather [hbm4b:s5+s17], $0x100, s21, s17, $0xb8;
	[tilespmem:$0x1E160] =	vst v63  }
0x61: {  	_ =	swait.ge [sflag:s16], $0x8000  }
0x62: {  	[sflag:s16] =	ssyncset.done $0x0  }
0x63: {  	[sflag:s16] =	ssyncadd.s32 $0xFFFF8000  }
0x64: {  	v5 =	vld [tilespmem:s22+$0xFFFFFFC0];
	_ =	sdelay $0x4  }
0x65: {  	[tilespmem:$0xA060] =	vst v5  }
0x66: {  	v5 =	vld [tilespmem:s22+$0xFFFFFFD0];
	_ =	sdelay $0x4  }
0x67: {  	[tilespmem:$0xA070] =	vst v5  }
0x68: {  	v5 =	vld [tilespmem:s22+$0xFFFFFFE0];
	_ =	sdelay $0x4  }
0x69: {  	[tilespmem:$0xA080] =	vst v5  }
0x6a: {  	v5 =	vld [tilespmem:s22+$0xFFFFFFF0];
	_ =	sdelay $0x4  }
0x6b: {  	[tilespmem:$0xA090] =	vst v5  }
0x6c: {  	v5 =	vld [tilespmem:s22+$0x0];
	_ =	sdelay $0x4  }
0x6d: {  	[tilespmem:$0xA0A0] =	vst v5  }
0x6e: {  	v5 =	vld [tilespmem:s22+$0x10];
	_ =	sdelay $0x4  }
0x6f: {  	[tilespmem:$0xA0B0] =	vst v5  }
0x70: {  	v5 =	vld [tilespmem:s22+$0x20];
	_ =	sdelay $0x4  }
0x71: {  	[tilespmem:$0xA0C0] =	vst v5  }
0x72: {  	v5 =	vld [tilespmem:s22+$0x30];
	_ =	sdelay $0x2  }
0x73: {  	p0 =	sne.s32 s23, $0x1  }
.Ltmp6:
0x74: {  	_ = 	snop;
	(pc) =	sbr.rel @!p0 .LBB2_7-.Ltmp6, $4  }
0x75: {  	[tilespmem:$0xA0D0] =	vst v5;
	(ifvalue) =	ssetifvalue $0xFFFFFFFF  }
0x76: {  	[spmem:s3] =	stream.indirect.scatter.add.f32 [tilespmem:s18], [sflag:$0x2], $0x100, s19, s17, $0x40b8;
	[tilespmem:$0x1E160] =	vst v63  }
0x77: {  	_ =	swait.ge [sflag:s13], $0x8000  }
0x78: {  	s23 =	sadd.s32 $0xFFFFFFFF, s23;
	[sflag:s13] =	ssyncset.done $0x0  }
.LBB2_6:
0x79: {  	[sflag:s13] =	ssyncadd.s32 $0xFFFF8000;
	s21 =	sadd.s32 $0x80, s21;
	s22 =	sadd.s32 $0x80, s22  }
0x7a: {  	[tilespmem:s18], [sflag:$0x1] =	stream.indirect.gather [hbm4b:s5+s17], $0x100, s21, s17, $0xb8;
	[tilespmem:$0x1E160] =	vst v63  }
0x7b: {  	p0 =	sne.s32 s23, $0x1;
	s23 =	sadd.s32 $0xFFFFFFFF, s23;
	_ =	swait.ge [sflag:s16], $0x8000  }
0x7c: {  	[sflag:s16] =	ssyncset.done $0x0  }
0x7d: {  	[sflag:s16] =	ssyncadd.s32 $0xFFFF8000  }
0x7e: {  	v5 =	vld [tilespmem:s22+$0xFFFFFFC0];
	_ =	sdelay $0x4  }
0x7f: {  	[tilespmem:$0xA060] =	vst v5  }
0x80: {  	v5 =	vld [tilespmem:s22+$0xFFFFFFD0];
	_ =	sdelay $0x4  }
0x81: {  	[tilespmem:$0xA070] =	vst v5  }
0x82: {  	v5 =	vld [tilespmem:s22+$0xFFFFFFE0];
	_ =	sdelay $0x4  }
0x83: {  	[tilespmem:$0xA080] =	vst v5  }
0x84: {  	v5 =	vld [tilespmem:s22+$0xFFFFFFF0];
	_ =	sdelay $0x4  }
0x85: {  	[tilespmem:$0xA090] =	vst v5  }
0x86: {  	v5 =	vld [tilespmem:s22+$0x0];
	_ =	sdelay $0x4  }
0x87: {  	[tilespmem:$0xA0A0] =	vst v5  }
0x88: {  	v5 =	vld [tilespmem:s22+$0x10];
	_ =	sdelay $0x4  }
0x89: {  	[tilespmem:$0xA0B0] =	vst v5  }
0x8a: {  	v5 =	vld [tilespmem:s22+$0x20];
	_ =	sdelay $0x4  }
0x8b: {  	[tilespmem:$0xA0C0] =	vst v5  }
0x8c: {  	v5 =	vld [tilespmem:s22+$0x30];
	_ =	sdelay $0x4  }
.Ltmp7:
0x8d: {  	[tilespmem:$0xA0D0] =	vst v5;
	(pc) =	sbr.rel @p0 .LBB2_6-.Ltmp7, $4  }
0x8e: {  	(ifvalue) =	ssetifvalue $0xFFFFFFFF  }
0x8f: {  	[spmem:s3] =	stream.indirect.scatter.add.f32 [tilespmem:s18], [sflag:$0x2], $0x100, s19, s17, $0x40b8;
	[tilespmem:$0x1E160] =	vst v63  }
0x90: {  	_ =	swait.ge [sflag:s13], $0x8000  }
0x91: {  	[sflag:s13] =	ssyncset.done $0x0  }
.Ltmp8:
0x92: {  	_ = 	snop;
	(pc) =	sbr.rel .LBB2_7-.Ltmp8, $1  }
0x93: {  	_ =	sdelay $0x3  }
.LBB2_10:
0x94: {  	_ =	sfence.sel $0x180000  }
0x95: {  	[bflag:$0x0] =	sbarrier.arrive $0xFFFF  }
0x96: {  	p0 =	sne.s32 s1, $0x0;
	_ =	strace $0x9000004D  }
0x97: {  	s0 =	sadd.s32 @!p0 $0x100000, s0;
	[bflag:$0x2] =	sbarrier.arrive $0xFFFF  }
0x98: {  	[sflag:s0] =	ssyncadd.tile.s32 @!p0 $0x1;
	_ =	shalt  }
.Lfunc_end2:
_tile_overlayer_lowered:
.L_overlay_start_2:
0x99: {  	(tag) =	ssettag $0x2  }
0x9a: {  	s0 =	rddreg [dreg:$0x0];
	s2 =	stileid.u32  }
0x9b: {  	s1 =	rddreg [dreg:$0x1];
	p0 =	sne.s32 s2, $0x0  }
0x9c: {  	s3 =	rddreg [dreg:$0x2];
	[bflag:$0x3] =	sbarrier.arrive $0xFFFF;
	s2 =	simm.s32 @!p0 $0x1C02  }
0x9d: {  	[timem:s3], [sflag:s2] =	dma.local @!p0 [hbm:s0], s1  }
0x9e: {  	s0 =	simm.s32 @!p0 $0x2  }
0x9f: {  	_ =	swait.ge @!p0 [sflag:s0], s1  }
0xa0: {  	s1 =	ssub.s32 @!p0 $0x0, s1;
	[sflag:s0] =	ssyncset.done @!p0 $0x0  }
0xa1: {  	[sflag:s0] =	ssyncadd.s32 @!p0 s1  }
0xa2: {  	[bflag:$0x3] =	sbarrier.arrive $0xFFFF  }
0xa3: {  	_ =	shalt  }

// kernel: kernel.23.cloned.1.call-start
scs
__scs_entry_jumppad:
0x0: {  	(pc) =	sbr.rel $0x88, $3  }
0x1: {  	(tag) =	ssettag $0x0;
	lr =	simm.s32 $0x1  }
0x2: {  	[smem:$0x3F93] =	sst lr;
	_ =	strace $0xD0000000  }
0x3: {  	_ = 	snop  }
0x4: {  	_ = 	snop  }
0x5: {  	_ = 	snop  }
0x6: {  	_ = 	snop  }
0x7: {  	_ = 	snop  }
__scs_overlays_trampoline_lowered:
0x8: {  	[smem:$0x3FA2] =	sst s0  }
0x9: {  	[smem:$0x3FA3] =	sst s1  }
0xa: {  	[smem:$0x3FA4] =	sst s2  }
0xb: {  	[smem:$0x3FA5] =	sst s3  }
0xc: {  	[smem:$0x3FA6] =	sst s4  }
0xd: {  	[smem:$0x3FA7] =	sst s5  }
0xe: {  	[smem:$0x3FA8] =	sst s6  }
0xf: {  	[smem:$0x3FA9] =	sst s7  }
0x10: {  	[smem:$0x3FAA] =	sst s8  }
0x11: {  	[smem:$0x3FAB] =	sst s9;
	s0 =	simm.s32 @!p0 $0x0  }
0x12: {  	s1 =	sld [smem:$0x3F91];
	s0 =	simm.s32 @p0 $0x1  }
0x13: {  	[smem:$0x3FAC] =	sst s0;
	s0 =	simm.s32 @!p1 $0x0  }
0x14: {  	s2 =	sld [smem:$0x3F90];
	s0 =	simm.s32 @p1 $0x1  }
0x15: {  	[smem:$0x3FAD] =	sst s0;
	s0 =	simm.s32 @!p2 $0x0  }
0x16: {  	s3 =	sld [smem:$0x3FDB];
	s0 =	simm.s32 @p2 $0x1  }
0x17: {  	s4 =	simm.s32 $0x1BF5;
	[smem:$0x3FAF] =	sst s0  }
0x18: {  	s0 =	sld [smem:$0x3F92];
	_ =	swait.ge [sflag:s4], $0x0  }
0x19: {  	s7 =	sld [smem:$0x3F93]  }
0x1a: {  	s8 =	sadd.s32 $0xFFFFE003, lr  }
0x1b: {  	s9 =	sadd.s32 $0xFFFFFEF7, lr;
	s5 =	simm.s32 $0xFFFFFFFF;
	p2 =	slt.u32 s8, $0xFFFFF086  }
0x1c: {  	p1 =	slt.u32 s9, $0xF7A;
	s5 =	simm.s32 @!p2 $0x0  }
0x1d: {  	s5 =	simm.s32 @p1 $0x1;
	p0 =	seq.s32 s7, s2  }
0x1e: {  	s7 =	smul.u32 @!p0 $0xF7A, s2;
	p2 =	seq.s32 @!p0 s5, $0x0  }
0x1f: {  	s9 =	smul.u32 $0xF7A, s1;
	s8 =	simm.s32 @!p0 $0x1BF5;
	p2 =	por !p2, p0  }
0x20: {  	[sflag:s8] =	ssyncset.s32 @!p0 $0xFFFFF086;
	s6 =	sadd.s32 @!p0 s3, s7;
	s7 =	simm.s32 @!p0 $0x108  }
0x21: {  	s3 =	sadd.s32 s3, s9;
	s6 =	sadd.s32 @!p0 $0x88, s6;
	s7 =	simm.s32 @p2 $0x1082  }
0x22: {  	[simem:s7], [sflag:s8] =	dma.local @!p0 [hbm:s6], $0xF7A  }
0x23: {  	s9 =	sor.u32 $0xD0000000, s2;
	s6 =	simm.s32 $0x108;
	_ =	swait.ge @!p0 [sflag:s8], $0x0  }
0x24: {  	s3 =	sadd.s32 $0x88, s3;
	s6 =	simm.s32 @!p1 $0x1082;
	[sflag:s4] =	ssyncset.s32 $0xFFFFF086  }
0x25: {  	[simem:s6], [sflag:s4] =	dma.local [hbm:s3], $0xF7A  }
0x26: {  	[smem:$0x3F93] =	sst s1;
	(tag) =	ssettag s2;
	_ =	strace s9  }
0x27: {  	s1 =	sld [smem:$0x3FA3]  }
0x28: {  	s2 =	sld [smem:$0x3FA4]  }
0x29: {  	s4 =	sld [smem:$0x3FA6]  }
0x2a: {  	p0 =	seq.s32 s5, $0x0;
	s5 =	sld [smem:$0x3FA7]  }
0x2b: {  	s6 =	sld [smem:$0x3FA8]  }
0x2c: {  	s7 =	sld [smem:$0x3FA9]  }
0x2d: {  	s3 =	simm.s32 $0x108;
	s8 =	sld [smem:$0x3FAA]  }
0x2e: {  	s3 =	simm.s32 @!p0 $0x1082;
	s9 =	sld [smem:$0x3FAB]  }
0x2f: {  	lr =	sadd.s32 s0, s3;
	s0 =	sld [smem:$0x3FA2]  }
0x30: {  	s3 =	sld [smem:$0x3FA5]  }
0x31: {  	[smem:$0x3FAE] =	sst s10  }
0x32: {  	s10 =	sld [smem:$0x3FAC];
	_ =	sdelay $0x3  }
0x33: {  	p0 =	seq.s32 s10, $0x1;
	s10 =	sld [smem:$0x3FAE];
	_ =	sdelay $0x3  }
0x34: {  	[smem:$0x3FAE] =	sst s10  }
0x35: {  	s10 =	sld [smem:$0x3FAD];
	_ =	sdelay $0x3  }
0x36: {  	p1 =	seq.s32 s10, $0x1;
	s10 =	sld [smem:$0x3FAE];
	_ =	sdelay $0x3  }
0x37: {  	[smem:$0x3FAE] =	sst s10  }
0x38: {  	s10 =	sld [smem:$0x3FAF]  }
0x39: {  	_ = 	snop;
	(pc) =	sbr.ind lr, $3  }
0x3a: {  	_ = 	snop  }
0x3b: {  	_ = 	snop  }
0x3c: {  	p2 =	seq.s32 s10, $0x1;
	s10 =	sld [smem:$0x3FAE]  }
0x3d: {  	_ =	shalt  }
0x3e: {  	_ =	shalt  }
0x3f: {  	_ =	shalt  }
0x40: {  	_ =	shalt  }
0x41: {  	_ =	shalt  }
0x42: {  	_ =	shalt  }
0x43: {  	_ =	shalt  }
0x44: {  	_ =	shalt  }
0x45: {  	_ =	shalt  }
0x46: {  	_ =	shalt  }
0x47: {  	_ =	shalt  }
0x48: {  	_ =	shalt  }
0x49: {  	_ =	shalt  }
0x4a: {  	_ =	shalt  }
0x4b: {  	_ =	shalt  }
0x4c: {  	_ =	shalt  }
0x4d: {  	_ =	shalt  }
0x4e: {  	_ =	shalt  }
0x4f: {  	_ =	shalt  }
0x50: {  	_ =	shalt  }
0x51: {  	_ =	shalt  }
0x52: {  	_ =	shalt  }
0x53: {  	_ =	shalt  }
0x54: {  	_ =	shalt  }
0x55: {  	_ =	shalt  }
0x56: {  	_ =	shalt  }
0x57: {  	_ =	shalt  }
0x58: {  	_ =	shalt  }
0x59: {  	_ =	shalt  }
0x5a: {  	_ =	shalt  }
0x5b: {  	_ =	shalt  }
0x5c: {  	_ =	shalt  }
0x5d: {  	_ =	shalt  }
0x5e: {  	_ =	shalt  }
0x5f: {  	_ =	shalt  }
0x60: {  	_ =	shalt  }
0x61: {  	_ =	shalt  }
0x62: {  	_ =	shalt  }
0x63: {  	_ =	shalt  }
0x64: {  	_ =	shalt  }
0x65: {  	_ =	shalt  }
0x66: {  	_ =	shalt  }
0x67: {  	_ =	shalt  }
0x68: {  	_ =	shalt  }
0x69: {  	_ =	shalt  }
0x6a: {  	_ =	shalt  }
0x6b: {  	_ =	shalt  }
0x6c: {  	_ =	shalt  }
0x6d: {  	_ =	shalt  }
0x6e: {  	_ =	shalt  }
0x6f: {  	_ =	shalt  }
0x70: {  	_ =	shalt  }
0x71: {  	_ =	shalt  }
0x72: {  	_ =	shalt  }
0x73: {  	_ =	shalt  }
0x74: {  	_ =	shalt  }
0x75: {  	_ =	shalt  }
0x76: {  	_ =	shalt  }
0x77: {  	_ =	shalt  }
0x78: {  	_ =	shalt  }
0x79: {  	_ =	shalt  }
0x7a: {  	_ =	shalt  }
0x7b: {  	_ =	shalt  }
0x7c: {  	_ =	shalt  }
0x7d: {  	_ =	shalt  }
0x7e: {  	_ =	shalt  }
0x7f: {  	_ =	shalt  }
0x80: {  	_ =	shalt  }
0x81: {  	_ =	shalt  }
0x82: {  	_ =	shalt  }
0x83: {  	_ =	shalt  }
0x84: {  	_ =	shalt  }
0x85: {  	_ =	shalt  }
0x86: {  	_ =	shalt  }
0x87: {  	_ =	shalt  }
.Lfunc_end0:
.L_simem_size_0:
called_computation.2_lowered:
.L_overlay_start_0:
0x88: {  	s2 =	sld [smem:$0x3FD9]  }
0x89: {  	s3 =	sld [smem:$0x3FFE];
	_ =	sdelay $0x1  }
0x8a: {  	s1 =	srdreg.scid  }
0x8b: {  	s0 =	sand.u32 $0x1, s1  }
0x8c: {  	s17 =	sshll.u32 s0, $0xA;
	s2 =	sadd.s32 s3, s2  }
0x8d: {  	s2 =	sadd.s32 s2, s17  }
0x8e: {  	[smem:$0x3FBA] =	sst s2  }
0x8f: {  	_ = 	snop  }
0x90: {  	s2 =	sld [smem:$0x3FD0];
	(tm) =	ssettm $0x1  }
0x91: {  	s18 =	sld [smem:$0x3FFB];
	_ =	sdelay $0x3  }
0x92: {  	_ =	strace s18  }
0x93: {  	s3 =	sld [smem:$0x3FFC];
	_ =	sdelay $0x3  }
0x94: {  	_ =	strace s3  }
0x95: {  	s3 =	sld [smem:$0x3FFD];
	_ =	sdelay $0x3  }
0x96: {  	_ =	strace s3  }
0x97: {  	_ =	strace $0x8FFFFFFF  }
0x98: {  	s19 =	sld [smem:$0x3FDB];
	_ =	sdelay $0x1  }
0x99: {  	s4 =	simm.s32 $_scs_section_size  }
0x9a: {  	s5 =	simm.s32 $_size__tile_overlayer_lowered;
	s6 =	simm.s32 $_tile_overlayer_lowered  }
0x9b: {  	s22 =	simm.s32 $0x1BFF;
	s21 =	sshll.u32 s6, $0x1;
	s3 =	sadd.s32 s4, s19  }
0x9c: {  	s7 =	simm.s32 $0x0;
	s20 =	sshll.u32 s5, $0x1;
	s5 =	sadd.s32 s21, s3  }
0x9d: {  	[timem:s7], [sflag:s22] =	dma.local [hbm:s5], s20  }
0x9e: {  	_ =	swait.ge [sflag:s22], s20  }
0x9f: {  	s4 =	ssub.s32 $0x0, s20;
	[sflag:s22] =	ssyncset.done $0x0  }
0xa0: {  	[sflag:s22] =	ssyncadd.s32 s4;
	_ =	sdelay $0x1  }
0xa1: {  	s23 =	simm.s32 $0x1B8B  }
0xa2: {  	_ =	swait.ge [sflag:s23], $0x1  }
0xa3: {  	[sflag:s23] =	ssyncset.done $0x0  }
0xa4: {  	s25 =	simm.s32 $0x1B8E;
	s24 =	sld [smem:$0x3FFE];
	[sflag:s23] =	ssyncadd.s32 $0xFFFFFFFF  }
0xa5: {  	s26 =	simm.s32 $execute0_lowered;
	[smem:$0x3FD2] =	sst s25  }
0xa6: {  	s5 =	sshll.u32 s26, $0x1;
	_ =	strace $0x80000049;
	[dreg:$0x1] =	wrdreg $0xFFFFFFFF  }
0xa7: {  	s28 =	simm.s32 $_size_execute0_lowered;
	s3 =	sadd.s32 s3, s5;
	[dreg:$0x0] =	wrdreg $0x0  }
0xa8: {  	s5 =	sshll.u32 s28, $0x1;
	[dreg:$0x2] =	wrdreg s3  }
0xa9: {  	[dreg:$0x3] =	wrdreg s5  }
0xaa: {  	[dreg:$0x4] =	wrdreg $0xC0  }
0xab: {  	_ =	task [dreg:s7], $0x5FFFF  }
0xac: {  	[dreg:$0x1] =	wrdreg $0xFFFFFFFF  }
0xad: {  	[dreg:$0x0] =	wrdreg $0x60  }
0xae: {  	[dreg:$0x2] =	wrdreg s24  }
0xaf: {  	[dreg:$0x3] =	wrdreg s2  }
0xb0: {  	[dreg:$0x4] =	wrdreg $0xA0E00  }
0xb1: {  	[dreg:$0x5] =	wrdreg $0xA  }
0xb2: {  	_ =	task.clear_ibuf [dreg:s7], $0x6FFFF;
	_ =	strace $0x90000049  }
0xb3: {  	s29 =	simm.s32 $0xA;
	_ =	strace $0x8000004B  }
0xb4: {  	_ =	swait.ge [sflag:s29], $0x1  }
0xb5: {  	[sflag:s29] =	ssyncadd.s32 $0xFFFFFFFF  }
0xb6: {  	_ =	strace $0x9000004B  }
0xb7: {  	_ =	sfence  }
0xb8: {  	s30 =	sld [smem:$0x0];
	_ =	sdelay $0x2  }
0xb9: {  	s31 =	sshll.u32 s1, $0xD;
	s1 =	sshrl.u32 s1, $0x2  }
0xba: {  	s3 =	sand.u32 $0x4000, s31;
	s1 =	sadd.s32 s1, s30  }
0xbb: {  	s0 =	sor.u32 s3, s0;
	s1 =	sshll.u32 s1, $0x11  }
0xbc: {  	s0 =	sor.u32 s1, s0  }
0xbd: {  	s0 =	sadd.s32 $0x8F2B, s0  }
0xbe: {  	[sflag:s0] =	ssyncadd.remote.s32 $0x1  }
0xbf: {  	_ =	sfence.sel $0xFFFF  }
0xc0: {  	[dreg:$0x0] =	wrdreg $0xFFFFFFFF;
	(pc) =	sbr.abs _section_cstart, $3  }
0xc1: {  	[dreg:$0x1] =	wrdreg $0xFFFFFFFF  }
0xc2: {  	_ =	task.clear_ibuf [dreg:s7], $0x2FFFF;
	_ =	strace $0x9FFFFFFF  }
0xc3: {  	(tm) =	ssettm $0x7FFFFFFF  }
tec
execute0_lowered:
.L_overlay_start_1:
0x0: {  	(tag) =	ssettag $0x1  }
0x1: {  	s7 =	rddreg [dreg:$0x0]  }
0x2: {  	s2 =	rddreg [dreg:$0x1];
	s0 =	srdreg.scid  }
0x3: {  	s3 =	rddreg [dreg:$0x2];
	s1 =	stileid.u32;
	s4 =	simm.s32 $0x0  }
0x4: {  	s16 =	simm.s32 $0x1;
	s17 =	simm.s32 $0x80;
	s18 =	simm.s32 $0x2060  }
0x5: {  	s6 =	sand.u32 $0x1, s0;
	s0 =	rddreg [dreg:$0x3];
	s8 =	smul.u32 $0x140, s1  }
0x6: {  	s19 =	simm.s32 $0xA060;
	[smem:$0x7FF] =	sst s4;
	s10 =	smul.u32 $0x50000, s1  }
0x7: {  	s5 =	sadd.s32 $0x9800, s7;
	s31 =	sshll.u32 s1, $0x6;
	s14 =	smul.u32 $0x1400, s6  }
0x8: {  	_ =	strace $0x8000004A;
	s9 =	ssub.s32 $0x2, s6;
	s6 =	sadd.s32 $0x4800, s7  }
0x9: {  	s29 =	sshrl.u32 s9, $0x1;
	s30 =	sshrl.u32 s10, $0x2;
	s8 =	sadd.s32 s8, s14  }
.Ltmp0:
0xa: {  	s12 =	ssub.s32 s9, s29;
	s13 =	sadd.s32 s30, s3;
	(pc) =	sbr.rel .LBB2_1-.Ltmp0, $4  }
0xb: {  	s9 =	smul.u32 $0x2710, s1;
	s15 =	sadd.s32 $0x1400, s14;
	s8 =	sshll.u32 s8, $0x5  }
0xc: {  	v0 =	vmov s14;
	s14 =	simm.s32 $0x7D0;
	v1 =	vmov s15;
	s15 =	simm.s32 $0x1800;
	s11 =	sadd.s32 s8, s7  }
0xd: {  	s7 =	sadd.s32 s5, s8;
	s8 =	sor.u32 $0x1C02, s31;
	s10 =	sadd.s32 $0x59800, s11  }
0xe: {  	v2 =	vimm.s32 $0x0;
	v3 =	vlaneseq.u32;
	v4 =	vimm.s32 $0xFFFFFFFF;
	s11 =	smax.u32 s12, $0x1;
	s12 =	sshrl.u32 s13, $0x3;
	s13 =	simm.s32 $0x2  }
.LBB2_9:
0xf: {  	[bflag:$0x0] =	sbarrier.arrive $0xFFFF;
	s4 =	sadd.s32 $0x1, s4  }
0x10: {  	[hbm:s10], [sflag:s8] =	dma.local [spmem:s12], $0x2800  }
0x11: {  	p0 =	sne.s32 s4, s11  }
.Ltmp1:
0x12: {  	_ =	swait.ge [sflag:s13], $0x2800;
	(pc) =	sbr.rel @!p0 .LBB2_10-.Ltmp1, $3  }
0x13: {  	[sflag:s13] =	ssyncset.done $0x0  }
0x14: {  	[sflag:s13] =	ssyncadd.s32 $0xFFFFD800  }
0x15: {  	[bflag:$0x0] =	sbarrier.arrive $0xFFFF;
	_ =	sdelay $0x1  }
.LBB2_1:
0x16: {  	[spmem:s12], [sflag:s8] =	dma.local [hbm:s7], $0x2800  }
.Ltmp2:
0x17: {  	_ =	swait.ge [sflag:s13], $0x2800;
	(pc) =	sbr.rel .LBB2_2-.Ltmp2, $4  }
0x18: {  	[sflag:s13] =	ssyncset.done $0x0  }
0x19: {  	[sflag:s13] =	ssyncadd.s32 $0xFFFFD800  }
0x1a: {  	[bflag:$0x0] =	sbarrier.arrive $0xFFFF  }
0x1b: {  	s20 =	simm.s32 $0x0  }
.LBB2_7:
0x1c: {  	[sflag:s13] =	ssyncadd.s32 $0xFFFF8000  }
.LBB2_8:
0x1d: {  	s20 =	sadd.s32 $0x1, s20  }
0x1e: {  	p0 =	sne.s32 s20, $0x5  }
.Ltmp3:
0x1f: {  	_ = 	snop;
	(pc) =	sbr.rel @!p0 .LBB2_9-.Ltmp3, $1  }
0x20: {  	_ =	sdelay $0x3  }
.LBB2_2:
0x21: {  	s21 =	smul.u32 $0x7D0, s20;
	_ =	sdelay $0x1  }
0x22: {  	s21 =	sadd.s32 s9, s21  }
0x23: {  	s22 =	sshrl.u32 s21, $0x3  }
0x24: {  	s21 =	simm.s32 $0x0;
	s23 =	sadd.s32 s2, s22  }
0x25: {  	[tilespmem:s21], [sflag:$0x2] =	stream.linear.gather [hbm4b:s23+s21], $0x7D0, $0x38;
	[tilespmem:$0x1E160] =	vst v63  }
0x26: {  	_ =	swait.ge [sflag:s13], $0x7D0  }
0x27: {  	[sflag:s13] =	ssyncset.done $0x0  }
0x28: {  	s22 =	sadd.s32 s6, s22;
	[sflag:s13] =	ssyncadd.s32 $0xFFFFF830  }
0x29: {  	[tilespmem:s14], [sflag:$0x2] =	stream.linear.gather [hbm4b:s22+s21], $0x7D0, $0x38;
	[tilespmem:$0x1E160] =	vst v63  }
0x2a: {  	_ =	swait.ge [sflag:s13], $0x7D0  }
0x2b: {  	[sflag:s13] =	ssyncset.done $0x0  }
0x2c: {  	s31 =	simm.s32 $0x0;
	[sflag:s13] =	ssyncadd.s32 $0xFFFFF830  }
0x2d: {  	v5 =	vld [tilespmem:s31+$0x7D0];
	_ =	sdelay $0x4  }
0x2e: {  	vm0 =	vge.s32 v5, v0;
	vm1 =	vlt.s32 v5, v1  }
0x2f: {  	vm0 =	vmand vm0, vm1  }
0x30: {  	v6 =	vsel vm0, $0x1, v2  }
0x31: {  	(xrf0) =	vadd.scan.msk.s32 $0xffff, v6;
	_ =	sdelay $0x1  }
0x32: {  	v6 =	vld [tilespmem:s31+$0x0];
	_ =	sdelay $0x3  }
0x33: {  	v7, _, _ =	vpop (xrf0)  }
0x34: {  	v5 =	vsub.s32 v5, v0;
	[tilespmem:s21+$0xFA0] =	vst.msk vm0, v6;
	(v2sf) =	vpush v7, $0xF  }
0x35: {  	s23 =	simm.s32 $0x10;
	s22 =	simm.s32 $0x80;
	[tilespmem:s21+$0x1800] =	vst.msk vm0, v5  }
.LBB2_3:
0x36: {  	p0 =	sne.s32 s22, $0x1F00;
	v5 =	vld [tilespmem:s23+$0x7D0];
	_ =	sdelay $0x4  }
0x37: {  	vm0 =	vge.s32 v5, v0;
	vm1 =	vlt.s32 v5, v1;
	v5 =	vsub.s32 v5, v0  }
0x38: {  	vm0 =	vmand vm0, vm1  }
0x39: {  	v6 =	vsel vm0, $0x1, v2  }
0x3a: {  	(xrf0) =	vadd.scan.msk.s32 $0xffff, v6;
	_ =	sdelay $0x1  }
0x3b: {  	v6 =	vld [tilespmem:s23+$0x0];
	_ =	sdelay $0x1  }
.Ltmp4:
0x3c: {  	(pc) =	sbr.rel @p0 .LBB2_3-.Ltmp4, $4  }
0x3d: {  	s23 =	spop (v2sf)  }
0x3e: {  	v7, _, _ =	vpop (xrf0);
	s21 =	sadd.s32 s21, s23  }
0x3f: {  	[tilespmem:s21+$0xFA0] =	vst.msk vm0, v6;
	(v2sf) =	vpush v7, $0xF  }
0x40: {  	s23 =	sshra.s32 s22, $0x2;
	s22 =	sadd.s32 $0x40, s22;
	[tilespmem:s21+$0x1800] =	vst.msk vm0, v5  }
0x41: {  	v5 =	vld [tilespmem:s23+$0x7D0];
	_ =	sdelay $0x4  }
0x42: {  	vm0 =	vge.s32 v5, v0;
	vm1 =	vlt.s32 v5, v1  }
0x43: {  	vm0 =	vmand vm0, vm1  }
0x44: {  	v6 =	vsel vm0, $0x1, v2  }
0x45: {  	(xrf0) =	vadd.scan.msk.s32 $0xffff, v6;
	_ =	sdelay $0x5  }
0x46: {  	v6, _, _ =	vpop (xrf0)  }
0x47: {  	(v2sf) =	vpush v6, $0xF;
	_ =	sdelay $0xd  }
0x48: {  	s22 =	spop (v2sf)  }
0x49: {  	s21 =	sadd.s32 s21, s22;
	v6 =	vld [tilespmem:s23+$0x0];
	s30 =	spop (v2sf)  }
0x4a: {  	s22 =	sadd.s32 s21, s30  }
0x4b: {  	v7 =	vadd.s32 s22, v3  }
0x4c: {  	s31 =	sadd.s32 $0x10, s22  }
0x4d: {  	v8 =	vadd.s32 s31, v3  }
0x4e: {  	v5 =	vsub.s32 v5, v0;
	[tilespmem:s21+$0xFA0] =	vst.msk vm0, v6;
	s24 =	sadd.s32 $0x20, s22  }
0x4f: {  	[tilespmem:s21+$0x1800] =	vst.msk vm0, v5;
	v5 =	vadd.s32 s24, v3  }
0x50: {  	s21 =	simm.s32 $0xFA0;
	s25 =	sadd.s32 $0x30, s22;
	[tilespmem:v7+s15+$0x0] =	vst.idx.msk $0xffff, v4  }
0x51: {  	v6 =	vadd.s32 s25, v3;
	[tilespmem:v7+s21+$0x0] =	vst.idx.msk $0xffff, v2  }
0x52: {  	s26 =	sadd.s32 $0x40, s22;
	[tilespmem:v8+s15+$0x0] =	vst.idx.msk $0xffff, v4  }
0x53: {  	s28 =	sadd.s32 $0x50, s22;
	s30 =	sadd.s32 $0x7F, s22;
	v7 =	vadd.s32 s26, v3;
	[tilespmem:v8+s21+$0x0] =	vst.idx.msk $0xffff, v2  }
0x54: {  	s29 =	sadd.s32 $0x60, s22;
	s22 =	sadd.s32 $0x70, s22;
	s24 =	sand.u32 $0x7F, s30;
	[tilespmem:v5+s15+$0x0] =	vst.idx.msk $0xffff, v4  }
0x55: {  	s31 =	sshra.s32 s30, $0x1F;
	p1 =	slt.s32 s30, $0x1;
	p0 =	sne.s32 s24, $0x0;
	[tilespmem:v5+s21+$0x0] =	vst.idx.msk $0xffff, v2;
	v5 =	vadd.s32 s28, v3  }
0x56: {  	v63 =	vadd.s32 s22, v3;
	s22 =	sshrl.u32 s31, $0x19;
	p0 =	por !p1, !p0;
	[tilespmem:v6+s15+$0x0] =	vst.idx.msk $0xffff, v4  }
0x57: {  	s23 =	simm.s32 $0x1;
	s22 =	sadd.s32 s22, s30;
	p0 =	por !p0, !p0;
	[tilespmem:v6+s21+$0x0] =	vst.idx.msk $0xffff, v2;
	v6 =	vadd.s32 s29, v3  }
0x58: {  	s22 =	sshra.s32 s22, $0x7;
	s23 =	simm.s32 @!p0 $0x0;
	[tilespmem:v7+s15+$0x0] =	vst.idx.msk $0xffff, v4  }
0x59: {  	s23 =	ssub.s32 s22, s23;
	[tilespmem:v7+s21+$0x0] =	vst.idx.msk $0xffff, v2  }
0x5a: {  	p0 =	slt.s32 s23, $0x1;
	[tilespmem:v5+s15+$0x0] =	vst.idx.msk $0xffff, v4  }
.Ltmp5:
0x5b: {  	[tilespmem:v5+s21+$0x0] =	vst.idx.msk $0xffff, v2;
	(pc) =	sbr.rel @p0 .LBB2_8-.Ltmp5, $4  }
0x5c: {  	[tilespmem:v6+s15+$0x0] =	vst.idx.msk $0xffff, v4  }
0x5d: {  	[tilespmem:v6+s21+$0x0] =	vst.idx.msk $0xffff, v2  }
0x5e: {  	[tilespmem:v63+s15+$0x0] =	vst.idx.msk $0xffff, v4  }
0x5f: {  	s22 =	simm.s32 $0x1840;
	[tilespmem:v63+s21+$0x0] =	vst.idx.msk $0xffff, v2  }
0x60: {  	[tilespmem:s18], [sflag:$0x1] =	stream.indirect.gather [hbm4b:s5+s17], $0x100, s21, s17, $0xb8;
	[tilespmem:$0x1E160] =	vst v63  }
0x61: {  	_ =	swait.ge [sflag:s16], $0x8000  }
0x62: {  	[sflag:s16] =	ssyncset.done $0x0  }
0x63: {  	[sflag:s16] =	ssyncadd.s32 $0xFFFF8000  }
0x64: {  	v5 =	vld [tilespmem:s22+$0xFFFFFFC0];
	_ =	sdelay $0x4  }
0x65: {  	[tilespmem:$0xA060] =	vst v5  }
0x66: {  	v5 =	vld [tilespmem:s22+$0xFFFFFFD0];
	_ =	sdelay $0x4  }
0x67: {  	[tilespmem:$0xA070] =	vst v5  }
0x68: {  	v5 =	vld [tilespmem:s22+$0xFFFFFFE0];
	_ =	sdelay $0x4  }
0x69: {  	[tilespmem:$0xA080] =	vst v5  }
0x6a: {  	v5 =	vld [tilespmem:s22+$0xFFFFFFF0];
	_ =	sdelay $0x4  }
0x6b: {  	[tilespmem:$0xA090] =	vst v5  }
0x6c: {  	v5 =	vld [tilespmem:s22+$0x0];
	_ =	sdelay $0x4  }
0x6d: {  	[tilespmem:$0xA0A0] =	vst v5  }
0x6e: {  	v5 =	vld [tilespmem:s22+$0x10];
	_ =	sdelay $0x4  }
0x6f: {  	[tilespmem:$0xA0B0] =	vst v5  }
0x70: {  	v5 =	vld [tilespmem:s22+$0x20];
	_ =	sdelay $0x4  }
0x71: {  	[tilespmem:$0xA0C0] =	vst v5  }
0x72: {  	v5 =	vld [tilespmem:s22+$0x30];
	_ =	sdelay $0x2  }
0x73: {  	p0 =	sne.s32 s23, $0x1  }
.Ltmp6:
0x74: {  	_ = 	snop;
	(pc) =	sbr.rel @!p0 .LBB2_7-.Ltmp6, $4  }
0x75: {  	[tilespmem:$0xA0D0] =	vst v5;
	(ifvalue) =	ssetifvalue $0xFFFFFFFF  }
0x76: {  	[spmem:s3] =	stream.indirect.scatter.add.f32 [tilespmem:s18], [sflag:$0x2], $0x100, s19, s17, $0x40b8;
	[tilespmem:$0x1E160] =	vst v63  }
0x77: {  	_ =	swait.ge [sflag:s13], $0x8000  }
0x78: {  	s23 =	sadd.s32 $0xFFFFFFFF, s23;
	[sflag:s13] =	ssyncset.done $0x0  }
.LBB2_6:
0x79: {  	[sflag:s13] =	ssyncadd.s32 $0xFFFF8000;
	s21 =	sadd.s32 $0x80, s21;
	s22 =	sadd.s32 $0x80, s22  }
0x7a: {  	[tilespmem:s18], [sflag:$0x1] =	stream.indirect.gather [hbm4b:s5+s17], $0x100, s21, s17, $0xb8;
	[tilespmem:$0x1E160] =	vst v63  }
0x7b: {  	p0 =	sne.s32 s23, $0x1;
	s23 =	sadd.s32 $0xFFFFFFFF, s23;
	_ =	swait.ge [sflag:s16], $0x8000  }
0x7c: {  	[sflag:s16] =	ssyncset.done $0x0  }
0x7d: {  	[sflag:s16] =	ssyncadd.s32 $0xFFFF8000  }
0x7e: {  	v5 =	vld [tilespmem:s22+$0xFFFFFFC0];
	_ =	sdelay $0x4  }
0x7f: {  	[tilespmem:$0xA060] =	vst v5  }
0x80: {  	v5 =	vld [tilespmem:s22+$0xFFFFFFD0];
	_ =	sdelay $0x4  }
0x81: {  	[tilespmem:$0xA070] =	vst v5  }
0x82: {  	v5 =	vld [tilespmem:s22+$0xFFFFFFE0];
	_ =	sdelay $0x4  }
0x83: {  	[tilespmem:$0xA080] =	vst v5  }
0x84: {  	v5 =	vld [tilespmem:s22+$0xFFFFFFF0];
	_ =	sdelay $0x4  }
0x85: {  	[tilespmem:$0xA090] =	vst v5  }
0x86: {  	v5 =	vld [tilespmem:s22+$0x0];
	_ =	sdelay $0x4  }
0x87: {  	[tilespmem:$0xA0A0] =	vst v5  }
0x88: {  	v5 =	vld [tilespmem:s22+$0x10];
	_ =	sdelay $0x4  }
0x89: {  	[tilespmem:$0xA0B0] =	vst v5  }
0x8a: {  	v5 =	vld [tilespmem:s22+$0x20];
	_ =	sdelay $0x4  }
0x8b: {  	[tilespmem:$0xA0C0] =	vst v5  }
0x8c: {  	v5 =	vld [tilespmem:s22+$0x30];
	_ =	sdelay $0x4  }
.Ltmp7:
0x8d: {  	[tilespmem:$0xA0D0] =	vst v5;
	(pc) =	sbr.rel @p0 .LBB2_6-.Ltmp7, $4  }
0x8e: {  	(ifvalue) =	ssetifvalue $0xFFFFFFFF  }
0x8f: {  	[spmem:s3] =	stream.indirect.scatter.add.f32 [tilespmem:s18], [sflag:$0x2], $0x100, s19, s17, $0x40b8;
	[tilespmem:$0x1E160] =	vst v63  }
0x90: {  	_ =	swait.ge [sflag:s13], $0x8000  }
0x91: {  	[sflag:s13] =	ssyncset.done $0x0  }
.Ltmp8:
0x92: {  	_ = 	snop;
	(pc) =	sbr.rel .LBB2_7-.Ltmp8, $1  }
0x93: {  	_ =	sdelay $0x3  }
.LBB2_10:
0x94: {  	_ =	sfence.sel $0x180000  }
0x95: {  	[bflag:$0x0] =	sbarrier.arrive $0xFFFF  }
0x96: {  	p0 =	sne.s32 s1, $0x0;
	_ =	strace $0x9000004A  }
0x97: {  	s0 =	sadd.s32 @!p0 $0x100000, s0;
	[bflag:$0x2] =	sbarrier.arrive $0xFFFF  }
0x98: {  	[sflag:s0] =	ssyncadd.tile.s32 @!p0 $0x1;
	_ =	shalt  }
.Lfunc_end2:
_tile_overlayer_lowered:
.L_overlay_start_2:
0x99: {  	(tag) =	ssettag $0x2  }
0x9a: {  	s0 =	rddreg [dreg:$0x0];
	s2 =	stileid.u32  }
0x9b: {  	s1 =	rddreg [dreg:$0x1];
	p0 =	sne.s32 s2, $0x0  }
0x9c: {  	s3 =	rddreg [dreg:$0x2];
	[bflag:$0x3] =	sbarrier.arrive $0xFFFF;
	s2 =	simm.s32 @!p0 $0x1C02  }
0x9d: {  	[timem:s3], [sflag:s2] =	dma.local @!p0 [hbm:s0], s1  }
0x9e: {  	s0 =	simm.s32 @!p0 $0x2  }
0x9f: {  	_ =	swait.ge @!p0 [sflag:s0], s1  }
0xa0: {  	s1 =	ssub.s32 @!p0 $0x0, s1;
	[sflag:s0] =	ssyncset.done @!p0 $0x0  }
0xa1: {  	[sflag:s0] =	ssyncadd.s32 @!p0 s1  }
0xa2: {  	[bflag:$0x3] =	sbarrier.arrive $0xFFFF  }
0xa3: {  	_ =	shalt  }

// kernel: kernel.26.cloned.1.call-start
scs
__scs_entry_jumppad:
0x0: {  	(pc) =	sbr.rel $0x88, $3  }
0x1: {  	(tag) =	ssettag $0x0;
	lr =	simm.s32 $0x1  }
0x2: {  	[smem:$0x3F93] =	sst lr;
	_ =	strace $0xD0000000  }
0x3: {  	_ = 	snop  }
0x4: {  	_ = 	snop  }
0x5: {  	_ = 	snop  }
0x6: {  	_ = 	snop  }
0x7: {  	_ = 	snop  }
__scs_overlays_trampoline_lowered:
0x8: {  	[smem:$0x3FA2] =	sst s0  }
0x9: {  	[smem:$0x3FA3] =	sst s1  }
0xa: {  	[smem:$0x3FA4] =	sst s2  }
0xb: {  	[smem:$0x3FA5] =	sst s3  }
0xc: {  	[smem:$0x3FA6] =	sst s4  }
0xd: {  	[smem:$0x3FA7] =	sst s5  }
0xe: {  	[smem:$0x3FA8] =	sst s6  }
0xf: {  	[smem:$0x3FA9] =	sst s7  }
0x10: {  	[smem:$0x3FAA] =	sst s8  }
0x11: {  	[smem:$0x3FAB] =	sst s9;
	s0 =	simm.s32 @!p0 $0x0  }
0x12: {  	s1 =	sld [smem:$0x3F91];
	s0 =	simm.s32 @p0 $0x1  }
0x13: {  	[smem:$0x3FAC] =	sst s0;
	s0 =	simm.s32 @!p1 $0x0  }
0x14: {  	s2 =	sld [smem:$0x3F90];
	s0 =	simm.s32 @p1 $0x1  }
0x15: {  	[smem:$0x3FAD] =	sst s0;
	s0 =	simm.s32 @!p2 $0x0  }
0x16: {  	s3 =	sld [smem:$0x3FDB];
	s0 =	simm.s32 @p2 $0x1  }
0x17: {  	s4 =	simm.s32 $0x1BF5;
	[smem:$0x3FAF] =	sst s0  }
0x18: {  	s0 =	sld [smem:$0x3F92];
	_ =	swait.ge [sflag:s4], $0x0  }
0x19: {  	s7 =	sld [smem:$0x3F93]  }
0x1a: {  	s8 =	sadd.s32 $0xFFFFE003, lr  }
0x1b: {  	s9 =	sadd.s32 $0xFFFFFEF7, lr;
	s5 =	simm.s32 $0xFFFFFFFF;
	p2 =	slt.u32 s8, $0xFFFFF086  }
0x1c: {  	p1 =	slt.u32 s9, $0xF7A;
	s5 =	simm.s32 @!p2 $0x0  }
0x1d: {  	s5 =	simm.s32 @p1 $0x1;
	p0 =	seq.s32 s7, s2  }
0x1e: {  	s7 =	smul.u32 @!p0 $0xF7A, s2;
	p2 =	seq.s32 @!p0 s5, $0x0  }
0x1f: {  	s9 =	smul.u32 $0xF7A, s1;
	s8 =	simm.s32 @!p0 $0x1BF5;
	p2 =	por !p2, p0  }
0x20: {  	[sflag:s8] =	ssyncset.s32 @!p0 $0xFFFFF086;
	s6 =	sadd.s32 @!p0 s3, s7;
	s7 =	simm.s32 @!p0 $0x108  }
0x21: {  	s3 =	sadd.s32 s3, s9;
	s6 =	sadd.s32 @!p0 $0x88, s6;
	s7 =	simm.s32 @p2 $0x1082  }
0x22: {  	[simem:s7], [sflag:s8] =	dma.local @!p0 [hbm:s6], $0xF7A  }
0x23: {  	s9 =	sor.u32 $0xD0000000, s2;
	s6 =	simm.s32 $0x108;
	_ =	swait.ge @!p0 [sflag:s8], $0x0  }
0x24: {  	s3 =	sadd.s32 $0x88, s3;
	s6 =	simm.s32 @!p1 $0x1082;
	[sflag:s4] =	ssyncset.s32 $0xFFFFF086  }
0x25: {  	[simem:s6], [sflag:s4] =	dma.local [hbm:s3], $0xF7A  }
0x26: {  	[smem:$0x3F93] =	sst s1;
	(tag) =	ssettag s2;
	_ =	strace s9  }
0x27: {  	s1 =	sld [smem:$0x3FA3]  }
0x28: {  	s2 =	sld [smem:$0x3FA4]  }
0x29: {  	s4 =	sld [smem:$0x3FA6]  }
0x2a: {  	p0 =	seq.s32 s5, $0x0;
	s5 =	sld [smem:$0x3FA7]  }
0x2b: {  	s6 =	sld [smem:$0x3FA8]  }
0x2c: {  	s7 =	sld [smem:$0x3FA9]  }
0x2d: {  	s3 =	simm.s32 $0x108;
	s8 =	sld [smem:$0x3FAA]  }
0x2e: {  	s3 =	simm.s32 @!p0 $0x1082;
	s9 =	sld [smem:$0x3FAB]  }
0x2f: {  	lr =	sadd.s32 s0, s3;
	s0 =	sld [smem:$0x3FA2]  }
0x30: {  	s3 =	sld [smem:$0x3FA5]  }
0x31: {  	[smem:$0x3FAE] =	sst s10  }
0x32: {  	s10 =	sld [smem:$0x3FAC];
	_ =	sdelay $0x3  }
0x33: {  	p0 =	seq.s32 s10, $0x1;
	s10 =	sld [smem:$0x3FAE];
	_ =	sdelay $0x3  }
0x34: {  	[smem:$0x3FAE] =	sst s10  }
0x35: {  	s10 =	sld [smem:$0x3FAD];
	_ =	sdelay $0x3  }
0x36: {  	p1 =	seq.s32 s10, $0x1;
	s10 =	sld [smem:$0x3FAE];
	_ =	sdelay $0x3  }
0x37: {  	[smem:$0x3FAE] =	sst s10  }
0x38: {  	s10 =	sld [smem:$0x3FAF]  }
0x39: {  	_ = 	snop;
	(pc) =	sbr.ind lr, $3  }
0x3a: {  	_ = 	snop  }
0x3b: {  	_ = 	snop  }
0x3c: {  	p2 =	seq.s32 s10, $0x1;
	s10 =	sld [smem:$0x3FAE]  }
0x3d: {  	_ =	shalt  }
0x3e: {  	_ =	shalt  }
0x3f: {  	_ =	shalt  }
0x40: {  	_ =	shalt  }
0x41: {  	_ =	shalt  }
0x42: {  	_ =	shalt  }
0x43: {  	_ =	shalt  }
0x44: {  	_ =	shalt  }
0x45: {  	_ =	shalt  }
0x46: {  	_ =	shalt  }
0x47: {  	_ =	shalt  }
0x48: {  	_ =	shalt  }
0x49: {  	_ =	shalt  }
0x4a: {  	_ =	shalt  }
0x4b: {  	_ =	shalt  }
0x4c: {  	_ =	shalt  }
0x4d: {  	_ =	shalt  }
0x4e: {  	_ =	shalt  }
0x4f: {  	_ =	shalt  }
0x50: {  	_ =	shalt  }
0x51: {  	_ =	shalt  }
0x52: {  	_ =	shalt  }
0x53: {  	_ =	shalt  }
0x54: {  	_ =	shalt  }
0x55: {  	_ =	shalt  }
0x56: {  	_ =	shalt  }
0x57: {  	_ =	shalt  }
0x58: {  	_ =	shalt  }
0x59: {  	_ =	shalt  }
0x5a: {  	_ =	shalt  }
0x5b: {  	_ =	shalt  }
0x5c: {  	_ =	shalt  }
0x5d: {  	_ =	shalt  }
0x5e: {  	_ =	shalt  }
0x5f: {  	_ =	shalt  }
0x60: {  	_ =	shalt  }
0x61: {  	_ =	shalt  }
0x62: {  	_ =	shalt  }
0x63: {  	_ =	shalt  }
0x64: {  	_ =	shalt  }
0x65: {  	_ =	shalt  }
0x66: {  	_ =	shalt  }
0x67: {  	_ =	shalt  }
0x68: {  	_ =	shalt  }
0x69: {  	_ =	shalt  }
0x6a: {  	_ =	shalt  }
0x6b: {  	_ =	shalt  }
0x6c: {  	_ =	shalt  }
0x6d: {  	_ =	shalt  }
0x6e: {  	_ =	shalt  }
0x6f: {  	_ =	shalt  }
0x70: {  	_ =	shalt  }
0x71: {  	_ =	shalt  }
0x72: {  	_ =	shalt  }
0x73: {  	_ =	shalt  }
0x74: {  	_ =	shalt  }
0x75: {  	_ =	shalt  }
0x76: {  	_ =	shalt  }
0x77: {  	_ =	shalt  }
0x78: {  	_ =	shalt  }
0x79: {  	_ =	shalt  }
0x7a: {  	_ =	shalt  }
0x7b: {  	_ =	shalt  }
0x7c: {  	_ =	shalt  }
0x7d: {  	_ =	shalt  }
0x7e: {  	_ =	shalt  }
0x7f: {  	_ =	shalt  }
0x80: {  	_ =	shalt  }
0x81: {  	_ =	shalt  }
0x82: {  	_ =	shalt  }
0x83: {  	_ =	shalt  }
0x84: {  	_ =	shalt  }
0x85: {  	_ =	shalt  }
0x86: {  	_ =	shalt  }
0x87: {  	_ =	shalt  }
.Lfunc_end0:
.L_simem_size_0:
called_computation.3_lowered:
.L_overlay_start_0:
0x88: {  	s2 =	sld [smem:$0x3FD9]  }
0x89: {  	s3 =	sld [smem:$0x3FFE];
	_ =	sdelay $0x1  }
0x8a: {  	s1 =	srdreg.scid  }
0x8b: {  	s0 =	sand.u32 $0x1, s1  }
0x8c: {  	s17 =	sshll.u32 s0, $0xA;
	s2 =	sadd.s32 s3, s2  }
0x8d: {  	s2 =	sadd.s32 s2, s17  }
0x8e: {  	[smem:$0x3FBA] =	sst s2  }
0x8f: {  	_ = 	snop  }
0x90: {  	s18 =	sld [smem:$0x3FD0];
	(tm) =	ssettm $0x1  }
0x91: {  	s19 =	sld [smem:$0x3FFB];
	_ =	sdelay $0x3  }
0x92: {  	_ =	strace s19  }
0x93: {  	s2 =	sld [smem:$0x3FFC];
	_ =	sdelay $0x3  }
0x94: {  	_ =	strace s2  }
0x95: {  	s2 =	sld [smem:$0x3FFD];
	_ =	sdelay $0x3  }
0x96: {  	_ =	strace s2  }
0x97: {  	_ =	strace $0x8FFFFFFF  }
0x98: {  	s20 =	sld [smem:$0x3FDB];
	_ =	sdelay $0x1  }
0x99: {  	s4 =	simm.s32 $_scs_section_size  }
0x9a: {  	s5 =	simm.s32 $_size__tile_overlayer_lowered;
	s6 =	simm.s32 $_tile_overlayer_lowered  }
0x9b: {  	s7 =	simm.s32 $0x1BFF;
	s21 =	sshll.u32 s6, $0x1;
	s4 =	sadd.s32 s4, s20  }
0x9c: {  	s22 =	simm.s32 $0x0;
	s5 =	sshll.u32 s5, $0x1;
	s6 =	sadd.s32 s21, s4  }
0x9d: {  	[timem:s22], [sflag:s7] =	dma.local [hbm:s6], s5  }
0x9e: {  	_ =	swait.ge [sflag:s7], s5  }
0x9f: {  	s5 =	ssub.s32 $0x0, s5;
	[sflag:s7] =	ssyncset.done $0x0  }
0xa0: {  	[sflag:s7] =	ssyncadd.s32 s5;
	_ =	sdelay $0x1  }
0xa1: {  	s23 =	simm.s32 $0x1B8B  }
0xa2: {  	_ =	swait.ge [sflag:s23], $0x1  }
0xa3: {  	[sflag:s23] =	ssyncset.done $0x0  }
0xa4: {  	[sflag:s23] =	ssyncadd.s32 $0xFFFFFFFF  }
0xa5: {  	s5 =	sld [smem:$0x0]  }
0xa6: {  	s6 =	sand.u32 $0xFFFFFFFE, s1  }
0xa7: {  	p0 =	sne.s32 s1, s6  }
0xa8: {  	s6 =	sshll.u32 @p0 s6, $0xE  }
0xa9: {  	s6 =	sadd.s32 @p0 $0x11B8D, s6;
	s7 =	sshll.u32 @p0 s5, $0x11  }
0xaa: {  	s6 =	sor.u32 @p0 s7, s6  }
0xab: {  	[sflag:s6] =	ssyncadd.remote.s32 @p0 $0x1;
	_ =	sdelay $0x1  }
0xac: {  	s6 =	simm.s32 @p0 $0x1B8D  }
0xad: {  	_ =	swait.eq @p0 [sflag:s6], $0x1  }
0xae: {  	[sflag:s6] =	ssyncadd.s32 @p0 $0xFFFFFFFF  }
0xaf: {  	s7 =	sshll.u32 @!p0 s1, $0xE  }
0xb0: {  	s7 =	sor.u32 @!p0 $0x4000, s7;
	s6 =	simm.s32 @!p0 $0x1B8D  }
0xb1: {  	s5 =	sshll.u32 @!p0 s5, $0x11;
	s7 =	sadd.s32 @!p0 $0x11B8D, s7;
	_ =	swait.eq @!p0 [sflag:s6], $0x1  }
0xb2: {  	s5 =	sor.u32 @!p0 s5, s7;
	[sflag:s6] =	ssyncadd.s32 @!p0 $0xFFFFFFFF  }
0xb3: {  	s25 =	simm.s32 $0x1B8E;
	s24 =	sld [smem:$0x3FFE];
	[sflag:s5] =	ssyncadd.remote.s32 @!p0 $0x1  }
0xb4: {  	s26 =	simm.s32 $execute0_lowered;
	[smem:$0x3FD2] =	sst s25  }
0xb5: {  	s6 =	sshll.u32 s26, $0x1;
	_ =	strace $0x80000052;
	[dreg:$0x1] =	wrdreg $0xFFFFFFFF  }
0xb6: {  	s28 =	simm.s32 $_size_execute0_lowered;
	s4 =	sadd.s32 s4, s6;
	[dreg:$0x0] =	wrdreg $0x0  }
0xb7: {  	s6 =	sshll.u32 s28, $0x1;
	[dreg:$0x2] =	wrdreg s4  }
0xb8: {  	[dreg:$0x3] =	wrdreg s6  }
0xb9: {  	[dreg:$0x4] =	wrdreg $0xC0  }
0xba: {  	_ =	task [dreg:s22], $0x5FFFF  }
0xbb: {  	[dreg:$0x1] =	wrdreg $0xFFFFFFFF  }
0xbc: {  	[dreg:$0x0] =	wrdreg $0x60  }
0xbd: {  	[dreg:$0x2] =	wrdreg s24  }
0xbe: {  	[dreg:$0x3] =	wrdreg s18  }
0xbf: {  	[dreg:$0x4] =	wrdreg $0xA0E00  }
0xc0: {  	[dreg:$0x5] =	wrdreg $0x9  }
0xc1: {  	_ =	task.clear_ibuf [dreg:s22], $0x6FFFF;
	_ =	strace $0x90000052  }
0xc2: {  	s29 =	simm.s32 $0x9;
	_ =	strace $0x80000054  }
0xc3: {  	_ =	swait.ge [sflag:s29], $0x1  }
0xc4: {  	[sflag:s29] =	ssyncadd.s32 $0xFFFFFFFF  }
0xc5: {  	_ =	strace $0x90000054  }
0xc6: {  	_ =	sfence  }
0xc7: {  	s30 =	sld [smem:$0x0];
	_ =	sdelay $0x2  }
0xc8: {  	s31 =	sshll.u32 s1, $0xD;
	s1 =	sshrl.u32 s1, $0x2  }
0xc9: {  	s4 =	sand.u32 $0x4000, s31;
	s1 =	sadd.s32 s1, s30  }
0xca: {  	s0 =	sor.u32 s4, s0;
	s1 =	sshll.u32 s1, $0x11  }
0xcb: {  	s0 =	sor.u32 s1, s0  }
0xcc: {  	s0 =	sadd.s32 $0x8F2B, s0  }
0xcd: {  	[sflag:s0] =	ssyncadd.remote.s32 $0x1  }
0xce: {  	_ =	sfence.sel $0xFFFF  }
0xcf: {  	[dreg:$0x0] =	wrdreg $0xFFFFFFFF;
	(pc) =	sbr.abs _section_cstart, $3  }
0xd0: {  	[dreg:$0x1] =	wrdreg $0xFFFFFFFF  }
0xd1: {  	_ =	task.clear_ibuf [dreg:s22], $0x2FFFF;
	_ =	strace $0x9FFFFFFF  }
0xd2: {  	(tm) =	ssettm $0x7FFFFFFF  }
0xd3: {  	_ =	shalt  }
tec
execute0_lowered:
.L_overlay_start_1:
0x0: {  	(tag) =	ssettag $0x1  }
0x1: {  	s7 =	rddreg [dreg:$0x0]  }
0x2: {  	s2 =	rddreg [dreg:$0x1];
	s0 =	srdreg.scid  }
0x3: {  	s3 =	rddreg [dreg:$0x2];
	s1 =	stileid.u32;
	s4 =	simm.s32 $0x0  }
0x4: {  	s16 =	simm.s32 $0x1;
	s17 =	simm.s32 $0x80;
	s18 =	simm.s32 $0x2060  }
0x5: {  	s6 =	sand.u32 $0x1, s0;
	s0 =	rddreg [dreg:$0x3];
	s8 =	smul.u32 $0x140, s1  }
0x6: {  	s19 =	simm.s32 $0xA060;
	[smem:$0x7FF] =	sst s4;
	s10 =	smul.u32 $0x50000, s1  }
0x7: {  	s5 =	sadd.s32 $0xA9800, s7;
	s31 =	sshll.u32 s1, $0x6;
	s14 =	smul.u32 $0x1400, s6  }
0x8: {  	_ =	strace $0x80000053;
	s9 =	ssub.s32 $0x2, s6;
	s6 =	sadd.s32 $0x4800, s7  }
0x9: {  	s29 =	sshrl.u32 s9, $0x1;
	s30 =	sshrl.u32 s10, $0x2;
	s8 =	sadd.s32 s8, s14  }
.Ltmp0:
0xa: {  	s12 =	ssub.s32 s9, s29;
	s13 =	sadd.s32 s30, s3;
	(pc) =	sbr.rel .LBB2_1-.Ltmp0, $4  }
0xb: {  	s9 =	smul.u32 $0x2710, s1;
	s15 =	sadd.s32 $0x1400, s14;
	s8 =	sshll.u32 s8, $0x5  }
0xc: {  	v0 =	vmov s14;
	s14 =	simm.s32 $0x7D0;
	v1 =	vmov s15;
	s15 =	simm.s32 $0x1800;
	s11 =	sadd.s32 s8, s7  }
0xd: {  	s7 =	sadd.s32 s5, s8;
	s8 =	sor.u32 $0x1C02, s31;
	s10 =	sadd.s32 $0xF9800, s11  }
0xe: {  	v2 =	vimm.s32 $0x0;
	v3 =	vlaneseq.u32;
	v4 =	vimm.s32 $0xFFFFFFFF;
	s11 =	smax.u32 s12, $0x1;
	s12 =	sshrl.u32 s13, $0x3;
	s13 =	simm.s32 $0x2  }
.LBB2_9:
0xf: {  	[bflag:$0x0] =	sbarrier.arrive $0xFFFF;
	s4 =	sadd.s32 $0x1, s4  }
0x10: {  	[hbm:s10], [sflag:s8] =	dma.local [spmem:s12], $0x2800  }
0x11: {  	p0 =	sne.s32 s4, s11  }
.Ltmp1:
0x12: {  	_ =	swait.ge [sflag:s13], $0x2800;
	(pc) =	sbr.rel @!p0 .LBB2_10-.Ltmp1, $3  }
0x13: {  	[sflag:s13] =	ssyncset.done $0x0  }
0x14: {  	[sflag:s13] =	ssyncadd.s32 $0xFFFFD800  }
0x15: {  	[bflag:$0x0] =	sbarrier.arrive $0xFFFF;
	_ =	sdelay $0x1  }
.LBB2_1:
0x16: {  	[spmem:s12], [sflag:s8] =	dma.local [hbm:s7], $0x2800  }
.Ltmp2:
0x17: {  	_ =	swait.ge [sflag:s13], $0x2800;
	(pc) =	sbr.rel .LBB2_2-.Ltmp2, $4  }
0x18: {  	[sflag:s13] =	ssyncset.done $0x0  }
0x19: {  	[sflag:s13] =	ssyncadd.s32 $0xFFFFD800  }
0x1a: {  	[bflag:$0x0] =	sbarrier.arrive $0xFFFF  }
0x1b: {  	s20 =	simm.s32 $0x0  }
.LBB2_7:
0x1c: {  	[sflag:s13] =	ssyncadd.s32 $0xFFFF8000  }
.LBB2_8:
0x1d: {  	s20 =	sadd.s32 $0x1, s20  }
0x1e: {  	p0 =	sne.s32 s20, $0x5  }
.Ltmp3:
0x1f: {  	_ = 	snop;
	(pc) =	sbr.rel @!p0 .LBB2_9-.Ltmp3, $1  }
0x20: {  	_ =	sdelay $0x3  }
.LBB2_2:
0x21: {  	s21 =	smul.u32 $0x7D0, s20;
	_ =	sdelay $0x1  }
0x22: {  	s21 =	sadd.s32 s9, s21  }
0x23: {  	s22 =	sshrl.u32 s21, $0x3  }
0x24: {  	s21 =	simm.s32 $0x0;
	s23 =	sadd.s32 s2, s22  }
0x25: {  	[tilespmem:s21], [sflag:$0x2] =	stream.linear.gather [hbm4b:s23+s21], $0x7D0, $0x38;
	[tilespmem:$0x1E160] =	vst v63  }
0x26: {  	_ =	swait.ge [sflag:s13], $0x7D0  }
0x27: {  	[sflag:s13] =	ssyncset.done $0x0  }
0x28: {  	s22 =	sadd.s32 s6, s22;
	[sflag:s13] =	ssyncadd.s32 $0xFFFFF830  }
0x29: {  	[tilespmem:s14], [sflag:$0x2] =	stream.linear.gather [hbm4b:s22+s21], $0x7D0, $0x38;
	[tilespmem:$0x1E160] =	vst v63  }
0x2a: {  	_ =	swait.ge [sflag:s13], $0x7D0  }
0x2b: {  	[sflag:s13] =	ssyncset.done $0x0  }
0x2c: {  	s31 =	simm.s32 $0x0;
	[sflag:s13] =	ssyncadd.s32 $0xFFFFF830  }
0x2d: {  	v5 =	vld [tilespmem:s31+$0x7D0];
	_ =	sdelay $0x4  }
0x2e: {  	vm0 =	vge.s32 v5, v0;
	vm1 =	vlt.s32 v5, v1  }
0x2f: {  	vm0 =	vmand vm0, vm1  }
0x30: {  	v6 =	vsel vm0, $0x1, v2  }
0x31: {  	(xrf0) =	vadd.scan.msk.s32 $0xffff, v6;
	_ =	sdelay $0x1  }
0x32: {  	v6 =	vld [tilespmem:s31+$0x0];
	_ =	sdelay $0x3  }
0x33: {  	v7, _, _ =	vpop (xrf0)  }
0x34: {  	v5 =	vsub.s32 v5, v0;
	[tilespmem:s21+$0xFA0] =	vst.msk vm0, v6;
	(v2sf) =	vpush v7, $0xF  }
0x35: {  	s23 =	simm.s32 $0x10;
	s22 =	simm.s32 $0x80;
	[tilespmem:s21+$0x1800] =	vst.msk vm0, v5  }
.LBB2_3:
0x36: {  	p0 =	sne.s32 s22, $0x1F00;
	v5 =	vld [tilespmem:s23+$0x7D0];
	_ =	sdelay $0x4  }
0x37: {  	vm0 =	vge.s32 v5, v0;
	vm1 =	vlt.s32 v5, v1;
	v5 =	vsub.s32 v5, v0  }
0x38: {  	vm0 =	vmand vm0, vm1  }
0x39: {  	v6 =	vsel vm0, $0x1, v2  }
0x3a: {  	(xrf0) =	vadd.scan.msk.s32 $0xffff, v6;
	_ =	sdelay $0x1  }
0x3b: {  	v6 =	vld [tilespmem:s23+$0x0];
	_ =	sdelay $0x1  }
.Ltmp4:
0x3c: {  	(pc) =	sbr.rel @p0 .LBB2_3-.Ltmp4, $4  }
0x3d: {  	s23 =	spop (v2sf)  }
0x3e: {  	v7, _, _ =	vpop (xrf0);
	s21 =	sadd.s32 s21, s23  }
0x3f: {  	[tilespmem:s21+$0xFA0] =	vst.msk vm0, v6;
	(v2sf) =	vpush v7, $0xF  }
0x40: {  	s23 =	sshra.s32 s22, $0x2;
	s22 =	sadd.s32 $0x40, s22;
	[tilespmem:s21+$0x1800] =	vst.msk vm0, v5  }
0x41: {  	v5 =	vld [tilespmem:s23+$0x7D0];
	_ =	sdelay $0x4  }
0x42: {  	vm0 =	vge.s32 v5, v0;
	vm1 =	vlt.s32 v5, v1  }
0x43: {  	vm0 =	vmand vm0, vm1  }
0x44: {  	v6 =	vsel vm0, $0x1, v2  }
0x45: {  	(xrf0) =	vadd.scan.msk.s32 $0xffff, v6;
	_ =	sdelay $0x5  }
0x46: {  	v6, _, _ =	vpop (xrf0)  }
0x47: {  	(v2sf) =	vpush v6, $0xF;
	_ =	sdelay $0xd  }
0x48: {  	s22 =	spop (v2sf)  }
0x49: {  	s21 =	sadd.s32 s21, s22;
	v6 =	vld [tilespmem:s23+$0x0];
	s30 =	spop (v2sf)  }
0x4a: {  	s22 =	sadd.s32 s21, s30  }
0x4b: {  	v7 =	vadd.s32 s22, v3  }
0x4c: {  	s31 =	sadd.s32 $0x10, s22  }
0x4d: {  	v8 =	vadd.s32 s31, v3  }
0x4e: {  	v5 =	vsub.s32 v5, v0;
	[tilespmem:s21+$0xFA0] =	vst.msk vm0, v6;
	s24 =	sadd.s32 $0x20, s22  }
0x4f: {  	[tilespmem:s21+$0x1800] =	vst.msk vm0, v5;
	v5 =	vadd.s32 s24, v3  }
0x50: {  	s21 =	simm.s32 $0xFA0;
	s25 =	sadd.s32 $0x30, s22;
	[tilespmem:v7+s15+$0x0] =	vst.idx.msk $0xffff, v4  }
0x51: {  	v6 =	vadd.s32 s25, v3;
	[tilespmem:v7+s21+$0x0] =	vst.idx.msk $0xffff, v2  }
0x52: {  	s26 =	sadd.s32 $0x40, s22;
	[tilespmem:v8+s15+$0x0] =	vst.idx.msk $0xffff, v4  }
0x53: {  	s28 =	sadd.s32 $0x50, s22;
	s30 =	sadd.s32 $0x7F, s22;
	v7 =	vadd.s32 s26, v3;
	[tilespmem:v8+s21+$0x0] =	vst.idx.msk $0xffff, v2  }
0x54: {  	s29 =	sadd.s32 $0x60, s22;
	s22 =	sadd.s32 $0x70, s22;
	s24 =	sand.u32 $0x7F, s30;
	[tilespmem:v5+s15+$0x0] =	vst.idx.msk $0xffff, v4  }
0x55: {  	s31 =	sshra.s32 s30, $0x1F;
	p1 =	slt.s32 s30, $0x1;
	p0 =	sne.s32 s24, $0x0;
	[tilespmem:v5+s21+$0x0] =	vst.idx.msk $0xffff, v2;
	v5 =	vadd.s32 s28, v3  }
0x56: {  	v63 =	vadd.s32 s22, v3;
	s22 =	sshrl.u32 s31, $0x19;
	p0 =	por !p1, !p0;
	[tilespmem:v6+s15+$0x0] =	vst.idx.msk $0xffff, v4  }
0x57: {  	s23 =	simm.s32 $0x1;
	s22 =	sadd.s32 s22, s30;
	p0 =	por !p0, !p0;
	[tilespmem:v6+s21+$0x0] =	vst.idx.msk $0xffff, v2;
	v6 =	vadd.s32 s29, v3  }
0x58: {  	s22 =	sshra.s32 s22, $0x7;
	s23 =	simm.s32 @!p0 $0x0;
	[tilespmem:v7+s15+$0x0] =	vst.idx.msk $0xffff, v4  }
0x59: {  	s23 =	ssub.s32 s22, s23;
	[tilespmem:v7+s21+$0x0] =	vst.idx.msk $0xffff, v2  }
0x5a: {  	p0 =	slt.s32 s23, $0x1;
	[tilespmem:v5+s15+$0x0] =	vst.idx.msk $0xffff, v4  }
.Ltmp5:
0x5b: {  	[tilespmem:v5+s21+$0x0] =	vst.idx.msk $0xffff, v2;
	(pc) =	sbr.rel @p0 .LBB2_8-.Ltmp5, $4  }
0x5c: {  	[tilespmem:v6+s15+$0x0] =	vst.idx.msk $0xffff, v4  }
0x5d: {  	[tilespmem:v6+s21+$0x0] =	vst.idx.msk $0xffff, v2  }
0x5e: {  	[tilespmem:v63+s15+$0x0] =	vst.idx.msk $0xffff, v4  }
0x5f: {  	s22 =	simm.s32 $0x1840;
	[tilespmem:v63+s21+$0x0] =	vst.idx.msk $0xffff, v2  }
0x60: {  	[tilespmem:s18], [sflag:$0x1] =	stream.indirect.gather [hbm4b:s5+s17], $0x100, s21, s17, $0xb8;
	[tilespmem:$0x1E160] =	vst v63  }
0x61: {  	_ =	swait.ge [sflag:s16], $0x8000  }
0x62: {  	[sflag:s16] =	ssyncset.done $0x0  }
0x63: {  	[sflag:s16] =	ssyncadd.s32 $0xFFFF8000  }
0x64: {  	v5 =	vld [tilespmem:s22+$0xFFFFFFC0];
	_ =	sdelay $0x4  }
0x65: {  	[tilespmem:$0xA060] =	vst v5  }
0x66: {  	v5 =	vld [tilespmem:s22+$0xFFFFFFD0];
	_ =	sdelay $0x4  }
0x67: {  	[tilespmem:$0xA070] =	vst v5  }
0x68: {  	v5 =	vld [tilespmem:s22+$0xFFFFFFE0];
	_ =	sdelay $0x4  }
0x69: {  	[tilespmem:$0xA080] =	vst v5  }
0x6a: {  	v5 =	vld [tilespmem:s22+$0xFFFFFFF0];
	_ =	sdelay $0x4  }
0x6b: {  	[tilespmem:$0xA090] =	vst v5  }
0x6c: {  	v5 =	vld [tilespmem:s22+$0x0];
	_ =	sdelay $0x4  }
0x6d: {  	[tilespmem:$0xA0A0] =	vst v5  }
0x6e: {  	v5 =	vld [tilespmem:s22+$0x10];
	_ =	sdelay $0x4  }
0x6f: {  	[tilespmem:$0xA0B0] =	vst v5  }
0x70: {  	v5 =	vld [tilespmem:s22+$0x20];
	_ =	sdelay $0x4  }
0x71: {  	[tilespmem:$0xA0C0] =	vst v5  }
0x72: {  	v5 =	vld [tilespmem:s22+$0x30];
	_ =	sdelay $0x2  }
0x73: {  	p0 =	sne.s32 s23, $0x1  }
.Ltmp6:
0x74: {  	_ = 	snop;
	(pc) =	sbr.rel @!p0 .LBB2_7-.Ltmp6, $4  }
0x75: {  	[tilespmem:$0xA0D0] =	vst v5;
	(ifvalue) =	ssetifvalue $0xFFFFFFFF  }
0x76: {  	[spmem:s3] =	stream.indirect.scatter.add.f32 [tilespmem:s18], [sflag:$0x2], $0x100, s19, s17, $0x40b8;
	[tilespmem:$0x1E160] =	vst v63  }
0x77: {  	_ =	swait.ge [sflag:s13], $0x8000  }
0x78: {  	s23 =	sadd.s32 $0xFFFFFFFF, s23;
	[sflag:s13] =	ssyncset.done $0x0  }
.LBB2_6:
0x79: {  	[sflag:s13] =	ssyncadd.s32 $0xFFFF8000;
	s21 =	sadd.s32 $0x80, s21;
	s22 =	sadd.s32 $0x80, s22  }
0x7a: {  	[tilespmem:s18], [sflag:$0x1] =	stream.indirect.gather [hbm4b:s5+s17], $0x100, s21, s17, $0xb8;
	[tilespmem:$0x1E160] =	vst v63  }
0x7b: {  	p0 =	sne.s32 s23, $0x1;
	s23 =	sadd.s32 $0xFFFFFFFF, s23;
	_ =	swait.ge [sflag:s16], $0x8000  }
0x7c: {  	[sflag:s16] =	ssyncset.done $0x0  }
0x7d: {  	[sflag:s16] =	ssyncadd.s32 $0xFFFF8000  }
0x7e: {  	v5 =	vld [tilespmem:s22+$0xFFFFFFC0];
	_ =	sdelay $0x4  }
0x7f: {  	[tilespmem:$0xA060] =	vst v5  }
0x80: {  	v5 =	vld [tilespmem:s22+$0xFFFFFFD0];
	_ =	sdelay $0x4  }
0x81: {  	[tilespmem:$0xA070] =	vst v5  }
0x82: {  	v5 =	vld [tilespmem:s22+$0xFFFFFFE0];
	_ =	sdelay $0x4  }
0x83: {  	[tilespmem:$0xA080] =	vst v5  }
0x84: {  	v5 =	vld [tilespmem:s22+$0xFFFFFFF0];
	_ =	sdelay $0x4  }
0x85: {  	[tilespmem:$0xA090] =	vst v5  }
0x86: {  	v5 =	vld [tilespmem:s22+$0x0];
	_ =	sdelay $0x4  }
0x87: {  	[tilespmem:$0xA0A0] =	vst v5  }
0x88: {  	v5 =	vld [tilespmem:s22+$0x10];
	_ =	sdelay $0x4  }
0x89: {  	[tilespmem:$0xA0B0] =	vst v5  }
0x8a: {  	v5 =	vld [tilespmem:s22+$0x20];
	_ =	sdelay $0x4  }
0x8b: {  	[tilespmem:$0xA0C0] =	vst v5  }
0x8c: {  	v5 =	vld [tilespmem:s22+$0x30];
	_ =	sdelay $0x4  }
.Ltmp7:
0x8d: {  	[tilespmem:$0xA0D0] =	vst v5;
	(pc) =	sbr.rel @p0 .LBB2_6-.Ltmp7, $4  }
0x8e: {  	(ifvalue) =	ssetifvalue $0xFFFFFFFF  }
0x8f: {  	[spmem:s3] =	stream.indirect.scatter.add.f32 [tilespmem:s18], [sflag:$0x2], $0x100, s19, s17, $0x40b8;
	[tilespmem:$0x1E160] =	vst v63  }
0x90: {  	_ =	swait.ge [sflag:s13], $0x8000  }
0x91: {  	[sflag:s13] =	ssyncset.done $0x0  }
.Ltmp8:
0x92: {  	_ = 	snop;
	(pc) =	sbr.rel .LBB2_7-.Ltmp8, $1  }
0x93: {  	_ =	sdelay $0x3  }
.LBB2_10:
0x94: {  	_ =	sfence.sel $0x180000  }
0x95: {  	[bflag:$0x0] =	sbarrier.arrive $0xFFFF  }
0x96: {  	p0 =	sne.s32 s1, $0x0;
	_ =	strace $0x90000053  }
0x97: {  	s0 =	sadd.s32 @!p0 $0x100000, s0;
	[bflag:$0x2] =	sbarrier.arrive $0xFFFF  }
0x98: {  	[sflag:s0] =	ssyncadd.tile.s32 @!p0 $0x1;
	_ =	shalt  }
.Lfunc_end2:
_tile_overlayer_lowered:
.L_overlay_start_2:
0x99: {  	(tag) =	ssettag $0x2  }
0x9a: {  	s0 =	rddreg [dreg:$0x0];
	s2 =	stileid.u32  }
0x9b: {  	s1 =	rddreg [dreg:$0x1];
	p0 =	sne.s32 s2, $0x0  }
0x9c: {  	s3 =	rddreg [dreg:$0x2];
	[bflag:$0x3] =	sbarrier.arrive $0xFFFF;
	s2 =	simm.s32 @!p0 $0x1C02  }
0x9d: {  	[timem:s3], [sflag:s2] =	dma.local @!p0 [hbm:s0], s1  }
0x9e: {  	s0 =	simm.s32 @!p0 $0x2  }
0x9f: {  	_ =	swait.ge @!p0 [sflag:s0], s1  }
0xa0: {  	s1 =	ssub.s32 @!p0 $0x0, s1;
	[sflag:s0] =	ssyncset.done @!p0 $0x0  }
0xa1: {  	[sflag:s0] =	ssyncadd.s32 @!p0 s1  }
0xa2: {  	[bflag:$0x3] =	sbarrier.arrive $0xFFFF  }
0xa3: {  	_ =	shalt  }

// kernel: kernel.29.cloned.1.call-start
scs
__scs_entry_jumppad:
0x0: {  	(pc) =	sbr.rel $0x88, $3  }
0x1: {  	(tag) =	ssettag $0x0;
	lr =	simm.s32 $0x1  }
0x2: {  	[smem:$0x3F93] =	sst lr;
	_ =	strace $0xD0000000  }
0x3: {  	_ = 	snop  }
0x4: {  	_ = 	snop  }
0x5: {  	_ = 	snop  }
0x6: {  	_ = 	snop  }
0x7: {  	_ = 	snop  }
__scs_overlays_trampoline_lowered:
0x8: {  	[smem:$0x3FA2] =	sst s0  }
0x9: {  	[smem:$0x3FA3] =	sst s1  }
0xa: {  	[smem:$0x3FA4] =	sst s2  }
0xb: {  	[smem:$0x3FA5] =	sst s3  }
0xc: {  	[smem:$0x3FA6] =	sst s4  }
0xd: {  	[smem:$0x3FA7] =	sst s5  }
0xe: {  	[smem:$0x3FA8] =	sst s6  }
0xf: {  	[smem:$0x3FA9] =	sst s7  }
0x10: {  	[smem:$0x3FAA] =	sst s8  }
0x11: {  	[smem:$0x3FAB] =	sst s9;
	s0 =	simm.s32 @!p0 $0x0  }
0x12: {  	s1 =	sld [smem:$0x3F91];
	s0 =	simm.s32 @p0 $0x1  }
0x13: {  	[smem:$0x3FAC] =	sst s0;
	s0 =	simm.s32 @!p1 $0x0  }
0x14: {  	s2 =	sld [smem:$0x3F90];
	s0 =	simm.s32 @p1 $0x1  }
0x15: {  	[smem:$0x3FAD] =	sst s0;
	s0 =	simm.s32 @!p2 $0x0  }
0x16: {  	s3 =	sld [smem:$0x3FDB];
	s0 =	simm.s32 @p2 $0x1  }
0x17: {  	s4 =	simm.s32 $0x1BF5;
	[smem:$0x3FAF] =	sst s0  }
0x18: {  	s0 =	sld [smem:$0x3F92];
	_ =	swait.ge [sflag:s4], $0x0  }
0x19: {  	s7 =	sld [smem:$0x3F93]  }
0x1a: {  	s8 =	sadd.s32 $0xFFFFE003, lr  }
0x1b: {  	s9 =	sadd.s32 $0xFFFFFEF7, lr;
	s5 =	simm.s32 $0xFFFFFFFF;
	p2 =	slt.u32 s8, $0xFFFFF086  }
0x1c: {  	p1 =	slt.u32 s9, $0xF7A;
	s5 =	simm.s32 @!p2 $0x0  }
0x1d: {  	s5 =	simm.s32 @p1 $0x1;
	p0 =	seq.s32 s7, s2  }
0x1e: {  	s7 =	smul.u32 @!p0 $0xF7A, s2;
	p2 =	seq.s32 @!p0 s5, $0x0  }
0x1f: {  	s9 =	smul.u32 $0xF7A, s1;
	s8 =	simm.s32 @!p0 $0x1BF5;
	p2 =	por !p2, p0  }
0x20: {  	[sflag:s8] =	ssyncset.s32 @!p0 $0xFFFFF086;
	s6 =	sadd.s32 @!p0 s3, s7;
	s7 =	simm.s32 @!p0 $0x108  }
0x21: {  	s3 =	sadd.s32 s3, s9;
	s6 =	sadd.s32 @!p0 $0x88, s6;
	s7 =	simm.s32 @p2 $0x1082  }
0x22: {  	[simem:s7], [sflag:s8] =	dma.local @!p0 [hbm:s6], $0xF7A  }
0x23: {  	s9 =	sor.u32 $0xD0000000, s2;
	s6 =	simm.s32 $0x108;
	_ =	swait.ge @!p0 [sflag:s8], $0x0  }
0x24: {  	s3 =	sadd.s32 $0x88, s3;
	s6 =	simm.s32 @!p1 $0x1082;
	[sflag:s4] =	ssyncset.s32 $0xFFFFF086  }
0x25: {  	[simem:s6], [sflag:s4] =	dma.local [hbm:s3], $0xF7A  }
0x26: {  	[smem:$0x3F93] =	sst s1;
	(tag) =	ssettag s2;
	_ =	strace s9  }
0x27: {  	s1 =	sld [smem:$0x3FA3]  }
0x28: {  	s2 =	sld [smem:$0x3FA4]  }
0x29: {  	s4 =	sld [smem:$0x3FA6]  }
0x2a: {  	p0 =	seq.s32 s5, $0x0;
	s5 =	sld [smem:$0x3FA7]  }
0x2b: {  	s6 =	sld [smem:$0x3FA8]  }
0x2c: {  	s7 =	sld [smem:$0x3FA9]  }
0x2d: {  	s3 =	simm.s32 $0x108;
	s8 =	sld [smem:$0x3FAA]  }
0x2e: {  	s3 =	simm.s32 @!p0 $0x1082;
	s9 =	sld [smem:$0x3FAB]  }
0x2f: {  	lr =	sadd.s32 s0, s3;
	s0 =	sld [smem:$0x3FA2]  }
0x30: {  	s3 =	sld [smem:$0x3FA5]  }
0x31: {  	[smem:$0x3FAE] =	sst s10  }
0x32: {  	s10 =	sld [smem:$0x3FAC];
	_ =	sdelay $0x3  }
0x33: {  	p0 =	seq.s32 s10, $0x1;
	s10 =	sld [smem:$0x3FAE];
	_ =	sdelay $0x3  }
0x34: {  	[smem:$0x3FAE] =	sst s10  }
0x35: {  	s10 =	sld [smem:$0x3FAD];
	_ =	sdelay $0x3  }
0x36: {  	p1 =	seq.s32 s10, $0x1;
	s10 =	sld [smem:$0x3FAE];
	_ =	sdelay $0x3  }
0x37: {  	[smem:$0x3FAE] =	sst s10  }
0x38: {  	s10 =	sld [smem:$0x3FAF]  }
0x39: {  	_ = 	snop;
	(pc) =	sbr.ind lr, $3  }
0x3a: {  	_ = 	snop  }
0x3b: {  	_ = 	snop  }
0x3c: {  	p2 =	seq.s32 s10, $0x1;
	s10 =	sld [smem:$0x3FAE]  }
0x3d: {  	_ =	shalt  }
0x3e: {  	_ =	shalt  }
0x3f: {  	_ =	shalt  }
0x40: {  	_ =	shalt  }
0x41: {  	_ =	shalt  }
0x42: {  	_ =	shalt  }
0x43: {  	_ =	shalt  }
0x44: {  	_ =	shalt  }
0x45: {  	_ =	shalt  }
0x46: {  	_ =	shalt  }
0x47: {  	_ =	shalt  }
0x48: {  	_ =	shalt  }
0x49: {  	_ =	shalt  }
0x4a: {  	_ =	shalt  }
0x4b: {  	_ =	shalt  }
0x4c: {  	_ =	shalt  }
0x4d: {  	_ =	shalt  }
0x4e: {  	_ =	shalt  }
0x4f: {  	_ =	shalt  }
0x50: {  	_ =	shalt  }
0x51: {  	_ =	shalt  }
0x52: {  	_ =	shalt  }
0x53: {  	_ =	shalt  }
0x54: {  	_ =	shalt  }
0x55: {  	_ =	shalt  }
0x56: {  	_ =	shalt  }
0x57: {  	_ =	shalt  }
0x58: {  	_ =	shalt  }
0x59: {  	_ =	shalt  }
0x5a: {  	_ =	shalt  }
0x5b: {  	_ =	shalt  }
0x5c: {  	_ =	shalt  }
0x5d: {  	_ =	shalt  }
0x5e: {  	_ =	shalt  }
0x5f: {  	_ =	shalt  }
0x60: {  	_ =	shalt  }
0x61: {  	_ =	shalt  }
0x62: {  	_ =	shalt  }
0x63: {  	_ =	shalt  }
0x64: {  	_ =	shalt  }
0x65: {  	_ =	shalt  }
0x66: {  	_ =	shalt  }
0x67: {  	_ =	shalt  }
0x68: {  	_ =	shalt  }
0x69: {  	_ =	shalt  }
0x6a: {  	_ =	shalt  }
0x6b: {  	_ =	shalt  }
0x6c: {  	_ =	shalt  }
0x6d: {  	_ =	shalt  }
0x6e: {  	_ =	shalt  }
0x6f: {  	_ =	shalt  }
0x70: {  	_ =	shalt  }
0x71: {  	_ =	shalt  }
0x72: {  	_ =	shalt  }
0x73: {  	_ =	shalt  }
0x74: {  	_ =	shalt  }
0x75: {  	_ =	shalt  }
0x76: {  	_ =	shalt  }
0x77: {  	_ =	shalt  }
0x78: {  	_ =	shalt  }
0x79: {  	_ =	shalt  }
0x7a: {  	_ =	shalt  }
0x7b: {  	_ =	shalt  }
0x7c: {  	_ =	shalt  }
0x7d: {  	_ =	shalt  }
0x7e: {  	_ =	shalt  }
0x7f: {  	_ =	shalt  }
0x80: {  	_ =	shalt  }
0x81: {  	_ =	shalt  }
0x82: {  	_ =	shalt  }
0x83: {  	_ =	shalt  }
0x84: {  	_ =	shalt  }
0x85: {  	_ =	shalt  }
0x86: {  	_ =	shalt  }
0x87: {  	_ =	shalt  }
.Lfunc_end0:
.L_simem_size_0:
called_computation.4_lowered:
.L_overlay_start_0:
0x88: {  	s2 =	sld [smem:$0x3FD9]  }
0x89: {  	s3 =	sld [smem:$0x3FFE];
	_ =	sdelay $0x1  }
0x8a: {  	s1 =	srdreg.scid  }
0x8b: {  	s0 =	sand.u32 $0x1, s1  }
0x8c: {  	s17 =	sshll.u32 s0, $0xA;
	s2 =	sadd.s32 s3, s2  }
0x8d: {  	s2 =	sadd.s32 s2, s17  }
0x8e: {  	[smem:$0x3FBA] =	sst s2  }
0x8f: {  	_ = 	snop  }
0x90: {  	s2 =	sld [smem:$0x3FD0];
	(tm) =	ssettm $0x1  }
0x91: {  	s18 =	sld [smem:$0x3FFB];
	_ =	sdelay $0x3  }
0x92: {  	_ =	strace s18  }
0x93: {  	s3 =	sld [smem:$0x3FFC];
	_ =	sdelay $0x3  }
0x94: {  	_ =	strace s3  }
0x95: {  	s3 =	sld [smem:$0x3FFD];
	_ =	sdelay $0x3  }
0x96: {  	_ =	strace s3  }
0x97: {  	_ =	strace $0x8FFFFFFF  }
0x98: {  	s19 =	sld [smem:$0x3FDB];
	_ =	sdelay $0x1  }
0x99: {  	s4 =	simm.s32 $_scs_section_size  }
0x9a: {  	s5 =	simm.s32 $_size__tile_overlayer_lowered;
	s6 =	simm.s32 $_tile_overlayer_lowered  }
0x9b: {  	s22 =	simm.s32 $0x1BFF;
	s21 =	sshll.u32 s6, $0x1;
	s3 =	sadd.s32 s4, s19  }
0x9c: {  	s7 =	simm.s32 $0x0;
	s20 =	sshll.u32 s5, $0x1;
	s5 =	sadd.s32 s21, s3  }
0x9d: {  	[timem:s7], [sflag:s22] =	dma.local [hbm:s5], s20  }
0x9e: {  	_ =	swait.ge [sflag:s22], s20  }
0x9f: {  	s4 =	ssub.s32 $0x0, s20;
	[sflag:s22] =	ssyncset.done $0x0  }
0xa0: {  	[sflag:s22] =	ssyncadd.s32 s4;
	_ =	sdelay $0x1  }
0xa1: {  	s23 =	simm.s32 $0x1B8B  }
0xa2: {  	_ =	swait.ge [sflag:s23], $0x1  }
0xa3: {  	[sflag:s23] =	ssyncset.done $0x0  }
0xa4: {  	s25 =	simm.s32 $0x1B8E;
	s24 =	sld [smem:$0x3FFE];
	[sflag:s23] =	ssyncadd.s32 $0xFFFFFFFF  }
0xa5: {  	s26 =	simm.s32 $execute0_lowered;
	[smem:$0x3FD2] =	sst s25  }
0xa6: {  	s5 =	sshll.u32 s26, $0x1;
	_ =	strace $0x8000004F;
	[dreg:$0x1] =	wrdreg $0xFFFFFFFF  }
0xa7: {  	s28 =	simm.s32 $_size_execute0_lowered;
	s3 =	sadd.s32 s3, s5;
	[dreg:$0x0] =	wrdreg $0x0  }
0xa8: {  	s5 =	sshll.u32 s28, $0x1;
	[dreg:$0x2] =	wrdreg s3  }
0xa9: {  	[dreg:$0x3] =	wrdreg s5  }
0xaa: {  	[dreg:$0x4] =	wrdreg $0xC0  }
0xab: {  	_ =	task [dreg:s7], $0x5FFFF  }
0xac: {  	[dreg:$0x1] =	wrdreg $0xFFFFFFFF  }
0xad: {  	[dreg:$0x0] =	wrdreg $0x60  }
0xae: {  	[dreg:$0x2] =	wrdreg s24  }
0xaf: {  	[dreg:$0x3] =	wrdreg s2  }
0xb0: {  	[dreg:$0x4] =	wrdreg $0xA0E00  }
0xb1: {  	[dreg:$0x5] =	wrdreg $0xA  }
0xb2: {  	_ =	task.clear_ibuf [dreg:s7], $0x6FFFF;
	_ =	strace $0x9000004F  }
0xb3: {  	s29 =	simm.s32 $0xA;
	_ =	strace $0x80000051  }
0xb4: {  	_ =	swait.ge [sflag:s29], $0x1  }
0xb5: {  	[sflag:s29] =	ssyncadd.s32 $0xFFFFFFFF  }
0xb6: {  	_ =	strace $0x90000051  }
0xb7: {  	_ =	sfence  }
0xb8: {  	s30 =	sld [smem:$0x0];
	_ =	sdelay $0x2  }
0xb9: {  	s31 =	sshll.u32 s1, $0xD;
	s1 =	sshrl.u32 s1, $0x2  }
0xba: {  	s3 =	sand.u32 $0x4000, s31;
	s1 =	sadd.s32 s1, s30  }
0xbb: {  	s0 =	sor.u32 s3, s0;
	s1 =	sshll.u32 s1, $0x11  }
0xbc: {  	s0 =	sor.u32 s1, s0  }
0xbd: {  	s0 =	sadd.s32 $0x8F2B, s0  }
0xbe: {  	[sflag:s0] =	ssyncadd.remote.s32 $0x1  }
0xbf: {  	_ =	sfence.sel $0xFFFF  }
0xc0: {  	[dreg:$0x0] =	wrdreg $0xFFFFFFFF;
	(pc) =	sbr.abs _section_cstart, $3  }
0xc1: {  	[dreg:$0x1] =	wrdreg $0xFFFFFFFF  }
0xc2: {  	_ =	task.clear_ibuf [dreg:s7], $0x2FFFF;
	_ =	strace $0x9FFFFFFF  }
0xc3: {  	(tm) =	ssettm $0x7FFFFFFF  }
tec
execute0_lowered:
.L_overlay_start_1:
0x0: {  	(tag) =	ssettag $0x1  }
0x1: {  	s7 =	rddreg [dreg:$0x0]  }
0x2: {  	s2 =	rddreg [dreg:$0x1];
	s0 =	srdreg.scid  }
0x3: {  	s3 =	rddreg [dreg:$0x2];
	s1 =	stileid.u32;
	s4 =	simm.s32 $0x0  }
0x4: {  	s16 =	simm.s32 $0x1;
	s17 =	simm.s32 $0x80;
	s18 =	simm.s32 $0x2060  }
0x5: {  	s6 =	sand.u32 $0x1, s0;
	s0 =	rddreg [dreg:$0x3];
	s8 =	smul.u32 $0x140, s1  }
0x6: {  	s19 =	simm.s32 $0xA060;
	[smem:$0x7FF] =	sst s4;
	s10 =	smul.u32 $0x50000, s1  }
0x7: {  	s5 =	sadd.s32 $0x9800, s7;
	s31 =	sshll.u32 s1, $0x6;
	s14 =	smul.u32 $0x1400, s6  }
0x8: {  	_ =	strace $0x80000050;
	s9 =	ssub.s32 $0x2, s6;
	s6 =	sadd.s32 $0x4800, s7  }
0x9: {  	s29 =	sshrl.u32 s9, $0x1;
	s30 =	sshrl.u32 s10, $0x2;
	s8 =	sadd.s32 s8, s14  }
.Ltmp0:
0xa: {  	s12 =	ssub.s32 s9, s29;
	s13 =	sadd.s32 s30, s3;
	(pc) =	sbr.rel .LBB2_1-.Ltmp0, $4  }
0xb: {  	s9 =	smul.u32 $0x2710, s1;
	s15 =	sadd.s32 $0x1400, s14;
	s8 =	sshll.u32 s8, $0x5  }
0xc: {  	v0 =	vmov s14;
	s14 =	simm.s32 $0x7D0;
	v1 =	vmov s15;
	s15 =	simm.s32 $0x1800;
	s11 =	sadd.s32 s8, s7  }
0xd: {  	s7 =	sadd.s32 s5, s8;
	s8 =	sor.u32 $0x1C02, s31;
	s10 =	sadd.s32 $0x59800, s11  }
0xe: {  	v2 =	vimm.s32 $0x0;
	v3 =	vlaneseq.u32;
	v4 =	vimm.s32 $0xFFFFFFFF;
	s11 =	smax.u32 s12, $0x1;
	s12 =	sshrl.u32 s13, $0x3;
	s13 =	simm.s32 $0x2  }
.LBB2_9:
0xf: {  	[bflag:$0x0] =	sbarrier.arrive $0xFFFF;
	s4 =	sadd.s32 $0x1, s4  }
0x10: {  	[hbm:s10], [sflag:s8] =	dma.local [spmem:s12], $0x2800  }
0x11: {  	p0 =	sne.s32 s4, s11  }
.Ltmp1:
0x12: {  	_ =	swait.ge [sflag:s13], $0x2800;
	(pc) =	sbr.rel @!p0 .LBB2_10-.Ltmp1, $3  }
0x13: {  	[sflag:s13] =	ssyncset.done $0x0  }
0x14: {  	[sflag:s13] =	ssyncadd.s32 $0xFFFFD800  }
0x15: {  	[bflag:$0x0] =	sbarrier.arrive $0xFFFF;
	_ =	sdelay $0x1  }
.LBB2_1:
0x16: {  	[spmem:s12], [sflag:s8] =	dma.local [hbm:s7], $0x2800  }
.Ltmp2:
0x17: {  	_ =	swait.ge [sflag:s13], $0x2800;
	(pc) =	sbr.rel .LBB2_2-.Ltmp2, $4  }
0x18: {  	[sflag:s13] =	ssyncset.done $0x0  }
0x19: {  	[sflag:s13] =	ssyncadd.s32 $0xFFFFD800  }
0x1a: {  	[bflag:$0x0] =	sbarrier.arrive $0xFFFF  }
0x1b: {  	s20 =	simm.s32 $0x0  }
.LBB2_7:
0x1c: {  	[sflag:s13] =	ssyncadd.s32 $0xFFFF8000  }
.LBB2_8:
0x1d: {  	s20 =	sadd.s32 $0x1, s20  }
0x1e: {  	p0 =	sne.s32 s20, $0x5  }
.Ltmp3:
0x1f: {  	_ = 	snop;
	(pc) =	sbr.rel @!p0 .LBB2_9-.Ltmp3, $1  }
0x20: {  	_ =	sdelay $0x3  }
.LBB2_2:
0x21: {  	s21 =	smul.u32 $0x7D0, s20;
	_ =	sdelay $0x1  }
0x22: {  	s21 =	sadd.s32 s9, s21  }
0x23: {  	s22 =	sshrl.u32 s21, $0x3  }
0x24: {  	s21 =	simm.s32 $0x0;
	s23 =	sadd.s32 s2, s22  }
0x25: {  	[tilespmem:s21], [sflag:$0x2] =	stream.linear.gather [hbm4b:s23+s21], $0x7D0, $0x38;
	[tilespmem:$0x1E160] =	vst v63  }
0x26: {  	_ =	swait.ge [sflag:s13], $0x7D0  }
0x27: {  	[sflag:s13] =	ssyncset.done $0x0  }
0x28: {  	s22 =	sadd.s32 s6, s22;
	[sflag:s13] =	ssyncadd.s32 $0xFFFFF830  }
0x29: {  	[tilespmem:s14], [sflag:$0x2] =	stream.linear.gather [hbm4b:s22+s21], $0x7D0, $0x38;
	[tilespmem:$0x1E160] =	vst v63  }
0x2a: {  	_ =	swait.ge [sflag:s13], $0x7D0  }
0x2b: {  	[sflag:s13] =	ssyncset.done $0x0  }
0x2c: {  	s31 =	simm.s32 $0x0;
	[sflag:s13] =	ssyncadd.s32 $0xFFFFF830  }
0x2d: {  	v5 =	vld [tilespmem:s31+$0x7D0];
	_ =	sdelay $0x4  }
0x2e: {  	vm0 =	vge.s32 v5, v0;
	vm1 =	vlt.s32 v5, v1  }
0x2f: {  	vm0 =	vmand vm0, vm1  }
0x30: {  	v6 =	vsel vm0, $0x1, v2  }
0x31: {  	(xrf0) =	vadd.scan.msk.s32 $0xffff, v6;
	_ =	sdelay $0x1  }
0x32: {  	v6 =	vld [tilespmem:s31+$0x0];
	_ =	sdelay $0x3  }
0x33: {  	v7, _, _ =	vpop (xrf0)  }
0x34: {  	v5 =	vsub.s32 v5, v0;
	[tilespmem:s21+$0xFA0] =	vst.msk vm0, v6;
	(v2sf) =	vpush v7, $0xF  }
0x35: {  	s23 =	simm.s32 $0x10;
	s22 =	simm.s32 $0x80;
	[tilespmem:s21+$0x1800] =	vst.msk vm0, v5  }
.LBB2_3:
0x36: {  	p0 =	sne.s32 s22, $0x1F00;
	v5 =	vld [tilespmem:s23+$0x7D0];
	_ =	sdelay $0x4  }
0x37: {  	vm0 =	vge.s32 v5, v0;
	vm1 =	vlt.s32 v5, v1;
	v5 =	vsub.s32 v5, v0  }
0x38: {  	vm0 =	vmand vm0, vm1  }
0x39: {  	v6 =	vsel vm0, $0x1, v2  }
0x3a: {  	(xrf0) =	vadd.scan.msk.s32 $0xffff, v6;
	_ =	sdelay $0x1  }
0x3b: {  	v6 =	vld [tilespmem:s23+$0x0];
	_ =	sdelay $0x1  }
.Ltmp4:
0x3c: {  	(pc) =	sbr.rel @p0 .LBB2_3-.Ltmp4, $4  }
0x3d: {  	s23 =	spop (v2sf)  }
0x3e: {  	v7, _, _ =	vpop (xrf0);
	s21 =	sadd.s32 s21, s23  }
0x3f: {  	[tilespmem:s21+$0xFA0] =	vst.msk vm0, v6;
	(v2sf) =	vpush v7, $0xF  }
0x40: {  	s23 =	sshra.s32 s22, $0x2;
	s22 =	sadd.s32 $0x40, s22;
	[tilespmem:s21+$0x1800] =	vst.msk vm0, v5  }
0x41: {  	v5 =	vld [tilespmem:s23+$0x7D0];
	_ =	sdelay $0x4  }
0x42: {  	vm0 =	vge.s32 v5, v0;
	vm1 =	vlt.s32 v5, v1  }
0x43: {  	vm0 =	vmand vm0, vm1  }
0x44: {  	v6 =	vsel vm0, $0x1, v2  }
0x45: {  	(xrf0) =	vadd.scan.msk.s32 $0xffff, v6;
	_ =	sdelay $0x5  }
0x46: {  	v6, _, _ =	vpop (xrf0)  }
0x47: {  	(v2sf) =	vpush v6, $0xF;
	_ =	sdelay $0xd  }
0x48: {  	s22 =	spop (v2sf)  }
0x49: {  	s21 =	sadd.s32 s21, s22;
	v6 =	vld [tilespmem:s23+$0x0];
	s30 =	spop (v2sf)  }
0x4a: {  	s22 =	sadd.s32 s21, s30  }
0x4b: {  	v7 =	vadd.s32 s22, v3  }
0x4c: {  	s31 =	sadd.s32 $0x10, s22  }
0x4d: {  	v8 =	vadd.s32 s31, v3  }
0x4e: {  	v5 =	vsub.s32 v5, v0;
	[tilespmem:s21+$0xFA0] =	vst.msk vm0, v6;
	s24 =	sadd.s32 $0x20, s22  }
0x4f: {  	[tilespmem:s21+$0x1800] =	vst.msk vm0, v5;
	v5 =	vadd.s32 s24, v3  }
0x50: {  	s21 =	simm.s32 $0xFA0;
	s25 =	sadd.s32 $0x30, s22;
	[tilespmem:v7+s15+$0x0] =	vst.idx.msk $0xffff, v4  }
0x51: {  	v6 =	vadd.s32 s25, v3;
	[tilespmem:v7+s21+$0x0] =	vst.idx.msk $0xffff, v2  }
0x52: {  	s26 =	sadd.s32 $0x40, s22;
	[tilespmem:v8+s15+$0x0] =	vst.idx.msk $0xffff, v4  }
0x53: {  	s28 =	sadd.s32 $0x50, s22;
	s30 =	sadd.s32 $0x7F, s22;
	v7 =	vadd.s32 s26, v3;
	[tilespmem:v8+s21+$0x0] =	vst.idx.msk $0xffff, v2  }
0x54: {  	s29 =	sadd.s32 $0x60, s22;
	s22 =	sadd.s32 $0x70, s22;
	s24 =	sand.u32 $0x7F, s30;
	[tilespmem:v5+s15+$0x0] =	vst.idx.msk $0xffff, v4  }
0x55: {  	s31 =	sshra.s32 s30, $0x1F;
	p1 =	slt.s32 s30, $0x1;
	p0 =	sne.s32 s24, $0x0;
	[tilespmem:v5+s21+$0x0] =	vst.idx.msk $0xffff, v2;
	v5 =	vadd.s32 s28, v3  }
0x56: {  	v63 =	vadd.s32 s22, v3;
	s22 =	sshrl.u32 s31, $0x19;
	p0 =	por !p1, !p0;
	[tilespmem:v6+s15+$0x0] =	vst.idx.msk $0xffff, v4  }
0x57: {  	s23 =	simm.s32 $0x1;
	s22 =	sadd.s32 s22, s30;
	p0 =	por !p0, !p0;
	[tilespmem:v6+s21+$0x0] =	vst.idx.msk $0xffff, v2;
	v6 =	vadd.s32 s29, v3  }
0x58: {  	s22 =	sshra.s32 s22, $0x7;
	s23 =	simm.s32 @!p0 $0x0;
	[tilespmem:v7+s15+$0x0] =	vst.idx.msk $0xffff, v4  }
0x59: {  	s23 =	ssub.s32 s22, s23;
	[tilespmem:v7+s21+$0x0] =	vst.idx.msk $0xffff, v2  }
0x5a: {  	p0 =	slt.s32 s23, $0x1;
	[tilespmem:v5+s15+$0x0] =	vst.idx.msk $0xffff, v4  }
.Ltmp5:
0x5b: {  	[tilespmem:v5+s21+$0x0] =	vst.idx.msk $0xffff, v2;
	(pc) =	sbr.rel @p0 .LBB2_8-.Ltmp5, $4  }
0x5c: {  	[tilespmem:v6+s15+$0x0] =	vst.idx.msk $0xffff, v4  }
0x5d: {  	[tilespmem:v6+s21+$0x0] =	vst.idx.msk $0xffff, v2  }
0x5e: {  	[tilespmem:v63+s15+$0x0] =	vst.idx.msk $0xffff, v4  }
0x5f: {  	s22 =	simm.s32 $0x1840;
	[tilespmem:v63+s21+$0x0] =	vst.idx.msk $0xffff, v2  }
0x60: {  	[tilespmem:s18], [sflag:$0x1] =	stream.indirect.gather [hbm4b:s5+s17], $0x100, s21, s17, $0xb8;
	[tilespmem:$0x1E160] =	vst v63  }
0x61: {  	_ =	swait.ge [sflag:s16], $0x8000  }
0x62: {  	[sflag:s16] =	ssyncset.done $0x0  }
0x63: {  	[sflag:s16] =	ssyncadd.s32 $0xFFFF8000  }
0x64: {  	v5 =	vld [tilespmem:s22+$0xFFFFFFC0];
	_ =	sdelay $0x4  }
0x65: {  	[tilespmem:$0xA060] =	vst v5  }
0x66: {  	v5 =	vld [tilespmem:s22+$0xFFFFFFD0];
	_ =	sdelay $0x4  }
0x67: {  	[tilespmem:$0xA070] =	vst v5  }
0x68: {  	v5 =	vld [tilespmem:s22+$0xFFFFFFE0];
	_ =	sdelay $0x4  }
0x69: {  	[tilespmem:$0xA080] =	vst v5  }
0x6a: {  	v5 =	vld [tilespmem:s22+$0xFFFFFFF0];
	_ =	sdelay $0x4  }
0x6b: {  	[tilespmem:$0xA090] =	vst v5  }
0x6c: {  	v5 =	vld [tilespmem:s22+$0x0];
	_ =	sdelay $0x4  }
0x6d: {  	[tilespmem:$0xA0A0] =	vst v5  }
0x6e: {  	v5 =	vld [tilespmem:s22+$0x10];
	_ =	sdelay $0x4  }
0x6f: {  	[tilespmem:$0xA0B0] =	vst v5  }
0x70: {  	v5 =	vld [tilespmem:s22+$0x20];
	_ =	sdelay $0x4  }
0x71: {  	[tilespmem:$0xA0C0] =	vst v5  }
0x72: {  	v5 =	vld [tilespmem:s22+$0x30];
	_ =	sdelay $0x2  }
0x73: {  	p0 =	sne.s32 s23, $0x1  }
.Ltmp6:
0x74: {  	_ = 	snop;
	(pc) =	sbr.rel @!p0 .LBB2_7-.Ltmp6, $4  }
0x75: {  	[tilespmem:$0xA0D0] =	vst v5;
	(ifvalue) =	ssetifvalue $0xFFFFFFFF  }
0x76: {  	[spmem:s3] =	stream.indirect.scatter.add.f32 [tilespmem:s18], [sflag:$0x2], $0x100, s19, s17, $0x40b8;
	[tilespmem:$0x1E160] =	vst v63  }
0x77: {  	_ =	swait.ge [sflag:s13], $0x8000  }
0x78: {  	s23 =	sadd.s32 $0xFFFFFFFF, s23;
	[sflag:s13] =	ssyncset.done $0x0  }
.LBB2_6:
0x79: {  	[sflag:s13] =	ssyncadd.s32 $0xFFFF8000;
	s21 =	sadd.s32 $0x80, s21;
	s22 =	sadd.s32 $0x80, s22  }
0x7a: {  	[tilespmem:s18], [sflag:$0x1] =	stream.indirect.gather [hbm4b:s5+s17], $0x100, s21, s17, $0xb8;
	[tilespmem:$0x1E160] =	vst v63  }
0x7b: {  	p0 =	sne.s32 s23, $0x1;
	s23 =	sadd.s32 $0xFFFFFFFF, s23;
	_ =	swait.ge [sflag:s16], $0x8000  }
0x7c: {  	[sflag:s16] =	ssyncset.done $0x0  }
0x7d: {  	[sflag:s16] =	ssyncadd.s32 $0xFFFF8000  }
0x7e: {  	v5 =	vld [tilespmem:s22+$0xFFFFFFC0];
	_ =	sdelay $0x4  }
0x7f: {  	[tilespmem:$0xA060] =	vst v5  }
0x80: {  	v5 =	vld [tilespmem:s22+$0xFFFFFFD0];
	_ =	sdelay $0x4  }
0x81: {  	[tilespmem:$0xA070] =	vst v5  }
0x82: {  	v5 =	vld [tilespmem:s22+$0xFFFFFFE0];
	_ =	sdelay $0x4  }
0x83: {  	[tilespmem:$0xA080] =	vst v5  }
0x84: {  	v5 =	vld [tilespmem:s22+$0xFFFFFFF0];
	_ =	sdelay $0x4  }
0x85: {  	[tilespmem:$0xA090] =	vst v5  }
0x86: {  	v5 =	vld [tilespmem:s22+$0x0];
	_ =	sdelay $0x4  }
0x87: {  	[tilespmem:$0xA0A0] =	vst v5  }
0x88: {  	v5 =	vld [tilespmem:s22+$0x10];
	_ =	sdelay $0x4  }
0x89: {  	[tilespmem:$0xA0B0] =	vst v5  }
0x8a: {  	v5 =	vld [tilespmem:s22+$0x20];
	_ =	sdelay $0x4  }
0x8b: {  	[tilespmem:$0xA0C0] =	vst v5  }
0x8c: {  	v5 =	vld [tilespmem:s22+$0x30];
	_ =	sdelay $0x4  }
.Ltmp7:
0x8d: {  	[tilespmem:$0xA0D0] =	vst v5;
	(pc) =	sbr.rel @p0 .LBB2_6-.Ltmp7, $4  }
0x8e: {  	(ifvalue) =	ssetifvalue $0xFFFFFFFF  }
0x8f: {  	[spmem:s3] =	stream.indirect.scatter.add.f32 [tilespmem:s18], [sflag:$0x2], $0x100, s19, s17, $0x40b8;
	[tilespmem:$0x1E160] =	vst v63  }
0x90: {  	_ =	swait.ge [sflag:s13], $0x8000  }
0x91: {  	[sflag:s13] =	ssyncset.done $0x0  }
.Ltmp8:
0x92: {  	_ = 	snop;
	(pc) =	sbr.rel .LBB2_7-.Ltmp8, $1  }
0x93: {  	_ =	sdelay $0x3  }
.LBB2_10:
0x94: {  	_ =	sfence.sel $0x180000  }
0x95: {  	[bflag:$0x0] =	sbarrier.arrive $0xFFFF  }
0x96: {  	p0 =	sne.s32 s1, $0x0;
	_ =	strace $0x90000050  }
0x97: {  	s0 =	sadd.s32 @!p0 $0x100000, s0;
	[bflag:$0x2] =	sbarrier.arrive $0xFFFF  }
0x98: {  	[sflag:s0] =	ssyncadd.tile.s32 @!p0 $0x1;
	_ =	shalt  }
.Lfunc_end2:
_tile_overlayer_lowered:
.L_overlay_start_2:
0x99: {  	(tag) =	ssettag $0x2  }
0x9a: {  	s0 =	rddreg [dreg:$0x0];
	s2 =	stileid.u32  }
0x9b: {  	s1 =	rddreg [dreg:$0x1];
	p0 =	sne.s32 s2, $0x0  }
0x9c: {  	s3 =	rddreg [dreg:$0x2];
	[bflag:$0x3] =	sbarrier.arrive $0xFFFF;
	s2 =	simm.s32 @!p0 $0x1C02  }
0x9d: {  	[timem:s3], [sflag:s2] =	dma.local @!p0 [hbm:s0], s1  }
0x9e: {  	s0 =	simm.s32 @!p0 $0x2  }
0x9f: {  	_ =	swait.ge @!p0 [sflag:s0], s1  }
0xa0: {  	s1 =	ssub.s32 @!p0 $0x0, s1;
	[sflag:s0] =	ssyncset.done @!p0 $0x0  }
0xa1: {  	[sflag:s0] =	ssyncadd.s32 @!p0 s1  }
0xa2: {  	[bflag:$0x3] =	sbarrier.arrive $0xFFFF  }
0xa3: {  	_ =	shalt  }

// kernel: kernel.32.cloned.1.call-start
scs
__scs_entry_jumppad:
0x0: {  	(pc) =	sbr.rel $0x88, $3  }
0x1: {  	(tag) =	ssettag $0x0;
	lr =	simm.s32 $0x1  }
0x2: {  	[smem:$0x3F93] =	sst lr;
	_ =	strace $0xD0000000  }
0x3: {  	_ = 	snop  }
0x4: {  	_ = 	snop  }
0x5: {  	_ = 	snop  }
0x6: {  	_ = 	snop  }
0x7: {  	_ = 	snop  }
__scs_overlays_trampoline_lowered:
0x8: {  	[smem:$0x3FA2] =	sst s0  }
0x9: {  	[smem:$0x3FA3] =	sst s1  }
0xa: {  	[smem:$0x3FA4] =	sst s2  }
0xb: {  	[smem:$0x3FA5] =	sst s3  }
0xc: {  	[smem:$0x3FA6] =	sst s4  }
0xd: {  	[smem:$0x3FA7] =	sst s5  }
0xe: {  	[smem:$0x3FA8] =	sst s6  }
0xf: {  	[smem:$0x3FA9] =	sst s7  }
0x10: {  	[smem:$0x3FAA] =	sst s8  }
0x11: {  	[smem:$0x3FAB] =	sst s9;
	s0 =	simm.s32 @!p0 $0x0  }
0x12: {  	s1 =	sld [smem:$0x3F91];
	s0 =	simm.s32 @p0 $0x1  }
0x13: {  	[smem:$0x3FAC] =	sst s0;
	s0 =	simm.s32 @!p1 $0x0  }
0x14: {  	s2 =	sld [smem:$0x3F90];
	s0 =	simm.s32 @p1 $0x1  }
0x15: {  	[smem:$0x3FAD] =	sst s0;
	s0 =	simm.s32 @!p2 $0x0  }
0x16: {  	s3 =	sld [smem:$0x3FDB];
	s0 =	simm.s32 @p2 $0x1  }
0x17: {  	s4 =	simm.s32 $0x1BF5;
	[smem:$0x3FAF] =	sst s0  }
0x18: {  	s0 =	sld [smem:$0x3F92];
	_ =	swait.ge [sflag:s4], $0x0  }
0x19: {  	s7 =	sld [smem:$0x3F93]  }
0x1a: {  	s8 =	sadd.s32 $0xFFFFE003, lr  }
0x1b: {  	s9 =	sadd.s32 $0xFFFFFEF7, lr;
	s5 =	simm.s32 $0xFFFFFFFF;
	p2 =	slt.u32 s8, $0xFFFFF086  }
0x1c: {  	p1 =	slt.u32 s9, $0xF7A;
	s5 =	simm.s32 @!p2 $0x0  }
0x1d: {  	s5 =	simm.s32 @p1 $0x1;
	p0 =	seq.s32 s7, s2  }
0x1e: {  	s7 =	smul.u32 @!p0 $0xF7A, s2;
	p2 =	seq.s32 @!p0 s5, $0x0  }
0x1f: {  	s9 =	smul.u32 $0xF7A, s1;
	s8 =	simm.s32 @!p0 $0x1BF5;
	p2 =	por !p2, p0  }
0x20: {  	[sflag:s8] =	ssyncset.s32 @!p0 $0xFFFFF086;
	s6 =	sadd.s32 @!p0 s3, s7;
	s7 =	simm.s32 @!p0 $0x108  }
0x21: {  	s3 =	sadd.s32 s3, s9;
	s6 =	sadd.s32 @!p0 $0x88, s6;
	s7 =	simm.s32 @p2 $0x1082  }
0x22: {  	[simem:s7], [sflag:s8] =	dma.local @!p0 [hbm:s6], $0xF7A  }
0x23: {  	s9 =	sor.u32 $0xD0000000, s2;
	s6 =	simm.s32 $0x108;
	_ =	swait.ge @!p0 [sflag:s8], $0x0  }
0x24: {  	s3 =	sadd.s32 $0x88, s3;
	s6 =	simm.s32 @!p1 $0x1082;
	[sflag:s4] =	ssyncset.s32 $0xFFFFF086  }
0x25: {  	[simem:s6], [sflag:s4] =	dma.local [hbm:s3], $0xF7A  }
0x26: {  	[smem:$0x3F93] =	sst s1;
	(tag) =	ssettag s2;
	_ =	strace s9  }
0x27: {  	s1 =	sld [smem:$0x3FA3]  }
0x28: {  	s2 =	sld [smem:$0x3FA4]  }
0x29: {  	s4 =	sld [smem:$0x3FA6]  }
0x2a: {  	p0 =	seq.s32 s5, $0x0;
	s5 =	sld [smem:$0x3FA7]  }
0x2b: {  	s6 =	sld [smem:$0x3FA8]  }
0x2c: {  	s7 =	sld [smem:$0x3FA9]  }
0x2d: {  	s3 =	simm.s32 $0x108;
	s8 =	sld [smem:$0x3FAA]  }
0x2e: {  	s3 =	simm.s32 @!p0 $0x1082;
	s9 =	sld [smem:$0x3FAB]  }
0x2f: {  	lr =	sadd.s32 s0, s3;
	s0 =	sld [smem:$0x3FA2]  }
0x30: {  	s3 =	sld [smem:$0x3FA5]  }
0x31: {  	[smem:$0x3FAE] =	sst s10  }
0x32: {  	s10 =	sld [smem:$0x3FAC];
	_ =	sdelay $0x3  }
0x33: {  	p0 =	seq.s32 s10, $0x1;
	s10 =	sld [smem:$0x3FAE];
	_ =	sdelay $0x3  }
0x34: {  	[smem:$0x3FAE] =	sst s10  }
0x35: {  	s10 =	sld [smem:$0x3FAD];
	_ =	sdelay $0x3  }
0x36: {  	p1 =	seq.s32 s10, $0x1;
	s10 =	sld [smem:$0x3FAE];
	_ =	sdelay $0x3  }
0x37: {  	[smem:$0x3FAE] =	sst s10  }
0x38: {  	s10 =	sld [smem:$0x3FAF]  }
0x39: {  	_ = 	snop;
	(pc) =	sbr.ind lr, $3  }
0x3a: {  	_ = 	snop  }
0x3b: {  	_ = 	snop  }
0x3c: {  	p2 =	seq.s32 s10, $0x1;
	s10 =	sld [smem:$0x3FAE]  }
0x3d: {  	_ =	shalt  }
0x3e: {  	_ =	shalt  }
0x3f: {  	_ =	shalt  }
0x40: {  	_ =	shalt  }
0x41: {  	_ =	shalt  }
0x42: {  	_ =	shalt  }
0x43: {  	_ =	shalt  }
0x44: {  	_ =	shalt  }
0x45: {  	_ =	shalt  }
0x46: {  	_ =	shalt  }
0x47: {  	_ =	shalt  }
0x48: {  	_ =	shalt  }
0x49: {  	_ =	shalt  }
0x4a: {  	_ =	shalt  }
0x4b: {  	_ =	shalt  }
0x4c: {  	_ =	shalt  }
0x4d: {  	_ =	shalt  }
0x4e: {  	_ =	shalt  }
0x4f: {  	_ =	shalt  }
0x50: {  	_ =	shalt  }
0x51: {  	_ =	shalt  }
0x52: {  	_ =	shalt  }
0x53: {  	_ =	shalt  }
0x54: {  	_ =	shalt  }
0x55: {  	_ =	shalt  }
0x56: {  	_ =	shalt  }
0x57: {  	_ =	shalt  }
0x58: {  	_ =	shalt  }
0x59: {  	_ =	shalt  }
0x5a: {  	_ =	shalt  }
0x5b: {  	_ =	shalt  }
0x5c: {  	_ =	shalt  }
0x5d: {  	_ =	shalt  }
0x5e: {  	_ =	shalt  }
0x5f: {  	_ =	shalt  }
0x60: {  	_ =	shalt  }
0x61: {  	_ =	shalt  }
0x62: {  	_ =	shalt  }
0x63: {  	_ =	shalt  }
0x64: {  	_ =	shalt  }
0x65: {  	_ =	shalt  }
0x66: {  	_ =	shalt  }
0x67: {  	_ =	shalt  }
0x68: {  	_ =	shalt  }
0x69: {  	_ =	shalt  }
0x6a: {  	_ =	shalt  }
0x6b: {  	_ =	shalt  }
0x6c: {  	_ =	shalt  }
0x6d: {  	_ =	shalt  }
0x6e: {  	_ =	shalt  }
0x6f: {  	_ =	shalt  }
0x70: {  	_ =	shalt  }
0x71: {  	_ =	shalt  }
0x72: {  	_ =	shalt  }
0x73: {  	_ =	shalt  }
0x74: {  	_ =	shalt  }
0x75: {  	_ =	shalt  }
0x76: {  	_ =	shalt  }
0x77: {  	_ =	shalt  }
0x78: {  	_ =	shalt  }
0x79: {  	_ =	shalt  }
0x7a: {  	_ =	shalt  }
0x7b: {  	_ =	shalt  }
0x7c: {  	_ =	shalt  }
0x7d: {  	_ =	shalt  }
0x7e: {  	_ =	shalt  }
0x7f: {  	_ =	shalt  }
0x80: {  	_ =	shalt  }
0x81: {  	_ =	shalt  }
0x82: {  	_ =	shalt  }
0x83: {  	_ =	shalt  }
0x84: {  	_ =	shalt  }
0x85: {  	_ =	shalt  }
0x86: {  	_ =	shalt  }
0x87: {  	_ =	shalt  }
.Lfunc_end0:
.L_simem_size_0:
called_computation.5_lowered:
.L_overlay_start_0:
0x88: {  	s2 =	sld [smem:$0x3FD9]  }
0x89: {  	s3 =	sld [smem:$0x3FFE];
	_ =	sdelay $0x1  }
0x8a: {  	s1 =	srdreg.scid  }
0x8b: {  	s0 =	sand.u32 $0x1, s1  }
0x8c: {  	s17 =	sshll.u32 s0, $0xA;
	s2 =	sadd.s32 s3, s2  }
0x8d: {  	s2 =	sadd.s32 s2, s17  }
0x8e: {  	[smem:$0x3FBA] =	sst s2  }
0x8f: {  	_ = 	snop  }
0x90: {  	s2 =	sld [smem:$0x3FD0];
	(tm) =	ssettm $0x1  }
0x91: {  	s18 =	sld [smem:$0x3FFB];
	_ =	sdelay $0x3  }
0x92: {  	_ =	strace s18  }
0x93: {  	s3 =	sld [smem:$0x3FFC];
	_ =	sdelay $0x3  }
0x94: {  	_ =	strace s3  }
0x95: {  	s3 =	sld [smem:$0x3FFD];
	_ =	sdelay $0x3  }
0x96: {  	_ =	strace s3  }
0x97: {  	_ =	strace $0x8FFFFFFF  }
0x98: {  	s19 =	sld [smem:$0x3FDB];
	_ =	sdelay $0x1  }
0x99: {  	s4 =	simm.s32 $_scs_section_size  }
0x9a: {  	s5 =	simm.s32 $_size__tile_overlayer_lowered;
	s6 =	simm.s32 $_tile_overlayer_lowered  }
0x9b: {  	s22 =	simm.s32 $0x1BFF;
	s21 =	sshll.u32 s6, $0x1;
	s3 =	sadd.s32 s4, s19  }
0x9c: {  	s7 =	simm.s32 $0x0;
	s20 =	sshll.u32 s5, $0x1;
	s5 =	sadd.s32 s21, s3  }
0x9d: {  	[timem:s7], [sflag:s22] =	dma.local [hbm:s5], s20  }
0x9e: {  	_ =	swait.ge [sflag:s22], s20  }
0x9f: {  	s4 =	ssub.s32 $0x0, s20;
	[sflag:s22] =	ssyncset.done $0x0  }
0xa0: {  	[sflag:s22] =	ssyncadd.s32 s4;
	_ =	sdelay $0x1  }
0xa1: {  	s23 =	simm.s32 $0x1B8B  }
0xa2: {  	_ =	swait.ge [sflag:s23], $0x1  }
0xa3: {  	[sflag:s23] =	ssyncset.done $0x0  }
0xa4: {  	s25 =	simm.s32 $0x1B8E;
	s24 =	sld [smem:$0x3FFE];
	[sflag:s23] =	ssyncadd.s32 $0xFFFFFFFF  }
0xa5: {  	s26 =	simm.s32 $execute0_lowered;
	[smem:$0x3FD2] =	sst s25  }
0xa6: {  	s5 =	sshll.u32 s26, $0x1;
	_ =	strace $0x80000055;
	[dreg:$0x1] =	wrdreg $0xFFFFFFFF  }
0xa7: {  	s28 =	simm.s32 $_size_execute0_lowered;
	s3 =	sadd.s32 s3, s5;
	[dreg:$0x0] =	wrdreg $0x0  }
0xa8: {  	s5 =	sshll.u32 s28, $0x1;
	[dreg:$0x2] =	wrdreg s3  }
0xa9: {  	[dreg:$0x3] =	wrdreg s5  }
0xaa: {  	[dreg:$0x4] =	wrdreg $0xC0  }
0xab: {  	_ =	task [dreg:s7], $0x5FFFF  }
0xac: {  	[dreg:$0x1] =	wrdreg $0xFFFFFFFF  }
0xad: {  	[dreg:$0x0] =	wrdreg $0x60  }
0xae: {  	[dreg:$0x2] =	wrdreg s24  }
0xaf: {  	[dreg:$0x3] =	wrdreg s2  }
0xb0: {  	[dreg:$0x4] =	wrdreg $0xA0E00  }
0xb1: {  	[dreg:$0x5] =	wrdreg $0x9  }
0xb2: {  	_ =	task.clear_ibuf [dreg:s7], $0x6FFFF;
	_ =	strace $0x90000055  }
0xb3: {  	s29 =	simm.s32 $0x9;
	_ =	strace $0x80000057  }
0xb4: {  	_ =	swait.ge [sflag:s29], $0x1  }
0xb5: {  	[sflag:s29] =	ssyncadd.s32 $0xFFFFFFFF  }
0xb6: {  	_ =	strace $0x90000057  }
0xb7: {  	_ =	sfence  }
0xb8: {  	s30 =	sld [smem:$0x0];
	_ =	sdelay $0x2  }
0xb9: {  	s31 =	sshll.u32 s1, $0xD;
	s1 =	sshrl.u32 s1, $0x2  }
0xba: {  	s3 =	sand.u32 $0x4000, s31;
	s1 =	sadd.s32 s1, s30  }
0xbb: {  	s0 =	sor.u32 s3, s0;
	s1 =	sshll.u32 s1, $0x11  }
0xbc: {  	s0 =	sor.u32 s1, s0  }
0xbd: {  	s0 =	sadd.s32 $0x8F2B, s0  }
0xbe: {  	[sflag:s0] =	ssyncadd.remote.s32 $0x1  }
0xbf: {  	_ =	sfence.sel $0xFFFF  }
0xc0: {  	[dreg:$0x0] =	wrdreg $0xFFFFFFFF;
	(pc) =	sbr.abs _section_cstart, $3  }
0xc1: {  	[dreg:$0x1] =	wrdreg $0xFFFFFFFF  }
0xc2: {  	_ =	task.clear_ibuf [dreg:s7], $0x2FFFF;
	_ =	strace $0x9FFFFFFF  }
0xc3: {  	(tm) =	ssettm $0x7FFFFFFF  }
tec
execute0_lowered:
.L_overlay_start_1:
0x0: {  	(tag) =	ssettag $0x1  }
0x1: {  	s7 =	rddreg [dreg:$0x0]  }
0x2: {  	s2 =	rddreg [dreg:$0x1];
	s0 =	srdreg.scid  }
0x3: {  	s3 =	rddreg [dreg:$0x2];
	s1 =	stileid.u32;
	s4 =	simm.s32 $0x0  }
0x4: {  	s16 =	simm.s32 $0x1;
	s17 =	simm.s32 $0x80;
	s18 =	simm.s32 $0x2060  }
0x5: {  	s6 =	sand.u32 $0x1, s0;
	s0 =	rddreg [dreg:$0x3];
	s8 =	smul.u32 $0x140, s1  }
0x6: {  	s19 =	simm.s32 $0xA060;
	[smem:$0x7FF] =	sst s4;
	s10 =	smul.u32 $0x50000, s1  }
0x7: {  	s5 =	sadd.s32 $0x9800, s7;
	s31 =	sshll.u32 s1, $0x6;
	s14 =	smul.u32 $0x1400, s6  }
0x8: {  	_ =	strace $0x80000056;
	s9 =	ssub.s32 $0x2, s6;
	s6 =	sadd.s32 $0x4800, s7  }
0x9: {  	s29 =	sshrl.u32 s9, $0x1;
	s30 =	sshrl.u32 s10, $0x2;
	s8 =	sadd.s32 s8, s14  }
.Ltmp0:
0xa: {  	s12 =	ssub.s32 s9, s29;
	s13 =	sadd.s32 s30, s3;
	(pc) =	sbr.rel .LBB2_1-.Ltmp0, $4  }
0xb: {  	s9 =	smul.u32 $0x2710, s1;
	s15 =	sadd.s32 $0x1400, s14;
	s8 =	sshll.u32 s8, $0x5  }
0xc: {  	v0 =	vmov s14;
	s14 =	simm.s32 $0x7D0;
	v1 =	vmov s15;
	s15 =	simm.s32 $0x1800;
	s11 =	sadd.s32 s8, s7  }
0xd: {  	s7 =	sadd.s32 s5, s8;
	s8 =	sor.u32 $0x1C02, s31;
	s10 =	sadd.s32 $0x59800, s11  }
0xe: {  	v2 =	vimm.s32 $0x0;
	v3 =	vlaneseq.u32;
	v4 =	vimm.s32 $0xFFFFFFFF;
	s11 =	smax.u32 s12, $0x1;
	s12 =	sshrl.u32 s13, $0x3;
	s13 =	simm.s32 $0x2  }
.LBB2_9:
0xf: {  	[bflag:$0x0] =	sbarrier.arrive $0xFFFF;
	s4 =	sadd.s32 $0x1, s4  }
0x10: {  	[hbm:s10], [sflag:s8] =	dma.local [spmem:s12], $0x2800  }
0x11: {  	p0 =	sne.s32 s4, s11  }
.Ltmp1:
0x12: {  	_ =	swait.ge [sflag:s13], $0x2800;
	(pc) =	sbr.rel @!p0 .LBB2_10-.Ltmp1, $3  }
0x13: {  	[sflag:s13] =	ssyncset.done $0x0  }
0x14: {  	[sflag:s13] =	ssyncadd.s32 $0xFFFFD800  }
0x15: {  	[bflag:$0x0] =	sbarrier.arrive $0xFFFF;
	_ =	sdelay $0x1  }
.LBB2_1:
0x16: {  	[spmem:s12], [sflag:s8] =	dma.local [hbm:s7], $0x2800  }
.Ltmp2:
0x17: {  	_ =	swait.ge [sflag:s13], $0x2800;
	(pc) =	sbr.rel .LBB2_2-.Ltmp2, $4  }
0x18: {  	[sflag:s13] =	ssyncset.done $0x0  }
0x19: {  	[sflag:s13] =	ssyncadd.s32 $0xFFFFD800  }
0x1a: {  	[bflag:$0x0] =	sbarrier.arrive $0xFFFF  }
0x1b: {  	s20 =	simm.s32 $0x0  }
.LBB2_7:
0x1c: {  	[sflag:s13] =	ssyncadd.s32 $0xFFFF8000  }
.LBB2_8:
0x1d: {  	s20 =	sadd.s32 $0x1, s20  }
0x1e: {  	p0 =	sne.s32 s20, $0x5  }
.Ltmp3:
0x1f: {  	_ = 	snop;
	(pc) =	sbr.rel @!p0 .LBB2_9-.Ltmp3, $1  }
0x20: {  	_ =	sdelay $0x3  }
.LBB2_2:
0x21: {  	s21 =	smul.u32 $0x7D0, s20;
	_ =	sdelay $0x1  }
0x22: {  	s21 =	sadd.s32 s9, s21  }
0x23: {  	s22 =	sshrl.u32 s21, $0x3  }
0x24: {  	s21 =	simm.s32 $0x0;
	s23 =	sadd.s32 s2, s22  }
0x25: {  	[tilespmem:s21], [sflag:$0x2] =	stream.linear.gather [hbm4b:s23+s21], $0x7D0, $0x38;
	[tilespmem:$0x1E160] =	vst v63  }
0x26: {  	_ =	swait.ge [sflag:s13], $0x7D0  }
0x27: {  	[sflag:s13] =	ssyncset.done $0x0  }
0x28: {  	s22 =	sadd.s32 s6, s22;
	[sflag:s13] =	ssyncadd.s32 $0xFFFFF830  }
0x29: {  	[tilespmem:s14], [sflag:$0x2] =	stream.linear.gather [hbm4b:s22+s21], $0x7D0, $0x38;
	[tilespmem:$0x1E160] =	vst v63  }
0x2a: {  	_ =	swait.ge [sflag:s13], $0x7D0  }
0x2b: {  	[sflag:s13] =	ssyncset.done $0x0  }
0x2c: {  	s31 =	simm.s32 $0x0;
	[sflag:s13] =	ssyncadd.s32 $0xFFFFF830  }
0x2d: {  	v5 =	vld [tilespmem:s31+$0x7D0];
	_ =	sdelay $0x4  }
0x2e: {  	vm0 =	vge.s32 v5, v0;
	vm1 =	vlt.s32 v5, v1  }
0x2f: {  	vm0 =	vmand vm0, vm1  }
0x30: {  	v6 =	vsel vm0, $0x1, v2  }
0x31: {  	(xrf0) =	vadd.scan.msk.s32 $0xffff, v6;
	_ =	sdelay $0x1  }
0x32: {  	v6 =	vld [tilespmem:s31+$0x0];
	_ =	sdelay $0x3  }
0x33: {  	v7, _, _ =	vpop (xrf0)  }
0x34: {  	v5 =	vsub.s32 v5, v0;
	[tilespmem:s21+$0xFA0] =	vst.msk vm0, v6;
	(v2sf) =	vpush v7, $0xF  }
0x35: {  	s23 =	simm.s32 $0x10;
	s22 =	simm.s32 $0x80;
	[tilespmem:s21+$0x1800] =	vst.msk vm0, v5  }
.LBB2_3:
0x36: {  	p0 =	sne.s32 s22, $0x1F00;
	v5 =	vld [tilespmem:s23+$0x7D0];
	_ =	sdelay $0x4  }
0x37: {  	vm0 =	vge.s32 v5, v0;
	vm1 =	vlt.s32 v5, v1;
	v5 =	vsub.s32 v5, v0  }
0x38: {  	vm0 =	vmand vm0, vm1  }
0x39: {  	v6 =	vsel vm0, $0x1, v2  }
0x3a: {  	(xrf0) =	vadd.scan.msk.s32 $0xffff, v6;
	_ =	sdelay $0x1  }
0x3b: {  	v6 =	vld [tilespmem:s23+$0x0];
	_ =	sdelay $0x1  }
.Ltmp4:
0x3c: {  	(pc) =	sbr.rel @p0 .LBB2_3-.Ltmp4, $4  }
0x3d: {  	s23 =	spop (v2sf)  }
0x3e: {  	v7, _, _ =	vpop (xrf0);
	s21 =	sadd.s32 s21, s23  }
0x3f: {  	[tilespmem:s21+$0xFA0] =	vst.msk vm0, v6;
	(v2sf) =	vpush v7, $0xF  }
0x40: {  	s23 =	sshra.s32 s22, $0x2;
	s22 =	sadd.s32 $0x40, s22;
	[tilespmem:s21+$0x1800] =	vst.msk vm0, v5  }
0x41: {  	v5 =	vld [tilespmem:s23+$0x7D0];
	_ =	sdelay $0x4  }
0x42: {  	vm0 =	vge.s32 v5, v0;
	vm1 =	vlt.s32 v5, v1  }
0x43: {  	vm0 =	vmand vm0, vm1  }
0x44: {  	v6 =	vsel vm0, $0x1, v2  }
0x45: {  	(xrf0) =	vadd.scan.msk.s32 $0xffff, v6;
	_ =	sdelay $0x5  }
0x46: {  	v6, _, _ =	vpop (xrf0)  }
0x47: {  	(v2sf) =	vpush v6, $0xF;
	_ =	sdelay $0xd  }
0x48: {  	s22 =	spop (v2sf)  }
0x49: {  	s21 =	sadd.s32 s21, s22;
	v6 =	vld [tilespmem:s23+$0x0];
	s30 =	spop (v2sf)  }
0x4a: {  	s22 =	sadd.s32 s21, s30  }
0x4b: {  	v7 =	vadd.s32 s22, v3  }
0x4c: {  	s31 =	sadd.s32 $0x10, s22  }
0x4d: {  	v8 =	vadd.s32 s31, v3  }
0x4e: {  	v5 =	vsub.s32 v5, v0;
	[tilespmem:s21+$0xFA0] =	vst.msk vm0, v6;
	s24 =	sadd.s32 $0x20, s22  }
0x4f: {  	[tilespmem:s21+$0x1800] =	vst.msk vm0, v5;
	v5 =	vadd.s32 s24, v3  }
0x50: {  	s21 =	simm.s32 $0xFA0;
	s25 =	sadd.s32 $0x30, s22;
	[tilespmem:v7+s15+$0x0] =	vst.idx.msk $0xffff, v4  }
0x51: {  	v6 =	vadd.s32 s25, v3;
	[tilespmem:v7+s21+$0x0] =	vst.idx.msk $0xffff, v2  }
0x52: {  	s26 =	sadd.s32 $0x40, s22;
	[tilespmem:v8+s15+$0x0] =	vst.idx.msk $0xffff, v4  }
0x53: {  	s28 =	sadd.s32 $0x50, s22;
	s30 =	sadd.s32 $0x7F, s22;
	v7 =	vadd.s32 s26, v3;
	[tilespmem:v8+s21+$0x0] =	vst.idx.msk $0xffff, v2  }
0x54: {  	s29 =	sadd.s32 $0x60, s22;
	s22 =	sadd.s32 $0x70, s22;
	s24 =	sand.u32 $0x7F, s30;
	[tilespmem:v5+s15+$0x0] =	vst.idx.msk $0xffff, v4  }
0x55: {  	s31 =	sshra.s32 s30, $0x1F;
	p1 =	slt.s32 s30, $0x1;
	p0 =	sne.s32 s24, $0x0;
	[tilespmem:v5+s21+$0x0] =	vst.idx.msk $0xffff, v2;
	v5 =	vadd.s32 s28, v3  }
0x56: {  	v63 =	vadd.s32 s22, v3;
	s22 =	sshrl.u32 s31, $0x19;
	p0 =	por !p1, !p0;
	[tilespmem:v6+s15+$0x0] =	vst.idx.msk $0xffff, v4  }
0x57: {  	s23 =	simm.s32 $0x1;
	s22 =	sadd.s32 s22, s30;
	p0 =	por !p0, !p0;
	[tilespmem:v6+s21+$0x0] =	vst.idx.msk $0xffff, v2;
	v6 =	vadd.s32 s29, v3  }
0x58: {  	s22 =	sshra.s32 s22, $0x7;
	s23 =	simm.s32 @!p0 $0x0;
	[tilespmem:v7+s15+$0x0] =	vst.idx.msk $0xffff, v4  }
0x59: {  	s23 =	ssub.s32 s22, s23;
	[tilespmem:v7+s21+$0x0] =	vst.idx.msk $0xffff, v2  }
0x5a: {  	p0 =	slt.s32 s23, $0x1;
	[tilespmem:v5+s15+$0x0] =	vst.idx.msk $0xffff, v4  }
.Ltmp5:
0x5b: {  	[tilespmem:v5+s21+$0x0] =	vst.idx.msk $0xffff, v2;
	(pc) =	sbr.rel @p0 .LBB2_8-.Ltmp5, $4  }
0x5c: {  	[tilespmem:v6+s15+$0x0] =	vst.idx.msk $0xffff, v4  }
0x5d: {  	[tilespmem:v6+s21+$0x0] =	vst.idx.msk $0xffff, v2  }
0x5e: {  	[tilespmem:v63+s15+$0x0] =	vst.idx.msk $0xffff, v4  }
0x5f: {  	s22 =	simm.s32 $0x1840;
	[tilespmem:v63+s21+$0x0] =	vst.idx.msk $0xffff, v2  }
0x60: {  	[tilespmem:s18], [sflag:$0x1] =	stream.indirect.gather [hbm4b:s5+s17], $0x100, s21, s17, $0xb8;
	[tilespmem:$0x1E160] =	vst v63  }
0x61: {  	_ =	swait.ge [sflag:s16], $0x8000  }
0x62: {  	[sflag:s16] =	ssyncset.done $0x0  }
0x63: {  	[sflag:s16] =	ssyncadd.s32 $0xFFFF8000  }
0x64: {  	v5 =	vld [tilespmem:s22+$0xFFFFFFC0];
	_ =	sdelay $0x4  }
0x65: {  	[tilespmem:$0xA060] =	vst v5  }
0x66: {  	v5 =	vld [tilespmem:s22+$0xFFFFFFD0];
	_ =	sdelay $0x4  }
0x67: {  	[tilespmem:$0xA070] =	vst v5  }
0x68: {  	v5 =	vld [tilespmem:s22+$0xFFFFFFE0];
	_ =	sdelay $0x4  }
0x69: {  	[tilespmem:$0xA080] =	vst v5  }
0x6a: {  	v5 =	vld [tilespmem:s22+$0xFFFFFFF0];
	_ =	sdelay $0x4  }
0x6b: {  	[tilespmem:$0xA090] =	vst v5  }
0x6c: {  	v5 =	vld [tilespmem:s22+$0x0];
	_ =	sdelay $0x4  }
0x6d: {  	[tilespmem:$0xA0A0] =	vst v5  }
0x6e: {  	v5 =	vld [tilespmem:s22+$0x10];
	_ =	sdelay $0x4  }
0x6f: {  	[tilespmem:$0xA0B0] =	vst v5  }
0x70: {  	v5 =	vld [tilespmem:s22+$0x20];
	_ =	sdelay $0x4  }
0x71: {  	[tilespmem:$0xA0C0] =	vst v5  }
0x72: {  	v5 =	vld [tilespmem:s22+$0x30];
	_ =	sdelay $0x2  }
0x73: {  	p0 =	sne.s32 s23, $0x1  }
.Ltmp6:
0x74: {  	_ = 	snop;
	(pc) =	sbr.rel @!p0 .LBB2_7-.Ltmp6, $4  }
0x75: {  	[tilespmem:$0xA0D0] =	vst v5;
	(ifvalue) =	ssetifvalue $0xFFFFFFFF  }
0x76: {  	[spmem:s3] =	stream.indirect.scatter.add.f32 [tilespmem:s18], [sflag:$0x2], $0x100, s19, s17, $0x40b8;
	[tilespmem:$0x1E160] =	vst v63  }
0x77: {  	_ =	swait.ge [sflag:s13], $0x8000  }
0x78: {  	s23 =	sadd.s32 $0xFFFFFFFF, s23;
	[sflag:s13] =	ssyncset.done $0x0  }
.LBB2_6:
0x79: {  	[sflag:s13] =	ssyncadd.s32 $0xFFFF8000;
	s21 =	sadd.s32 $0x80, s21;
	s22 =	sadd.s32 $0x80, s22  }
0x7a: {  	[tilespmem:s18], [sflag:$0x1] =	stream.indirect.gather [hbm4b:s5+s17], $0x100, s21, s17, $0xb8;
	[tilespmem:$0x1E160] =	vst v63  }
0x7b: {  	p0 =	sne.s32 s23, $0x1;
	s23 =	sadd.s32 $0xFFFFFFFF, s23;
	_ =	swait.ge [sflag:s16], $0x8000  }
0x7c: {  	[sflag:s16] =	ssyncset.done $0x0  }
0x7d: {  	[sflag:s16] =	ssyncadd.s32 $0xFFFF8000  }
0x7e: {  	v5 =	vld [tilespmem:s22+$0xFFFFFFC0];
	_ =	sdelay $0x4  }
0x7f: {  	[tilespmem:$0xA060] =	vst v5  }
0x80: {  	v5 =	vld [tilespmem:s22+$0xFFFFFFD0];
	_ =	sdelay $0x4  }
0x81: {  	[tilespmem:$0xA070] =	vst v5  }
0x82: {  	v5 =	vld [tilespmem:s22+$0xFFFFFFE0];
	_ =	sdelay $0x4  }
0x83: {  	[tilespmem:$0xA080] =	vst v5  }
0x84: {  	v5 =	vld [tilespmem:s22+$0xFFFFFFF0];
	_ =	sdelay $0x4  }
0x85: {  	[tilespmem:$0xA090] =	vst v5  }
0x86: {  	v5 =	vld [tilespmem:s22+$0x0];
	_ =	sdelay $0x4  }
0x87: {  	[tilespmem:$0xA0A0] =	vst v5  }
0x88: {  	v5 =	vld [tilespmem:s22+$0x10];
	_ =	sdelay $0x4  }
0x89: {  	[tilespmem:$0xA0B0] =	vst v5  }
0x8a: {  	v5 =	vld [tilespmem:s22+$0x20];
	_ =	sdelay $0x4  }
0x8b: {  	[tilespmem:$0xA0C0] =	vst v5  }
0x8c: {  	v5 =	vld [tilespmem:s22+$0x30];
	_ =	sdelay $0x4  }
.Ltmp7:
0x8d: {  	[tilespmem:$0xA0D0] =	vst v5;
	(pc) =	sbr.rel @p0 .LBB2_6-.Ltmp7, $4  }
0x8e: {  	(ifvalue) =	ssetifvalue $0xFFFFFFFF  }
0x8f: {  	[spmem:s3] =	stream.indirect.scatter.add.f32 [tilespmem:s18], [sflag:$0x2], $0x100, s19, s17, $0x40b8;
	[tilespmem:$0x1E160] =	vst v63  }
0x90: {  	_ =	swait.ge [sflag:s13], $0x8000  }
0x91: {  	[sflag:s13] =	ssyncset.done $0x0  }
.Ltmp8:
0x92: {  	_ = 	snop;
	(pc) =	sbr.rel .LBB2_7-.Ltmp8, $1  }
0x93: {  	_ =	sdelay $0x3  }
.LBB2_10:
0x94: {  	_ =	sfence.sel $0x180000  }
0x95: {  	[bflag:$0x0] =	sbarrier.arrive $0xFFFF  }
0x96: {  	p0 =	sne.s32 s1, $0x0;
	_ =	strace $0x90000056  }
0x97: {  	s0 =	sadd.s32 @!p0 $0x100000, s0;
	[bflag:$0x2] =	sbarrier.arrive $0xFFFF  }
0x98: {  	[sflag:s0] =	ssyncadd.tile.s32 @!p0 $0x1;
	_ =	shalt  }
.Lfunc_end2:
_tile_overlayer_lowered:
.L_overlay_start_2:
0x99: {  	(tag) =	ssettag $0x2  }
0x9a: {  	s0 =	rddreg [dreg:$0x0];
	s2 =	stileid.u32  }
0x9b: {  	s1 =	rddreg [dreg:$0x1];
	p0 =	sne.s32 s2, $0x0  }
0x9c: {  	s3 =	rddreg [dreg:$0x2];
	[bflag:$0x3] =	sbarrier.arrive $0xFFFF;
	s2 =	simm.s32 @!p0 $0x1C02  }
0x9d: {  	[timem:s3], [sflag:s2] =	dma.local @!p0 [hbm:s0], s1  }
0x9e: {  	s0 =	simm.s32 @!p0 $0x2  }
0x9f: {  	_ =	swait.ge @!p0 [sflag:s0], s1  }
0xa0: {  	s1 =	ssub.s32 @!p0 $0x0, s1;
	[sflag:s0] =	ssyncset.done @!p0 $0x0  }
0xa1: {  	[sflag:s0] =	ssyncadd.s32 @!p0 s1  }
0xa2: {  	[bflag:$0x3] =	sbarrier.arrive $0xFFFF  }
0xa3: {  	_ =	shalt  }

</sc_bundles>
